<compile_context>
chip_gen: v7x
topology: tpu7x:2x2x1
jax: 0.10.2.dev20260603
libtpu: 0.0.44.dev20260713+nightly
codegen_flags: <defaults>
</compile_context>

<pallas_src>
import functools

import jax
import jax.numpy as jnp
from jax import lax
from jax.experimental import pallas as pl
from jax.experimental.pallas import tpu as pltpu
from jax.experimental.pallas import tpu_sc as plsc

HIDDEN = 128
NUM_RBF = 50
N_NODES = 10000
N_EDGES = 320000
CUTOFF_UPPER = 5.0


ROW_BLK = 2000


def _bf16_pair_pack(a, b):
    lo = lax.bitcast_convert_type(a.astype(jnp.bfloat16), jnp.uint16).astype(jnp.uint32)
    hi = lax.bitcast_convert_type(b.astype(jnp.bfloat16), jnp.uint16).astype(jnp.uint32)
    return lax.bitcast_convert_type(lo | (hi << 16), jnp.int32)


def _qkv_body(x_ref, wq_ref, bq_ref, wk_ref, bk_ref, wv_ref, bv_ref,
              ln_g_ref, ln_b_ref, q_ref, kv_ref):
    x = x_ref[...]
    mu = jnp.mean(x, axis=-1, keepdims=True)
    var = jnp.mean((x - mu) ** 2, axis=-1, keepdims=True)
    xn = (x - mu) / jnp.sqrt(var + 1e-5) * ln_g_ref[...] + ln_b_ref[...]
    q_ref[...] = jnp.dot(xn, wq_ref[...], preferred_element_type=jnp.float32) + bq_ref[...]
    k = jnp.dot(xn, wk_ref[...], preferred_element_type=jnp.float32) + bk_ref[...]
    v = jnp.dot(xn, wv_ref[...], preferred_element_type=jnp.float32) + bv_ref[...]
    kv_ref[...] = _bf16_pair_pack(k, v)


def _qkv(x, WqT, bq, WkT, bk, WvT, bv, ln_g, ln_b):
    n = x.shape[0]
    grid = n // ROW_BLK
    row_spec = pl.BlockSpec((ROW_BLK, HIDDEN), lambda i: (i, 0))
    full_spec = pl.BlockSpec((HIDDEN, HIDDEN), lambda i: (0, 0))
    vec_spec = pl.BlockSpec((1, HIDDEN), lambda i: (0, 0))
    out_sd = jax.ShapeDtypeStruct((n, HIDDEN), jnp.float32)
    out_sd_i = jax.ShapeDtypeStruct((n, HIDDEN), jnp.int32)
    return pl.pallas_call(
        _qkv_body,
        grid=(grid,),
        in_specs=[row_spec, full_spec, vec_spec, full_spec, vec_spec,
                  full_spec, vec_spec, vec_spec, vec_spec],
        out_specs=[row_spec, row_spec],
        out_shape=[out_sd, out_sd_i],
    )(x, WqT, bq.reshape(1, -1), WkT, bk.reshape(1, -1), WvT, bv.reshape(1, -1),
      ln_g.reshape(1, -1), ln_b.reshape(1, -1))



EDGE_BLK = 12800


def _silu(x):
    return x * jax.nn.sigmoid(x)


def _dkdv_body(attr_ref, w_ref, wdk_ref, bdk_ref, wdv_ref, bdv_ref, dk_ref):
    attr = attr_ref[...]
    dk = _silu(jnp.dot(attr, wdk_ref[...], preferred_element_type=jnp.float32) + bdk_ref[...])
    dv = _silu(jnp.dot(attr, wdv_ref[...], preferred_element_type=jnp.float32) + bdv_ref[...])
    r = w_ref[...]
    cut = 0.5 * (jnp.cos(r * (jnp.pi / CUTOFF_UPPER)) + 1.0)
    cut = cut * (r < CUTOFF_UPPER).astype(jnp.float32)
    dk_ref[...] = _bf16_pair_pack(dk, dv * cut[:, :, None].reshape(-1, 1))


def _dkdv(edge_attr, edge_weight, WdkT, bdk, WdvT, bdv):
    e = edge_attr.shape[0]
    grid = e // EDGE_BLK
    attr_spec = pl.BlockSpec((EDGE_BLK, NUM_RBF), lambda i: (i, 0))
    w_spec = pl.BlockSpec((1, EDGE_BLK), lambda i: (0, i))
    wm_spec = pl.BlockSpec((NUM_RBF, HIDDEN), lambda i: (0, 0))
    vec_spec = pl.BlockSpec((1, HIDDEN), lambda i: (0, 0))
    out_spec = pl.BlockSpec((EDGE_BLK, HIDDEN), lambda i: (i, 0))
    out_sd = jax.ShapeDtypeStruct((e, HIDDEN), jnp.int32)
    return pl.pallas_call(
        _dkdv_body,
        grid=(grid,),
        in_specs=[attr_spec, w_spec, wm_spec, vec_spec, wm_spec, vec_spec],
        out_specs=out_spec,
        out_shape=out_sd,
    )(edge_attr, edge_weight.reshape(1, -1), WdkT, bdk.reshape(1, -1),
      WdvT, bdv.reshape(1, -1))



def _final_body(x_ref, p0_ref, p1_ref, wo_ref, bo_ref, out_ref):
    s = p0_ref[...] + p1_ref[...]
    out_ref[...] = x_ref[...] + jnp.dot(s, wo_ref[...], preferred_element_type=jnp.float32) + bo_ref[...]


def _final(x, p0, p1, WoT, bo):
    n = x.shape[0]
    grid = n // ROW_BLK
    row_spec = pl.BlockSpec((ROW_BLK, HIDDEN), lambda i: (i, 0))
    full_spec = pl.BlockSpec((HIDDEN, HIDDEN), lambda i: (0, 0))
    vec_spec = pl.BlockSpec((1, HIDDEN), lambda i: (0, 0))
    return pl.pallas_call(
        _final_body,
        grid=(grid,),
        in_specs=[row_spec, row_spec, row_spec, full_spec, vec_spec],
        out_specs=row_spec,
        out_shape=jax.ShapeDtypeStruct((n, HIDDEN), jnp.float32),
    )(x, p0, p1, WoT, bo.reshape(1, -1))



_NC = 2
_NS = 16
_LANES = 16
_NW = _NC * _NS
_EPW = N_EDGES // _NW
_CHUNK = 48
_NFULL = _EPW // _CHUNK
_EREM = _EPW - _NFULL * _CHUNK
_ACC_SLAB = 624
_ACC_REM = N_NODES - _ACC_SLAB * _NS



_GDN = lax.GatherDimensionNumbers(offset_dims=(), collapsed_slice_dims=(0,),
                                  start_index_map=(0,))


def _lane_allsum(vec, lanes):
    for kk in (8, 4, 2, 1):
        idx = lanes ^ kk
        vec = vec + lax.gather(vec, idx[:, None], _GDN, (1,),
                               mode=lax.GatherScatterMode.PROMISE_IN_BOUNDS)
    return vec


def _combine_body(ei_hbm, q_hbm, kv_hbm, dkv_hbm,
                  out_hbm, acc_shared,
                  i0s, i0d, i1s, i1d, i2s, i2d, i3s, i3d, eis, eid,
                  qb0, kvb0, dkvb0,
                  qb1, kvb1, dkvb1,
                  mb0, mb1, gsem0, gsem1, ssem0, ssem1):
    c = lax.axis_index("c")
    s = lax.axis_index("s")
    idxs = ((i0s, i0d), (i1s, i1d), (i2s, i2d), (i3s, i3d))
    data = ((qb0, kvb0, dkvb0, gsem0),
            (qb1, kvb1, dkvb1, gsem1))
    msgs = (mb0, mb1)
    ssems = (ssem0, ssem1)
    msgb = mb0

    zero = jnp.zeros((_LANES,), jnp.float32)

    def zrow(i, _):
        for h in range(HIDDEN // _LANES):
            msgb[i, pl.ds(h * _LANES, _LANES)] = zero
        return 0

    lax.fori_loop(0, _CHUNK, zrow, 0)
    for r in range(_ACC_SLAB // _CHUNK):
        pltpu.sync_copy(msgb, acc_shared.at[pl.ds(s * _ACC_SLAB + r * _CHUNK, _CHUNK)])
    rem0 = _ACC_SLAB - (_ACC_SLAB // _CHUNK) * _CHUNK
    if rem0:
        pltpu.sync_copy(msgb.at[pl.ds(0, rem0)],
                        acc_shared.at[pl.ds(s * _ACC_SLAB + (_ACC_SLAB // _CHUNK) * _CHUNK, rem0)])

    @pl.when(s == _NS - 1)
    def _zero_rem():
        pltpu.sync_copy(msgb.at[pl.ds(0, _ACC_REM)],
                        acc_shared.at[pl.ds(_ACC_SLAB * _NS, _ACC_REM)])

    plsc.subcore_barrier()

    base = c * (N_EDGES // _NC) + s * _EPW
    lanes = lax.iota(jnp.int32, _LANES)

    def load_idx(off, sl):
        pltpu.sync_copy(ei_hbm.at[pl.ds(off, _CHUNK)], idxs[sl][0])
        pltpu.sync_copy(ei_hbm.at[pl.ds(N_EDGES + off, _CHUNK)], idxs[sl][1])

    def gather_copies(off, sl, d, make):
        qb, kvb, dkvb, gsem = data[d]
        is_, id_ = idxs[sl]
        f = pltpu.make_async_copy if make else pltpu.async_copy
        return [
            f(q_hbm.at[id_], qb, gsem),
            f(kv_hbm.at[is_], kvb, gsem),
            f(dkv_hbm.at[pl.ds(off, _CHUNK)], dkvb, gsem),
        ]

    def compute(b, n_edges):
        qb, kvb, dkvb, _ = data[b]
        msgb = msgs[b]

        himask = jnp.full((_LANES,), -65536, dtype=jnp.int32)

        def unpack2(w):
            lo = lax.bitcast_convert_type(w << 16, jnp.float32)
            hi = lax.bitcast_convert_type(w & himask, jnp.float32)
            return lo, hi

        @plsc.parallel_loop(0, n_edges, 1, unroll=2)
        def edge(e):
            acc = zero
            mvs = []
            for j in range(HIDDEN // _LANES):
                hs = pl.ds(j * _LANES, _LANES)
                dk_j, dv_j = unpack2(dkvb[e, hs])
                k_j, v_j = unpack2(kvb[e, hs])
                acc = acc + qb[e, hs] * k_j * dk_j
                mvs.append(v_j * dv_j)
            tot = _lane_allsum(acc, lanes)
            attn = tot / (1.0 + jnp.exp(-tot))
            for j in range(HIDDEN // _LANES):
                hs = pl.ds(j * _LANES, _LANES)
                msgb[e, hs] = mvs[j] * attn

    load_idx(base, 0)
    gather_copies(base, 0, 0, make=False)
    load_idx(base + _CHUNK, 1)
    gather_copies(base + _CHUNK, 1, 1, make=False)

    def scatter_copy(sl, d, make):
        f = pltpu.make_async_copy if make else pltpu.async_copy
        if make:
            return pltpu.make_async_copy(msgs[d], acc_shared.at[idxs[sl][1]], ssems[d])
        return pltpu.async_copy(msgs[d], acc_shared.at[idxs[sl][1]], ssems[d], add=True)

    def quad(i, _):
        g = i * 4
        for b in range(4):
            t = g + b
            d = b & 1
            sl2 = (b + 2) & 3
            off = base + t * _CHUNK
            for cp in gather_copies(off, b, d, make=True):
                cp.wait()

            @pl.when(t >= 2)
            def _drain():
                scatter_copy(sl2, d, make=True).wait()

            compute(d, _CHUNK)
            scatter_copy(b, d, make=False)

            @pl.when(t + 2 < _NFULL)
            def _prefetch():
                off2 = off + 2 * _CHUNK
                load_idx(off2, sl2)
                gather_copies(off2, sl2, d, make=False)

        return 0

    lax.fori_loop(0, _NFULL // 4, quad, 0)
    scatter_copy(2, 0, make=True).wait()
    scatter_copy(3, 1, make=True).wait()

    if _EREM:
        off_e = base + _NFULL * _CHUNK
        pltpu.sync_copy(ei_hbm.at[pl.ds(off_e, _EREM)], eis)
        pltpu.sync_copy(ei_hbm.at[pl.ds(N_EDGES + off_e, _EREM)], eid)
        ecps = [
            pltpu.async_copy(q_hbm.at[eid], qb0.at[pl.ds(0, _EREM)], gsem0),
            pltpu.async_copy(kv_hbm.at[eis], kvb0.at[pl.ds(0, _EREM)], gsem0),
            pltpu.async_copy(dkv_hbm.at[pl.ds(off_e, _EREM)], dkvb0.at[pl.ds(0, _EREM)], gsem0),
        ]
        for cp in ecps:
            cp.wait()
        compute(0, _EREM)
        pltpu.sync_copy(mb0.at[pl.ds(0, _EREM)], acc_shared.at[eid], add=True)

    plsc.subcore_barrier()

    row0 = s * _ACC_SLAB
    pltpu.sync_copy(acc_shared.at[pl.ds(row0, _ACC_SLAB)],
                    out_hbm.at[c, pl.ds(row0, _ACC_SLAB)])

    @pl.when(s == _NS - 1)
    def _copy_rem():
        pltpu.sync_copy(acc_shared.at[pl.ds(_ACC_SLAB * _NS, _ACC_REM)],
                        out_hbm.at[c, pl.ds(_ACC_SLAB * _NS, _ACC_REM)])


def _edge_combine(q, kv, dkv, ei):
    mesh = plsc.VectorSubcoreMesh(core_axis_name="c", subcore_axis_name="s")
    f = pl.kernel(
        _combine_body,
        out_type=jax.ShapeDtypeStruct((_NC, N_NODES, HIDDEN), jnp.float32),
        mesh=mesh,
        scratch_types=(
            [pltpu.VMEM_SHARED((N_NODES, HIDDEN), jnp.float32)]
            + [pltpu.VMEM((_CHUNK,), jnp.int32)] * 8
            + [pltpu.VMEM((max(_EREM, 8),), jnp.int32)] * 2
            + [pltpu.VMEM((_CHUNK, HIDDEN), jnp.float32),
               pltpu.VMEM((_CHUNK, HIDDEN), jnp.int32),
               pltpu.VMEM((_CHUNK, HIDDEN), jnp.int32)] * 2
            + [pltpu.VMEM((_CHUNK, HIDDEN), jnp.float32)] * 2
            + [pltpu.SemaphoreType.DMA] * 4
        ),
    )
    partials = f(ei, q, kv, dkv)
    return partials[0], partials[1]



def kernel(x, edge_index, edge_weight, edge_attr, ln_g, ln_b, Wq, bq, Wk, bk,
           Wv, bv, Wo, bo, Wdk, bdk, Wdv, bdv):
    q, kv = _qkv(x, Wq.T, bq, Wk.T, bk, Wv.T, bv, ln_g, ln_b)
    dkv = _dkdv(edge_attr, edge_weight, Wdk.T, bdk, Wdv.T, bdv)
    p0, p1 = _edge_combine(q, kv, dkv, edge_index.astype(jnp.int32).reshape(-1))
    return _final(x, p0, p1, Wo.T, bo)

# --- scband reference (transcript-rebuilt; emitter-appended) ---
"""Pipeline reference for scband-torch-md-t-2233382993956 (READ-ONLY COPY).

The authoritative reference and input builder live on the scoring server;
editing this copy changes nothing except your own understanding.
"""

import jax, jax.numpy as jnp
import numpy as np

HIDDEN = 128
NUM_RBF = 50
N_NODES = 10000
N_EDGES = 320000
CUTOFF_LOWER = 0.0
CUTOFF_UPPER = 5.0


def silu(x):
    return x * jax.nn.sigmoid(x)


def cosine_cutoff(r):
    # cutoff_lower == 0 branch of CosineCutoff
    c = 0.5 * (jnp.cos(r * jnp.pi / CUTOFF_UPPER) + 1.0)
    return c * (r < CUTOFF_UPPER).astype(r.dtype)


def layernorm(x, g, b, eps=1e-5):
    mu = jnp.mean(x, axis=-1, keepdims=True)
    var = jnp.mean((x - mu) ** 2, axis=-1, keepdims=True)
    return (x - mu) / jnp.sqrt(var + eps) * g + b


def setup_inputs(seed: int = 0) -> dict:
    key = jax.random.key(seed)
    ks = jax.random.split(key, 20)
    inp = {}
    inp["x"] = jax.random.normal(ks[0], (N_NODES, HIDDEN), dtype=jnp.float32)
    inp["edge_index"] = jax.random.randint(ks[1], (2, N_EDGES), 0, N_NODES, dtype=jnp.int64 if jax.config.jax_enable_x64 else jnp.int32)
    inp["edge_weight"] = jax.random.uniform(ks[2], (N_EDGES,), dtype=jnp.float32)
    inp["edge_attr"] = jax.random.normal(ks[3], (N_EDGES, NUM_RBF), dtype=jnp.float32)
    # learned parameters
    inp["ln_g"] = jnp.ones((HIDDEN,), dtype=jnp.float32)
    inp["ln_b"] = jnp.zeros((HIDDEN,), dtype=jnp.float32)
    s = 1.0 / np.sqrt(HIDDEN)
    sr = 1.0 / np.sqrt(NUM_RBF)
    inp["Wq"] = jax.random.uniform(ks[4], (HIDDEN, HIDDEN), minval=-s, maxval=s, dtype=jnp.float32)
    inp["bq"] = jnp.zeros((HIDDEN,), dtype=jnp.float32)
    inp["Wk"] = jax.random.uniform(ks[5], (HIDDEN, HIDDEN), minval=-s, maxval=s, dtype=jnp.float32)
    inp["bk"] = jnp.zeros((HIDDEN,), dtype=jnp.float32)
    inp["Wv"] = jax.random.uniform(ks[6], (HIDDEN, HIDDEN), minval=-s, maxval=s, dtype=jnp.float32)
    inp["bv"] = jnp.zeros((HIDDEN,), dtype=jnp.float32)
    inp["Wo"] = jax.random.uniform(ks[7], (HIDDEN, HIDDEN), minval=-s, maxval=s, dtype=jnp.float32)
    inp["bo"] = jnp.zeros((HIDDEN,), dtype=jnp.float32)
    inp["Wdk"] = jax.random.uniform(ks[8], (HIDDEN, NUM_RBF), minval=-sr, maxval=sr, dtype=jnp.float32)
    inp["bdk"] = jnp.zeros((HIDDEN,), dtype=jnp.float32)
    inp["Wdv"] = jax.random.uniform(ks[9], (HIDDEN, NUM_RBF), minval=-sr, maxval=sr, dtype=jnp.float32)
    inp["bdv"] = jnp.zeros((HIDDEN,), dtype=jnp.float32)
    return inp


def reference(x, edge_index, edge_weight, edge_attr, ln_g, ln_b, Wq, bq, Wk, bk, Wv, bv, Wo, bo, Wdk, bdk, Wdv, bdv):
    src = edge_index[0]  # j (source)
    dst = edge_index[1]  # i (target, aggregation index)
    x_norm = layernorm(x, ln_g, ln_b)
    q = x_norm @ Wq.T + bq
    k = x_norm @ Wk.T + bk
    v = x_norm @ Wv.T + bv
    dk = silu(edge_attr @ Wdk.T + bdk)  # distance_influence == 'both'
    dv = silu(edge_attr @ Wdv.T + bdv)
    q_i = jnp.take(q, dst, axis=0)
    k_j = jnp.take(k, src, axis=0)
    v_j = jnp.take(v, src, axis=0)
    attn = jnp.sum(q_i * k_j * dk, axis=1)
    attn = silu(attn) * cosine_cutoff(edge_weight)
    msg = v_j * dv * attn[:, None]
    out = jax.ops.segment_sum(msg, dst, num_segments=x.shape[0])
    out = out @ Wo.T + bo
    return x + out

if __name__ == "__main__":
    import jax
    _d = setup_inputs()
    print(jax.jit(kernel)(*tuple(_d.values())))

</pallas_src>

<mosaic_0001>
#map = affine_map<(d0, d1) -> (0)>
#map1 = affine_map<(d0, d1) -> (0, 0)>
#map2 = affine_map<(d0, d1) -> (0, 0, 0)>
module attributes {stable_mosaic.version = 14 : i64} {
  func.func @_combine_body(%arg0: i32, %arg1: i32, %arg2: memref<640000xi32, #tpu.memory_space<hbm>>, %arg3: memref<10000x128xf32, #tpu.memory_space<hbm>>, %arg4: memref<10000x128xi32, #tpu.memory_space<hbm>>, %arg5: memref<320000x128xi32, #tpu.memory_space<hbm>>, %arg6: memref<2x10000x128xf32, #tpu.memory_space<hbm>>, %arg7: memref<10000x128xf32, #tpu.memory_space<vmem_shared>>, %arg8: memref<48xi32, #tpu.memory_space<vmem>>, %arg9: memref<48xi32, #tpu.memory_space<vmem>>, %arg10: memref<48xi32, #tpu.memory_space<vmem>>, %arg11: memref<48xi32, #tpu.memory_space<vmem>>, %arg12: memref<48xi32, #tpu.memory_space<vmem>>, %arg13: memref<48xi32, #tpu.memory_space<vmem>>, %arg14: memref<48xi32, #tpu.memory_space<vmem>>, %arg15: memref<48xi32, #tpu.memory_space<vmem>>, %arg16: memref<16xi32, #tpu.memory_space<vmem>>, %arg17: memref<16xi32, #tpu.memory_space<vmem>>, %arg18: memref<48x128xf32, #tpu.memory_space<vmem>>, %arg19: memref<48x128xi32, #tpu.memory_space<vmem>>, %arg20: memref<48x128xi32, #tpu.memory_space<vmem>>, %arg21: memref<48x128xf32, #tpu.memory_space<vmem>>, %arg22: memref<48x128xi32, #tpu.memory_space<vmem>>, %arg23: memref<48x128xi32, #tpu.memory_space<vmem>>, %arg24: memref<48x128xf32, #tpu.memory_space<vmem>>, %arg25: memref<48x128xf32, #tpu.memory_space<vmem>>, %arg26: memref<!tpu.dma_semaphore, #tpu.memory_space<semaphore_mem>>, %arg27: memref<!tpu.dma_semaphore, #tpu.memory_space<semaphore_mem>>, %arg28: memref<!tpu.dma_semaphore, #tpu.memory_space<semaphore_mem>>, %arg29: memref<!tpu.dma_semaphore, #tpu.memory_space<semaphore_mem>>) attributes {dimension_semantics = [#tpu.dimension_semantics<core_parallel>, #tpu.dimension_semantics<subcore_parallel>], iteration_bounds = array<i64: 2, 16>, scalar_prefetch = 0 : i64, scratch_operands = 23 : i64, tpu.core_type = #tpu.core_type<sc_vector_subcore>, window_params = [{transform_indices = #map}, {transform_indices = #map1}, {transform_indices = #map1}, {transform_indices = #map1}, {transform_indices = #map2}]} {
    %broadcast_in_dim3A = arith.constant 0.000000e+00 : f32
    %broadcast_in_dim3A_0 = vector.broadcast %broadcast_in_dim3A : f32 to vector<16xf32>
    %scan3A = arith.constant 0 : i32
    %scan3A_1 = arith.constant 0 : i32
    %scan3A_2 = arith.constant 48 : i32
    %scan3A_3 = arith.addi %scan3A_1, %scan3A_2 : i32
    %scan3A_4 = arith.constant 1 : i32
    %scan3A_5 = scf.for %scan3A_163 = %scan3A_1 to %scan3A_3 step %scan3A_4 iter_args(%scan3A_164 = %scan3A) -> (i32)  : i32 {
      %swap3A = arith.index_cast %scan3A_163 : i32 to index
      %swap3A_165 = arith.constant 0 : index
      %swap3A_166 = tpu.vector_load %arg24[%swap3A, %swap3A_165] {strides = array<i32>} : memref<48x128xf32, #tpu.memory_space<vmem>>, vector<1x16xf32>,
      %swap3A_167 = vector.shape_cast %swap3A_166 : vector<1x16xf32> to vector<16xf32>
      %swap3A_168 = vector.shape_cast %broadcast_in_dim3A_0 : vector<16xf32> to vector<1x16xf32>
      tpu.vector_store %arg24[%swap3A, %swap3A_165], %swap3A_168 {strides = array<i32>} : memref<48x128xf32, #tpu.memory_space<vmem>>, vector<1x16xf32>,
      %swap3A_169 = arith.index_cast %scan3A_163 : i32 to index
      %swap3A_170 = arith.constant 16 : index
      %swap3A_171 = tpu.vector_load %arg24[%swap3A_169, %swap3A_170] {strides = array<i32>} : memref<48x128xf32, #tpu.memory_space<vmem>>, vector<1x16xf32>,
      %swap3A_172 = vector.shape_cast %swap3A_171 : vector<1x16xf32> to vector<16xf32>
      %swap3A_173 = vector.shape_cast %broadcast_in_dim3A_0 : vector<16xf32> to vector<1x16xf32>
      tpu.vector_store %arg24[%swap3A_169, %swap3A_170], %swap3A_173 {strides = array<i32>} : memref<48x128xf32, #tpu.memory_space<vmem>>, vector<1x16xf32>,
      %swap3A_174 = arith.index_cast %scan3A_163 : i32 to index
      %swap3A_175 = arith.constant 32 : index
      %swap3A_176 = tpu.vector_load %arg24[%swap3A_174, %swap3A_175] {strides = array<i32>} : memref<48x128xf32, #tpu.memory_space<vmem>>, vector<1x16xf32>,
      %swap3A_177 = vector.shape_cast %swap3A_176 : vector<1x16xf32> to vector<16xf32>
      %swap3A_178 = vector.shape_cast %broadcast_in_dim3A_0 : vector<16xf32> to vector<1x16xf32>
      tpu.vector_store %arg24[%swap3A_174, %swap3A_175], %swap3A_178 {strides = array<i32>} : memref<48x128xf32, #tpu.memory_space<vmem>>, vector<1x16xf32>,
      %swap3A_179 = arith.index_cast %scan3A_163 : i32 to index
      %swap3A_180 = arith.constant 48 : index
      %swap3A_181 = tpu.vector_load %arg24[%swap3A_179, %swap3A_180] {strides = array<i32>} : memref<48x128xf32, #tpu.memory_space<vmem>>, vector<1x16xf32>,
      %swap3A_182 = vector.shape_cast %swap3A_181 : vector<1x16xf32> to vector<16xf32>
      %swap3A_183 = vector.shape_cast %broadcast_in_dim3A_0 : vector<16xf32> to vector<1x16xf32>
      tpu.vector_store %arg24[%swap3A_179, %swap3A_180], %swap3A_183 {strides = array<i32>} : memref<48x128xf32, #tpu.memory_space<vmem>>, vector<1x16xf32>,
      %swap3A_184 = arith.index_cast %scan3A_163 : i32 to index
      %swap3A_185 = arith.constant 64 : index
      %swap3A_186 = tpu.vector_load %arg24[%swap3A_184, %swap3A_185] {strides = array<i32>} : memref<48x128xf32, #tpu.memory_space<vmem>>, vector<1x16xf32>,
      %swap3A_187 = vector.shape_cast %swap3A_186 : vector<1x16xf32> to vector<16xf32>
      %swap3A_188 = vector.shape_cast %broadcast_in_dim3A_0 : vector<16xf32> to vector<1x16xf32>
      tpu.vector_store %arg24[%swap3A_184, %swap3A_185], %swap3A_188 {strides = array<i32>} : memref<48x128xf32, #tpu.memory_space<vmem>>, vector<1x16xf32>,
      %swap3A_189 = arith.index_cast %scan3A_163 : i32 to index
      %swap3A_190 = arith.constant 80 : index
      %swap3A_191 = tpu.vector_load %arg24[%swap3A_189, %swap3A_190] {strides = array<i32>} : memref<48x128xf32, #tpu.memory_space<vmem>>, vector<1x16xf32>,
      %swap3A_192 = vector.shape_cast %swap3A_191 : vector<1x16xf32> to vector<16xf32>
      %swap3A_193 = vector.shape_cast %broadcast_in_dim3A_0 : vector<16xf32> to vector<1x16xf32>
      tpu.vector_store %arg24[%swap3A_189, %swap3A_190], %swap3A_193 {strides = array<i32>} : memref<48x128xf32, #tpu.memory_space<vmem>>, vector<1x16xf32>,
      %swap3A_194 = arith.index_cast %scan3A_163 : i32 to index
      %swap3A_195 = arith.constant 96 : index
      %swap3A_196 = tpu.vector_load %arg24[%swap3A_194, %swap3A_195] {strides = array<i32>} : memref<48x128xf32, #tpu.memory_space<vmem>>, vector<1x16xf32>,
      %swap3A_197 = vector.shape_cast %swap3A_196 : vector<1x16xf32> to vector<16xf32>
      %swap3A_198 = vector.shape_cast %broadcast_in_dim3A_0 : vector<16xf32> to vector<1x16xf32>
      tpu.vector_store %arg24[%swap3A_194, %swap3A_195], %swap3A_198 {strides = array<i32>} : memref<48x128xf32, #tpu.memory_space<vmem>>, vector<1x16xf32>,
      %swap3A_199 = arith.index_cast %scan3A_163 : i32 to index
      %swap3A_200 = arith.constant 112 : index
      %swap3A_201 = tpu.vector_load %arg24[%swap3A_199, %swap3A_200] {strides = array<i32>} : memref<48x128xf32, #tpu.memory_space<vmem>>, vector<1x16xf32>,
      %swap3A_202 = vector.shape_cast %swap3A_201 : vector<1x16xf32> to vector<16xf32>
      %swap3A_203 = vector.shape_cast %broadcast_in_dim3A_0 : vector<16xf32> to vector<1x16xf32>
      tpu.vector_store %arg24[%swap3A_199, %swap3A_200], %swap3A_203 {strides = array<i32>} : memref<48x128xf32, #tpu.memory_space<vmem>>, vector<1x16xf32>,
      %scan3A_204 = arith.constant 0 : i32
      scf.yield %scan3A_204 : i32
    }
    %scan3A_6 = arith.constant 48 : i32
    %mul3A = arith.constant 624 : i32
    %mul3A_7 = arith.muli %arg1, %mul3A : i32
    %add3A = arith.constant 0 : i32
    %add3A_8 = arith.addi %mul3A_7, %add3A : i32
    "tpu.region"() ({
      %run_scoped3A = tpu.sem_alloc : memref<!tpu.dma_semaphore, #tpu.memory_space<semaphore_mem>>
      %dma_start3A_163 = arith.constant 0 : i32
      %dma_start3A_164 = tpu.memref_slice %arg7[%add3A_8, %dma_start3A_163] : memref<10000x128xf32, #tpu.memory_space<vmem_shared>> -> memref<48x128xf32, #tpu.memory_space<vmem_shared>>
      %dma_start3A_165 = arith.constant 0 : i32
      %dma_start3A_166 = tpu.memref_slice %arg7[%add3A_8, %dma_start3A_165] : memref<10000x128xf32, #tpu.memory_space<vmem_shared>> -> memref<48x128xf32, #tpu.memory_space<vmem_shared>>
      tpu.enqueue_dma source(%arg24 : memref<48x128xf32, #tpu.memory_space<vmem>>) target(%dma_start3A_166 : memref<48x128xf32, #tpu.memory_space<vmem_shared>>) target_semaphore(%run_scoped3A : memref<!tpu.dma_semaphore, #tpu.memory_space<semaphore_mem>>)
      %dma_wait3A_167 = arith.constant 0 : i32
      %dma_wait3A_168 = tpu.memref_slice %arg7[%add3A_8, %dma_wait3A_167] : memref<10000x128xf32, #tpu.memory_space<vmem_shared>> -> memref<48x128xf32, #tpu.memory_space<vmem_shared>>
      %dma_wait3A_169 = arith.constant 0 : i32
      %dma_wait3A_170 = tpu.memref_slice %arg7[%add3A_8, %dma_wait3A_169] : memref<10000x128xf32, #tpu.memory_space<vmem_shared>> -> memref<48x128xf32, #tpu.memory_space<vmem_shared>>
      tpu.wait_dma2 semaphore(%run_scoped3A : memref<!tpu.dma_semaphore, #tpu.memory_space<semaphore_mem>>) src(%arg24 : memref<48x128xf32, #tpu.memory_space<vmem>>) dst(%dma_wait3A_170 : memref<48x128xf32, #tpu.memory_space<vmem_shared>>)
      tpu.yield
    }) : () -> ()
    %mul3A_9 = arith.constant 624 : i32
    %mul3A_10 = arith.muli %arg1, %mul3A_9 : i32
    %add3A_11 = arith.constant 48 : i32
    %add3A_12 = arith.addi %mul3A_10, %add3A_11 : i32
    "tpu.region"() ({
      %run_scoped3A = tpu.sem_alloc : memref<!tpu.dma_semaphore, #tpu.memory_space<semaphore_mem>>
      %dma_start3A_163 = arith.constant 0 : i32
      %dma_start3A_164 = tpu.memref_slice %arg7[%add3A_12, %dma_start3A_163] : memref<10000x128xf32, #tpu.memory_space<vmem_shared>> -> memref<48x128xf32, #tpu.memory_space<vmem_shared>>
      %dma_start3A_165 = arith.constant 0 : i32
      %dma_start3A_166 = tpu.memref_slice %arg7[%add3A_12, %dma_start3A_165] : memref<10000x128xf32, #tpu.memory_space<vmem_shared>> -> memref<48x128xf32, #tpu.memory_space<vmem_shared>>
      tpu.enqueue_dma source(%arg24 : memref<48x128xf32, #tpu.memory_space<vmem>>) target(%dma_start3A_166 : memref<48x128xf32, #tpu.memory_space<vmem_shared>>) target_semaphore(%run_scoped3A : memref<!tpu.dma_semaphore, #tpu.memory_space<semaphore_mem>>)
      %dma_wait3A_167 = arith.constant 0 : i32
      %dma_wait3A_168 = tpu.memref_slice %arg7[%add3A_12, %dma_wait3A_167] : memref<10000x128xf32, #tpu.memory_space<vmem_shared>> -> memref<48x128xf32, #tpu.memory_space<vmem_shared>>
      %dma_wait3A_169 = arith.constant 0 : i32
      %dma_wait3A_170 = tpu.memref_slice %arg7[%add3A_12, %dma_wait3A_169] : memref<10000x128xf32, #tpu.memory_space<vmem_shared>> -> memref<48x128xf32, #tpu.memory_space<vmem_shared>>
      tpu.wait_dma2 semaphore(%run_scoped3A : memref<!tpu.dma_semaphore, #tpu.memory_space<semaphore_mem>>) src(%arg24 : memref<48x128xf32, #tpu.memory_space<vmem>>) dst(%dma_wait3A_170 : memref<48x128xf32, #tpu.memory_space<vmem_shared>>)
      tpu.yield
    }) : () -> ()
    %mul3A_13 = arith.constant 624 : i32
    %mul3A_14 = arith.muli %arg1, %mul3A_13 : i32
    %add3A_15 = arith.constant 96 : i32
    %add3A_16 = arith.addi %mul3A_14, %add3A_15 : i32
    "tpu.region"() ({
      %run_scoped3A = tpu.sem_alloc : memref<!tpu.dma_semaphore, #tpu.memory_space<semaphore_mem>>
      %dma_start3A_163 = arith.constant 0 : i32
      %dma_start3A_164 = tpu.memref_slice %arg7[%add3A_16, %dma_start3A_163] : memref<10000x128xf32, #tpu.memory_space<vmem_shared>> -> memref<48x128xf32, #tpu.memory_space<vmem_shared>>
      %dma_start3A_165 = arith.constant 0 : i32
      %dma_start3A_166 = tpu.memref_slice %arg7[%add3A_16, %dma_start3A_165] : memref<10000x128xf32, #tpu.memory_space<vmem_shared>> -> memref<48x128xf32, #tpu.memory_space<vmem_shared>>
      tpu.enqueue_dma source(%arg24 : memref<48x128xf32, #tpu.memory_space<vmem>>) target(%dma_start3A_166 : memref<48x128xf32, #tpu.memory_space<vmem_shared>>) target_semaphore(%run_scoped3A : memref<!tpu.dma_semaphore, #tpu.memory_space<semaphore_mem>>)
      %dma_wait3A_167 = arith.constant 0 : i32
      %dma_wait3A_168 = tpu.memref_slice %arg7[%add3A_16, %dma_wait3A_167] : memref<10000x128xf32, #tpu.memory_space<vmem_shared>> -> memref<48x128xf32, #tpu.memory_space<vmem_shared>>
      %dma_wait3A_169 = arith.constant 0 : i32
      %dma_wait3A_170 = tpu.memref_slice %arg7[%add3A_16, %dma_wait3A_169] : memref<10000x128xf32, #tpu.memory_space<vmem_shared>> -> memref<48x128xf32, #tpu.memory_space<vmem_shared>>
      tpu.wait_dma2 semaphore(%run_scoped3A : memref<!tpu.dma_semaphore, #tpu.memory_space<semaphore_mem>>) src(%arg24 : memref<48x128xf32, #tpu.memory_space<vmem>>) dst(%dma_wait3A_170 : memref<48x128xf32, #tpu.memory_space<vmem_shared>>)
      tpu.yield
    }) : () -> ()
    %mul3A_17 = arith.constant 624 : i32
    %mul3A_18 = arith.muli %arg1, %mul3A_17 : i32
    %add3A_19 = arith.constant 144 : i32
    %add3A_20 = arith.addi %mul3A_18, %add3A_19 : i32
    "tpu.region"() ({
      %run_scoped3A = tpu.sem_alloc : memref<!tpu.dma_semaphore, #tpu.memory_space<semaphore_mem>>
      %dma_start3A_163 = arith.constant 0 : i32
      %dma_start3A_164 = tpu.memref_slice %arg7[%add3A_20, %dma_start3A_163] : memref<10000x128xf32, #tpu.memory_space<vmem_shared>> -> memref<48x128xf32, #tpu.memory_space<vmem_shared>>
      %dma_start3A_165 = arith.constant 0 : i32
      %dma_start3A_166 = tpu.memref_slice %arg7[%add3A_20, %dma_start3A_165] : memref<10000x128xf32, #tpu.memory_space<vmem_shared>> -> memref<48x128xf32, #tpu.memory_space<vmem_shared>>
      tpu.enqueue_dma source(%arg24 : memref<48x128xf32, #tpu.memory_space<vmem>>) target(%dma_start3A_166 : memref<48x128xf32, #tpu.memory_space<vmem_shared>>) target_semaphore(%run_scoped3A : memref<!tpu.dma_semaphore, #tpu.memory_space<semaphore_mem>>)
      %dma_wait3A_167 = arith.constant 0 : i32
      %dma_wait3A_168 = tpu.memref_slice %arg7[%add3A_20, %dma_wait3A_167] : memref<10000x128xf32, #tpu.memory_space<vmem_shared>> -> memref<48x128xf32, #tpu.memory_space<vmem_shared>>
      %dma_wait3A_169 = arith.constant 0 : i32
      %dma_wait3A_170 = tpu.memref_slice %arg7[%add3A_20, %dma_wait3A_169] : memref<10000x128xf32, #tpu.memory_space<vmem_shared>> -> memref<48x128xf32, #tpu.memory_space<vmem_shared>>
      tpu.wait_dma2 semaphore(%run_scoped3A : memref<!tpu.dma_semaphore, #tpu.memory_space<semaphore_mem>>) src(%arg24 : memref<48x128xf32, #tpu.memory_space<vmem>>) dst(%dma_wait3A_170 : memref<48x128xf32, #tpu.memory_space<vmem_shared>>)
      tpu.yield
    }) : () -> ()
    %mul3A_21 = arith.constant 624 : i32
    %mul3A_22 = arith.muli %arg1, %mul3A_21 : i32
    %add3A_23 = arith.constant 192 : i32
    %add3A_24 = arith.addi %mul3A_22, %add3A_23 : i32
    "tpu.region"() ({
      %run_scoped3A = tpu.sem_alloc : memref<!tpu.dma_semaphore, #tpu.memory_space<semaphore_mem>>
      %dma_start3A_163 = arith.constant 0 : i32
      %dma_start3A_164 = tpu.memref_slice %arg7[%add3A_24, %dma_start3A_163] : memref<10000x128xf32, #tpu.memory_space<vmem_shared>> -> memref<48x128xf32, #tpu.memory_space<vmem_shared>>
      %dma_start3A_165 = arith.constant 0 : i32
      %dma_start3A_166 = tpu.memref_slice %arg7[%add3A_24, %dma_start3A_165] : memref<10000x128xf32, #tpu.memory_space<vmem_shared>> -> memref<48x128xf32, #tpu.memory_space<vmem_shared>>
      tpu.enqueue_dma source(%arg24 : memref<48x128xf32, #tpu.memory_space<vmem>>) target(%dma_start3A_166 : memref<48x128xf32, #tpu.memory_space<vmem_shared>>) target_semaphore(%run_scoped3A : memref<!tpu.dma_semaphore, #tpu.memory_space<semaphore_mem>>)
      %dma_wait3A_167 = arith.constant 0 : i32
      %dma_wait3A_168 = tpu.memref_slice %arg7[%add3A_24, %dma_wait3A_167] : memref<10000x128xf32, #tpu.memory_space<vmem_shared>> -> memref<48x128xf32, #tpu.memory_space<vmem_shared>>
      %dma_wait3A_169 = arith.constant 0 : i32
      %dma_wait3A_170 = tpu.memref_slice %arg7[%add3A_24, %dma_wait3A_169] : memref<10000x128xf32, #tpu.memory_space<vmem_shared>> -> memref<48x128xf32, #tpu.memory_space<vmem_shared>>
      tpu.wait_dma2 semaphore(%run_scoped3A : memref<!tpu.dma_semaphore, #tpu.memory_space<semaphore_mem>>) src(%arg24 : memref<48x128xf32, #tpu.memory_space<vmem>>) dst(%dma_wait3A_170 : memref<48x128xf32, #tpu.memory_space<vmem_shared>>)
      tpu.yield
    }) : () -> ()
    %mul3A_25 = arith.constant 624 : i32
    %mul3A_26 = arith.muli %arg1, %mul3A_25 : i32
    %add3A_27 = arith.constant 240 : i32
    %add3A_28 = arith.addi %mul3A_26, %add3A_27 : i32
    "tpu.region"() ({
      %run_scoped3A = tpu.sem_alloc : memref<!tpu.dma_semaphore, #tpu.memory_space<semaphore_mem>>
      %dma_start3A_163 = arith.constant 0 : i32
      %dma_start3A_164 = tpu.memref_slice %arg7[%add3A_28, %dma_start3A_163] : memref<10000x128xf32, #tpu.memory_space<vmem_shared>> -> memref<48x128xf32, #tpu.memory_space<vmem_shared>>
      %dma_start3A_165 = arith.constant 0 : i32
      %dma_start3A_166 = tpu.memref_slice %arg7[%add3A_28, %dma_start3A_165] : memref<10000x128xf32, #tpu.memory_space<vmem_shared>> -> memref<48x128xf32, #tpu.memory_space<vmem_shared>>
      tpu.enqueue_dma source(%arg24 : memref<48x128xf32, #tpu.memory_space<vmem>>) target(%dma_start3A_166 : memref<48x128xf32, #tpu.memory_space<vmem_shared>>) target_semaphore(%run_scoped3A : memref<!tpu.dma_semaphore, #tpu.memory_space<semaphore_mem>>)
      %dma_wait3A_167 = arith.constant 0 : i32
      %dma_wait3A_168 = tpu.memref_slice %arg7[%add3A_28, %dma_wait3A_167] : memref<10000x128xf32, #tpu.memory_space<vmem_shared>> -> memref<48x128xf32, #tpu.memory_space<vmem_shared>>
      %dma_wait3A_169 = arith.constant 0 : i32
      %dma_wait3A_170 = tpu.memref_slice %arg7[%add3A_28, %dma_wait3A_169] : memref<10000x128xf32, #tpu.memory_space<vmem_shared>> -> memref<48x128xf32, #tpu.memory_space<vmem_shared>>
      tpu.wait_dma2 semaphore(%run_scoped3A : memref<!tpu.dma_semaphore, #tpu.memory_space<semaphore_mem>>) src(%arg24 : memref<48x128xf32, #tpu.memory_space<vmem>>) dst(%dma_wait3A_170 : memref<48x128xf32, #tpu.memory_space<vmem_shared>>)
      tpu.yield
    }) : () -> ()
    %mul3A_29 = arith.constant 624 : i32
    %mul3A_30 = arith.muli %arg1, %mul3A_29 : i32
    %add3A_31 = arith.constant 288 : i32
    %add3A_32 = arith.addi %mul3A_30, %add3A_31 : i32
    "tpu.region"() ({
      %run_scoped3A = tpu.sem_alloc : memref<!tpu.dma_semaphore, #tpu.memory_space<semaphore_mem>>
      %dma_start3A_163 = arith.constant 0 : i32
      %dma_start3A_164 = tpu.memref_slice %arg7[%add3A_32, %dma_start3A_163] : memref<10000x128xf32, #tpu.memory_space<vmem_shared>> -> memref<48x128xf32, #tpu.memory_space<vmem_shared>>
      %dma_start3A_165 = arith.constant 0 : i32
      %dma_start3A_166 = tpu.memref_slice %arg7[%add3A_32, %dma_start3A_165] : memref<10000x128xf32, #tpu.memory_space<vmem_shared>> -> memref<48x128xf32, #tpu.memory_space<vmem_shared>>
      tpu.enqueue_dma source(%arg24 : memref<48x128xf32, #tpu.memory_space<vmem>>) target(%dma_start3A_166 : memref<48x128xf32, #tpu.memory_space<vmem_shared>>) target_semaphore(%run_scoped3A : memref<!tpu.dma_semaphore, #tpu.memory_space<semaphore_mem>>)
      %dma_wait3A_167 = arith.constant 0 : i32
      %dma_wait3A_168 = tpu.memref_slice %arg7[%add3A_32, %dma_wait3A_167] : memref<10000x128xf32, #tpu.memory_space<vmem_shared>> -> memref<48x128xf32, #tpu.memory_space<vmem_shared>>
      %dma_wait3A_169 = arith.constant 0 : i32
      %dma_wait3A_170 = tpu.memref_slice %arg7[%add3A_32, %dma_wait3A_169] : memref<10000x128xf32, #tpu.memory_space<vmem_shared>> -> memref<48x128xf32, #tpu.memory_space<vmem_shared>>
      tpu.wait_dma2 semaphore(%run_scoped3A : memref<!tpu.dma_semaphore, #tpu.memory_space<semaphore_mem>>) src(%arg24 : memref<48x128xf32, #tpu.memory_space<vmem>>) dst(%dma_wait3A_170 : memref<48x128xf32, #tpu.memory_space<vmem_shared>>)
      tpu.yield
    }) : () -> ()
    %mul3A_33 = arith.constant 624 : i32
    %mul3A_34 = arith.muli %arg1, %mul3A_33 : i32
    %add3A_35 = arith.constant 336 : i32
    %add3A_36 = arith.addi %mul3A_34, %add3A_35 : i32
    "tpu.region"() ({
      %run_scoped3A = tpu.sem_alloc : memref<!tpu.dma_semaphore, #tpu.memory_space<semaphore_mem>>
      %dma_start3A_163 = arith.constant 0 : i32
      %dma_start3A_164 = tpu.memref_slice %arg7[%add3A_36, %dma_start3A_163] : memref<10000x128xf32, #tpu.memory_space<vmem_shared>> -> memref<48x128xf32, #tpu.memory_space<vmem_shared>>
      %dma_start3A_165 = arith.constant 0 : i32
      %dma_start3A_166 = tpu.memref_slice %arg7[%add3A_36, %dma_start3A_165] : memref<10000x128xf32, #tpu.memory_space<vmem_shared>> -> memref<48x128xf32, #tpu.memory_space<vmem_shared>>
      tpu.enqueue_dma source(%arg24 : memref<48x128xf32, #tpu.memory_space<vmem>>) target(%dma_start3A_166 : memref<48x128xf32, #tpu.memory_space<vmem_shared>>) target_semaphore(%run_scoped3A : memref<!tpu.dma_semaphore, #tpu.memory_space<semaphore_mem>>)
      %dma_wait3A_167 = arith.constant 0 : i32
      %dma_wait3A_168 = tpu.memref_slice %arg7[%add3A_36, %dma_wait3A_167] : memref<10000x128xf32, #tpu.memory_space<vmem_shared>> -> memref<48x128xf32, #tpu.memory_space<vmem_shared>>
      %dma_wait3A_169 = arith.constant 0 : i32
      %dma_wait3A_170 = tpu.memref_slice %arg7[%add3A_36, %dma_wait3A_169] : memref<10000x128xf32, #tpu.memory_space<vmem_shared>> -> memref<48x128xf32, #tpu.memory_space<vmem_shared>>
      tpu.wait_dma2 semaphore(%run_scoped3A : memref<!tpu.dma_semaphore, #tpu.memory_space<semaphore_mem>>) src(%arg24 : memref<48x128xf32, #tpu.memory_space<vmem>>) dst(%dma_wait3A_170 : memref<48x128xf32, #tpu.memory_space<vmem_shared>>)
      tpu.yield
    }) : () -> ()
    %mul3A_37 = arith.constant 624 : i32
    %mul3A_38 = arith.muli %arg1, %mul3A_37 : i32
    %add3A_39 = arith.constant 384 : i32
    %add3A_40 = arith.addi %mul3A_38, %add3A_39 : i32
    "tpu.region"() ({
      %run_scoped3A = tpu.sem_alloc : memref<!tpu.dma_semaphore, #tpu.memory_space<semaphore_mem>>
      %dma_start3A_163 = arith.constant 0 : i32
      %dma_start3A_164 = tpu.memref_slice %arg7[%add3A_40, %dma_start3A_163] : memref<10000x128xf32, #tpu.memory_space<vmem_shared>> -> memref<48x128xf32, #tpu.memory_space<vmem_shared>>
      %dma_start3A_165 = arith.constant 0 : i32
      %dma_start3A_166 = tpu.memref_slice %arg7[%add3A_40, %dma_start3A_165] : memref<10000x128xf32, #tpu.memory_space<vmem_shared>> -> memref<48x128xf32, #tpu.memory_space<vmem_shared>>
      tpu.enqueue_dma source(%arg24 : memref<48x128xf32, #tpu.memory_space<vmem>>) target(%dma_start3A_166 : memref<48x128xf32, #tpu.memory_space<vmem_shared>>) target_semaphore(%run_scoped3A : memref<!tpu.dma_semaphore, #tpu.memory_space<semaphore_mem>>)
      %dma_wait3A_167 = arith.constant 0 : i32
      %dma_wait3A_168 = tpu.memref_slice %arg7[%add3A_40, %dma_wait3A_167] : memref<10000x128xf32, #tpu.memory_space<vmem_shared>> -> memref<48x128xf32, #tpu.memory_space<vmem_shared>>
      %dma_wait3A_169 = arith.constant 0 : i32
      %dma_wait3A_170 = tpu.memref_slice %arg7[%add3A_40, %dma_wait3A_169] : memref<10000x128xf32, #tpu.memory_space<vmem_shared>> -> memref<48x128xf32, #tpu.memory_space<vmem_shared>>
      tpu.wait_dma2 semaphore(%run_scoped3A : memref<!tpu.dma_semaphore, #tpu.memory_space<semaphore_mem>>) src(%arg24 : memref<48x128xf32, #tpu.memory_space<vmem>>) dst(%dma_wait3A_170 : memref<48x128xf32, #tpu.memory_space<vmem_shared>>)
      tpu.yield
    }) : () -> ()
    %mul3A_41 = arith.constant 624 : i32
    %mul3A_42 = arith.muli %arg1, %mul3A_41 : i32
    %add3A_43 = arith.constant 432 : i32
    %add3A_44 = arith.addi %mul3A_42, %add3A_43 : i32
    "tpu.region"() ({
      %run_scoped3A = tpu.sem_alloc : memref<!tpu.dma_semaphore, #tpu.memory_space<semaphore_mem>>
      %dma_start3A_163 = arith.constant 0 : i32
      %dma_start3A_164 = tpu.memref_slice %arg7[%add3A_44, %dma_start3A_163] : memref<10000x128xf32, #tpu.memory_space<vmem_shared>> -> memref<48x128xf32, #tpu.memory_space<vmem_shared>>
      %dma_start3A_165 = arith.constant 0 : i32
      %dma_start3A_166 = tpu.memref_slice %arg7[%add3A_44, %dma_start3A_165] : memref<10000x128xf32, #tpu.memory_space<vmem_shared>> -> memref<48x128xf32, #tpu.memory_space<vmem_shared>>
      tpu.enqueue_dma source(%arg24 : memref<48x128xf32, #tpu.memory_space<vmem>>) target(%dma_start3A_166 : memref<48x128xf32, #tpu.memory_space<vmem_shared>>) target_semaphore(%run_scoped3A : memref<!tpu.dma_semaphore, #tpu.memory_space<semaphore_mem>>)
      %dma_wait3A_167 = arith.constant 0 : i32
      %dma_wait3A_168 = tpu.memref_slice %arg7[%add3A_44, %dma_wait3A_167] : memref<10000x128xf32, #tpu.memory_space<vmem_shared>> -> memref<48x128xf32, #tpu.memory_space<vmem_shared>>
      %dma_wait3A_169 = arith.constant 0 : i32
      %dma_wait3A_170 = tpu.memref_slice %arg7[%add3A_44, %dma_wait3A_169] : memref<10000x128xf32, #tpu.memory_space<vmem_shared>> -> memref<48x128xf32, #tpu.memory_space<vmem_shared>>
      tpu.wait_dma2 semaphore(%run_scoped3A : memref<!tpu.dma_semaphore, #tpu.memory_space<semaphore_mem>>) src(%arg24 : memref<48x128xf32, #tpu.memory_space<vmem>>) dst(%dma_wait3A_170 : memref<48x128xf32, #tpu.memory_space<vmem_shared>>)
      tpu.yield
    }) : () -> ()
    %mul3A_45 = arith.constant 624 : i32
    %mul3A_46 = arith.muli %arg1, %mul3A_45 : i32
    %add3A_47 = arith.constant 480 : i32
    %add3A_48 = arith.addi %mul3A_46, %add3A_47 : i32
    "tpu.region"() ({
      %run_scoped3A = tpu.sem_alloc : memref<!tpu.dma_semaphore, #tpu.memory_space<semaphore_mem>>
      %dma_start3A_163 = arith.constant 0 : i32
      %dma_start3A_164 = tpu.memref_slice %arg7[%add3A_48, %dma_start3A_163] : memref<10000x128xf32, #tpu.memory_space<vmem_shared>> -> memref<48x128xf32, #tpu.memory_space<vmem_shared>>
      %dma_start3A_165 = arith.constant 0 : i32
      %dma_start3A_166 = tpu.memref_slice %arg7[%add3A_48, %dma_start3A_165] : memref<10000x128xf32, #tpu.memory_space<vmem_shared>> -> memref<48x128xf32, #tpu.memory_space<vmem_shared>>
      tpu.enqueue_dma source(%arg24 : memref<48x128xf32, #tpu.memory_space<vmem>>) target(%dma_start3A_166 : memref<48x128xf32, #tpu.memory_space<vmem_shared>>) target_semaphore(%run_scoped3A : memref<!tpu.dma_semaphore, #tpu.memory_space<semaphore_mem>>)
      %dma_wait3A_167 = arith.constant 0 : i32
      %dma_wait3A_168 = tpu.memref_slice %arg7[%add3A_48, %dma_wait3A_167] : memref<10000x128xf32, #tpu.memory_space<vmem_shared>> -> memref<48x128xf32, #tpu.memory_space<vmem_shared>>
      %dma_wait3A_169 = arith.constant 0 : i32
      %dma_wait3A_170 = tpu.memref_slice %arg7[%add3A_48, %dma_wait3A_169] : memref<10000x128xf32, #tpu.memory_space<vmem_shared>> -> memref<48x128xf32, #tpu.memory_space<vmem_shared>>
      tpu.wait_dma2 semaphore(%run_scoped3A : memref<!tpu.dma_semaphore, #tpu.memory_space<semaphore_mem>>) src(%arg24 : memref<48x128xf32, #tpu.memory_space<vmem>>) dst(%dma_wait3A_170 : memref<48x128xf32, #tpu.memory_space<vmem_shared>>)
      tpu.yield
    }) : () -> ()
    %mul3A_49 = arith.constant 624 : i32
    %mul3A_50 = arith.muli %arg1, %mul3A_49 : i32
    %add3A_51 = arith.constant 528 : i32
    %add3A_52 = arith.addi %mul3A_50, %add3A_51 : i32
    "tpu.region"() ({
      %run_scoped3A = tpu.sem_alloc : memref<!tpu.dma_semaphore, #tpu.memory_space<semaphore_mem>>
      %dma_start3A_163 = arith.constant 0 : i32
      %dma_start3A_164 = tpu.memref_slice %arg7[%add3A_52, %dma_start3A_163] : memref<10000x128xf32, #tpu.memory_space<vmem_shared>> -> memref<48x128xf32, #tpu.memory_space<vmem_shared>>
      %dma_start3A_165 = arith.constant 0 : i32
      %dma_start3A_166 = tpu.memref_slice %arg7[%add3A_52, %dma_start3A_165] : memref<10000x128xf32, #tpu.memory_space<vmem_shared>> -> memref<48x128xf32, #tpu.memory_space<vmem_shared>>
      tpu.enqueue_dma source(%arg24 : memref<48x128xf32, #tpu.memory_space<vmem>>) target(%dma_start3A_166 : memref<48x128xf32, #tpu.memory_space<vmem_shared>>) target_semaphore(%run_scoped3A : memref<!tpu.dma_semaphore, #tpu.memory_space<semaphore_mem>>)
      %dma_wait3A_167 = arith.constant 0 : i32
      %dma_wait3A_168 = tpu.memref_slice %arg7[%add3A_52, %dma_wait3A_167] : memref<10000x128xf32, #tpu.memory_space<vmem_shared>> -> memref<48x128xf32, #tpu.memory_space<vmem_shared>>
      %dma_wait3A_169 = arith.constant 0 : i32
      %dma_wait3A_170 = tpu.memref_slice %arg7[%add3A_52, %dma_wait3A_169] : memref<10000x128xf32, #tpu.memory_space<vmem_shared>> -> memref<48x128xf32, #tpu.memory_space<vmem_shared>>
      tpu.wait_dma2 semaphore(%run_scoped3A : memref<!tpu.dma_semaphore, #tpu.memory_space<semaphore_mem>>) src(%arg24 : memref<48x128xf32, #tpu.memory_space<vmem>>) dst(%dma_wait3A_170 : memref<48x128xf32, #tpu.memory_space<vmem_shared>>)
      tpu.yield
    }) : () -> ()
    %mul3A_53 = arith.constant 624 : i32
    %mul3A_54 = arith.muli %arg1, %mul3A_53 : i32
    %add3A_55 = arith.constant 576 : i32
    %add3A_56 = arith.addi %mul3A_54, %add3A_55 : i32
    "tpu.region"() ({
      %run_scoped3A = tpu.sem_alloc : memref<!tpu.dma_semaphore, #tpu.memory_space<semaphore_mem>>
      %dma_start3A_163 = arith.constant 0 : i32
      %dma_start3A_164 = tpu.memref_slice %arg7[%add3A_56, %dma_start3A_163] : memref<10000x128xf32, #tpu.memory_space<vmem_shared>> -> memref<48x128xf32, #tpu.memory_space<vmem_shared>>
      %dma_start3A_165 = arith.constant 0 : i32
      %dma_start3A_166 = tpu.memref_slice %arg7[%add3A_56, %dma_start3A_165] : memref<10000x128xf32, #tpu.memory_space<vmem_shared>> -> memref<48x128xf32, #tpu.memory_space<vmem_shared>>
      tpu.enqueue_dma source(%arg24 : memref<48x128xf32, #tpu.memory_space<vmem>>) target(%dma_start3A_166 : memref<48x128xf32, #tpu.memory_space<vmem_shared>>) target_semaphore(%run_scoped3A : memref<!tpu.dma_semaphore, #tpu.memory_space<semaphore_mem>>)
      %dma_wait3A_167 = arith.constant 0 : i32
      %dma_wait3A_168 = tpu.memref_slice %arg7[%add3A_56, %dma_wait3A_167] : memref<10000x128xf32, #tpu.memory_space<vmem_shared>> -> memref<48x128xf32, #tpu.memory_space<vmem_shared>>
      %dma_wait3A_169 = arith.constant 0 : i32
      %dma_wait3A_170 = tpu.memref_slice %arg7[%add3A_56, %dma_wait3A_169] : memref<10000x128xf32, #tpu.memory_space<vmem_shared>> -> memref<48x128xf32, #tpu.memory_space<vmem_shared>>
      tpu.wait_dma2 semaphore(%run_scoped3A : memref<!tpu.dma_semaphore, #tpu.memory_space<semaphore_mem>>) src(%arg24 : memref<48x128xf32, #tpu.memory_space<vmem>>) dst(%dma_wait3A_170 : memref<48x128xf32, #tpu.memory_space<vmem_shared>>)
      tpu.yield
    }) : () -> ()
    %eq3A = arith.constant 15 : i32
    %eq3A_57 = arith.cmpi eq, %arg1, %eq3A : i32
    %convert_element_type3A = arith.extui %eq3A_57 : i1 to i32
    %cond3A = arith.constant 0 : i32
    %cond3A_58 = arith.cmpi ne, %convert_element_type3A, %cond3A : i32
    scf.if %cond3A_58 {
      "tpu.region"() ({
        %run_scoped3A = tpu.sem_alloc : memref<!tpu.dma_semaphore, #tpu.memory_space<semaphore_mem>>
        %dma_start3A_163 = arith.constant 0 : i32
        %dma_start3A_164 = arith.constant 0 : i32
        %dma_start3A_165 = tpu.memref_slice %arg24[%dma_start3A_163, %dma_start3A_164] : memref<48x128xf32, #tpu.memory_space<vmem>> -> memref<16x128xf32, #tpu.memory_space<vmem>>
        %dma_start3A_166 = arith.constant 9984 : i32
        %dma_start3A_167 = arith.constant 0 : i32
        %dma_start3A_168 = tpu.memref_slice %arg7[%dma_start3A_166, %dma_start3A_167] : memref<10000x128xf32, #tpu.memory_space<vmem_shared>> -> memref<16x128xf32, #tpu.memory_space<vmem_shared>>
        %dma_start3A_169 = arith.constant 9984 : i32
        %dma_start3A_170 = arith.constant 0 : i32
        %dma_start3A_171 = tpu.memref_slice %arg7[%dma_start3A_169, %dma_start3A_170] : memref<10000x128xf32, #tpu.memory_space<vmem_shared>> -> memref<16x128xf32, #tpu.memory_space<vmem_shared>>
        %dma_start3A_172 = arith.constant 0 : i32
        %dma_start3A_173 = arith.constant 0 : i32
        %dma_start3A_174 = tpu.memref_slice %arg24[%dma_start3A_172, %dma_start3A_173] : memref<48x128xf32, #tpu.memory_space<vmem>> -> memref<16x128xf32, #tpu.memory_space<vmem>>
        tpu.enqueue_dma source(%dma_start3A_174 : memref<16x128xf32, #tpu.memory_space<vmem>>) target(%dma_start3A_171 : memref<16x128xf32, #tpu.memory_space<vmem_shared>>) target_semaphore(%run_scoped3A : memref<!tpu.dma_semaphore, #tpu.memory_space<semaphore_mem>>)
        %dma_wait3A_175 = arith.constant 0 : i32
        %dma_wait3A_176 = arith.constant 0 : i32
        %dma_wait3A_177 = tpu.memref_slice %arg24[%dma_wait3A_175, %dma_wait3A_176] : memref<48x128xf32, #tpu.memory_space<vmem>> -> memref<16x128xf32, #tpu.memory_space<vmem>>
        %dma_wait3A_178 = arith.constant 9984 : i32
        %dma_wait3A_179 = arith.constant 0 : i32
        %dma_wait3A_180 = tpu.memref_slice %arg7[%dma_wait3A_178, %dma_wait3A_179] : memref<10000x128xf32, #tpu.memory_space<vmem_shared>> -> memref<16x128xf32, #tpu.memory_space<vmem_shared>>
        %dma_wait3A_181 = arith.constant 9984 : i32
        %dma_wait3A_182 = arith.constant 0 : i32
        %dma_wait3A_183 = tpu.memref_slice %arg7[%dma_wait3A_181, %dma_wait3A_182] : memref<10000x128xf32, #tpu.memory_space<vmem_shared>> -> memref<16x128xf32, #tpu.memory_space<vmem_shared>>
        %dma_wait3A_184 = arith.constant 0 : i32
        %dma_wait3A_185 = arith.constant 0 : i32
        %dma_wait3A_186 = tpu.memref_slice %arg24[%dma_wait3A_184, %dma_wait3A_185] : memref<48x128xf32, #tpu.memory_space<vmem>> -> memref<16x128xf32, #tpu.memory_space<vmem>>
        tpu.wait_dma2 semaphore(%run_scoped3A : memref<!tpu.dma_semaphore, #tpu.memory_space<semaphore_mem>>) src(%dma_wait3A_186 : memref<16x128xf32, #tpu.memory_space<vmem>>) dst(%dma_wait3A_183 : memref<16x128xf32, #tpu.memory_space<vmem_shared>>)
        tpu.yield
      }) : () -> ()
    } else {
    }
    %barrier3A = arith.constant 0 : index
    tpu.barrier barrier_id(%barrier3A)
    %mul3A_59 = arith.constant 160000 : i32
    %mul3A_60 = arith.muli %arg0, %mul3A_59 : i32
    %mul3A_61 = arith.constant 10000 : i32
    %mul3A_62 = arith.muli %arg1, %mul3A_61 : i32
    %add3A_63 = arith.addi %mul3A_60, %mul3A_62 : i32
    %iota3A = tpu.iota {dimensions = array<i32: 0>} : vector<16xi32>
    "tpu.region"() ({
      %run_scoped3A = tpu.sem_alloc : memref<!tpu.dma_semaphore, #tpu.memory_space<semaphore_mem>>
      %dma_start3A_163 = tpu.memref_slice %arg2[%add3A_63] : memref<640000xi32, #tpu.memory_space<hbm>> -> memref<48xi32, #tpu.memory_space<hbm>>
      %dma_start3A_164 = tpu.memref_slice %arg2[%add3A_63] : memref<640000xi32, #tpu.memory_space<hbm>> -> memref<48xi32, #tpu.memory_space<hbm>>
      tpu.enqueue_dma source(%dma_start3A_164 : memref<48xi32, #tpu.memory_space<hbm>>) target(%arg8 : memref<48xi32, #tpu.memory_space<vmem>>) target_semaphore(%run_scoped3A : memref<!tpu.dma_semaphore, #tpu.memory_space<semaphore_mem>>)
      %dma_wait3A_165 = tpu.memref_slice %arg2[%add3A_63] : memref<640000xi32, #tpu.memory_space<hbm>> -> memref<48xi32, #tpu.memory_space<hbm>>
      %dma_wait3A_166 = tpu.memref_slice %arg2[%add3A_63] : memref<640000xi32, #tpu.memory_space<hbm>> -> memref<48xi32, #tpu.memory_space<hbm>>
      tpu.wait_dma2 semaphore(%run_scoped3A : memref<!tpu.dma_semaphore, #tpu.memory_space<semaphore_mem>>) src(%dma_wait3A_166 : memref<48xi32, #tpu.memory_space<hbm>>) dst(%arg8 : memref<48xi32, #tpu.memory_space<vmem>>)
      tpu.yield
    }) : () -> ()
    %add3A_64 = arith.constant 320000 : i32
    %add3A_65 = arith.addi %add3A_64, %add3A_63 : i32
    "tpu.region"() ({
      %run_scoped3A = tpu.sem_alloc : memref<!tpu.dma_semaphore, #tpu.memory_space<semaphore_mem>>
      %dma_start3A_163 = tpu.memref_slice %arg2[%add3A_65] : memref<640000xi32, #tpu.memory_space<hbm>> -> memref<48xi32, #tpu.memory_space<hbm>>
      %dma_start3A_164 = tpu.memref_slice %arg2[%add3A_65] : memref<640000xi32, #tpu.memory_space<hbm>> -> memref<48xi32, #tpu.memory_space<hbm>>
      tpu.enqueue_dma source(%dma_start3A_164 : memref<48xi32, #tpu.memory_space<hbm>>) target(%arg9 : memref<48xi32, #tpu.memory_space<vmem>>) target_semaphore(%run_scoped3A : memref<!tpu.dma_semaphore, #tpu.memory_space<semaphore_mem>>)
      %dma_wait3A_165 = tpu.memref_slice %arg2[%add3A_65] : memref<640000xi32, #tpu.memory_space<hbm>> -> memref<48xi32, #tpu.memory_space<hbm>>
      %dma_wait3A_166 = tpu.memref_slice %arg2[%add3A_65] : memref<640000xi32, #tpu.memory_space<hbm>> -> memref<48xi32, #tpu.memory_space<hbm>>
      tpu.wait_dma2 semaphore(%run_scoped3A : memref<!tpu.dma_semaphore, #tpu.memory_space<semaphore_mem>>) src(%dma_wait3A_166 : memref<48xi32, #tpu.memory_space<hbm>>) dst(%arg9 : memref<48xi32, #tpu.memory_space<vmem>>)
      tpu.yield
    }) : () -> ()
    %dma_start3A = arith.constant 0 : i32
    %dma_start3A_66 = arith.constant 0 : i32
    %dma_start3A_67 = tpu.memref_slice %arg3[%dma_start3A, %dma_start3A_66] : memref<10000x128xf32, #tpu.memory_space<hbm>> -> memref<10000x128xf32, #tpu.memory_space<hbm>>
    tpu.enqueue_indirect_dma source(%dma_start3A_67 : memref<10000x128xf32, #tpu.memory_space<hbm>>) target(%arg18 : memref<48x128xf32, #tpu.memory_space<vmem>>) offsets(%arg9 : memref<48xi32, #tpu.memory_space<vmem>>) semaphore(%arg26 : memref<!tpu.dma_semaphore, #tpu.memory_space<semaphore_mem>>)
    %dma_start3A_68 = arith.constant 0 : i32
    %dma_start3A_69 = arith.constant 0 : i32
    %dma_start3A_70 = tpu.memref_slice %arg4[%dma_start3A_68, %dma_start3A_69] : memref<10000x128xi32, #tpu.memory_space<hbm>> -> memref<10000x128xi32, #tpu.memory_space<hbm>>
    tpu.enqueue_indirect_dma source(%dma_start3A_70 : memref<10000x128xi32, #tpu.memory_space<hbm>>) target(%arg19 : memref<48x128xi32, #tpu.memory_space<vmem>>) offsets(%arg8 : memref<48xi32, #tpu.memory_space<vmem>>) semaphore(%arg26 : memref<!tpu.dma_semaphore, #tpu.memory_space<semaphore_mem>>)
    %dma_start3A_71 = arith.constant 0 : i32
    %dma_start3A_72 = tpu.memref_slice %arg5[%add3A_63, %dma_start3A_71] : memref<320000x128xi32, #tpu.memory_space<hbm>> -> memref<48x128xi32, #tpu.memory_space<hbm>>
    %dma_start3A_73 = arith.constant 0 : i32
    %dma_start3A_74 = tpu.memref_slice %arg5[%add3A_63, %dma_start3A_73] : memref<320000x128xi32, #tpu.memory_space<hbm>> -> memref<48x128xi32, #tpu.memory_space<hbm>>
    tpu.enqueue_dma source(%dma_start3A_74 : memref<48x128xi32, #tpu.memory_space<hbm>>) target(%arg20 : memref<48x128xi32, #tpu.memory_space<vmem>>) target_semaphore(%arg26 : memref<!tpu.dma_semaphore, #tpu.memory_space<semaphore_mem>>)
    %add3A_75 = arith.constant 48 : i32
    %add3A_76 = arith.addi %add3A_63, %add3A_75 : i32
    "tpu.region"() ({
      %run_scoped3A = tpu.sem_alloc : memref<!tpu.dma_semaphore, #tpu.memory_space<semaphore_mem>>
      %dma_start3A_163 = tpu.memref_slice %arg2[%add3A_76] : memref<640000xi32, #tpu.memory_space<hbm>> -> memref<48xi32, #tpu.memory_space<hbm>>
      %dma_start3A_164 = tpu.memref_slice %arg2[%add3A_76] : memref<640000xi32, #tpu.memory_space<hbm>> -> memref<48xi32, #tpu.memory_space<hbm>>
      tpu.enqueue_dma source(%dma_start3A_164 : memref<48xi32, #tpu.memory_space<hbm>>) target(%arg10 : memref<48xi32, #tpu.memory_space<vmem>>) target_semaphore(%run_scoped3A : memref<!tpu.dma_semaphore, #tpu.memory_space<semaphore_mem>>)
      %dma_wait3A_165 = tpu.memref_slice %arg2[%add3A_76] : memref<640000xi32, #tpu.memory_space<hbm>> -> memref<48xi32, #tpu.memory_space<hbm>>
      %dma_wait3A_166 = tpu.memref_slice %arg2[%add3A_76] : memref<640000xi32, #tpu.memory_space<hbm>> -> memref<48xi32, #tpu.memory_space<hbm>>
      tpu.wait_dma2 semaphore(%run_scoped3A : memref<!tpu.dma_semaphore, #tpu.memory_space<semaphore_mem>>) src(%dma_wait3A_166 : memref<48xi32, #tpu.memory_space<hbm>>) dst(%arg10 : memref<48xi32, #tpu.memory_space<vmem>>)
      tpu.yield
    }) : () -> ()
    %add3A_77 = arith.constant 320000 : i32
    %add3A_78 = arith.addi %add3A_77, %add3A_76 : i32
    "tpu.region"() ({
      %run_scoped3A = tpu.sem_alloc : memref<!tpu.dma_semaphore, #tpu.memory_space<semaphore_mem>>
      %dma_start3A_163 = tpu.memref_slice %arg2[%add3A_78] : memref<640000xi32, #tpu.memory_space<hbm>> -> memref<48xi32, #tpu.memory_space<hbm>>
      %dma_start3A_164 = tpu.memref_slice %arg2[%add3A_78] : memref<640000xi32, #tpu.memory_space<hbm>> -> memref<48xi32, #tpu.memory_space<hbm>>
      tpu.enqueue_dma source(%dma_start3A_164 : memref<48xi32, #tpu.memory_space<hbm>>) target(%arg11 : memref<48xi32, #tpu.memory_space<vmem>>) target_semaphore(%run_scoped3A : memref<!tpu.dma_semaphore, #tpu.memory_space<semaphore_mem>>)
      %dma_wait3A_165 = tpu.memref_slice %arg2[%add3A_78] : memref<640000xi32, #tpu.memory_space<hbm>> -> memref<48xi32, #tpu.memory_space<hbm>>
      %dma_wait3A_166 = tpu.memref_slice %arg2[%add3A_78] : memref<640000xi32, #tpu.memory_space<hbm>> -> memref<48xi32, #tpu.memory_space<hbm>>
      tpu.wait_dma2 semaphore(%run_scoped3A : memref<!tpu.dma_semaphore, #tpu.memory_space<semaphore_mem>>) src(%dma_wait3A_166 : memref<48xi32, #tpu.memory_space<hbm>>) dst(%arg11 : memref<48xi32, #tpu.memory_space<vmem>>)
      tpu.yield
    }) : () -> ()
    %add3A_79 = arith.constant 48 : i32
    %add3A_80 = arith.addi %add3A_63, %add3A_79 : i32
    %dma_start3A_81 = arith.constant 0 : i32
    %dma_start3A_82 = arith.constant 0 : i32
    %dma_start3A_83 = tpu.memref_slice %arg3[%dma_start3A_81, %dma_start3A_82] : memref<10000x128xf32, #tpu.memory_space<hbm>> -> memref<10000x128xf32, #tpu.memory_space<hbm>>
    tpu.enqueue_indirect_dma source(%dma_start3A_83 : memref<10000x128xf32, #tpu.memory_space<hbm>>) target(%arg21 : memref<48x128xf32, #tpu.memory_space<vmem>>) offsets(%arg11 : memref<48xi32, #tpu.memory_space<vmem>>) semaphore(%arg27 : memref<!tpu.dma_semaphore, #tpu.memory_space<semaphore_mem>>)
    %dma_start3A_84 = arith.constant 0 : i32
    %dma_start3A_85 = arith.constant 0 : i32
    %dma_start3A_86 = tpu.memref_slice %arg4[%dma_start3A_84, %dma_start3A_85] : memref<10000x128xi32, #tpu.memory_space<hbm>> -> memref<10000x128xi32, #tpu.memory_space<hbm>>
    tpu.enqueue_indirect_dma source(%dma_start3A_86 : memref<10000x128xi32, #tpu.memory_space<hbm>>) target(%arg22 : memref<48x128xi32, #tpu.memory_space<vmem>>) offsets(%arg10 : memref<48xi32, #tpu.memory_space<vmem>>) semaphore(%arg27 : memref<!tpu.dma_semaphore, #tpu.memory_space<semaphore_mem>>)
    %dma_start3A_87 = arith.constant 0 : i32
    %dma_start3A_88 = tpu.memref_slice %arg5[%add3A_80, %dma_start3A_87] : memref<320000x128xi32, #tpu.memory_space<hbm>> -> memref<48x128xi32, #tpu.memory_space<hbm>>
    %dma_start3A_89 = arith.constant 0 : i32
    %dma_start3A_90 = tpu.memref_slice %arg5[%add3A_80, %dma_start3A_89] : memref<320000x128xi32, #tpu.memory_space<hbm>> -> memref<48x128xi32, #tpu.memory_space<hbm>>
    tpu.enqueue_dma source(%dma_start3A_90 : memref<48x128xi32, #tpu.memory_space<hbm>>) target(%arg23 : memref<48x128xi32, #tpu.memory_space<vmem>>) target_semaphore(%arg27 : memref<!tpu.dma_semaphore, #tpu.memory_space<semaphore_mem>>)
    %scan3A_91 = arith.constant 0 : i32
    %scan3A_92 = arith.constant 0 : i32
    %scan3A_93 = arith.constant 52 : i32
    %scan3A_94 = arith.addi %scan3A_92, %scan3A_93 : i32
    %scan3A_95 = arith.constant 1 : i32
    %scan3A_96 = scf.for %scan3A_163 = %scan3A_92 to %scan3A_94 step %scan3A_95 iter_args(%scan3A_164 = %scan3A_91) -> (i32)  : i32 {
      %mul3A_165 = arith.constant 4 : i32
      %mul3A_166 = arith.muli %scan3A_163, %mul3A_165 : i32
      %add3A_167 = arith.constant 0 : i32
      %add3A_168 = arith.addi %mul3A_166, %add3A_167 : i32
      %mul3A_169 = arith.constant 48 : i32
      %mul3A_170 = arith.muli %add3A_168, %mul3A_169 : i32
      %add3A_171 = arith.addi %add3A_63, %mul3A_170 : i32
      %dma_wait3A_172 = arith.constant 0 : i32
      %dma_wait3A_173 = arith.constant 0 : i32
      %dma_wait3A_174 = tpu.memref_slice %arg3[%dma_wait3A_172, %dma_wait3A_173] : memref<10000x128xf32, #tpu.memory_space<hbm>> -> memref<10000x128xf32, #tpu.memory_space<hbm>>
      tpu.wait_indirect_dma semaphore(%arg26 : memref<!tpu.dma_semaphore, #tpu.memory_space<semaphore_mem>>) src(%dma_wait3A_174 : memref<10000x128xf32, #tpu.memory_space<hbm>>) dst(%arg18 : memref<48x128xf32, #tpu.memory_space<vmem>>)
      %dma_wait3A_175 = arith.constant 0 : i32
      %dma_wait3A_176 = arith.constant 0 : i32
      %dma_wait3A_177 = tpu.memref_slice %arg4[%dma_wait3A_175, %dma_wait3A_176] : memref<10000x128xi32, #tpu.memory_space<hbm>> -> memref<10000x128xi32, #tpu.memory_space<hbm>>
      tpu.wait_indirect_dma semaphore(%arg26 : memref<!tpu.dma_semaphore, #tpu.memory_space<semaphore_mem>>) src(%dma_wait3A_177 : memref<10000x128xi32, #tpu.memory_space<hbm>>) dst(%arg19 : memref<48x128xi32, #tpu.memory_space<vmem>>)
      %dma_wait3A_178 = arith.constant 0 : i32
      %dma_wait3A_179 = tpu.memref_slice %arg5[%add3A_171, %dma_wait3A_178] : memref<320000x128xi32, #tpu.memory_space<hbm>> -> memref<48x128xi32, #tpu.memory_space<hbm>>
      %dma_wait3A_180 = arith.constant 0 : i32
      %dma_wait3A_181 = tpu.memref_slice %arg5[%add3A_171, %dma_wait3A_180] : memref<320000x128xi32, #tpu.memory_space<hbm>> -> memref<48x128xi32, #tpu.memory_space<hbm>>
      tpu.wait_dma2 semaphore(%arg26 : memref<!tpu.dma_semaphore, #tpu.memory_space<semaphore_mem>>) src(%dma_wait3A_181 : memref<48x128xi32, #tpu.memory_space<hbm>>) dst(%arg20 : memref<48x128xi32, #tpu.memory_space<vmem>>)
      %ge3A = arith.constant 2 : i32
      %ge3A_182 = arith.cmpi sge, %add3A_168, %ge3A : i32
      %convert_element_type3A_183 = arith.extui %ge3A_182 : i1 to i32
      %cond3A_184 = arith.constant 0 : i32
      %cond3A_185 = arith.cmpi ne, %convert_element_type3A_183, %cond3A_184 : i32
      scf.if %cond3A_185 {
        %dma_wait3A_306 = arith.constant 0 : i32
        %dma_wait3A_307 = arith.constant 0 : i32
        %dma_wait3A_308 = tpu.memref_slice %arg7[%dma_wait3A_306, %dma_wait3A_307] : memref<10000x128xf32, #tpu.memory_space<vmem_shared>> -> memref<10000x128xf32, #tpu.memory_space<vmem_shared>>
        tpu.wait_indirect_dma semaphore(%arg28 : memref<!tpu.dma_semaphore, #tpu.memory_space<semaphore_mem>>) src(%arg24 : memref<48x128xf32, #tpu.memory_space<vmem>>) dst(%dma_wait3A_308 : memref<10000x128xf32, #tpu.memory_space<vmem_shared>>)
      } else {
      }
      %broadcast_in_dim3A_186 = arith.constant -65536 : i32
      %broadcast_in_dim3A_187 = vector.broadcast %broadcast_in_dim3A_186 : i32 to vector<16xi32>
      %parallel_loop3A_188 = arith.constant 0 : i32
      %parallel_loop3A_189 = arith.constant 48 : i32
      %parallel_loop3A_190 = arith.constant 1 : i32
      scf.for %parallel_loop3A_306 = %parallel_loop3A_188 to %parallel_loop3A_189 step %parallel_loop3A_190  : i32 {
        %parallel_loop3A_307 = arith.index_cast %parallel_loop3A_306 : i32 to index
        %parallel_loop3A_308 = arith.constant 0 : index
        %parallel_loop3A_309 = tpu.vector_load %arg20[%parallel_loop3A_307, %parallel_loop3A_308] {strides = array<i32>} : memref<48x128xi32, #tpu.memory_space<vmem>>, vector<1x16xi32>,
        %parallel_loop3A_310 = vector.shape_cast %parallel_loop3A_309 : vector<1x16xi32> to vector<16xi32>
        %parallel_loop3A_311 = arith.constant 16 : i32
        %parallel_loop3A_312 = vector.broadcast %parallel_loop3A_311 : i32 to vector<16xi32>
        %parallel_loop3A_313 = arith.shli %parallel_loop3A_310, %parallel_loop3A_312 : vector<16xi32>
        %parallel_loop3A_314 = tpu.bitcast %parallel_loop3A_313 : vector<16xi32> -> vector<16xf32>
        %parallel_loop3A_315 = arith.andi %parallel_loop3A_310, %broadcast_in_dim3A_187 : vector<16xi32>
        %parallel_loop3A_316 = tpu.bitcast %parallel_loop3A_315 : vector<16xi32> -> vector<16xf32>
        %parallel_loop3A_317 = arith.index_cast %parallel_loop3A_306 : i32 to index
        %parallel_loop3A_318 = arith.constant 0 : index
        %parallel_loop3A_319 = tpu.vector_load %arg19[%parallel_loop3A_317, %parallel_loop3A_318] {strides = array<i32>} : memref<48x128xi32, #tpu.memory_space<vmem>>, vector<1x16xi32>,
        %parallel_loop3A_320 = vector.shape_cast %parallel_loop3A_319 : vector<1x16xi32> to vector<16xi32>
        %parallel_loop3A_321 = arith.constant 16 : i32
        %parallel_loop3A_322 = vector.broadcast %parallel_loop3A_321 : i32 to vector<16xi32>
        %parallel_loop3A_323 = arith.shli %parallel_loop3A_320, %parallel_loop3A_322 : vector<16xi32>
        %parallel_loop3A_324 = tpu.bitcast %parallel_loop3A_323 : vector<16xi32> -> vector<16xf32>
        %parallel_loop3A_325 = arith.andi %parallel_loop3A_320, %broadcast_in_dim3A_187 : vector<16xi32>
        %parallel_loop3A_326 = tpu.bitcast %parallel_loop3A_325 : vector<16xi32> -> vector<16xf32>
        %parallel_loop3A_327 = arith.index_cast %parallel_loop3A_306 : i32 to index
        %parallel_loop3A_328 = arith.constant 0 : index
        %parallel_loop3A_329 = tpu.vector_load %arg18[%parallel_loop3A_327, %parallel_loop3A_328] {strides = array<i32>} : memref<48x128xf32, #tpu.memory_space<vmem>>, vector<1x16xf32>,
        %parallel_loop3A_330 = vector.shape_cast %parallel_loop3A_329 : vector<1x16xf32> to vector<16xf32>
        %parallel_loop3A_331 = arith.mulf %parallel_loop3A_330, %parallel_loop3A_324 : vector<16xf32>
        %parallel_loop3A_332 = arith.mulf %parallel_loop3A_331, %parallel_loop3A_314 : vector<16xf32>
        %parallel_loop3A_333 = arith.addf %broadcast_in_dim3A_0, %parallel_loop3A_332 : vector<16xf32>
        %parallel_loop3A_334 = arith.mulf %parallel_loop3A_326, %parallel_loop3A_316 : vector<16xf32>
        %parallel_loop3A_335 = arith.index_cast %parallel_loop3A_306 : i32 to index
        %parallel_loop3A_336 = arith.constant 16 : index
        %parallel_loop3A_337 = tpu.vector_load %arg20[%parallel_loop3A_335, %parallel_loop3A_336] {strides = array<i32>} : memref<48x128xi32, #tpu.memory_space<vmem>>, vector<1x16xi32>,
        %parallel_loop3A_338 = vector.shape_cast %parallel_loop3A_337 : vector<1x16xi32> to vector<16xi32>
        %parallel_loop3A_339 = arith.constant 16 : i32
        %parallel_loop3A_340 = vector.broadcast %parallel_loop3A_339 : i32 to vector<16xi32>
        %parallel_loop3A_341 = arith.shli %parallel_loop3A_338, %parallel_loop3A_340 : vector<16xi32>
        %parallel_loop3A_342 = tpu.bitcast %parallel_loop3A_341 : vector<16xi32> -> vector<16xf32>
        %parallel_loop3A_343 = arith.andi %parallel_loop3A_338, %broadcast_in_dim3A_187 : vector<16xi32>
        %parallel_loop3A_344 = tpu.bitcast %parallel_loop3A_343 : vector<16xi32> -> vector<16xf32>
        %parallel_loop3A_345 = arith.index_cast %parallel_loop3A_306 : i32 to index
        %parallel_loop3A_346 = arith.constant 16 : index
        %parallel_loop3A_347 = tpu.vector_load %arg19[%parallel_loop3A_345, %parallel_loop3A_346] {strides = array<i32>} : memref<48x128xi32, #tpu.memory_space<vmem>>, vector<1x16xi32>,
        %parallel_loop3A_348 = vector.shape_cast %parallel_loop3A_347 : vector<1x16xi32> to vector<16xi32>
        %parallel_loop3A_349 = arith.constant 16 : i32
        %parallel_loop3A_350 = vector.broadcast %parallel_loop3A_349 : i32 to vector<16xi32>
        %parallel_loop3A_351 = arith.shli %parallel_loop3A_348, %parallel_loop3A_350 : vector<16xi32>
        %parallel_loop3A_352 = tpu.bitcast %parallel_loop3A_351 : vector<16xi32> -> vector<16xf32>
        %parallel_loop3A_353 = arith.andi %parallel_loop3A_348, %broadcast_in_dim3A_187 : vector<16xi32>
        %parallel_loop3A_354 = tpu.bitcast %parallel_loop3A_353 : vector<16xi32> -> vector<16xf32>
        %parallel_loop3A_355 = arith.index_cast %parallel_loop3A_306 : i32 to index
        %parallel_loop3A_356 = arith.constant 16 : index
        %parallel_loop3A_357 = tpu.vector_load %arg18[%parallel_loop3A_355, %parallel_loop3A_356] {strides = array<i32>} : memref<48x128xf32, #tpu.memory_space<vmem>>, vector<1x16xf32>,
        %parallel_loop3A_358 = vector.shape_cast %parallel_loop3A_357 : vector<1x16xf32> to vector<16xf32>
        %parallel_loop3A_359 = arith.mulf %parallel_loop3A_358, %parallel_loop3A_352 : vector<16xf32>
        %parallel_loop3A_360 = arith.mulf %parallel_loop3A_359, %parallel_loop3A_342 : vector<16xf32>
        %parallel_loop3A_361 = arith.addf %parallel_loop3A_333, %parallel_loop3A_360 : vector<16xf32>
        %parallel_loop3A_362 = arith.mulf %parallel_loop3A_354, %parallel_loop3A_344 : vector<16xf32>
        %parallel_loop3A_363 = arith.index_cast %parallel_loop3A_306 : i32 to index
        %parallel_loop3A_364 = arith.constant 32 : index
        %parallel_loop3A_365 = tpu.vector_load %arg20[%parallel_loop3A_363, %parallel_loop3A_364] {strides = array<i32>} : memref<48x128xi32, #tpu.memory_space<vmem>>, vector<1x16xi32>,
        %parallel_loop3A_366 = vector.shape_cast %parallel_loop3A_365 : vector<1x16xi32> to vector<16xi32>
        %parallel_loop3A_367 = arith.constant 16 : i32
        %parallel_loop3A_368 = vector.broadcast %parallel_loop3A_367 : i32 to vector<16xi32>
        %parallel_loop3A_369 = arith.shli %parallel_loop3A_366, %parallel_loop3A_368 : vector<16xi32>
        %parallel_loop3A_370 = tpu.bitcast %parallel_loop3A_369 : vector<16xi32> -> vector<16xf32>
        %parallel_loop3A_371 = arith.andi %parallel_loop3A_366, %broadcast_in_dim3A_187 : vector<16xi32>
        %parallel_loop3A_372 = tpu.bitcast %parallel_loop3A_371 : vector<16xi32> -> vector<16xf32>
        %parallel_loop3A_373 = arith.index_cast %parallel_loop3A_306 : i32 to index
        %parallel_loop3A_374 = arith.constant 32 : index
        %parallel_loop3A_375 = tpu.vector_load %arg19[%parallel_loop3A_373, %parallel_loop3A_374] {strides = array<i32>} : memref<48x128xi32, #tpu.memory_space<vmem>>, vector<1x16xi32>,
        %parallel_loop3A_376 = vector.shape_cast %parallel_loop3A_375 : vector<1x16xi32> to vector<16xi32>
        %parallel_loop3A_377 = arith.constant 16 : i32
        %parallel_loop3A_378 = vector.broadcast %parallel_loop3A_377 : i32 to vector<16xi32>
        %parallel_loop3A_379 = arith.shli %parallel_loop3A_376, %parallel_loop3A_378 : vector<16xi32>
        %parallel_loop3A_380 = tpu.bitcast %parallel_loop3A_379 : vector<16xi32> -> vector<16xf32>
        %parallel_loop3A_381 = arith.andi %parallel_loop3A_376, %broadcast_in_dim3A_187 : vector<16xi32>
        %parallel_loop3A_382 = tpu.bitcast %parallel_loop3A_381 : vector<16xi32> -> vector<16xf32>
        %parallel_loop3A_383 = arith.index_cast %parallel_loop3A_306 : i32 to index
        %parallel_loop3A_384 = arith.constant 32 : index
        %parallel_loop3A_385 = tpu.vector_load %arg18[%parallel_loop3A_383, %parallel_loop3A_384] {strides = array<i32>} : memref<48x128xf32, #tpu.memory_space<vmem>>, vector<1x16xf32>,
        %parallel_loop3A_386 = vector.shape_cast %parallel_loop3A_385 : vector<1x16xf32> to vector<16xf32>
        %parallel_loop3A_387 = arith.mulf %parallel_loop3A_386, %parallel_loop3A_380 : vector<16xf32>
        %parallel_loop3A_388 = arith.mulf %parallel_loop3A_387, %parallel_loop3A_370 : vector<16xf32>
        %parallel_loop3A_389 = arith.addf %parallel_loop3A_361, %parallel_loop3A_388 : vector<16xf32>
        %parallel_loop3A_390 = arith.mulf %parallel_loop3A_382, %parallel_loop3A_372 : vector<16xf32>
        %parallel_loop3A_391 = arith.index_cast %parallel_loop3A_306 : i32 to index
        %parallel_loop3A_392 = arith.constant 48 : index
        %parallel_loop3A_393 = tpu.vector_load %arg20[%parallel_loop3A_391, %parallel_loop3A_392] {strides = array<i32>} : memref<48x128xi32, #tpu.memory_space<vmem>>, vector<1x16xi32>,
        %parallel_loop3A_394 = vector.shape_cast %parallel_loop3A_393 : vector<1x16xi32> to vector<16xi32>
        %parallel_loop3A_395 = arith.constant 16 : i32
        %parallel_loop3A_396 = vector.broadcast %parallel_loop3A_395 : i32 to vector<16xi32>
        %parallel_loop3A_397 = arith.shli %parallel_loop3A_394, %parallel_loop3A_396 : vector<16xi32>
        %parallel_loop3A_398 = tpu.bitcast %parallel_loop3A_397 : vector<16xi32> -> vector<16xf32>
        %parallel_loop3A_399 = arith.andi %parallel_loop3A_394, %broadcast_in_dim3A_187 : vector<16xi32>
        %parallel_loop3A_400 = tpu.bitcast %parallel_loop3A_399 : vector<16xi32> -> vector<16xf32>
        %parallel_loop3A_401 = arith.index_cast %parallel_loop3A_306 : i32 to index
        %parallel_loop3A_402 = arith.constant 48 : index
        %parallel_loop3A_403 = tpu.vector_load %arg19[%parallel_loop3A_401, %parallel_loop3A_402] {strides = array<i32>} : memref<48x128xi32, #tpu.memory_space<vmem>>, vector<1x16xi32>,
        %parallel_loop3A_404 = vector.shape_cast %parallel_loop3A_403 : vector<1x16xi32> to vector<16xi32>
        %parallel_loop3A_405 = arith.constant 16 : i32
        %parallel_loop3A_406 = vector.broadcast %parallel_loop3A_405 : i32 to vector<16xi32>
        %parallel_loop3A_407 = arith.shli %parallel_loop3A_404, %parallel_loop3A_406 : vector<16xi32>
        %parallel_loop3A_408 = tpu.bitcast %parallel_loop3A_407 : vector<16xi32> -> vector<16xf32>
        %parallel_loop3A_409 = arith.andi %parallel_loop3A_404, %broadcast_in_dim3A_187 : vector<16xi32>
        %parallel_loop3A_410 = tpu.bitcast %parallel_loop3A_409 : vector<16xi32> -> vector<16xf32>
        %parallel_loop3A_411 = arith.index_cast %parallel_loop3A_306 : i32 to index
        %parallel_loop3A_412 = arith.constant 48 : index
        %parallel_loop3A_413 = tpu.vector_load %arg18[%parallel_loop3A_411, %parallel_loop3A_412] {strides = array<i32>} : memref<48x128xf32, #tpu.memory_space<vmem>>, vector<1x16xf32>,
        %parallel_loop3A_414 = vector.shape_cast %parallel_loop3A_413 : vector<1x16xf32> to vector<16xf32>
        %parallel_loop3A_415 = arith.mulf %parallel_loop3A_414, %parallel_loop3A_408 : vector<16xf32>
        %parallel_loop3A_416 = arith.mulf %parallel_loop3A_415, %parallel_loop3A_398 : vector<16xf32>
        %parallel_loop3A_417 = arith.addf %parallel_loop3A_389, %parallel_loop3A_416 : vector<16xf32>
        %parallel_loop3A_418 = arith.mulf %parallel_loop3A_410, %parallel_loop3A_400 : vector<16xf32>
        %parallel_loop3A_419 = arith.index_cast %parallel_loop3A_306 : i32 to index
        %parallel_loop3A_420 = arith.constant 64 : index
        %parallel_loop3A_421 = tpu.vector_load %arg20[%parallel_loop3A_419, %parallel_loop3A_420] {strides = array<i32>} : memref<48x128xi32, #tpu.memory_space<vmem>>, vector<1x16xi32>,
        %parallel_loop3A_422 = vector.shape_cast %parallel_loop3A_421 : vector<1x16xi32> to vector<16xi32>
        %parallel_loop3A_423 = arith.constant 16 : i32
        %parallel_loop3A_424 = vector.broadcast %parallel_loop3A_423 : i32 to vector<16xi32>
        %parallel_loop3A_425 = arith.shli %parallel_loop3A_422, %parallel_loop3A_424 : vector<16xi32>
        %parallel_loop3A_426 = tpu.bitcast %parallel_loop3A_425 : vector<16xi32> -> vector<16xf32>
        %parallel_loop3A_427 = arith.andi %parallel_loop3A_422, %broadcast_in_dim3A_187 : vector<16xi32>
        %parallel_loop3A_428 = tpu.bitcast %parallel_loop3A_427 : vector<16xi32> -> vector<16xf32>
        %parallel_loop3A_429 = arith.index_cast %parallel_loop3A_306 : i32 to index
        %parallel_loop3A_430 = arith.constant 64 : index
        %parallel_loop3A_431 = tpu.vector_load %arg19[%parallel_loop3A_429, %parallel_loop3A_430] {strides = array<i32>} : memref<48x128xi32, #tpu.memory_space<vmem>>, vector<1x16xi32>,
        %parallel_loop3A_432 = vector.shape_cast %parallel_loop3A_431 : vector<1x16xi32> to vector<16xi32>
        %parallel_loop3A_433 = arith.constant 16 : i32
        %parallel_loop3A_434 = vector.broadcast %parallel_loop3A_433 : i32 to vector<16xi32>
        %parallel_loop3A_435 = arith.shli %parallel_loop3A_432, %parallel_loop3A_434 : vector<16xi32>
        %parallel_loop3A_436 = tpu.bitcast %parallel_loop3A_435 : vector<16xi32> -> vector<16xf32>
        %parallel_loop3A_437 = arith.andi %parallel_loop3A_432, %broadcast_in_dim3A_187 : vector<16xi32>
        %parallel_loop3A_438 = tpu.bitcast %parallel_loop3A_437 : vector<16xi32> -> vector<16xf32>
        %parallel_loop3A_439 = arith.index_cast %parallel_loop3A_306 : i32 to index
        %parallel_loop3A_440 = arith.constant 64 : index
        %parallel_loop3A_441 = tpu.vector_load %arg18[%parallel_loop3A_439, %parallel_loop3A_440] {strides = array<i32>} : memref<48x128xf32, #tpu.memory_space<vmem>>, vector<1x16xf32>,
        %parallel_loop3A_442 = vector.shape_cast %parallel_loop3A_441 : vector<1x16xf32> to vector<16xf32>
        %parallel_loop3A_443 = arith.mulf %parallel_loop3A_442, %parallel_loop3A_436 : vector<16xf32>
        %parallel_loop3A_444 = arith.mulf %parallel_loop3A_443, %parallel_loop3A_426 : vector<16xf32>
        %parallel_loop3A_445 = arith.addf %parallel_loop3A_417, %parallel_loop3A_444 : vector<16xf32>
        %parallel_loop3A_446 = arith.mulf %parallel_loop3A_438, %parallel_loop3A_428 : vector<16xf32>
        %parallel_loop3A_447 = arith.index_cast %parallel_loop3A_306 : i32 to index
        %parallel_loop3A_448 = arith.constant 80 : index
        %parallel_loop3A_449 = tpu.vector_load %arg20[%parallel_loop3A_447, %parallel_loop3A_448] {strides = array<i32>} : memref<48x128xi32, #tpu.memory_space<vmem>>, vector<1x16xi32>,
        %parallel_loop3A_450 = vector.shape_cast %parallel_loop3A_449 : vector<1x16xi32> to vector<16xi32>
        %parallel_loop3A_451 = arith.constant 16 : i32
        %parallel_loop3A_452 = vector.broadcast %parallel_loop3A_451 : i32 to vector<16xi32>
        %parallel_loop3A_453 = arith.shli %parallel_loop3A_450, %parallel_loop3A_452 : vector<16xi32>
        %parallel_loop3A_454 = tpu.bitcast %parallel_loop3A_453 : vector<16xi32> -> vector<16xf32>
        %parallel_loop3A_455 = arith.andi %parallel_loop3A_450, %broadcast_in_dim3A_187 : vector<16xi32>
        %parallel_loop3A_456 = tpu.bitcast %parallel_loop3A_455 : vector<16xi32> -> vector<16xf32>
        %parallel_loop3A_457 = arith.index_cast %parallel_loop3A_306 : i32 to index
        %parallel_loop3A_458 = arith.constant 80 : index
        %parallel_loop3A_459 = tpu.vector_load %arg19[%parallel_loop3A_457, %parallel_loop3A_458] {strides = array<i32>} : memref<48x128xi32, #tpu.memory_space<vmem>>, vector<1x16xi32>,
        %parallel_loop3A_460 = vector.shape_cast %parallel_loop3A_459 : vector<1x16xi32> to vector<16xi32>
        %parallel_loop3A_461 = arith.constant 16 : i32
        %parallel_loop3A_462 = vector.broadcast %parallel_loop3A_461 : i32 to vector<16xi32>
        %parallel_loop3A_463 = arith.shli %parallel_loop3A_460, %parallel_loop3A_462 : vector<16xi32>
        %parallel_loop3A_464 = tpu.bitcast %parallel_loop3A_463 : vector<16xi32> -> vector<16xf32>
        %parallel_loop3A_465 = arith.andi %parallel_loop3A_460, %broadcast_in_dim3A_187 : vector<16xi32>
        %parallel_loop3A_466 = tpu.bitcast %parallel_loop3A_465 : vector<16xi32> -> vector<16xf32>
        %parallel_loop3A_467 = arith.index_cast %parallel_loop3A_306 : i32 to index
        %parallel_loop3A_468 = arith.constant 80 : index
        %parallel_loop3A_469 = tpu.vector_load %arg18[%parallel_loop3A_467, %parallel_loop3A_468] {strides = array<i32>} : memref<48x128xf32, #tpu.memory_space<vmem>>, vector<1x16xf32>,
        %parallel_loop3A_470 = vector.shape_cast %parallel_loop3A_469 : vector<1x16xf32> to vector<16xf32>
        %parallel_loop3A_471 = arith.mulf %parallel_loop3A_470, %parallel_loop3A_464 : vector<16xf32>
        %parallel_loop3A_472 = arith.mulf %parallel_loop3A_471, %parallel_loop3A_454 : vector<16xf32>
        %parallel_loop3A_473 = arith.addf %parallel_loop3A_445, %parallel_loop3A_472 : vector<16xf32>
        %parallel_loop3A_474 = arith.mulf %parallel_loop3A_466, %parallel_loop3A_456 : vector<16xf32>
        %parallel_loop3A_475 = arith.index_cast %parallel_loop3A_306 : i32 to index
        %parallel_loop3A_476 = arith.constant 96 : index
        %parallel_loop3A_477 = tpu.vector_load %arg20[%parallel_loop3A_475, %parallel_loop3A_476] {strides = array<i32>} : memref<48x128xi32, #tpu.memory_space<vmem>>, vector<1x16xi32>,
        %parallel_loop3A_478 = vector.shape_cast %parallel_loop3A_477 : vector<1x16xi32> to vector<16xi32>
        %parallel_loop3A_479 = arith.constant 16 : i32
        %parallel_loop3A_480 = vector.broadcast %parallel_loop3A_479 : i32 to vector<16xi32>
        %parallel_loop3A_481 = arith.shli %parallel_loop3A_478, %parallel_loop3A_480 : vector<16xi32>
        %parallel_loop3A_482 = tpu.bitcast %parallel_loop3A_481 : vector<16xi32> -> vector<16xf32>
        %parallel_loop3A_483 = arith.andi %parallel_loop3A_478, %broadcast_in_dim3A_187 : vector<16xi32>
        %parallel_loop3A_484 = tpu.bitcast %parallel_loop3A_483 : vector<16xi32> -> vector<16xf32>
        %parallel_loop3A_485 = arith.index_cast %parallel_loop3A_306 : i32 to index
        %parallel_loop3A_486 = arith.constant 96 : index
        %parallel_loop3A_487 = tpu.vector_load %arg19[%parallel_loop3A_485, %parallel_loop3A_486] {strides = array<i32>} : memref<48x128xi32, #tpu.memory_space<vmem>>, vector<1x16xi32>,
        %parallel_loop3A_488 = vector.shape_cast %parallel_loop3A_487 : vector<1x16xi32> to vector<16xi32>
        %parallel_loop3A_489 = arith.constant 16 : i32
        %parallel_loop3A_490 = vector.broadcast %parallel_loop3A_489 : i32 to vector<16xi32>
        %parallel_loop3A_491 = arith.shli %parallel_loop3A_488, %parallel_loop3A_490 : vector<16xi32>
        %parallel_loop3A_492 = tpu.bitcast %parallel_loop3A_491 : vector<16xi32> -> vector<16xf32>
        %parallel_loop3A_493 = arith.andi %parallel_loop3A_488, %broadcast_in_dim3A_187 : vector<16xi32>
        %parallel_loop3A_494 = tpu.bitcast %parallel_loop3A_493 : vector<16xi32> -> vector<16xf32>
        %parallel_loop3A_495 = arith.index_cast %parallel_loop3A_306 : i32 to index
        %parallel_loop3A_496 = arith.constant 96 : index
        %parallel_loop3A_497 = tpu.vector_load %arg18[%parallel_loop3A_495, %parallel_loop3A_496] {strides = array<i32>} : memref<48x128xf32, #tpu.memory_space<vmem>>, vector<1x16xf32>,
        %parallel_loop3A_498 = vector.shape_cast %parallel_loop3A_497 : vector<1x16xf32> to vector<16xf32>
        %parallel_loop3A_499 = arith.mulf %parallel_loop3A_498, %parallel_loop3A_492 : vector<16xf32>
        %parallel_loop3A_500 = arith.mulf %parallel_loop3A_499, %parallel_loop3A_482 : vector<16xf32>
        %parallel_loop3A_501 = arith.addf %parallel_loop3A_473, %parallel_loop3A_500 : vector<16xf32>
        %parallel_loop3A_502 = arith.mulf %parallel_loop3A_494, %parallel_loop3A_484 : vector<16xf32>
        %parallel_loop3A_503 = arith.index_cast %parallel_loop3A_306 : i32 to index
        %parallel_loop3A_504 = arith.constant 112 : index
        %parallel_loop3A_505 = tpu.vector_load %arg20[%parallel_loop3A_503, %parallel_loop3A_504] {strides = array<i32>} : memref<48x128xi32, #tpu.memory_space<vmem>>, vector<1x16xi32>,
        %parallel_loop3A_506 = vector.shape_cast %parallel_loop3A_505 : vector<1x16xi32> to vector<16xi32>
        %parallel_loop3A_507 = arith.constant 16 : i32
        %parallel_loop3A_508 = vector.broadcast %parallel_loop3A_507 : i32 to vector<16xi32>
        %parallel_loop3A_509 = arith.shli %parallel_loop3A_506, %parallel_loop3A_508 : vector<16xi32>
        %parallel_loop3A_510 = tpu.bitcast %parallel_loop3A_509 : vector<16xi32> -> vector<16xf32>
        %parallel_loop3A_511 = arith.andi %parallel_loop3A_506, %broadcast_in_dim3A_187 : vector<16xi32>
        %parallel_loop3A_512 = tpu.bitcast %parallel_loop3A_511 : vector<16xi32> -> vector<16xf32>
        %parallel_loop3A_513 = arith.index_cast %parallel_loop3A_306 : i32 to index
        %parallel_loop3A_514 = arith.constant 112 : index
        %parallel_loop3A_515 = tpu.vector_load %arg19[%parallel_loop3A_513, %parallel_loop3A_514] {strides = array<i32>} : memref<48x128xi32, #tpu.memory_space<vmem>>, vector<1x16xi32>,
        %parallel_loop3A_516 = vector.shape_cast %parallel_loop3A_515 : vector<1x16xi32> to vector<16xi32>
        %parallel_loop3A_517 = arith.constant 16 : i32
        %parallel_loop3A_518 = vector.broadcast %parallel_loop3A_517 : i32 to vector<16xi32>
        %parallel_loop3A_519 = arith.shli %parallel_loop3A_516, %parallel_loop3A_518 : vector<16xi32>
        %parallel_loop3A_520 = tpu.bitcast %parallel_loop3A_519 : vector<16xi32> -> vector<16xf32>
        %parallel_loop3A_521 = arith.andi %parallel_loop3A_516, %broadcast_in_dim3A_187 : vector<16xi32>
        %parallel_loop3A_522 = tpu.bitcast %parallel_loop3A_521 : vector<16xi32> -> vector<16xf32>
        %parallel_loop3A_523 = arith.index_cast %parallel_loop3A_306 : i32 to index
        %parallel_loop3A_524 = arith.constant 112 : index
        %parallel_loop3A_525 = tpu.vector_load %arg18[%parallel_loop3A_523, %parallel_loop3A_524] {strides = array<i32>} : memref<48x128xf32, #tpu.memory_space<vmem>>, vector<1x16xf32>,
        %parallel_loop3A_526 = vector.shape_cast %parallel_loop3A_525 : vector<1x16xf32> to vector<16xf32>
        %parallel_loop3A_527 = arith.mulf %parallel_loop3A_526, %parallel_loop3A_520 : vector<16xf32>
        %parallel_loop3A_528 = arith.mulf %parallel_loop3A_527, %parallel_loop3A_510 : vector<16xf32>
        %parallel_loop3A_529 = arith.addf %parallel_loop3A_501, %parallel_loop3A_528 : vector<16xf32>
        %parallel_loop3A_530 = arith.mulf %parallel_loop3A_522, %parallel_loop3A_512 : vector<16xf32>
        %parallel_loop3A_531 = arith.constant 8 : i32
        %parallel_loop3A_532 = vector.broadcast %parallel_loop3A_531 : i32 to vector<16xi32>
        %parallel_loop3A_533 = arith.xori %iota3A, %parallel_loop3A_532 : vector<16xi32>
        %parallel_loop3A_534 = vector.shape_cast %parallel_loop3A_533 : vector<16xi32> to vector<16x1xi32>
        %parallel_loop3A_535 = vector.shape_cast %parallel_loop3A_534 : vector<16x1xi32> to vector<16xi32>
        %parallel_loop3A_536 = tpu.dynamic_gather %parallel_loop3A_529[%parallel_loop3A_535] in [0] : vector<16xf32>, vector<16xi32> -> vector<16xf32>
        %parallel_loop3A_537 = arith.addf %parallel_loop3A_529, %parallel_loop3A_536 : vector<16xf32>
        %parallel_loop3A_538 = arith.constant 4 : i32
        %parallel_loop3A_539 = vector.broadcast %parallel_loop3A_538 : i32 to vector<16xi32>
        %parallel_loop3A_540 = arith.xori %iota3A, %parallel_loop3A_539 : vector<16xi32>
        %parallel_loop3A_541 = vector.shape_cast %parallel_loop3A_540 : vector<16xi32> to vector<16x1xi32>
        %parallel_loop3A_542 = vector.shape_cast %parallel_loop3A_541 : vector<16x1xi32> to vector<16xi32>
        %parallel_loop3A_543 = tpu.dynamic_gather %parallel_loop3A_537[%parallel_loop3A_542] in [0] : vector<16xf32>, vector<16xi32> -> vector<16xf32>
        %parallel_loop3A_544 = arith.addf %parallel_loop3A_537, %parallel_loop3A_543 : vector<16xf32>
        %parallel_loop3A_545 = arith.constant 2 : i32
        %parallel_loop3A_546 = vector.broadcast %parallel_loop3A_545 : i32 to vector<16xi32>
        %parallel_loop3A_547 = arith.xori %iota3A, %parallel_loop3A_546 : vector<16xi32>
        %parallel_loop3A_548 = vector.shape_cast %parallel_loop3A_547 : vector<16xi32> to vector<16x1xi32>
        %parallel_loop3A_549 = vector.shape_cast %parallel_loop3A_548 : vector<16x1xi32> to vector<16xi32>
        %parallel_loop3A_550 = tpu.dynamic_gather %parallel_loop3A_544[%parallel_loop3A_549] in [0] : vector<16xf32>, vector<16xi32> -> vector<16xf32>
        %parallel_loop3A_551 = arith.addf %parallel_loop3A_544, %parallel_loop3A_550 : vector<16xf32>
        %parallel_loop3A_552 = arith.constant 1 : i32
        %parallel_loop3A_553 = vector.broadcast %parallel_loop3A_552 : i32 to vector<16xi32>
        %parallel_loop3A_554 = arith.xori %iota3A, %parallel_loop3A_553 : vector<16xi32>
        %parallel_loop3A_555 = vector.shape_cast %parallel_loop3A_554 : vector<16xi32> to vector<16x1xi32>
        %parallel_loop3A_556 = vector.shape_cast %parallel_loop3A_555 : vector<16x1xi32> to vector<16xi32>
        %parallel_loop3A_557 = tpu.dynamic_gather %parallel_loop3A_551[%parallel_loop3A_556] in [0] : vector<16xf32>, vector<16xi32> -> vector<16xf32>
        %parallel_loop3A_558 = arith.addf %parallel_loop3A_551, %parallel_loop3A_557 : vector<16xf32>
        %parallel_loop3A_559 = arith.constant 0.000000e+00 : f32
        %parallel_loop3A_560 = vector.broadcast %parallel_loop3A_559 : f32 to vector<16xf32>
        %parallel_loop3A_561 = arith.subf %parallel_loop3A_560, %parallel_loop3A_558 : vector<16xf32>
        %parallel_loop3A_562 = math.exp %parallel_loop3A_561 : vector<16xf32>
        %parallel_loop3A_563 = arith.constant 1.000000e+00 : f32
        %parallel_loop3A_564 = vector.broadcast %parallel_loop3A_563 : f32 to vector<16xf32>
        %parallel_loop3A_565 = arith.addf %parallel_loop3A_564, %parallel_loop3A_562 : vector<16xf32>
        %parallel_loop3A_566 = arith.divf %parallel_loop3A_558, %parallel_loop3A_565 : vector<16xf32>
        %parallel_loop3A_567 = arith.mulf %parallel_loop3A_334, %parallel_loop3A_566 : vector<16xf32>
        %parallel_loop3A_568 = arith.index_cast %parallel_loop3A_306 : i32 to index
        %parallel_loop3A_569 = arith.constant 0 : index
        %parallel_loop3A_570 = tpu.vector_load %arg24[%parallel_loop3A_568, %parallel_loop3A_569] {strides = array<i32>} : memref<48x128xf32, #tpu.memory_space<vmem>>, vector<1x16xf32>,
        %parallel_loop3A_571 = vector.shape_cast %parallel_loop3A_570 : vector<1x16xf32> to vector<16xf32>
        %parallel_loop3A_572 = vector.shape_cast %parallel_loop3A_567 : vector<16xf32> to vector<1x16xf32>
        tpu.vector_store %arg24[%parallel_loop3A_568, %parallel_loop3A_569], %parallel_loop3A_572 {strides = array<i32>} : memref<48x128xf32, #tpu.memory_space<vmem>>, vector<1x16xf32>,
        %parallel_loop3A_573 = arith.mulf %parallel_loop3A_362, %parallel_loop3A_566 : vector<16xf32>
        %parallel_loop3A_574 = arith.index_cast %parallel_loop3A_306 : i32 to index
        %parallel_loop3A_575 = arith.constant 16 : index
        %parallel_loop3A_576 = tpu.vector_load %arg24[%parallel_loop3A_574, %parallel_loop3A_575] {strides = array<i32>} : memref<48x128xf32, #tpu.memory_space<vmem>>, vector<1x16xf32>,
        %parallel_loop3A_577 = vector.shape_cast %parallel_loop3A_576 : vector<1x16xf32> to vector<16xf32>
        %parallel_loop3A_578 = vector.shape_cast %parallel_loop3A_573 : vector<16xf32> to vector<1x16xf32>
        tpu.vector_store %arg24[%parallel_loop3A_574, %parallel_loop3A_575], %parallel_loop3A_578 {strides = array<i32>} : memref<48x128xf32, #tpu.memory_space<vmem>>, vector<1x16xf32>,
        %parallel_loop3A_579 = arith.mulf %parallel_loop3A_390, %parallel_loop3A_566 : vector<16xf32>
        %parallel_loop3A_580 = arith.index_cast %parallel_loop3A_306 : i32 to index
        %parallel_loop3A_581 = arith.constant 32 : index
        %parallel_loop3A_582 = tpu.vector_load %arg24[%parallel_loop3A_580, %parallel_loop3A_581] {strides = array<i32>} : memref<48x128xf32, #tpu.memory_space<vmem>>, vector<1x16xf32>,
        %parallel_loop3A_583 = vector.shape_cast %parallel_loop3A_582 : vector<1x16xf32> to vector<16xf32>
        %parallel_loop3A_584 = vector.shape_cast %parallel_loop3A_579 : vector<16xf32> to vector<1x16xf32>
        tpu.vector_store %arg24[%parallel_loop3A_580, %parallel_loop3A_581], %parallel_loop3A_584 {strides = array<i32>} : memref<48x128xf32, #tpu.memory_space<vmem>>, vector<1x16xf32>,
        %parallel_loop3A_585 = arith.mulf %parallel_loop3A_418, %parallel_loop3A_566 : vector<16xf32>
        %parallel_loop3A_586 = arith.index_cast %parallel_loop3A_306 : i32 to index
        %parallel_loop3A_587 = arith.constant 48 : index
        %parallel_loop3A_588 = tpu.vector_load %arg24[%parallel_loop3A_586, %parallel_loop3A_587] {strides = array<i32>} : memref<48x128xf32, #tpu.memory_space<vmem>>, vector<1x16xf32>,
        %parallel_loop3A_589 = vector.shape_cast %parallel_loop3A_588 : vector<1x16xf32> to vector<16xf32>
        %parallel_loop3A_590 = vector.shape_cast %parallel_loop3A_585 : vector<16xf32> to vector<1x16xf32>
        tpu.vector_store %arg24[%parallel_loop3A_586, %parallel_loop3A_587], %parallel_loop3A_590 {strides = array<i32>} : memref<48x128xf32, #tpu.memory_space<vmem>>, vector<1x16xf32>,
        %parallel_loop3A_591 = arith.mulf %parallel_loop3A_446, %parallel_loop3A_566 : vector<16xf32>
        %parallel_loop3A_592 = arith.index_cast %parallel_loop3A_306 : i32 to index
        %parallel_loop3A_593 = arith.constant 64 : index
        %parallel_loop3A_594 = tpu.vector_load %arg24[%parallel_loop3A_592, %parallel_loop3A_593] {strides = array<i32>} : memref<48x128xf32, #tpu.memory_space<vmem>>, vector<1x16xf32>,
        %parallel_loop3A_595 = vector.shape_cast %parallel_loop3A_594 : vector<1x16xf32> to vector<16xf32>
        %parallel_loop3A_596 = vector.shape_cast %parallel_loop3A_591 : vector<16xf32> to vector<1x16xf32>
        tpu.vector_store %arg24[%parallel_loop3A_592, %parallel_loop3A_593], %parallel_loop3A_596 {strides = array<i32>} : memref<48x128xf32, #tpu.memory_space<vmem>>, vector<1x16xf32>,
        %parallel_loop3A_597 = arith.mulf %parallel_loop3A_474, %parallel_loop3A_566 : vector<16xf32>
        %parallel_loop3A_598 = arith.index_cast %parallel_loop3A_306 : i32 to index
        %parallel_loop3A_599 = arith.constant 80 : index
        %parallel_loop3A_600 = tpu.vector_load %arg24[%parallel_loop3A_598, %parallel_loop3A_599] {strides = array<i32>} : memref<48x128xf32, #tpu.memory_space<vmem>>, vector<1x16xf32>,
        %parallel_loop3A_601 = vector.shape_cast %parallel_loop3A_600 : vector<1x16xf32> to vector<16xf32>
        %parallel_loop3A_602 = vector.shape_cast %parallel_loop3A_597 : vector<16xf32> to vector<1x16xf32>
        tpu.vector_store %arg24[%parallel_loop3A_598, %parallel_loop3A_599], %parallel_loop3A_602 {strides = array<i32>} : memref<48x128xf32, #tpu.memory_space<vmem>>, vector<1x16xf32>,
        %parallel_loop3A_603 = arith.mulf %parallel_loop3A_502, %parallel_loop3A_566 : vector<16xf32>
        %parallel_loop3A_604 = arith.index_cast %parallel_loop3A_306 : i32 to index
        %parallel_loop3A_605 = arith.constant 96 : index
        %parallel_loop3A_606 = tpu.vector_load %arg24[%parallel_loop3A_604, %parallel_loop3A_605] {strides = array<i32>} : memref<48x128xf32, #tpu.memory_space<vmem>>, vector<1x16xf32>,
        %parallel_loop3A_607 = vector.shape_cast %parallel_loop3A_606 : vector<1x16xf32> to vector<16xf32>
        %parallel_loop3A_608 = vector.shape_cast %parallel_loop3A_603 : vector<16xf32> to vector<1x16xf32>
        tpu.vector_store %arg24[%parallel_loop3A_604, %parallel_loop3A_605], %parallel_loop3A_608 {strides = array<i32>} : memref<48x128xf32, #tpu.memory_space<vmem>>, vector<1x16xf32>,
        %parallel_loop3A_609 = arith.mulf %parallel_loop3A_530, %parallel_loop3A_566 : vector<16xf32>
        %parallel_loop3A_610 = arith.index_cast %parallel_loop3A_306 : i32 to index
        %parallel_loop3A_611 = arith.constant 112 : index
        %parallel_loop3A_612 = tpu.vector_load %arg24[%parallel_loop3A_610, %parallel_loop3A_611] {strides = array<i32>} : memref<48x128xf32, #tpu.memory_space<vmem>>, vector<1x16xf32>,
        %parallel_loop3A_613 = vector.shape_cast %parallel_loop3A_612 : vector<1x16xf32> to vector<16xf32>
        %parallel_loop3A_614 = vector.shape_cast %parallel_loop3A_609 : vector<16xf32> to vector<1x16xf32>
        tpu.vector_store %arg24[%parallel_loop3A_610, %parallel_loop3A_611], %parallel_loop3A_614 {strides = array<i32>} : memref<48x128xf32, #tpu.memory_space<vmem>>, vector<1x16xf32>,
      } {sc.loop_unroll_factor = 2 : i64, sc.parallel_access}
      %dma_start3A_191 = arith.constant 0 : i32
      %dma_start3A_192 = arith.constant 0 : i32
      %dma_start3A_193 = tpu.memref_slice %arg7[%dma_start3A_191, %dma_start3A_192] : memref<10000x128xf32, #tpu.memory_space<vmem_shared>> -> memref<10000x128xf32, #tpu.memory_space<vmem_shared>>
      tpu.enqueue_indirect_dma source(%arg24 : memref<48x128xf32, #tpu.memory_space<vmem>>) target(%dma_start3A_193 : memref<10000x128xf32, #tpu.memory_space<vmem_shared>>) offsets(%arg9 : memref<48xi32, #tpu.memory_space<vmem>>) semaphore(%arg28 : memref<!tpu.dma_semaphore, #tpu.memory_space<semaphore_mem>>) {add = true}
      %add3A_194 = arith.constant 2 : i32
      %add3A_195 = arith.addi %add3A_168, %add3A_194 : i32
      %lt3A = arith.constant 208 : i32
      %lt3A_196 = arith.cmpi slt, %add3A_195, %lt3A : i32
      %convert_element_type3A_197 = arith.extui %lt3A_196 : i1 to i32
      %cond3A_198 = arith.constant 0 : i32
      %cond3A_199 = arith.cmpi ne, %convert_element_type3A_197, %cond3A_198 : i32
      scf.if %cond3A_199 {
        %add3A_306 = arith.constant 96 : i32
        %add3A_307 = arith.addi %add3A_171, %add3A_306 : i32
        "tpu.region"() ({
          %run_scoped3A = tpu.sem_alloc : memref<!tpu.dma_semaphore, #tpu.memory_space<semaphore_mem>>
          %dma_start3A_320 = tpu.memref_slice %arg2[%add3A_307] : memref<640000xi32, #tpu.memory_space<hbm>> -> memref<48xi32, #tpu.memory_space<hbm>>
          %dma_start3A_321 = tpu.memref_slice %arg2[%add3A_307] : memref<640000xi32, #tpu.memory_space<hbm>> -> memref<48xi32, #tpu.memory_space<hbm>>
          tpu.enqueue_dma source(%dma_start3A_321 : memref<48xi32, #tpu.memory_space<hbm>>) target(%arg12 : memref<48xi32, #tpu.memory_space<vmem>>) target_semaphore(%run_scoped3A : memref<!tpu.dma_semaphore, #tpu.memory_space<semaphore_mem>>)
          %dma_wait3A_322 = tpu.memref_slice %arg2[%add3A_307] : memref<640000xi32, #tpu.memory_space<hbm>> -> memref<48xi32, #tpu.memory_space<hbm>>
          %dma_wait3A_323 = tpu.memref_slice %arg2[%add3A_307] : memref<640000xi32, #tpu.memory_space<hbm>> -> memref<48xi32, #tpu.memory_space<hbm>>
          tpu.wait_dma2 semaphore(%run_scoped3A : memref<!tpu.dma_semaphore, #tpu.memory_space<semaphore_mem>>) src(%dma_wait3A_323 : memref<48xi32, #tpu.memory_space<hbm>>) dst(%arg12 : memref<48xi32, #tpu.memory_space<vmem>>)
          tpu.yield
        }) : () -> ()
        %add3A_308 = arith.constant 320000 : i32
        %add3A_309 = arith.addi %add3A_308, %add3A_307 : i32
        "tpu.region"() ({
          %run_scoped3A = tpu.sem_alloc : memref<!tpu.dma_semaphore, #tpu.memory_space<semaphore_mem>>
          %dma_start3A_320 = tpu.memref_slice %arg2[%add3A_309] : memref<640000xi32, #tpu.memory_space<hbm>> -> memref<48xi32, #tpu.memory_space<hbm>>
          %dma_start3A_321 = tpu.memref_slice %arg2[%add3A_309] : memref<640000xi32, #tpu.memory_space<hbm>> -> memref<48xi32, #tpu.memory_space<hbm>>
          tpu.enqueue_dma source(%dma_start3A_321 : memref<48xi32, #tpu.memory_space<hbm>>) target(%arg13 : memref<48xi32, #tpu.memory_space<vmem>>) target_semaphore(%run_scoped3A : memref<!tpu.dma_semaphore, #tpu.memory_space<semaphore_mem>>)
          %dma_wait3A_322 = tpu.memref_slice %arg2[%add3A_309] : memref<640000xi32, #tpu.memory_space<hbm>> -> memref<48xi32, #tpu.memory_space<hbm>>
          %dma_wait3A_323 = tpu.memref_slice %arg2[%add3A_309] : memref<640000xi32, #tpu.memory_space<hbm>> -> memref<48xi32, #tpu.memory_space<hbm>>
          tpu.wait_dma2 semaphore(%run_scoped3A : memref<!tpu.dma_semaphore, #tpu.memory_space<semaphore_mem>>) src(%dma_wait3A_323 : memref<48xi32, #tpu.memory_space<hbm>>) dst(%arg13 : memref<48xi32, #tpu.memory_space<vmem>>)
          tpu.yield
        }) : () -> ()
        %dma_start3A_310 = arith.constant 0 : i32
        %dma_start3A_311 = arith.constant 0 : i32
        %dma_start3A_312 = tpu.memref_slice %arg3[%dma_start3A_310, %dma_start3A_311] : memref<10000x128xf32, #tpu.memory_space<hbm>> -> memref<10000x128xf32, #tpu.memory_space<hbm>>
        tpu.enqueue_indirect_dma source(%dma_start3A_312 : memref<10000x128xf32, #tpu.memory_space<hbm>>) target(%arg18 : memref<48x128xf32, #tpu.memory_space<vmem>>) offsets(%arg13 : memref<48xi32, #tpu.memory_space<vmem>>) semaphore(%arg26 : memref<!tpu.dma_semaphore, #tpu.memory_space<semaphore_mem>>)
        %dma_start3A_313 = arith.constant 0 : i32
        %dma_start3A_314 = arith.constant 0 : i32
        %dma_start3A_315 = tpu.memref_slice %arg4[%dma_start3A_313, %dma_start3A_314] : memref<10000x128xi32, #tpu.memory_space<hbm>> -> memref<10000x128xi32, #tpu.memory_space<hbm>>
        tpu.enqueue_indirect_dma source(%dma_start3A_315 : memref<10000x128xi32, #tpu.memory_space<hbm>>) target(%arg19 : memref<48x128xi32, #tpu.memory_space<vmem>>) offsets(%arg12 : memref<48xi32, #tpu.memory_space<vmem>>) semaphore(%arg26 : memref<!tpu.dma_semaphore, #tpu.memory_space<semaphore_mem>>)
        %dma_start3A_316 = arith.constant 0 : i32
        %dma_start3A_317 = tpu.memref_slice %arg5[%add3A_307, %dma_start3A_316] : memref<320000x128xi32, #tpu.memory_space<hbm>> -> memref<48x128xi32, #tpu.memory_space<hbm>>
        %dma_start3A_318 = arith.constant 0 : i32
        %dma_start3A_319 = tpu.memref_slice %arg5[%add3A_307, %dma_start3A_318] : memref<320000x128xi32, #tpu.memory_space<hbm>> -> memref<48x128xi32, #tpu.memory_space<hbm>>
        tpu.enqueue_dma source(%dma_start3A_319 : memref<48x128xi32, #tpu.memory_space<hbm>>) target(%arg20 : memref<48x128xi32, #tpu.memory_space<vmem>>) target_semaphore(%arg26 : memref<!tpu.dma_semaphore, #tpu.memory_space<semaphore_mem>>)
      } else {
      }
      %add3A_200 = arith.constant 1 : i32
      %add3A_201 = arith.addi %mul3A_166, %add3A_200 : i32
      %mul3A_202 = arith.constant 48 : i32
      %mul3A_203 = arith.muli %add3A_201, %mul3A_202 : i32
      %add3A_204 = arith.addi %add3A_63, %mul3A_203 : i32
      %dma_wait3A_205 = arith.constant 0 : i32
      %dma_wait3A_206 = arith.constant 0 : i32
      %dma_wait3A_207 = tpu.memref_slice %arg3[%dma_wait3A_205, %dma_wait3A_206] : memref<10000x128xf32, #tpu.memory_space<hbm>> -> memref<10000x128xf32, #tpu.memory_space<hbm>>
      tpu.wait_indirect_dma semaphore(%arg27 : memref<!tpu.dma_semaphore, #tpu.memory_space<semaphore_mem>>) src(%dma_wait3A_207 : memref<10000x128xf32, #tpu.memory_space<hbm>>) dst(%arg21 : memref<48x128xf32, #tpu.memory_space<vmem>>)
      %dma_wait3A_208 = arith.constant 0 : i32
      %dma_wait3A_209 = arith.constant 0 : i32
      %dma_wait3A_210 = tpu.memref_slice %arg4[%dma_wait3A_208, %dma_wait3A_209] : memref<10000x128xi32, #tpu.memory_space<hbm>> -> memref<10000x128xi32, #tpu.memory_space<hbm>>
      tpu.wait_indirect_dma semaphore(%arg27 : memref<!tpu.dma_semaphore, #tpu.memory_space<semaphore_mem>>) src(%dma_wait3A_210 : memref<10000x128xi32, #tpu.memory_space<hbm>>) dst(%arg22 : memref<48x128xi32, #tpu.memory_space<vmem>>)
      %dma_wait3A_211 = arith.constant 0 : i32
      %dma_wait3A_212 = tpu.memref_slice %arg5[%add3A_204, %dma_wait3A_211] : memref<320000x128xi32, #tpu.memory_space<hbm>> -> memref<48x128xi32, #tpu.memory_space<hbm>>
      %dma_wait3A_213 = arith.constant 0 : i32
      %dma_wait3A_214 = tpu.memref_slice %arg5[%add3A_204, %dma_wait3A_213] : memref<320000x128xi32, #tpu.memory_space<hbm>> -> memref<48x128xi32, #tpu.memory_space<hbm>>
      tpu.wait_dma2 semaphore(%arg27 : memref<!tpu.dma_semaphore, #tpu.memory_space<semaphore_mem>>) src(%dma_wait3A_214 : memref<48x128xi32, #tpu.memory_space<hbm>>) dst(%arg23 : memref<48x128xi32, #tpu.memory_space<vmem>>)
      %ge3A_215 = arith.constant 2 : i32
      %ge3A_216 = arith.cmpi sge, %add3A_201, %ge3A_215 : i32
      %convert_element_type3A_217 = arith.extui %ge3A_216 : i1 to i32
      %cond3A_218 = arith.constant 0 : i32
      %cond3A_219 = arith.cmpi ne, %convert_element_type3A_217, %cond3A_218 : i32
      scf.if %cond3A_219 {
        %dma_wait3A_306 = arith.constant 0 : i32
        %dma_wait3A_307 = arith.constant 0 : i32
        %dma_wait3A_308 = tpu.memref_slice %arg7[%dma_wait3A_306, %dma_wait3A_307] : memref<10000x128xf32, #tpu.memory_space<vmem_shared>> -> memref<10000x128xf32, #tpu.memory_space<vmem_shared>>
        tpu.wait_indirect_dma semaphore(%arg29 : memref<!tpu.dma_semaphore, #tpu.memory_space<semaphore_mem>>) src(%arg25 : memref<48x128xf32, #tpu.memory_space<vmem>>) dst(%dma_wait3A_308 : memref<10000x128xf32, #tpu.memory_space<vmem_shared>>)
      } else {
      }
      %broadcast_in_dim3A_220 = arith.constant -65536 : i32
      %broadcast_in_dim3A_221 = vector.broadcast %broadcast_in_dim3A_220 : i32 to vector<16xi32>
      %parallel_loop3A_222 = arith.constant 0 : i32
      %parallel_loop3A_223 = arith.constant 48 : i32
      %parallel_loop3A_224 = arith.constant 1 : i32
      scf.for %parallel_loop3A_306 = %parallel_loop3A_222 to %parallel_loop3A_223 step %parallel_loop3A_224  : i32 {
        %parallel_loop3A_307 = arith.index_cast %parallel_loop3A_306 : i32 to index
        %parallel_loop3A_308 = arith.constant 0 : index
        %parallel_loop3A_309 = tpu.vector_load %arg23[%parallel_loop3A_307, %parallel_loop3A_308] {strides = array<i32>} : memref<48x128xi32, #tpu.memory_space<vmem>>, vector<1x16xi32>,
        %parallel_loop3A_310 = vector.shape_cast %parallel_loop3A_309 : vector<1x16xi32> to vector<16xi32>
        %parallel_loop3A_311 = arith.constant 16 : i32
        %parallel_loop3A_312 = vector.broadcast %parallel_loop3A_311 : i32 to vector<16xi32>
        %parallel_loop3A_313 = arith.shli %parallel_loop3A_310, %parallel_loop3A_312 : vector<16xi32>
        %parallel_loop3A_314 = tpu.bitcast %parallel_loop3A_313 : vector<16xi32> -> vector<16xf32>
        %parallel_loop3A_315 = arith.andi %parallel_loop3A_310, %broadcast_in_dim3A_221 : vector<16xi32>
        %parallel_loop3A_316 = tpu.bitcast %parallel_loop3A_315 : vector<16xi32> -> vector<16xf32>
        %parallel_loop3A_317 = arith.index_cast %parallel_loop3A_306 : i32 to index
        %parallel_loop3A_318 = arith.constant 0 : index
        %parallel_loop3A_319 = tpu.vector_load %arg22[%parallel_loop3A_317, %parallel_loop3A_318] {strides = array<i32>} : memref<48x128xi32, #tpu.memory_space<vmem>>, vector<1x16xi32>,
        %parallel_loop3A_320 = vector.shape_cast %parallel_loop3A_319 : vector<1x16xi32> to vector<16xi32>
        %parallel_loop3A_321 = arith.constant 16 : i32
        %parallel_loop3A_322 = vector.broadcast %parallel_loop3A_321 : i32 to vector<16xi32>
        %parallel_loop3A_323 = arith.shli %parallel_loop3A_320, %parallel_loop3A_322 : vector<16xi32>
        %parallel_loop3A_324 = tpu.bitcast %parallel_loop3A_323 : vector<16xi32> -> vector<16xf32>
        %parallel_loop3A_325 = arith.andi %parallel_loop3A_320, %broadcast_in_dim3A_221 : vector<16xi32>
        %parallel_loop3A_326 = tpu.bitcast %parallel_loop3A_325 : vector<16xi32> -> vector<16xf32>
        %parallel_loop3A_327 = arith.index_cast %parallel_loop3A_306 : i32 to index
        %parallel_loop3A_328 = arith.constant 0 : index
        %parallel_loop3A_329 = tpu.vector_load %arg21[%parallel_loop3A_327, %parallel_loop3A_328] {strides = array<i32>} : memref<48x128xf32, #tpu.memory_space<vmem>>, vector<1x16xf32>,
        %parallel_loop3A_330 = vector.shape_cast %parallel_loop3A_329 : vector<1x16xf32> to vector<16xf32>
        %parallel_loop3A_331 = arith.mulf %parallel_loop3A_330, %parallel_loop3A_324 : vector<16xf32>
        %parallel_loop3A_332 = arith.mulf %parallel_loop3A_331, %parallel_loop3A_314 : vector<16xf32>
        %parallel_loop3A_333 = arith.addf %broadcast_in_dim3A_0, %parallel_loop3A_332 : vector<16xf32>
        %parallel_loop3A_334 = arith.mulf %parallel_loop3A_326, %parallel_loop3A_316 : vector<16xf32>
        %parallel_loop3A_335 = arith.index_cast %parallel_loop3A_306 : i32 to index
        %parallel_loop3A_336 = arith.constant 16 : index
        %parallel_loop3A_337 = tpu.vector_load %arg23[%parallel_loop3A_335, %parallel_loop3A_336] {strides = array<i32>} : memref<48x128xi32, #tpu.memory_space<vmem>>, vector<1x16xi32>,
        %parallel_loop3A_338 = vector.shape_cast %parallel_loop3A_337 : vector<1x16xi32> to vector<16xi32>
        %parallel_loop3A_339 = arith.constant 16 : i32
        %parallel_loop3A_340 = vector.broadcast %parallel_loop3A_339 : i32 to vector<16xi32>
        %parallel_loop3A_341 = arith.shli %parallel_loop3A_338, %parallel_loop3A_340 : vector<16xi32>
        %parallel_loop3A_342 = tpu.bitcast %parallel_loop3A_341 : vector<16xi32> -> vector<16xf32>
        %parallel_loop3A_343 = arith.andi %parallel_loop3A_338, %broadcast_in_dim3A_221 : vector<16xi32>
        %parallel_loop3A_344 = tpu.bitcast %parallel_loop3A_343 : vector<16xi32> -> vector<16xf32>
        %parallel_loop3A_345 = arith.index_cast %parallel_loop3A_306 : i32 to index
        %parallel_loop3A_346 = arith.constant 16 : index
        %parallel_loop3A_347 = tpu.vector_load %arg22[%parallel_loop3A_345, %parallel_loop3A_346] {strides = array<i32>} : memref<48x128xi32, #tpu.memory_space<vmem>>, vector<1x16xi32>,
        %parallel_loop3A_348 = vector.shape_cast %parallel_loop3A_347 : vector<1x16xi32> to vector<16xi32>
        %parallel_loop3A_349 = arith.constant 16 : i32
        %parallel_loop3A_350 = vector.broadcast %parallel_loop3A_349 : i32 to vector<16xi32>
        %parallel_loop3A_351 = arith.shli %parallel_loop3A_348, %parallel_loop3A_350 : vector<16xi32>
        %parallel_loop3A_352 = tpu.bitcast %parallel_loop3A_351 : vector<16xi32> -> vector<16xf32>
        %parallel_loop3A_353 = arith.andi %parallel_loop3A_348, %broadcast_in_dim3A_221 : vector<16xi32>
        %parallel_loop3A_354 = tpu.bitcast %parallel_loop3A_353 : vector<16xi32> -> vector<16xf32>
        %parallel_loop3A_355 = arith.index_cast %parallel_loop3A_306 : i32 to index
        %parallel_loop3A_356 = arith.constant 16 : index
        %parallel_loop3A_357 = tpu.vector_load %arg21[%parallel_loop3A_355, %parallel_loop3A_356] {strides = array<i32>} : memref<48x128xf32, #tpu.memory_space<vmem>>, vector<1x16xf32>,
        %parallel_loop3A_358 = vector.shape_cast %parallel_loop3A_357 : vector<1x16xf32> to vector<16xf32>
        %parallel_loop3A_359 = arith.mulf %parallel_loop3A_358, %parallel_loop3A_352 : vector<16xf32>
        %parallel_loop3A_360 = arith.mulf %parallel_loop3A_359, %parallel_loop3A_342 : vector<16xf32>
        %parallel_loop3A_361 = arith.addf %parallel_loop3A_333, %parallel_loop3A_360 : vector<16xf32>
        %parallel_loop3A_362 = arith.mulf %parallel_loop3A_354, %parallel_loop3A_344 : vector<16xf32>
        %parallel_loop3A_363 = arith.index_cast %parallel_loop3A_306 : i32 to index
        %parallel_loop3A_364 = arith.constant 32 : index
        %parallel_loop3A_365 = tpu.vector_load %arg23[%parallel_loop3A_363, %parallel_loop3A_364] {strides = array<i32>} : memref<48x128xi32, #tpu.memory_space<vmem>>, vector<1x16xi32>,
        %parallel_loop3A_366 = vector.shape_cast %parallel_loop3A_365 : vector<1x16xi32> to vector<16xi32>
        %parallel_loop3A_367 = arith.constant 16 : i32
        %parallel_loop3A_368 = vector.broadcast %parallel_loop3A_367 : i32 to vector<16xi32>
        %parallel_loop3A_369 = arith.shli %parallel_loop3A_366, %parallel_loop3A_368 : vector<16xi32>
        %parallel_loop3A_370 = tpu.bitcast %parallel_loop3A_369 : vector<16xi32> -> vector<16xf32>
        %parallel_loop3A_371 = arith.andi %parallel_loop3A_366, %broadcast_in_dim3A_221 : vector<16xi32>
        %parallel_loop3A_372 = tpu.bitcast %parallel_loop3A_371 : vector<16xi32> -> vector<16xf32>
        %parallel_loop3A_373 = arith.index_cast %parallel_loop3A_306 : i32 to index
        %parallel_loop3A_374 = arith.constant 32 : index
        %parallel_loop3A_375 = tpu.vector_load %arg22[%parallel_loop3A_373, %parallel_loop3A_374] {strides = array<i32>} : memref<48x128xi32, #tpu.memory_space<vmem>>, vector<1x16xi32>,
        %parallel_loop3A_376 = vector.shape_cast %parallel_loop3A_375 : vector<1x16xi32> to vector<16xi32>
        %parallel_loop3A_377 = arith.constant 16 : i32
        %parallel_loop3A_378 = vector.broadcast %parallel_loop3A_377 : i32 to vector<16xi32>
        %parallel_loop3A_379 = arith.shli %parallel_loop3A_376, %parallel_loop3A_378 : vector<16xi32>
        %parallel_loop3A_380 = tpu.bitcast %parallel_loop3A_379 : vector<16xi32> -> vector<16xf32>
        %parallel_loop3A_381 = arith.andi %parallel_loop3A_376, %broadcast_in_dim3A_221 : vector<16xi32>
        %parallel_loop3A_382 = tpu.bitcast %parallel_loop3A_381 : vector<16xi32> -> vector<16xf32>
        %parallel_loop3A_383 = arith.index_cast %parallel_loop3A_306 : i32 to index
        %parallel_loop3A_384 = arith.constant 32 : index
        %parallel_loop3A_385 = tpu.vector_load %arg21[%parallel_loop3A_383, %parallel_loop3A_384] {strides = array<i32>} : memref<48x128xf32, #tpu.memory_space<vmem>>, vector<1x16xf32>,
        %parallel_loop3A_386 = vector.shape_cast %parallel_loop3A_385 : vector<1x16xf32> to vector<16xf32>
        %parallel_loop3A_387 = arith.mulf %parallel_loop3A_386, %parallel_loop3A_380 : vector<16xf32>
        %parallel_loop3A_388 = arith.mulf %parallel_loop3A_387, %parallel_loop3A_370 : vector<16xf32>
        %parallel_loop3A_389 = arith.addf %parallel_loop3A_361, %parallel_loop3A_388 : vector<16xf32>
        %parallel_loop3A_390 = arith.mulf %parallel_loop3A_382, %parallel_loop3A_372 : vector<16xf32>
        %parallel_loop3A_391 = arith.index_cast %parallel_loop3A_306 : i32 to index
        %parallel_loop3A_392 = arith.constant 48 : index
        %parallel_loop3A_393 = tpu.vector_load %arg23[%parallel_loop3A_391, %parallel_loop3A_392] {strides = array<i32>} : memref<48x128xi32, #tpu.memory_space<vmem>>, vector<1x16xi32>,
        %parallel_loop3A_394 = vector.shape_cast %parallel_loop3A_393 : vector<1x16xi32> to vector<16xi32>
        %parallel_loop3A_395 = arith.constant 16 : i32
        %parallel_loop3A_396 = vector.broadcast %parallel_loop3A_395 : i32 to vector<16xi32>
        %parallel_loop3A_397 = arith.shli %parallel_loop3A_394, %parallel_loop3A_396 : vector<16xi32>
        %parallel_loop3A_398 = tpu.bitcast %parallel_loop3A_397 : vector<16xi32> -> vector<16xf32>
        %parallel_loop3A_399 = arith.andi %parallel_loop3A_394, %broadcast_in_dim3A_221 : vector<16xi32>
        %parallel_loop3A_400 = tpu.bitcast %parallel_loop3A_399 : vector<16xi32> -> vector<16xf32>
        %parallel_loop3A_401 = arith.index_cast %parallel_loop3A_306 : i32 to index
        %parallel_loop3A_402 = arith.constant 48 : index
        %parallel_loop3A_403 = tpu.vector_load %arg22[%parallel_loop3A_401, %parallel_loop3A_402] {strides = array<i32>} : memref<48x128xi32, #tpu.memory_space<vmem>>, vector<1x16xi32>,
        %parallel_loop3A_404 = vector.shape_cast %parallel_loop3A_403 : vector<1x16xi32> to vector<16xi32>
        %parallel_loop3A_405 = arith.constant 16 : i32
        %parallel_loop3A_406 = vector.broadcast %parallel_loop3A_405 : i32 to vector<16xi32>
        %parallel_loop3A_407 = arith.shli %parallel_loop3A_404, %parallel_loop3A_406 : vector<16xi32>
        %parallel_loop3A_408 = tpu.bitcast %parallel_loop3A_407 : vector<16xi32> -> vector<16xf32>
        %parallel_loop3A_409 = arith.andi %parallel_loop3A_404, %broadcast_in_dim3A_221 : vector<16xi32>
        %parallel_loop3A_410 = tpu.bitcast %parallel_loop3A_409 : vector<16xi32> -> vector<16xf32>
        %parallel_loop3A_411 = arith.index_cast %parallel_loop3A_306 : i32 to index
        %parallel_loop3A_412 = arith.constant 48 : index
        %parallel_loop3A_413 = tpu.vector_load %arg21[%parallel_loop3A_411, %parallel_loop3A_412] {strides = array<i32>} : memref<48x128xf32, #tpu.memory_space<vmem>>, vector<1x16xf32>,
        %parallel_loop3A_414 = vector.shape_cast %parallel_loop3A_413 : vector<1x16xf32> to vector<16xf32>
        %parallel_loop3A_415 = arith.mulf %parallel_loop3A_414, %parallel_loop3A_408 : vector<16xf32>
        %parallel_loop3A_416 = arith.mulf %parallel_loop3A_415, %parallel_loop3A_398 : vector<16xf32>
        %parallel_loop3A_417 = arith.addf %parallel_loop3A_389, %parallel_loop3A_416 : vector<16xf32>
        %parallel_loop3A_418 = arith.mulf %parallel_loop3A_410, %parallel_loop3A_400 : vector<16xf32>
        %parallel_loop3A_419 = arith.index_cast %parallel_loop3A_306 : i32 to index
        %parallel_loop3A_420 = arith.constant 64 : index
        %parallel_loop3A_421 = tpu.vector_load %arg23[%parallel_loop3A_419, %parallel_loop3A_420] {strides = array<i32>} : memref<48x128xi32, #tpu.memory_space<vmem>>, vector<1x16xi32>,
        %parallel_loop3A_422 = vector.shape_cast %parallel_loop3A_421 : vector<1x16xi32> to vector<16xi32>
        %parallel_loop3A_423 = arith.constant 16 : i32
        %parallel_loop3A_424 = vector.broadcast %parallel_loop3A_423 : i32 to vector<16xi32>
        %parallel_loop3A_425 = arith.shli %parallel_loop3A_422, %parallel_loop3A_424 : vector<16xi32>
        %parallel_loop3A_426 = tpu.bitcast %parallel_loop3A_425 : vector<16xi32> -> vector<16xf32>
        %parallel_loop3A_427 = arith.andi %parallel_loop3A_422, %broadcast_in_dim3A_221 : vector<16xi32>
        %parallel_loop3A_428 = tpu.bitcast %parallel_loop3A_427 : vector<16xi32> -> vector<16xf32>
        %parallel_loop3A_429 = arith.index_cast %parallel_loop3A_306 : i32 to index
        %parallel_loop3A_430 = arith.constant 64 : index
        %parallel_loop3A_431 = tpu.vector_load %arg22[%parallel_loop3A_429, %parallel_loop3A_430] {strides = array<i32>} : memref<48x128xi32, #tpu.memory_space<vmem>>, vector<1x16xi32>,
        %parallel_loop3A_432 = vector.shape_cast %parallel_loop3A_431 : vector<1x16xi32> to vector<16xi32>
        %parallel_loop3A_433 = arith.constant 16 : i32
        %parallel_loop3A_434 = vector.broadcast %parallel_loop3A_433 : i32 to vector<16xi32>
        %parallel_loop3A_435 = arith.shli %parallel_loop3A_432, %parallel_loop3A_434 : vector<16xi32>
        %parallel_loop3A_436 = tpu.bitcast %parallel_loop3A_435 : vector<16xi32> -> vector<16xf32>
        %parallel_loop3A_437 = arith.andi %parallel_loop3A_432, %broadcast_in_dim3A_221 : vector<16xi32>
        %parallel_loop3A_438 = tpu.bitcast %parallel_loop3A_437 : vector<16xi32> -> vector<16xf32>
        %parallel_loop3A_439 = arith.index_cast %parallel_loop3A_306 : i32 to index
        %parallel_loop3A_440 = arith.constant 64 : index
        %parallel_loop3A_441 = tpu.vector_load %arg21[%parallel_loop3A_439, %parallel_loop3A_440] {strides = array<i32>} : memref<48x128xf32, #tpu.memory_space<vmem>>, vector<1x16xf32>,
        %parallel_loop3A_442 = vector.shape_cast %parallel_loop3A_441 : vector<1x16xf32> to vector<16xf32>
        %parallel_loop3A_443 = arith.mulf %parallel_loop3A_442, %parallel_loop3A_436 : vector<16xf32>
        %parallel_loop3A_444 = arith.mulf %parallel_loop3A_443, %parallel_loop3A_426 : vector<16xf32>
        %parallel_loop3A_445 = arith.addf %parallel_loop3A_417, %parallel_loop3A_444 : vector<16xf32>
        %parallel_loop3A_446 = arith.mulf %parallel_loop3A_438, %parallel_loop3A_428 : vector<16xf32>
        %parallel_loop3A_447 = arith.index_cast %parallel_loop3A_306 : i32 to index
        %parallel_loop3A_448 = arith.constant 80 : index
        %parallel_loop3A_449 = tpu.vector_load %arg23[%parallel_loop3A_447, %parallel_loop3A_448] {strides = array<i32>} : memref<48x128xi32, #tpu.memory_space<vmem>>, vector<1x16xi32>,
        %parallel_loop3A_450 = vector.shape_cast %parallel_loop3A_449 : vector<1x16xi32> to vector<16xi32>
        %parallel_loop3A_451 = arith.constant 16 : i32
        %parallel_loop3A_452 = vector.broadcast %parallel_loop3A_451 : i32 to vector<16xi32>
        %parallel_loop3A_453 = arith.shli %parallel_loop3A_450, %parallel_loop3A_452 : vector<16xi32>
        %parallel_loop3A_454 = tpu.bitcast %parallel_loop3A_453 : vector<16xi32> -> vector<16xf32>
        %parallel_loop3A_455 = arith.andi %parallel_loop3A_450, %broadcast_in_dim3A_221 : vector<16xi32>
        %parallel_loop3A_456 = tpu.bitcast %parallel_loop3A_455 : vector<16xi32> -> vector<16xf32>
        %parallel_loop3A_457 = arith.index_cast %parallel_loop3A_306 : i32 to index
        %parallel_loop3A_458 = arith.constant 80 : index
        %parallel_loop3A_459 = tpu.vector_load %arg22[%parallel_loop3A_457, %parallel_loop3A_458] {strides = array<i32>} : memref<48x128xi32, #tpu.memory_space<vmem>>, vector<1x16xi32>,
        %parallel_loop3A_460 = vector.shape_cast %parallel_loop3A_459 : vector<1x16xi32> to vector<16xi32>
        %parallel_loop3A_461 = arith.constant 16 : i32
        %parallel_loop3A_462 = vector.broadcast %parallel_loop3A_461 : i32 to vector<16xi32>
        %parallel_loop3A_463 = arith.shli %parallel_loop3A_460, %parallel_loop3A_462 : vector<16xi32>
        %parallel_loop3A_464 = tpu.bitcast %parallel_loop3A_463 : vector<16xi32> -> vector<16xf32>
        %parallel_loop3A_465 = arith.andi %parallel_loop3A_460, %broadcast_in_dim3A_221 : vector<16xi32>
        %parallel_loop3A_466 = tpu.bitcast %parallel_loop3A_465 : vector<16xi32> -> vector<16xf32>
        %parallel_loop3A_467 = arith.index_cast %parallel_loop3A_306 : i32 to index
        %parallel_loop3A_468 = arith.constant 80 : index
        %parallel_loop3A_469 = tpu.vector_load %arg21[%parallel_loop3A_467, %parallel_loop3A_468] {strides = array<i32>} : memref<48x128xf32, #tpu.memory_space<vmem>>, vector<1x16xf32>,
        %parallel_loop3A_470 = vector.shape_cast %parallel_loop3A_469 : vector<1x16xf32> to vector<16xf32>
        %parallel_loop3A_471 = arith.mulf %parallel_loop3A_470, %parallel_loop3A_464 : vector<16xf32>
        %parallel_loop3A_472 = arith.mulf %parallel_loop3A_471, %parallel_loop3A_454 : vector<16xf32>
        %parallel_loop3A_473 = arith.addf %parallel_loop3A_445, %parallel_loop3A_472 : vector<16xf32>
        %parallel_loop3A_474 = arith.mulf %parallel_loop3A_466, %parallel_loop3A_456 : vector<16xf32>
        %parallel_loop3A_475 = arith.index_cast %parallel_loop3A_306 : i32 to index
        %parallel_loop3A_476 = arith.constant 96 : index
        %parallel_loop3A_477 = tpu.vector_load %arg23[%parallel_loop3A_475, %parallel_loop3A_476] {strides = array<i32>} : memref<48x128xi32, #tpu.memory_space<vmem>>, vector<1x16xi32>,
        %parallel_loop3A_478 = vector.shape_cast %parallel_loop3A_477 : vector<1x16xi32> to vector<16xi32>
        %parallel_loop3A_479 = arith.constant 16 : i32
        %parallel_loop3A_480 = vector.broadcast %parallel_loop3A_479 : i32 to vector<16xi32>
        %parallel_loop3A_481 = arith.shli %parallel_loop3A_478, %parallel_loop3A_480 : vector<16xi32>
        %parallel_loop3A_482 = tpu.bitcast %parallel_loop3A_481 : vector<16xi32> -> vector<16xf32>
        %parallel_loop3A_483 = arith.andi %parallel_loop3A_478, %broadcast_in_dim3A_221 : vector<16xi32>
        %parallel_loop3A_484 = tpu.bitcast %parallel_loop3A_483 : vector<16xi32> -> vector<16xf32>
        %parallel_loop3A_485 = arith.index_cast %parallel_loop3A_306 : i32 to index
        %parallel_loop3A_486 = arith.constant 96 : index
        %parallel_loop3A_487 = tpu.vector_load %arg22[%parallel_loop3A_485, %parallel_loop3A_486] {strides = array<i32>} : memref<48x128xi32, #tpu.memory_space<vmem>>, vector<1x16xi32>,
        %parallel_loop3A_488 = vector.shape_cast %parallel_loop3A_487 : vector<1x16xi32> to vector<16xi32>
        %parallel_loop3A_489 = arith.constant 16 : i32
        %parallel_loop3A_490 = vector.broadcast %parallel_loop3A_489 : i32 to vector<16xi32>
        %parallel_loop3A_491 = arith.shli %parallel_loop3A_488, %parallel_loop3A_490 : vector<16xi32>
        %parallel_loop3A_492 = tpu.bitcast %parallel_loop3A_491 : vector<16xi32> -> vector<16xf32>
        %parallel_loop3A_493 = arith.andi %parallel_loop3A_488, %broadcast_in_dim3A_221 : vector<16xi32>
        %parallel_loop3A_494 = tpu.bitcast %parallel_loop3A_493 : vector<16xi32> -> vector<16xf32>
        %parallel_loop3A_495 = arith.index_cast %parallel_loop3A_306 : i32 to index
        %parallel_loop3A_496 = arith.constant 96 : index
        %parallel_loop3A_497 = tpu.vector_load %arg21[%parallel_loop3A_495, %parallel_loop3A_496] {strides = array<i32>} : memref<48x128xf32, #tpu.memory_space<vmem>>, vector<1x16xf32>,
        %parallel_loop3A_498 = vector.shape_cast %parallel_loop3A_497 : vector<1x16xf32> to vector<16xf32>
        %parallel_loop3A_499 = arith.mulf %parallel_loop3A_498, %parallel_loop3A_492 : vector<16xf32>
        %parallel_loop3A_500 = arith.mulf %parallel_loop3A_499, %parallel_loop3A_482 : vector<16xf32>
        %parallel_loop3A_501 = arith.addf %parallel_loop3A_473, %parallel_loop3A_500 : vector<16xf32>
        %parallel_loop3A_502 = arith.mulf %parallel_loop3A_494, %parallel_loop3A_484 : vector<16xf32>
        %parallel_loop3A_503 = arith.index_cast %parallel_loop3A_306 : i32 to index
        %parallel_loop3A_504 = arith.constant 112 : index
        %parallel_loop3A_505 = tpu.vector_load %arg23[%parallel_loop3A_503, %parallel_loop3A_504] {strides = array<i32>} : memref<48x128xi32, #tpu.memory_space<vmem>>, vector<1x16xi32>,
        %parallel_loop3A_506 = vector.shape_cast %parallel_loop3A_505 : vector<1x16xi32> to vector<16xi32>
        %parallel_loop3A_507 = arith.constant 16 : i32
        %parallel_loop3A_508 = vector.broadcast %parallel_loop3A_507 : i32 to vector<16xi32>
        %parallel_loop3A_509 = arith.shli %parallel_loop3A_506, %parallel_loop3A_508 : vector<16xi32>
        %parallel_loop3A_510 = tpu.bitcast %parallel_loop3A_509 : vector<16xi32> -> vector<16xf32>
        %parallel_loop3A_511 = arith.andi %parallel_loop3A_506, %broadcast_in_dim3A_221 : vector<16xi32>
        %parallel_loop3A_512 = tpu.bitcast %parallel_loop3A_511 : vector<16xi32> -> vector<16xf32>
        %parallel_loop3A_513 = arith.index_cast %parallel_loop3A_306 : i32 to index
        %parallel_loop3A_514 = arith.constant 112 : index
        %parallel_loop3A_515 = tpu.vector_load %arg22[%parallel_loop3A_513, %parallel_loop3A_514] {strides = array<i32>} : memref<48x128xi32, #tpu.memory_space<vmem>>, vector<1x16xi32>,
        %parallel_loop3A_516 = vector.shape_cast %parallel_loop3A_515 : vector<1x16xi32> to vector<16xi32>
        %parallel_loop3A_517 = arith.constant 16 : i32
        %parallel_loop3A_518 = vector.broadcast %parallel_loop3A_517 : i32 to vector<16xi32>
        %parallel_loop3A_519 = arith.shli %parallel_loop3A_516, %parallel_loop3A_518 : vector<16xi32>
        %parallel_loop3A_520 = tpu.bitcast %parallel_loop3A_519 : vector<16xi32> -> vector<16xf32>
        %parallel_loop3A_521 = arith.andi %parallel_loop3A_516, %broadcast_in_dim3A_221 : vector<16xi32>
        %parallel_loop3A_522 = tpu.bitcast %parallel_loop3A_521 : vector<16xi32> -> vector<16xf32>
        %parallel_loop3A_523 = arith.index_cast %parallel_loop3A_306 : i32 to index
        %parallel_loop3A_524 = arith.constant 112 : index
        %parallel_loop3A_525 = tpu.vector_load %arg21[%parallel_loop3A_523, %parallel_loop3A_524] {strides = array<i32>} : memref<48x128xf32, #tpu.memory_space<vmem>>, vector<1x16xf32>,
        %parallel_loop3A_526 = vector.shape_cast %parallel_loop3A_525 : vector<1x16xf32> to vector<16xf32>
        %parallel_loop3A_527 = arith.mulf %parallel_loop3A_526, %parallel_loop3A_520 : vector<16xf32>
        %parallel_loop3A_528 = arith.mulf %parallel_loop3A_527, %parallel_loop3A_510 : vector<16xf32>
        %parallel_loop3A_529 = arith.addf %parallel_loop3A_501, %parallel_loop3A_528 : vector<16xf32>
        %parallel_loop3A_530 = arith.mulf %parallel_loop3A_522, %parallel_loop3A_512 : vector<16xf32>
        %parallel_loop3A_531 = arith.constant 8 : i32
        %parallel_loop3A_532 = vector.broadcast %parallel_loop3A_531 : i32 to vector<16xi32>
        %parallel_loop3A_533 = arith.xori %iota3A, %parallel_loop3A_532 : vector<16xi32>
        %parallel_loop3A_534 = vector.shape_cast %parallel_loop3A_533 : vector<16xi32> to vector<16x1xi32>
        %parallel_loop3A_535 = vector.shape_cast %parallel_loop3A_534 : vector<16x1xi32> to vector<16xi32>
        %parallel_loop3A_536 = tpu.dynamic_gather %parallel_loop3A_529[%parallel_loop3A_535] in [0] : vector<16xf32>, vector<16xi32> -> vector<16xf32>
        %parallel_loop3A_537 = arith.addf %parallel_loop3A_529, %parallel_loop3A_536 : vector<16xf32>
        %parallel_loop3A_538 = arith.constant 4 : i32
        %parallel_loop3A_539 = vector.broadcast %parallel_loop3A_538 : i32 to vector<16xi32>
        %parallel_loop3A_540 = arith.xori %iota3A, %parallel_loop3A_539 : vector<16xi32>
        %parallel_loop3A_541 = vector.shape_cast %parallel_loop3A_540 : vector<16xi32> to vector<16x1xi32>
        %parallel_loop3A_542 = vector.shape_cast %parallel_loop3A_541 : vector<16x1xi32> to vector<16xi32>
        %parallel_loop3A_543 = tpu.dynamic_gather %parallel_loop3A_537[%parallel_loop3A_542] in [0] : vector<16xf32>, vector<16xi32> -> vector<16xf32>
        %parallel_loop3A_544 = arith.addf %parallel_loop3A_537, %parallel_loop3A_543 : vector<16xf32>
        %parallel_loop3A_545 = arith.constant 2 : i32
        %parallel_loop3A_546 = vector.broadcast %parallel_loop3A_545 : i32 to vector<16xi32>
        %parallel_loop3A_547 = arith.xori %iota3A, %parallel_loop3A_546 : vector<16xi32>
        %parallel_loop3A_548 = vector.shape_cast %parallel_loop3A_547 : vector<16xi32> to vector<16x1xi32>
        %parallel_loop3A_549 = vector.shape_cast %parallel_loop3A_548 : vector<16x1xi32> to vector<16xi32>
        %parallel_loop3A_550 = tpu.dynamic_gather %parallel_loop3A_544[%parallel_loop3A_549] in [0] : vector<16xf32>, vector<16xi32> -> vector<16xf32>
        %parallel_loop3A_551 = arith.addf %parallel_loop3A_544, %parallel_loop3A_550 : vector<16xf32>
        %parallel_loop3A_552 = arith.constant 1 : i32
        %parallel_loop3A_553 = vector.broadcast %parallel_loop3A_552 : i32 to vector<16xi32>
        %parallel_loop3A_554 = arith.xori %iota3A, %parallel_loop3A_553 : vector<16xi32>
        %parallel_loop3A_555 = vector.shape_cast %parallel_loop3A_554 : vector<16xi32> to vector<16x1xi32>
        %parallel_loop3A_556 = vector.shape_cast %parallel_loop3A_555 : vector<16x1xi32> to vector<16xi32>
        %parallel_loop3A_557 = tpu.dynamic_gather %parallel_loop3A_551[%parallel_loop3A_556] in [0] : vector<16xf32>, vector<16xi32> -> vector<16xf32>
        %parallel_loop3A_558 = arith.addf %parallel_loop3A_551, %parallel_loop3A_557 : vector<16xf32>
        %parallel_loop3A_559 = arith.constant 0.000000e+00 : f32
        %parallel_loop3A_560 = vector.broadcast %parallel_loop3A_559 : f32 to vector<16xf32>
        %parallel_loop3A_561 = arith.subf %parallel_loop3A_560, %parallel_loop3A_558 : vector<16xf32>
        %parallel_loop3A_562 = math.exp %parallel_loop3A_561 : vector<16xf32>
        %parallel_loop3A_563 = arith.constant 1.000000e+00 : f32
        %parallel_loop3A_564 = vector.broadcast %parallel_loop3A_563 : f32 to vector<16xf32>
        %parallel_loop3A_565 = arith.addf %parallel_loop3A_564, %parallel_loop3A_562 : vector<16xf32>
        %parallel_loop3A_566 = arith.divf %parallel_loop3A_558, %parallel_loop3A_565 : vector<16xf32>
        %parallel_loop3A_567 = arith.mulf %parallel_loop3A_334, %parallel_loop3A_566 : vector<16xf32>
        %parallel_loop3A_568 = arith.index_cast %parallel_loop3A_306 : i32 to index
        %parallel_loop3A_569 = arith.constant 0 : index
        %parallel_loop3A_570 = tpu.vector_load %arg25[%parallel_loop3A_568, %parallel_loop3A_569] {strides = array<i32>} : memref<48x128xf32, #tpu.memory_space<vmem>>, vector<1x16xf32>,
        %parallel_loop3A_571 = vector.shape_cast %parallel_loop3A_570 : vector<1x16xf32> to vector<16xf32>
        %parallel_loop3A_572 = vector.shape_cast %parallel_loop3A_567 : vector<16xf32> to vector<1x16xf32>
        tpu.vector_store %arg25[%parallel_loop3A_568, %parallel_loop3A_569], %parallel_loop3A_572 {strides = array<i32>} : memref<48x128xf32, #tpu.memory_space<vmem>>, vector<1x16xf32>,
        %parallel_loop3A_573 = arith.mulf %parallel_loop3A_362, %parallel_loop3A_566 : vector<16xf32>
        %parallel_loop3A_574 = arith.index_cast %parallel_loop3A_306 : i32 to index
        %parallel_loop3A_575 = arith.constant 16 : index
        %parallel_loop3A_576 = tpu.vector_load %arg25[%parallel_loop3A_574, %parallel_loop3A_575] {strides = array<i32>} : memref<48x128xf32, #tpu.memory_space<vmem>>, vector<1x16xf32>,
        %parallel_loop3A_577 = vector.shape_cast %parallel_loop3A_576 : vector<1x16xf32> to vector<16xf32>
        %parallel_loop3A_578 = vector.shape_cast %parallel_loop3A_573 : vector<16xf32> to vector<1x16xf32>
        tpu.vector_store %arg25[%parallel_loop3A_574, %parallel_loop3A_575], %parallel_loop3A_578 {strides = array<i32>} : memref<48x128xf32, #tpu.memory_space<vmem>>, vector<1x16xf32>,
        %parallel_loop3A_579 = arith.mulf %parallel_loop3A_390, %parallel_loop3A_566 : vector<16xf32>
        %parallel_loop3A_580 = arith.index_cast %parallel_loop3A_306 : i32 to index
        %parallel_loop3A_581 = arith.constant 32 : index
        %parallel_loop3A_582 = tpu.vector_load %arg25[%parallel_loop3A_580, %parallel_loop3A_581] {strides = array<i32>} : memref<48x128xf32, #tpu.memory_space<vmem>>, vector<1x16xf32>,
        %parallel_loop3A_583 = vector.shape_cast %parallel_loop3A_582 : vector<1x16xf32> to vector<16xf32>
        %parallel_loop3A_584 = vector.shape_cast %parallel_loop3A_579 : vector<16xf32> to vector<1x16xf32>
        tpu.vector_store %arg25[%parallel_loop3A_580, %parallel_loop3A_581], %parallel_loop3A_584 {strides = array<i32>} : memref<48x128xf32, #tpu.memory_space<vmem>>, vector<1x16xf32>,
        %parallel_loop3A_585 = arith.mulf %parallel_loop3A_418, %parallel_loop3A_566 : vector<16xf32>
        %parallel_loop3A_586 = arith.index_cast %parallel_loop3A_306 : i32 to index
        %parallel_loop3A_587 = arith.constant 48 : index
        %parallel_loop3A_588 = tpu.vector_load %arg25[%parallel_loop3A_586, %parallel_loop3A_587] {strides = array<i32>} : memref<48x128xf32, #tpu.memory_space<vmem>>, vector<1x16xf32>,
        %parallel_loop3A_589 = vector.shape_cast %parallel_loop3A_588 : vector<1x16xf32> to vector<16xf32>
        %parallel_loop3A_590 = vector.shape_cast %parallel_loop3A_585 : vector<16xf32> to vector<1x16xf32>
        tpu.vector_store %arg25[%parallel_loop3A_586, %parallel_loop3A_587], %parallel_loop3A_590 {strides = array<i32>} : memref<48x128xf32, #tpu.memory_space<vmem>>, vector<1x16xf32>,
        %parallel_loop3A_591 = arith.mulf %parallel_loop3A_446, %parallel_loop3A_566 : vector<16xf32>
        %parallel_loop3A_592 = arith.index_cast %parallel_loop3A_306 : i32 to index
        %parallel_loop3A_593 = arith.constant 64 : index
        %parallel_loop3A_594 = tpu.vector_load %arg25[%parallel_loop3A_592, %parallel_loop3A_593] {strides = array<i32>} : memref<48x128xf32, #tpu.memory_space<vmem>>, vector<1x16xf32>,
        %parallel_loop3A_595 = vector.shape_cast %parallel_loop3A_594 : vector<1x16xf32> to vector<16xf32>
        %parallel_loop3A_596 = vector.shape_cast %parallel_loop3A_591 : vector<16xf32> to vector<1x16xf32>
        tpu.vector_store %arg25[%parallel_loop3A_592, %parallel_loop3A_593], %parallel_loop3A_596 {strides = array<i32>} : memref<48x128xf32, #tpu.memory_space<vmem>>, vector<1x16xf32>,
        %parallel_loop3A_597 = arith.mulf %parallel_loop3A_474, %parallel_loop3A_566 : vector<16xf32>
        %parallel_loop3A_598 = arith.index_cast %parallel_loop3A_306 : i32 to index
        %parallel_loop3A_599 = arith.constant 80 : index
        %parallel_loop3A_600 = tpu.vector_load %arg25[%parallel_loop3A_598, %parallel_loop3A_599] {strides = array<i32>} : memref<48x128xf32, #tpu.memory_space<vmem>>, vector<1x16xf32>,
        %parallel_loop3A_601 = vector.shape_cast %parallel_loop3A_600 : vector<1x16xf32> to vector<16xf32>
        %parallel_loop3A_602 = vector.shape_cast %parallel_loop3A_597 : vector<16xf32> to vector<1x16xf32>
        tpu.vector_store %arg25[%parallel_loop3A_598, %parallel_loop3A_599], %parallel_loop3A_602 {strides = array<i32>} : memref<48x128xf32, #tpu.memory_space<vmem>>, vector<1x16xf32>,
        %parallel_loop3A_603 = arith.mulf %parallel_loop3A_502, %parallel_loop3A_566 : vector<16xf32>
        %parallel_loop3A_604 = arith.index_cast %parallel_loop3A_306 : i32 to index
        %parallel_loop3A_605 = arith.constant 96 : index
        %parallel_loop3A_606 = tpu.vector_load %arg25[%parallel_loop3A_604, %parallel_loop3A_605] {strides = array<i32>} : memref<48x128xf32, #tpu.memory_space<vmem>>, vector<1x16xf32>,
        %parallel_loop3A_607 = vector.shape_cast %parallel_loop3A_606 : vector<1x16xf32> to vector<16xf32>
        %parallel_loop3A_608 = vector.shape_cast %parallel_loop3A_603 : vector<16xf32> to vector<1x16xf32>
        tpu.vector_store %arg25[%parallel_loop3A_604, %parallel_loop3A_605], %parallel_loop3A_608 {strides = array<i32>} : memref<48x128xf32, #tpu.memory_space<vmem>>, vector<1x16xf32>,
        %parallel_loop3A_609 = arith.mulf %parallel_loop3A_530, %parallel_loop3A_566 : vector<16xf32>
        %parallel_loop3A_610 = arith.index_cast %parallel_loop3A_306 : i32 to index
        %parallel_loop3A_611 = arith.constant 112 : index
        %parallel_loop3A_612 = tpu.vector_load %arg25[%parallel_loop3A_610, %parallel_loop3A_611] {strides = array<i32>} : memref<48x128xf32, #tpu.memory_space<vmem>>, vector<1x16xf32>,
        %parallel_loop3A_613 = vector.shape_cast %parallel_loop3A_612 : vector<1x16xf32> to vector<16xf32>
        %parallel_loop3A_614 = vector.shape_cast %parallel_loop3A_609 : vector<16xf32> to vector<1x16xf32>
        tpu.vector_store %arg25[%parallel_loop3A_610, %parallel_loop3A_611], %parallel_loop3A_614 {strides = array<i32>} : memref<48x128xf32, #tpu.memory_space<vmem>>, vector<1x16xf32>,
      } {sc.loop_unroll_factor = 2 : i64, sc.parallel_access}
      %dma_start3A_225 = arith.constant 0 : i32
      %dma_start3A_226 = arith.constant 0 : i32
      %dma_start3A_227 = tpu.memref_slice %arg7[%dma_start3A_225, %dma_start3A_226] : memref<10000x128xf32, #tpu.memory_space<vmem_shared>> -> memref<10000x128xf32, #tpu.memory_space<vmem_shared>>
      tpu.enqueue_indirect_dma source(%arg25 : memref<48x128xf32, #tpu.memory_space<vmem>>) target(%dma_start3A_227 : memref<10000x128xf32, #tpu.memory_space<vmem_shared>>) offsets(%arg11 : memref<48xi32, #tpu.memory_space<vmem>>) semaphore(%arg29 : memref<!tpu.dma_semaphore, #tpu.memory_space<semaphore_mem>>) {add = true}
      %add3A_228 = arith.constant 2 : i32
      %add3A_229 = arith.addi %add3A_201, %add3A_228 : i32
      %lt3A_230 = arith.constant 208 : i32
      %lt3A_231 = arith.cmpi slt, %add3A_229, %lt3A_230 : i32
      %convert_element_type3A_232 = arith.extui %lt3A_231 : i1 to i32
      %cond3A_233 = arith.constant 0 : i32
      %cond3A_234 = arith.cmpi ne, %convert_element_type3A_232, %cond3A_233 : i32
      scf.if %cond3A_234 {
        %add3A_306 = arith.constant 96 : i32
        %add3A_307 = arith.addi %add3A_204, %add3A_306 : i32
        "tpu.region"() ({
          %run_scoped3A = tpu.sem_alloc : memref<!tpu.dma_semaphore, #tpu.memory_space<semaphore_mem>>
          %dma_start3A_320 = tpu.memref_slice %arg2[%add3A_307] : memref<640000xi32, #tpu.memory_space<hbm>> -> memref<48xi32, #tpu.memory_space<hbm>>
          %dma_start3A_321 = tpu.memref_slice %arg2[%add3A_307] : memref<640000xi32, #tpu.memory_space<hbm>> -> memref<48xi32, #tpu.memory_space<hbm>>
          tpu.enqueue_dma source(%dma_start3A_321 : memref<48xi32, #tpu.memory_space<hbm>>) target(%arg14 : memref<48xi32, #tpu.memory_space<vmem>>) target_semaphore(%run_scoped3A : memref<!tpu.dma_semaphore, #tpu.memory_space<semaphore_mem>>)
          %dma_wait3A_322 = tpu.memref_slice %arg2[%add3A_307] : memref<640000xi32, #tpu.memory_space<hbm>> -> memref<48xi32, #tpu.memory_space<hbm>>
          %dma_wait3A_323 = tpu.memref_slice %arg2[%add3A_307] : memref<640000xi32, #tpu.memory_space<hbm>> -> memref<48xi32, #tpu.memory_space<hbm>>
          tpu.wait_dma2 semaphore(%run_scoped3A : memref<!tpu.dma_semaphore, #tpu.memory_space<semaphore_mem>>) src(%dma_wait3A_323 : memref<48xi32, #tpu.memory_space<hbm>>) dst(%arg14 : memref<48xi32, #tpu.memory_space<vmem>>)
          tpu.yield
        }) : () -> ()
        %add3A_308 = arith.constant 320000 : i32
        %add3A_309 = arith.addi %add3A_308, %add3A_307 : i32
        "tpu.region"() ({
          %run_scoped3A = tpu.sem_alloc : memref<!tpu.dma_semaphore, #tpu.memory_space<semaphore_mem>>
          %dma_start3A_320 = tpu.memref_slice %arg2[%add3A_309] : memref<640000xi32, #tpu.memory_space<hbm>> -> memref<48xi32, #tpu.memory_space<hbm>>
          %dma_start3A_321 = tpu.memref_slice %arg2[%add3A_309] : memref<640000xi32, #tpu.memory_space<hbm>> -> memref<48xi32, #tpu.memory_space<hbm>>
          tpu.enqueue_dma source(%dma_start3A_321 : memref<48xi32, #tpu.memory_space<hbm>>) target(%arg15 : memref<48xi32, #tpu.memory_space<vmem>>) target_semaphore(%run_scoped3A : memref<!tpu.dma_semaphore, #tpu.memory_space<semaphore_mem>>)
          %dma_wait3A_322 = tpu.memref_slice %arg2[%add3A_309] : memref<640000xi32, #tpu.memory_space<hbm>> -> memref<48xi32, #tpu.memory_space<hbm>>
          %dma_wait3A_323 = tpu.memref_slice %arg2[%add3A_309] : memref<640000xi32, #tpu.memory_space<hbm>> -> memref<48xi32, #tpu.memory_space<hbm>>
          tpu.wait_dma2 semaphore(%run_scoped3A : memref<!tpu.dma_semaphore, #tpu.memory_space<semaphore_mem>>) src(%dma_wait3A_323 : memref<48xi32, #tpu.memory_space<hbm>>) dst(%arg15 : memref<48xi32, #tpu.memory_space<vmem>>)
          tpu.yield
        }) : () -> ()
        %dma_start3A_310 = arith.constant 0 : i32
        %dma_start3A_311 = arith.constant 0 : i32
        %dma_start3A_312 = tpu.memref_slice %arg3[%dma_start3A_310, %dma_start3A_311] : memref<10000x128xf32, #tpu.memory_space<hbm>> -> memref<10000x128xf32, #tpu.memory_space<hbm>>
        tpu.enqueue_indirect_dma source(%dma_start3A_312 : memref<10000x128xf32, #tpu.memory_space<hbm>>) target(%arg21 : memref<48x128xf32, #tpu.memory_space<vmem>>) offsets(%arg15 : memref<48xi32, #tpu.memory_space<vmem>>) semaphore(%arg27 : memref<!tpu.dma_semaphore, #tpu.memory_space<semaphore_mem>>)
        %dma_start3A_313 = arith.constant 0 : i32
        %dma_start3A_314 = arith.constant 0 : i32
        %dma_start3A_315 = tpu.memref_slice %arg4[%dma_start3A_313, %dma_start3A_314] : memref<10000x128xi32, #tpu.memory_space<hbm>> -> memref<10000x128xi32, #tpu.memory_space<hbm>>
        tpu.enqueue_indirect_dma source(%dma_start3A_315 : memref<10000x128xi32, #tpu.memory_space<hbm>>) target(%arg22 : memref<48x128xi32, #tpu.memory_space<vmem>>) offsets(%arg14 : memref<48xi32, #tpu.memory_space<vmem>>) semaphore(%arg27 : memref<!tpu.dma_semaphore, #tpu.memory_space<semaphore_mem>>)
        %dma_start3A_316 = arith.constant 0 : i32
        %dma_start3A_317 = tpu.memref_slice %arg5[%add3A_307, %dma_start3A_316] : memref<320000x128xi32, #tpu.memory_space<hbm>> -> memref<48x128xi32, #tpu.memory_space<hbm>>
        %dma_start3A_318 = arith.constant 0 : i32
        %dma_start3A_319 = tpu.memref_slice %arg5[%add3A_307, %dma_start3A_318] : memref<320000x128xi32, #tpu.memory_space<hbm>> -> memref<48x128xi32, #tpu.memory_space<hbm>>
        tpu.enqueue_dma source(%dma_start3A_319 : memref<48x128xi32, #tpu.memory_space<hbm>>) target(%arg23 : memref<48x128xi32, #tpu.memory_space<vmem>>) target_semaphore(%arg27 : memref<!tpu.dma_semaphore, #tpu.memory_space<semaphore_mem>>)
      } else {
      }
      %add3A_235 = arith.constant 2 : i32
      %add3A_236 = arith.addi %mul3A_166, %add3A_235 : i32
      %mul3A_237 = arith.constant 48 : i32
      %mul3A_238 = arith.muli %add3A_236, %mul3A_237 : i32
      %add3A_239 = arith.addi %add3A_63, %mul3A_238 : i32
      %dma_wait3A_240 = arith.constant 0 : i32
      %dma_wait3A_241 = arith.constant 0 : i32
      %dma_wait3A_242 = tpu.memref_slice %arg3[%dma_wait3A_240, %dma_wait3A_241] : memref<10000x128xf32, #tpu.memory_space<hbm>> -> memref<10000x128xf32, #tpu.memory_space<hbm>>
      tpu.wait_indirect_dma semaphore(%arg26 : memref<!tpu.dma_semaphore, #tpu.memory_space<semaphore_mem>>) src(%dma_wait3A_242 : memref<10000x128xf32, #tpu.memory_space<hbm>>) dst(%arg18 : memref<48x128xf32, #tpu.memory_space<vmem>>)
      %dma_wait3A_243 = arith.constant 0 : i32
      %dma_wait3A_244 = arith.constant 0 : i32
      %dma_wait3A_245 = tpu.memref_slice %arg4[%dma_wait3A_243, %dma_wait3A_244] : memref<10000x128xi32, #tpu.memory_space<hbm>> -> memref<10000x128xi32, #tpu.memory_space<hbm>>
      tpu.wait_indirect_dma semaphore(%arg26 : memref<!tpu.dma_semaphore, #tpu.memory_space<semaphore_mem>>) src(%dma_wait3A_245 : memref<10000x128xi32, #tpu.memory_space<hbm>>) dst(%arg19 : memref<48x128xi32, #tpu.memory_space<vmem>>)
      %dma_wait3A_246 = arith.constant 0 : i32
      %dma_wait3A_247 = tpu.memref_slice %arg5[%add3A_239, %dma_wait3A_246] : memref<320000x128xi32, #tpu.memory_space<hbm>> -> memref<48x128xi32, #tpu.memory_space<hbm>>
      %dma_wait3A_248 = arith.constant 0 : i32
      %dma_wait3A_249 = tpu.memref_slice %arg5[%add3A_239, %dma_wait3A_248] : memref<320000x128xi32, #tpu.memory_space<hbm>> -> memref<48x128xi32, #tpu.memory_space<hbm>>
      tpu.wait_dma2 semaphore(%arg26 : memref<!tpu.dma_semaphore, #tpu.memory_space<semaphore_mem>>) src(%dma_wait3A_249 : memref<48x128xi32, #tpu.memory_space<hbm>>) dst(%arg20 : memref<48x128xi32, #tpu.memory_space<vmem>>)
      %ge3A_250 = arith.constant 2 : i32
      %ge3A_251 = arith.cmpi sge, %add3A_236, %ge3A_250 : i32
      %convert_element_type3A_252 = arith.extui %ge3A_251 : i1 to i32
      %cond3A_253 = arith.constant 0 : i32
      %cond3A_254 = arith.cmpi ne, %convert_element_type3A_252, %cond3A_253 : i32
      scf.if %cond3A_254 {
        %dma_wait3A_306 = arith.constant 0 : i32
        %dma_wait3A_307 = arith.constant 0 : i32
        %dma_wait3A_308 = tpu.memref_slice %arg7[%dma_wait3A_306, %dma_wait3A_307] : memref<10000x128xf32, #tpu.memory_space<vmem_shared>> -> memref<10000x128xf32, #tpu.memory_space<vmem_shared>>
        tpu.wait_indirect_dma semaphore(%arg28 : memref<!tpu.dma_semaphore, #tpu.memory_space<semaphore_mem>>) src(%arg24 : memref<48x128xf32, #tpu.memory_space<vmem>>) dst(%dma_wait3A_308 : memref<10000x128xf32, #tpu.memory_space<vmem_shared>>)
      } else {
      }
      %broadcast_in_dim3A_255 = arith.constant -65536 : i32
      %broadcast_in_dim3A_256 = vector.broadcast %broadcast_in_dim3A_255 : i32 to vector<16xi32>
      %parallel_loop3A_257 = arith.constant 0 : i32
      %parallel_loop3A_258 = arith.constant 48 : i32
      %parallel_loop3A_259 = arith.constant 1 : i32
      scf.for %parallel_loop3A_306 = %parallel_loop3A_257 to %parallel_loop3A_258 step %parallel_loop3A_259  : i32 {
        %parallel_loop3A_307 = arith.index_cast %parallel_loop3A_306 : i32 to index
        %parallel_loop3A_308 = arith.constant 0 : index
        %parallel_loop3A_309 = tpu.vector_load %arg20[%parallel_loop3A_307, %parallel_loop3A_308] {strides = array<i32>} : memref<48x128xi32, #tpu.memory_space<vmem>>, vector<1x16xi32>,
        %parallel_loop3A_310 = vector.shape_cast %parallel_loop3A_309 : vector<1x16xi32> to vector<16xi32>
        %parallel_loop3A_311 = arith.constant 16 : i32
        %parallel_loop3A_312 = vector.broadcast %parallel_loop3A_311 : i32 to vector<16xi32>
        %parallel_loop3A_313 = arith.shli %parallel_loop3A_310, %parallel_loop3A_312 : vector<16xi32>
        %parallel_loop3A_314 = tpu.bitcast %parallel_loop3A_313 : vector<16xi32> -> vector<16xf32>
        %parallel_loop3A_315 = arith.andi %parallel_loop3A_310, %broadcast_in_dim3A_256 : vector<16xi32>
        %parallel_loop3A_316 = tpu.bitcast %parallel_loop3A_315 : vector<16xi32> -> vector<16xf32>
        %parallel_loop3A_317 = arith.index_cast %parallel_loop3A_306 : i32 to index
        %parallel_loop3A_318 = arith.constant 0 : index
        %parallel_loop3A_319 = tpu.vector_load %arg19[%parallel_loop3A_317, %parallel_loop3A_318] {strides = array<i32>} : memref<48x128xi32, #tpu.memory_space<vmem>>, vector<1x16xi32>,
        %parallel_loop3A_320 = vector.shape_cast %parallel_loop3A_319 : vector<1x16xi32> to vector<16xi32>
        %parallel_loop3A_321 = arith.constant 16 : i32
        %parallel_loop3A_322 = vector.broadcast %parallel_loop3A_321 : i32 to vector<16xi32>
        %parallel_loop3A_323 = arith.shli %parallel_loop3A_320, %parallel_loop3A_322 : vector<16xi32>
        %parallel_loop3A_324 = tpu.bitcast %parallel_loop3A_323 : vector<16xi32> -> vector<16xf32>
        %parallel_loop3A_325 = arith.andi %parallel_loop3A_320, %broadcast_in_dim3A_256 : vector<16xi32>
        %parallel_loop3A_326 = tpu.bitcast %parallel_loop3A_325 : vector<16xi32> -> vector<16xf32>
        %parallel_loop3A_327 = arith.index_cast %parallel_loop3A_306 : i32 to index
        %parallel_loop3A_328 = arith.constant 0 : index
        %parallel_loop3A_329 = tpu.vector_load %arg18[%parallel_loop3A_327, %parallel_loop3A_328] {strides = array<i32>} : memref<48x128xf32, #tpu.memory_space<vmem>>, vector<1x16xf32>,
        %parallel_loop3A_330 = vector.shape_cast %parallel_loop3A_329 : vector<1x16xf32> to vector<16xf32>
        %parallel_loop3A_331 = arith.mulf %parallel_loop3A_330, %parallel_loop3A_324 : vector<16xf32>
        %parallel_loop3A_332 = arith.mulf %parallel_loop3A_331, %parallel_loop3A_314 : vector<16xf32>
        %parallel_loop3A_333 = arith.addf %broadcast_in_dim3A_0, %parallel_loop3A_332 : vector<16xf32>
        %parallel_loop3A_334 = arith.mulf %parallel_loop3A_326, %parallel_loop3A_316 : vector<16xf32>
        %parallel_loop3A_335 = arith.index_cast %parallel_loop3A_306 : i32 to index
        %parallel_loop3A_336 = arith.constant 16 : index
        %parallel_loop3A_337 = tpu.vector_load %arg20[%parallel_loop3A_335, %parallel_loop3A_336] {strides = array<i32>} : memref<48x128xi32, #tpu.memory_space<vmem>>, vector<1x16xi32>,
        %parallel_loop3A_338 = vector.shape_cast %parallel_loop3A_337 : vector<1x16xi32> to vector<16xi32>
        %parallel_loop3A_339 = arith.constant 16 : i32
        %parallel_loop3A_340 = vector.broadcast %parallel_loop3A_339 : i32 to vector<16xi32>
        %parallel_loop3A_341 = arith.shli %parallel_loop3A_338, %parallel_loop3A_340 : vector<16xi32>
        %parallel_loop3A_342 = tpu.bitcast %parallel_loop3A_341 : vector<16xi32> -> vector<16xf32>
        %parallel_loop3A_343 = arith.andi %parallel_loop3A_338, %broadcast_in_dim3A_256 : vector<16xi32>
        %parallel_loop3A_344 = tpu.bitcast %parallel_loop3A_343 : vector<16xi32> -> vector<16xf32>
        %parallel_loop3A_345 = arith.index_cast %parallel_loop3A_306 : i32 to index
        %parallel_loop3A_346 = arith.constant 16 : index
        %parallel_loop3A_347 = tpu.vector_load %arg19[%parallel_loop3A_345, %parallel_loop3A_346] {strides = array<i32>} : memref<48x128xi32, #tpu.memory_space<vmem>>, vector<1x16xi32>,
        %parallel_loop3A_348 = vector.shape_cast %parallel_loop3A_347 : vector<1x16xi32> to vector<16xi32>
        %parallel_loop3A_349 = arith.constant 16 : i32
        %parallel_loop3A_350 = vector.broadcast %parallel_loop3A_349 : i32 to vector<16xi32>
        %parallel_loop3A_351 = arith.shli %parallel_loop3A_348, %parallel_loop3A_350 : vector<16xi32>
        %parallel_loop3A_352 = tpu.bitcast %parallel_loop3A_351 : vector<16xi32> -> vector<16xf32>
        %parallel_loop3A_353 = arith.andi %parallel_loop3A_348, %broadcast_in_dim3A_256 : vector<16xi32>
        %parallel_loop3A_354 = tpu.bitcast %parallel_loop3A_353 : vector<16xi32> -> vector<16xf32>
        %parallel_loop3A_355 = arith.index_cast %parallel_loop3A_306 : i32 to index
        %parallel_loop3A_356 = arith.constant 16 : index
        %parallel_loop3A_357 = tpu.vector_load %arg18[%parallel_loop3A_355, %parallel_loop3A_356] {strides = array<i32>} : memref<48x128xf32, #tpu.memory_space<vmem>>, vector<1x16xf32>,
        %parallel_loop3A_358 = vector.shape_cast %parallel_loop3A_357 : vector<1x16xf32> to vector<16xf32>
        %parallel_loop3A_359 = arith.mulf %parallel_loop3A_358, %parallel_loop3A_352 : vector<16xf32>
        %parallel_loop3A_360 = arith.mulf %parallel_loop3A_359, %parallel_loop3A_342 : vector<16xf32>
        %parallel_loop3A_361 = arith.addf %parallel_loop3A_333, %parallel_loop3A_360 : vector<16xf32>
        %parallel_loop3A_362 = arith.mulf %parallel_loop3A_354, %parallel_loop3A_344 : vector<16xf32>
        %parallel_loop3A_363 = arith.index_cast %parallel_loop3A_306 : i32 to index
        %parallel_loop3A_364 = arith.constant 32 : index
        %parallel_loop3A_365 = tpu.vector_load %arg20[%parallel_loop3A_363, %parallel_loop3A_364] {strides = array<i32>} : memref<48x128xi32, #tpu.memory_space<vmem>>, vector<1x16xi32>,
        %parallel_loop3A_366 = vector.shape_cast %parallel_loop3A_365 : vector<1x16xi32> to vector<16xi32>
        %parallel_loop3A_367 = arith.constant 16 : i32
        %parallel_loop3A_368 = vector.broadcast %parallel_loop3A_367 : i32 to vector<16xi32>
        %parallel_loop3A_369 = arith.shli %parallel_loop3A_366, %parallel_loop3A_368 : vector<16xi32>
        %parallel_loop3A_370 = tpu.bitcast %parallel_loop3A_369 : vector<16xi32> -> vector<16xf32>
        %parallel_loop3A_371 = arith.andi %parallel_loop3A_366, %broadcast_in_dim3A_256 : vector<16xi32>
        %parallel_loop3A_372 = tpu.bitcast %parallel_loop3A_371 : vector<16xi32> -> vector<16xf32>
        %parallel_loop3A_373 = arith.index_cast %parallel_loop3A_306 : i32 to index
        %parallel_loop3A_374 = arith.constant 32 : index
        %parallel_loop3A_375 = tpu.vector_load %arg19[%parallel_loop3A_373, %parallel_loop3A_374] {strides = array<i32>} : memref<48x128xi32, #tpu.memory_space<vmem>>, vector<1x16xi32>,
        %parallel_loop3A_376 = vector.shape_cast %parallel_loop3A_375 : vector<1x16xi32> to vector<16xi32>
        %parallel_loop3A_377 = arith.constant 16 : i32
        %parallel_loop3A_378 = vector.broadcast %parallel_loop3A_377 : i32 to vector<16xi32>
        %parallel_loop3A_379 = arith.shli %parallel_loop3A_376, %parallel_loop3A_378 : vector<16xi32>
        %parallel_loop3A_380 = tpu.bitcast %parallel_loop3A_379 : vector<16xi32> -> vector<16xf32>
        %parallel_loop3A_381 = arith.andi %parallel_loop3A_376, %broadcast_in_dim3A_256 : vector<16xi32>
        %parallel_loop3A_382 = tpu.bitcast %parallel_loop3A_381 : vector<16xi32> -> vector<16xf32>
        %parallel_loop3A_383 = arith.index_cast %parallel_loop3A_306 : i32 to index
        %parallel_loop3A_384 = arith.constant 32 : index
        %parallel_loop3A_385 = tpu.vector_load %arg18[%parallel_loop3A_383, %parallel_loop3A_384] {strides = array<i32>} : memref<48x128xf32, #tpu.memory_space<vmem>>, vector<1x16xf32>,
        %parallel_loop3A_386 = vector.shape_cast %parallel_loop3A_385 : vector<1x16xf32> to vector<16xf32>
        %parallel_loop3A_387 = arith.mulf %parallel_loop3A_386, %parallel_loop3A_380 : vector<16xf32>
        %parallel_loop3A_388 = arith.mulf %parallel_loop3A_387, %parallel_loop3A_370 : vector<16xf32>
        %parallel_loop3A_389 = arith.addf %parallel_loop3A_361, %parallel_loop3A_388 : vector<16xf32>
        %parallel_loop3A_390 = arith.mulf %parallel_loop3A_382, %parallel_loop3A_372 : vector<16xf32>
        %parallel_loop3A_391 = arith.index_cast %parallel_loop3A_306 : i32 to index
        %parallel_loop3A_392 = arith.constant 48 : index
        %parallel_loop3A_393 = tpu.vector_load %arg20[%parallel_loop3A_391, %parallel_loop3A_392] {strides = array<i32>} : memref<48x128xi32, #tpu.memory_space<vmem>>, vector<1x16xi32>,
        %parallel_loop3A_394 = vector.shape_cast %parallel_loop3A_393 : vector<1x16xi32> to vector<16xi32>
        %parallel_loop3A_395 = arith.constant 16 : i32
        %parallel_loop3A_396 = vector.broadcast %parallel_loop3A_395 : i32 to vector<16xi32>
        %parallel_loop3A_397 = arith.shli %parallel_loop3A_394, %parallel_loop3A_396 : vector<16xi32>
        %parallel_loop3A_398 = tpu.bitcast %parallel_loop3A_397 : vector<16xi32> -> vector<16xf32>
        %parallel_loop3A_399 = arith.andi %parallel_loop3A_394, %broadcast_in_dim3A_256 : vector<16xi32>
        %parallel_loop3A_400 = tpu.bitcast %parallel_loop3A_399 : vector<16xi32> -> vector<16xf32>
        %parallel_loop3A_401 = arith.index_cast %parallel_loop3A_306 : i32 to index
        %parallel_loop3A_402 = arith.constant 48 : index
        %parallel_loop3A_403 = tpu.vector_load %arg19[%parallel_loop3A_401, %parallel_loop3A_402] {strides = array<i32>} : memref<48x128xi32, #tpu.memory_space<vmem>>, vector<1x16xi32>,
        %parallel_loop3A_404 = vector.shape_cast %parallel_loop3A_403 : vector<1x16xi32> to vector<16xi32>
        %parallel_loop3A_405 = arith.constant 16 : i32
        %parallel_loop3A_406 = vector.broadcast %parallel_loop3A_405 : i32 to vector<16xi32>
        %parallel_loop3A_407 = arith.shli %parallel_loop3A_404, %parallel_loop3A_406 : vector<16xi32>
        %parallel_loop3A_408 = tpu.bitcast %parallel_loop3A_407 : vector<16xi32> -> vector<16xf32>
        %parallel_loop3A_409 = arith.andi %parallel_loop3A_404, %broadcast_in_dim3A_256 : vector<16xi32>
        %parallel_loop3A_410 = tpu.bitcast %parallel_loop3A_409 : vector<16xi32> -> vector<16xf32>
        %parallel_loop3A_411 = arith.index_cast %parallel_loop3A_306 : i32 to index
        %parallel_loop3A_412 = arith.constant 48 : index
        %parallel_loop3A_413 = tpu.vector_load %arg18[%parallel_loop3A_411, %parallel_loop3A_412] {strides = array<i32>} : memref<48x128xf32, #tpu.memory_space<vmem>>, vector<1x16xf32>,
        %parallel_loop3A_414 = vector.shape_cast %parallel_loop3A_413 : vector<1x16xf32> to vector<16xf32>
        %parallel_loop3A_415 = arith.mulf %parallel_loop3A_414, %parallel_loop3A_408 : vector<16xf32>
        %parallel_loop3A_416 = arith.mulf %parallel_loop3A_415, %parallel_loop3A_398 : vector<16xf32>
        %parallel_loop3A_417 = arith.addf %parallel_loop3A_389, %parallel_loop3A_416 : vector<16xf32>
        %parallel_loop3A_418 = arith.mulf %parallel_loop3A_410, %parallel_loop3A_400 : vector<16xf32>
        %parallel_loop3A_419 = arith.index_cast %parallel_loop3A_306 : i32 to index
        %parallel_loop3A_420 = arith.constant 64 : index
        %parallel_loop3A_421 = tpu.vector_load %arg20[%parallel_loop3A_419, %parallel_loop3A_420] {strides = array<i32>} : memref<48x128xi32, #tpu.memory_space<vmem>>, vector<1x16xi32>,
        %parallel_loop3A_422 = vector.shape_cast %parallel_loop3A_421 : vector<1x16xi32> to vector<16xi32>
        %parallel_loop3A_423 = arith.constant 16 : i32
        %parallel_loop3A_424 = vector.broadcast %parallel_loop3A_423 : i32 to vector<16xi32>
        %parallel_loop3A_425 = arith.shli %parallel_loop3A_422, %parallel_loop3A_424 : vector<16xi32>
        %parallel_loop3A_426 = tpu.bitcast %parallel_loop3A_425 : vector<16xi32> -> vector<16xf32>
        %parallel_loop3A_427 = arith.andi %parallel_loop3A_422, %broadcast_in_dim3A_256 : vector<16xi32>
        %parallel_loop3A_428 = tpu.bitcast %parallel_loop3A_427 : vector<16xi32> -> vector<16xf32>
        %parallel_loop3A_429 = arith.index_cast %parallel_loop3A_306 : i32 to index
        %parallel_loop3A_430 = arith.constant 64 : index
        %parallel_loop3A_431 = tpu.vector_load %arg19[%parallel_loop3A_429, %parallel_loop3A_430] {strides = array<i32>} : memref<48x128xi32, #tpu.memory_space<vmem>>, vector<1x16xi32>,
        %parallel_loop3A_432 = vector.shape_cast %parallel_loop3A_431 : vector<1x16xi32> to vector<16xi32>
        %parallel_loop3A_433 = arith.constant 16 : i32
        %parallel_loop3A_434 = vector.broadcast %parallel_loop3A_433 : i32 to vector<16xi32>
        %parallel_loop3A_435 = arith.shli %parallel_loop3A_432, %parallel_loop3A_434 : vector<16xi32>
        %parallel_loop3A_436 = tpu.bitcast %parallel_loop3A_435 : vector<16xi32> -> vector<16xf32>
        %parallel_loop3A_437 = arith.andi %parallel_loop3A_432, %broadcast_in_dim3A_256 : vector<16xi32>
        %parallel_loop3A_438 = tpu.bitcast %parallel_loop3A_437 : vector<16xi32> -> vector<16xf32>
        %parallel_loop3A_439 = arith.index_cast %parallel_loop3A_306 : i32 to index
        %parallel_loop3A_440 = arith.constant 64 : index
        %parallel_loop3A_441 = tpu.vector_load %arg18[%parallel_loop3A_439, %parallel_loop3A_440] {strides = array<i32>} : memref<48x128xf32, #tpu.memory_space<vmem>>, vector<1x16xf32>,
        %parallel_loop3A_442 = vector.shape_cast %parallel_loop3A_441 : vector<1x16xf32> to vector<16xf32>
        %parallel_loop3A_443 = arith.mulf %parallel_loop3A_442, %parallel_loop3A_436 : vector<16xf32>
        %parallel_loop3A_444 = arith.mulf %parallel_loop3A_443, %parallel_loop3A_426 : vector<16xf32>
        %parallel_loop3A_445 = arith.addf %parallel_loop3A_417, %parallel_loop3A_444 : vector<16xf32>
        %parallel_loop3A_446 = arith.mulf %parallel_loop3A_438, %parallel_loop3A_428 : vector<16xf32>
        %parallel_loop3A_447 = arith.index_cast %parallel_loop3A_306 : i32 to index
        %parallel_loop3A_448 = arith.constant 80 : index
        %parallel_loop3A_449 = tpu.vector_load %arg20[%parallel_loop3A_447, %parallel_loop3A_448] {strides = array<i32>} : memref<48x128xi32, #tpu.memory_space<vmem>>, vector<1x16xi32>,
        %parallel_loop3A_450 = vector.shape_cast %parallel_loop3A_449 : vector<1x16xi32> to vector<16xi32>
        %parallel_loop3A_451 = arith.constant 16 : i32
        %parallel_loop3A_452 = vector.broadcast %parallel_loop3A_451 : i32 to vector<16xi32>
        %parallel_loop3A_453 = arith.shli %parallel_loop3A_450, %parallel_loop3A_452 : vector<16xi32>
        %parallel_loop3A_454 = tpu.bitcast %parallel_loop3A_453 : vector<16xi32> -> vector<16xf32>
        %parallel_loop3A_455 = arith.andi %parallel_loop3A_450, %broadcast_in_dim3A_256 : vector<16xi32>
        %parallel_loop3A_456 = tpu.bitcast %parallel_loop3A_455 : vector<16xi32> -> vector<16xf32>
        %parallel_loop3A_457 = arith.index_cast %parallel_loop3A_306 : i32 to index
        %parallel_loop3A_458 = arith.constant 80 : index
        %parallel_loop3A_459 = tpu.vector_load %arg19[%parallel_loop3A_457, %parallel_loop3A_458] {strides = array<i32>} : memref<48x128xi32, #tpu.memory_space<vmem>>, vector<1x16xi32>,
        %parallel_loop3A_460 = vector.shape_cast %parallel_loop3A_459 : vector<1x16xi32> to vector<16xi32>
        %parallel_loop3A_461 = arith.constant 16 : i32
        %parallel_loop3A_462 = vector.broadcast %parallel_loop3A_461 : i32 to vector<16xi32>
        %parallel_loop3A_463 = arith.shli %parallel_loop3A_460, %parallel_loop3A_462 : vector<16xi32>
        %parallel_loop3A_464 = tpu.bitcast %parallel_loop3A_463 : vector<16xi32> -> vector<16xf32>
        %parallel_loop3A_465 = arith.andi %parallel_loop3A_460, %broadcast_in_dim3A_256 : vector<16xi32>
        %parallel_loop3A_466 = tpu.bitcast %parallel_loop3A_465 : vector<16xi32> -> vector<16xf32>
        %parallel_loop3A_467 = arith.index_cast %parallel_loop3A_306 : i32 to index
        %parallel_loop3A_468 = arith.constant 80 : index
        %parallel_loop3A_469 = tpu.vector_load %arg18[%parallel_loop3A_467, %parallel_loop3A_468] {strides = array<i32>} : memref<48x128xf32, #tpu.memory_space<vmem>>, vector<1x16xf32>,
        %parallel_loop3A_470 = vector.shape_cast %parallel_loop3A_469 : vector<1x16xf32> to vector<16xf32>
        %parallel_loop3A_471 = arith.mulf %parallel_loop3A_470, %parallel_loop3A_464 : vector<16xf32>
        %parallel_loop3A_472 = arith.mulf %parallel_loop3A_471, %parallel_loop3A_454 : vector<16xf32>
        %parallel_loop3A_473 = arith.addf %parallel_loop3A_445, %parallel_loop3A_472 : vector<16xf32>
        %parallel_loop3A_474 = arith.mulf %parallel_loop3A_466, %parallel_loop3A_456 : vector<16xf32>
        %parallel_loop3A_475 = arith.index_cast %parallel_loop3A_306 : i32 to index
        %parallel_loop3A_476 = arith.constant 96 : index
        %parallel_loop3A_477 = tpu.vector_load %arg20[%parallel_loop3A_475, %parallel_loop3A_476] {strides = array<i32>} : memref<48x128xi32, #tpu.memory_space<vmem>>, vector<1x16xi32>,
        %parallel_loop3A_478 = vector.shape_cast %parallel_loop3A_477 : vector<1x16xi32> to vector<16xi32>
        %parallel_loop3A_479 = arith.constant 16 : i32
        %parallel_loop3A_480 = vector.broadcast %parallel_loop3A_479 : i32 to vector<16xi32>
        %parallel_loop3A_481 = arith.shli %parallel_loop3A_478, %parallel_loop3A_480 : vector<16xi32>
        %parallel_loop3A_482 = tpu.bitcast %parallel_loop3A_481 : vector<16xi32> -> vector<16xf32>
        %parallel_loop3A_483 = arith.andi %parallel_loop3A_478, %broadcast_in_dim3A_256 : vector<16xi32>
        %parallel_loop3A_484 = tpu.bitcast %parallel_loop3A_483 : vector<16xi32> -> vector<16xf32>
        %parallel_loop3A_485 = arith.index_cast %parallel_loop3A_306 : i32 to index
        %parallel_loop3A_486 = arith.constant 96 : index
        %parallel_loop3A_487 = tpu.vector_load %arg19[%parallel_loop3A_485, %parallel_loop3A_486] {strides = array<i32>} : memref<48x128xi32, #tpu.memory_space<vmem>>, vector<1x16xi32>,
        %parallel_loop3A_488 = vector.shape_cast %parallel_loop3A_487 : vector<1x16xi32> to vector<16xi32>
        %parallel_loop3A_489 = arith.constant 16 : i32
        %parallel_loop3A_490 = vector.broadcast %parallel_loop3A_489 : i32 to vector<16xi32>
        %parallel_loop3A_491 = arith.shli %parallel_loop3A_488, %parallel_loop3A_490 : vector<16xi32>
        %parallel_loop3A_492 = tpu.bitcast %parallel_loop3A_491 : vector<16xi32> -> vector<16xf32>
        %parallel_loop3A_493 = arith.andi %parallel_loop3A_488, %broadcast_in_dim3A_256 : vector<16xi32>
        %parallel_loop3A_494 = tpu.bitcast %parallel_loop3A_493 : vector<16xi32> -> vector<16xf32>
        %parallel_loop3A_495 = arith.index_cast %parallel_loop3A_306 : i32 to index
        %parallel_loop3A_496 = arith.constant 96 : index
        %parallel_loop3A_497 = tpu.vector_load %arg18[%parallel_loop3A_495, %parallel_loop3A_496] {strides = array<i32>} : memref<48x128xf32, #tpu.memory_space<vmem>>, vector<1x16xf32>,
        %parallel_loop3A_498 = vector.shape_cast %parallel_loop3A_497 : vector<1x16xf32> to vector<16xf32>
        %parallel_loop3A_499 = arith.mulf %parallel_loop3A_498, %parallel_loop3A_492 : vector<16xf32>
        %parallel_loop3A_500 = arith.mulf %parallel_loop3A_499, %parallel_loop3A_482 : vector<16xf32>
        %parallel_loop3A_501 = arith.addf %parallel_loop3A_473, %parallel_loop3A_500 : vector<16xf32>
        %parallel_loop3A_502 = arith.mulf %parallel_loop3A_494, %parallel_loop3A_484 : vector<16xf32>
        %parallel_loop3A_503 = arith.index_cast %parallel_loop3A_306 : i32 to index
        %parallel_loop3A_504 = arith.constant 112 : index
        %parallel_loop3A_505 = tpu.vector_load %arg20[%parallel_loop3A_503, %parallel_loop3A_504] {strides = array<i32>} : memref<48x128xi32, #tpu.memory_space<vmem>>, vector<1x16xi32>,
        %parallel_loop3A_506 = vector.shape_cast %parallel_loop3A_505 : vector<1x16xi32> to vector<16xi32>
        %parallel_loop3A_507 = arith.constant 16 : i32
        %parallel_loop3A_508 = vector.broadcast %parallel_loop3A_507 : i32 to vector<16xi32>
        %parallel_loop3A_509 = arith.shli %parallel_loop3A_506, %parallel_loop3A_508 : vector<16xi32>
        %parallel_loop3A_510 = tpu.bitcast %parallel_loop3A_509 : vector<16xi32> -> vector<16xf32>
        %parallel_loop3A_511 = arith.andi %parallel_loop3A_506, %broadcast_in_dim3A_256 : vector<16xi32>
        %parallel_loop3A_512 = tpu.bitcast %parallel_loop3A_511 : vector<16xi32> -> vector<16xf32>
        %parallel_loop3A_513 = arith.index_cast %parallel_loop3A_306 : i32 to index
        %parallel_loop3A_514 = arith.constant 112 : index
        %parallel_loop3A_515 = tpu.vector_load %arg19[%parallel_loop3A_513, %parallel_loop3A_514] {strides = array<i32>} : memref<48x128xi32, #tpu.memory_space<vmem>>, vector<1x16xi32>,
        %parallel_loop3A_516 = vector.shape_cast %parallel_loop3A_515 : vector<1x16xi32> to vector<16xi32>
        %parallel_loop3A_517 = arith.constant 16 : i32
        %parallel_loop3A_518 = vector.broadcast %parallel_loop3A_517 : i32 to vector<16xi32>
        %parallel_loop3A_519 = arith.shli %parallel_loop3A_516, %parallel_loop3A_518 : vector<16xi32>
        %parallel_loop3A_520 = tpu.bitcast %parallel_loop3A_519 : vector<16xi32> -> vector<16xf32>
        %parallel_loop3A_521 = arith.andi %parallel_loop3A_516, %broadcast_in_dim3A_256 : vector<16xi32>
        %parallel_loop3A_522 = tpu.bitcast %parallel_loop3A_521 : vector<16xi32> -> vector<16xf32>
        %parallel_loop3A_523 = arith.index_cast %parallel_loop3A_306 : i32 to index
        %parallel_loop3A_524 = arith.constant 112 : index
        %parallel_loop3A_525 = tpu.vector_load %arg18[%parallel_loop3A_523, %parallel_loop3A_524] {strides = array<i32>} : memref<48x128xf32, #tpu.memory_space<vmem>>, vector<1x16xf32>,
        %parallel_loop3A_526 = vector.shape_cast %parallel_loop3A_525 : vector<1x16xf32> to vector<16xf32>
        %parallel_loop3A_527 = arith.mulf %parallel_loop3A_526, %parallel_loop3A_520 : vector<16xf32>
        %parallel_loop3A_528 = arith.mulf %parallel_loop3A_527, %parallel_loop3A_510 : vector<16xf32>
        %parallel_loop3A_529 = arith.addf %parallel_loop3A_501, %parallel_loop3A_528 : vector<16xf32>
        %parallel_loop3A_530 = arith.mulf %parallel_loop3A_522, %parallel_loop3A_512 : vector<16xf32>
        %parallel_loop3A_531 = arith.constant 8 : i32
        %parallel_loop3A_532 = vector.broadcast %parallel_loop3A_531 : i32 to vector<16xi32>
        %parallel_loop3A_533 = arith.xori %iota3A, %parallel_loop3A_532 : vector<16xi32>
        %parallel_loop3A_534 = vector.shape_cast %parallel_loop3A_533 : vector<16xi32> to vector<16x1xi32>
        %parallel_loop3A_535 = vector.shape_cast %parallel_loop3A_534 : vector<16x1xi32> to vector<16xi32>
        %parallel_loop3A_536 = tpu.dynamic_gather %parallel_loop3A_529[%parallel_loop3A_535] in [0] : vector<16xf32>, vector<16xi32> -> vector<16xf32>
        %parallel_loop3A_537 = arith.addf %parallel_loop3A_529, %parallel_loop3A_536 : vector<16xf32>
        %parallel_loop3A_538 = arith.constant 4 : i32
        %parallel_loop3A_539 = vector.broadcast %parallel_loop3A_538 : i32 to vector<16xi32>
        %parallel_loop3A_540 = arith.xori %iota3A, %parallel_loop3A_539 : vector<16xi32>
        %parallel_loop3A_541 = vector.shape_cast %parallel_loop3A_540 : vector<16xi32> to vector<16x1xi32>
        %parallel_loop3A_542 = vector.shape_cast %parallel_loop3A_541 : vector<16x1xi32> to vector<16xi32>
        %parallel_loop3A_543 = tpu.dynamic_gather %parallel_loop3A_537[%parallel_loop3A_542] in [0] : vector<16xf32>, vector<16xi32> -> vector<16xf32>
        %parallel_loop3A_544 = arith.addf %parallel_loop3A_537, %parallel_loop3A_543 : vector<16xf32>
        %parallel_loop3A_545 = arith.constant 2 : i32
        %parallel_loop3A_546 = vector.broadcast %parallel_loop3A_545 : i32 to vector<16xi32>
        %parallel_loop3A_547 = arith.xori %iota3A, %parallel_loop3A_546 : vector<16xi32>
        %parallel_loop3A_548 = vector.shape_cast %parallel_loop3A_547 : vector<16xi32> to vector<16x1xi32>
        %parallel_loop3A_549 = vector.shape_cast %parallel_loop3A_548 : vector<16x1xi32> to vector<16xi32>
        %parallel_loop3A_550 = tpu.dynamic_gather %parallel_loop3A_544[%parallel_loop3A_549] in [0] : vector<16xf32>, vector<16xi32> -> vector<16xf32>
        %parallel_loop3A_551 = arith.addf %parallel_loop3A_544, %parallel_loop3A_550 : vector<16xf32>
        %parallel_loop3A_552 = arith.constant 1 : i32
        %parallel_loop3A_553 = vector.broadcast %parallel_loop3A_552 : i32 to vector<16xi32>
        %parallel_loop3A_554 = arith.xori %iota3A, %parallel_loop3A_553 : vector<16xi32>
        %parallel_loop3A_555 = vector.shape_cast %parallel_loop3A_554 : vector<16xi32> to vector<16x1xi32>
        %parallel_loop3A_556 = vector.shape_cast %parallel_loop3A_555 : vector<16x1xi32> to vector<16xi32>
        %parallel_loop3A_557 = tpu.dynamic_gather %parallel_loop3A_551[%parallel_loop3A_556] in [0] : vector<16xf32>, vector<16xi32> -> vector<16xf32>
        %parallel_loop3A_558 = arith.addf %parallel_loop3A_551, %parallel_loop3A_557 : vector<16xf32>
        %parallel_loop3A_559 = arith.constant 0.000000e+00 : f32
        %parallel_loop3A_560 = vector.broadcast %parallel_loop3A_559 : f32 to vector<16xf32>
        %parallel_loop3A_561 = arith.subf %parallel_loop3A_560, %parallel_loop3A_558 : vector<16xf32>
        %parallel_loop3A_562 = math.exp %parallel_loop3A_561 : vector<16xf32>
        %parallel_loop3A_563 = arith.constant 1.000000e+00 : f32
        %parallel_loop3A_564 = vector.broadcast %parallel_loop3A_563 : f32 to vector<16xf32>
        %parallel_loop3A_565 = arith.addf %parallel_loop3A_564, %parallel_loop3A_562 : vector<16xf32>
        %parallel_loop3A_566 = arith.divf %parallel_loop3A_558, %parallel_loop3A_565 : vector<16xf32>
        %parallel_loop3A_567 = arith.mulf %parallel_loop3A_334, %parallel_loop3A_566 : vector<16xf32>
        %parallel_loop3A_568 = arith.index_cast %parallel_loop3A_306 : i32 to index
        %parallel_loop3A_569 = arith.constant 0 : index
        %parallel_loop3A_570 = tpu.vector_load %arg24[%parallel_loop3A_568, %parallel_loop3A_569] {strides = array<i32>} : memref<48x128xf32, #tpu.memory_space<vmem>>, vector<1x16xf32>,
        %parallel_loop3A_571 = vector.shape_cast %parallel_loop3A_570 : vector<1x16xf32> to vector<16xf32>
        %parallel_loop3A_572 = vector.shape_cast %parallel_loop3A_567 : vector<16xf32> to vector<1x16xf32>
        tpu.vector_store %arg24[%parallel_loop3A_568, %parallel_loop3A_569], %parallel_loop3A_572 {strides = array<i32>} : memref<48x128xf32, #tpu.memory_space<vmem>>, vector<1x16xf32>,
        %parallel_loop3A_573 = arith.mulf %parallel_loop3A_362, %parallel_loop3A_566 : vector<16xf32>
        %parallel_loop3A_574 = arith.index_cast %parallel_loop3A_306 : i32 to index
        %parallel_loop3A_575 = arith.constant 16 : index
        %parallel_loop3A_576 = tpu.vector_load %arg24[%parallel_loop3A_574, %parallel_loop3A_575] {strides = array<i32>} : memref<48x128xf32, #tpu.memory_space<vmem>>, vector<1x16xf32>,
        %parallel_loop3A_577 = vector.shape_cast %parallel_loop3A_576 : vector<1x16xf32> to vector<16xf32>
        %parallel_loop3A_578 = vector.shape_cast %parallel_loop3A_573 : vector<16xf32> to vector<1x16xf32>
        tpu.vector_store %arg24[%parallel_loop3A_574, %parallel_loop3A_575], %parallel_loop3A_578 {strides = array<i32>} : memref<48x128xf32, #tpu.memory_space<vmem>>, vector<1x16xf32>,
        %parallel_loop3A_579 = arith.mulf %parallel_loop3A_390, %parallel_loop3A_566 : vector<16xf32>
        %parallel_loop3A_580 = arith.index_cast %parallel_loop3A_306 : i32 to index
        %parallel_loop3A_581 = arith.constant 32 : index
        %parallel_loop3A_582 = tpu.vector_load %arg24[%parallel_loop3A_580, %parallel_loop3A_581] {strides = array<i32>} : memref<48x128xf32, #tpu.memory_space<vmem>>, vector<1x16xf32>,
        %parallel_loop3A_583 = vector.shape_cast %parallel_loop3A_582 : vector<1x16xf32> to vector<16xf32>
        %parallel_loop3A_584 = vector.shape_cast %parallel_loop3A_579 : vector<16xf32> to vector<1x16xf32>
        tpu.vector_store %arg24[%parallel_loop3A_580, %parallel_loop3A_581], %parallel_loop3A_584 {strides = array<i32>} : memref<48x128xf32, #tpu.memory_space<vmem>>, vector<1x16xf32>,
        %parallel_loop3A_585 = arith.mulf %parallel_loop3A_418, %parallel_loop3A_566 : vector<16xf32>
        %parallel_loop3A_586 = arith.index_cast %parallel_loop3A_306 : i32 to index
        %parallel_loop3A_587 = arith.constant 48 : index
        %parallel_loop3A_588 = tpu.vector_load %arg24[%parallel_loop3A_586, %parallel_loop3A_587] {strides = array<i32>} : memref<48x128xf32, #tpu.memory_space<vmem>>, vector<1x16xf32>,
        %parallel_loop3A_589 = vector.shape_cast %parallel_loop3A_588 : vector<1x16xf32> to vector<16xf32>
        %parallel_loop3A_590 = vector.shape_cast %parallel_loop3A_585 : vector<16xf32> to vector<1x16xf32>
        tpu.vector_store %arg24[%parallel_loop3A_586, %parallel_loop3A_587], %parallel_loop3A_590 {strides = array<i32>} : memref<48x128xf32, #tpu.memory_space<vmem>>, vector<1x16xf32>,
        %parallel_loop3A_591 = arith.mulf %parallel_loop3A_446, %parallel_loop3A_566 : vector<16xf32>
        %parallel_loop3A_592 = arith.index_cast %parallel_loop3A_306 : i32 to index
        %parallel_loop3A_593 = arith.constant 64 : index
        %parallel_loop3A_594 = tpu.vector_load %arg24[%parallel_loop3A_592, %parallel_loop3A_593] {strides = array<i32>} : memref<48x128xf32, #tpu.memory_space<vmem>>, vector<1x16xf32>,
        %parallel_loop3A_595 = vector.shape_cast %parallel_loop3A_594 : vector<1x16xf32> to vector<16xf32>
        %parallel_loop3A_596 = vector.shape_cast %parallel_loop3A_591 : vector<16xf32> to vector<1x16xf32>
        tpu.vector_store %arg24[%parallel_loop3A_592, %parallel_loop3A_593], %parallel_loop3A_596 {strides = array<i32>} : memref<48x128xf32, #tpu.memory_space<vmem>>, vector<1x16xf32>,
        %parallel_loop3A_597 = arith.mulf %parallel_loop3A_474, %parallel_loop3A_566 : vector<16xf32>
        %parallel_loop3A_598 = arith.index_cast %parallel_loop3A_306 : i32 to index
        %parallel_loop3A_599 = arith.constant 80 : index
        %parallel_loop3A_600 = tpu.vector_load %arg24[%parallel_loop3A_598, %parallel_loop3A_599] {strides = array<i32>} : memref<48x128xf32, #tpu.memory_space<vmem>>, vector<1x16xf32>,
        %parallel_loop3A_601 = vector.shape_cast %parallel_loop3A_600 : vector<1x16xf32> to vector<16xf32>
        %parallel_loop3A_602 = vector.shape_cast %parallel_loop3A_597 : vector<16xf32> to vector<1x16xf32>
        tpu.vector_store %arg24[%parallel_loop3A_598, %parallel_loop3A_599], %parallel_loop3A_602 {strides = array<i32>} : memref<48x128xf32, #tpu.memory_space<vmem>>, vector<1x16xf32>,
        %parallel_loop3A_603 = arith.mulf %parallel_loop3A_502, %parallel_loop3A_566 : vector<16xf32>
        %parallel_loop3A_604 = arith.index_cast %parallel_loop3A_306 : i32 to index
        %parallel_loop3A_605 = arith.constant 96 : index
        %parallel_loop3A_606 = tpu.vector_load %arg24[%parallel_loop3A_604, %parallel_loop3A_605] {strides = array<i32>} : memref<48x128xf32, #tpu.memory_space<vmem>>, vector<1x16xf32>,
        %parallel_loop3A_607 = vector.shape_cast %parallel_loop3A_606 : vector<1x16xf32> to vector<16xf32>
        %parallel_loop3A_608 = vector.shape_cast %parallel_loop3A_603 : vector<16xf32> to vector<1x16xf32>
        tpu.vector_store %arg24[%parallel_loop3A_604, %parallel_loop3A_605], %parallel_loop3A_608 {strides = array<i32>} : memref<48x128xf32, #tpu.memory_space<vmem>>, vector<1x16xf32>,
        %parallel_loop3A_609 = arith.mulf %parallel_loop3A_530, %parallel_loop3A_566 : vector<16xf32>
        %parallel_loop3A_610 = arith.index_cast %parallel_loop3A_306 : i32 to index
        %parallel_loop3A_611 = arith.constant 112 : index
        %parallel_loop3A_612 = tpu.vector_load %arg24[%parallel_loop3A_610, %parallel_loop3A_611] {strides = array<i32>} : memref<48x128xf32, #tpu.memory_space<vmem>>, vector<1x16xf32>,
        %parallel_loop3A_613 = vector.shape_cast %parallel_loop3A_612 : vector<1x16xf32> to vector<16xf32>
        %parallel_loop3A_614 = vector.shape_cast %parallel_loop3A_609 : vector<16xf32> to vector<1x16xf32>
        tpu.vector_store %arg24[%parallel_loop3A_610, %parallel_loop3A_611], %parallel_loop3A_614 {strides = array<i32>} : memref<48x128xf32, #tpu.memory_space<vmem>>, vector<1x16xf32>,
      } {sc.loop_unroll_factor = 2 : i64, sc.parallel_access}
      %dma_start3A_260 = arith.constant 0 : i32
      %dma_start3A_261 = arith.constant 0 : i32
      %dma_start3A_262 = tpu.memref_slice %arg7[%dma_start3A_260, %dma_start3A_261] : memref<10000x128xf32, #tpu.memory_space<vmem_shared>> -> memref<10000x128xf32, #tpu.memory_space<vmem_shared>>
      tpu.enqueue_indirect_dma source(%arg24 : memref<48x128xf32, #tpu.memory_space<vmem>>) target(%dma_start3A_262 : memref<10000x128xf32, #tpu.memory_space<vmem_shared>>) offsets(%arg13 : memref<48xi32, #tpu.memory_space<vmem>>) semaphore(%arg28 : memref<!tpu.dma_semaphore, #tpu.memory_space<semaphore_mem>>) {add = true}
      %add3A_263 = arith.constant 2 : i32
      %add3A_264 = arith.addi %add3A_236, %add3A_263 : i32
      %lt3A_265 = arith.constant 208 : i32
      %lt3A_266 = arith.cmpi slt, %add3A_264, %lt3A_265 : i32
      %convert_element_type3A_267 = arith.extui %lt3A_266 : i1 to i32
      %cond3A_268 = arith.constant 0 : i32
      %cond3A_269 = arith.cmpi ne, %convert_element_type3A_267, %cond3A_268 : i32
      scf.if %cond3A_269 {
        %add3A_306 = arith.constant 96 : i32
        %add3A_307 = arith.addi %add3A_239, %add3A_306 : i32
        "tpu.region"() ({
          %run_scoped3A = tpu.sem_alloc : memref<!tpu.dma_semaphore, #tpu.memory_space<semaphore_mem>>
          %dma_start3A_320 = tpu.memref_slice %arg2[%add3A_307] : memref<640000xi32, #tpu.memory_space<hbm>> -> memref<48xi32, #tpu.memory_space<hbm>>
          %dma_start3A_321 = tpu.memref_slice %arg2[%add3A_307] : memref<640000xi32, #tpu.memory_space<hbm>> -> memref<48xi32, #tpu.memory_space<hbm>>
          tpu.enqueue_dma source(%dma_start3A_321 : memref<48xi32, #tpu.memory_space<hbm>>) target(%arg8 : memref<48xi32, #tpu.memory_space<vmem>>) target_semaphore(%run_scoped3A : memref<!tpu.dma_semaphore, #tpu.memory_space<semaphore_mem>>)
          %dma_wait3A_322 = tpu.memref_slice %arg2[%add3A_307] : memref<640000xi32, #tpu.memory_space<hbm>> -> memref<48xi32, #tpu.memory_space<hbm>>
          %dma_wait3A_323 = tpu.memref_slice %arg2[%add3A_307] : memref<640000xi32, #tpu.memory_space<hbm>> -> memref<48xi32, #tpu.memory_space<hbm>>
          tpu.wait_dma2 semaphore(%run_scoped3A : memref<!tpu.dma_semaphore, #tpu.memory_space<semaphore_mem>>) src(%dma_wait3A_323 : memref<48xi32, #tpu.memory_space<hbm>>) dst(%arg8 : memref<48xi32, #tpu.memory_space<vmem>>)
          tpu.yield
        }) : () -> ()
        %add3A_308 = arith.constant 320000 : i32
        %add3A_309 = arith.addi %add3A_308, %add3A_307 : i32
        "tpu.region"() ({
          %run_scoped3A = tpu.sem_alloc : memref<!tpu.dma_semaphore, #tpu.memory_space<semaphore_mem>>
          %dma_start3A_320 = tpu.memref_slice %arg2[%add3A_309] : memref<640000xi32, #tpu.memory_space<hbm>> -> memref<48xi32, #tpu.memory_space<hbm>>
          %dma_start3A_321 = tpu.memref_slice %arg2[%add3A_309] : memref<640000xi32, #tpu.memory_space<hbm>> -> memref<48xi32, #tpu.memory_space<hbm>>
          tpu.enqueue_dma source(%dma_start3A_321 : memref<48xi32, #tpu.memory_space<hbm>>) target(%arg9 : memref<48xi32, #tpu.memory_space<vmem>>) target_semaphore(%run_scoped3A : memref<!tpu.dma_semaphore, #tpu.memory_space<semaphore_mem>>)
          %dma_wait3A_322 = tpu.memref_slice %arg2[%add3A_309] : memref<640000xi32, #tpu.memory_space<hbm>> -> memref<48xi32, #tpu.memory_space<hbm>>
          %dma_wait3A_323 = tpu.memref_slice %arg2[%add3A_309] : memref<640000xi32, #tpu.memory_space<hbm>> -> memref<48xi32, #tpu.memory_space<hbm>>
          tpu.wait_dma2 semaphore(%run_scoped3A : memref<!tpu.dma_semaphore, #tpu.memory_space<semaphore_mem>>) src(%dma_wait3A_323 : memref<48xi32, #tpu.memory_space<hbm>>) dst(%arg9 : memref<48xi32, #tpu.memory_space<vmem>>)
          tpu.yield
        }) : () -> ()
        %dma_start3A_310 = arith.constant 0 : i32
        %dma_start3A_311 = arith.constant 0 : i32
        %dma_start3A_312 = tpu.memref_slice %arg3[%dma_start3A_310, %dma_start3A_311] : memref<10000x128xf32, #tpu.memory_space<hbm>> -> memref<10000x128xf32, #tpu.memory_space<hbm>>
        tpu.enqueue_indirect_dma source(%dma_start3A_312 : memref<10000x128xf32, #tpu.memory_space<hbm>>) target(%arg18 : memref<48x128xf32, #tpu.memory_space<vmem>>) offsets(%arg9 : memref<48xi32, #tpu.memory_space<vmem>>) semaphore(%arg26 : memref<!tpu.dma_semaphore, #tpu.memory_space<semaphore_mem>>)
        %dma_start3A_313 = arith.constant 0 : i32
        %dma_start3A_314 = arith.constant 0 : i32
        %dma_start3A_315 = tpu.memref_slice %arg4[%dma_start3A_313, %dma_start3A_314] : memref<10000x128xi32, #tpu.memory_space<hbm>> -> memref<10000x128xi32, #tpu.memory_space<hbm>>
        tpu.enqueue_indirect_dma source(%dma_start3A_315 : memref<10000x128xi32, #tpu.memory_space<hbm>>) target(%arg19 : memref<48x128xi32, #tpu.memory_space<vmem>>) offsets(%arg8 : memref<48xi32, #tpu.memory_space<vmem>>) semaphore(%arg26 : memref<!tpu.dma_semaphore, #tpu.memory_space<semaphore_mem>>)
        %dma_start3A_316 = arith.constant 0 : i32
        %dma_start3A_317 = tpu.memref_slice %arg5[%add3A_307, %dma_start3A_316] : memref<320000x128xi32, #tpu.memory_space<hbm>> -> memref<48x128xi32, #tpu.memory_space<hbm>>
        %dma_start3A_318 = arith.constant 0 : i32
        %dma_start3A_319 = tpu.memref_slice %arg5[%add3A_307, %dma_start3A_318] : memref<320000x128xi32, #tpu.memory_space<hbm>> -> memref<48x128xi32, #tpu.memory_space<hbm>>
        tpu.enqueue_dma source(%dma_start3A_319 : memref<48x128xi32, #tpu.memory_space<hbm>>) target(%arg20 : memref<48x128xi32, #tpu.memory_space<vmem>>) target_semaphore(%arg26 : memref<!tpu.dma_semaphore, #tpu.memory_space<semaphore_mem>>)
      } else {
      }
      %add3A_270 = arith.constant 3 : i32
      %add3A_271 = arith.addi %mul3A_166, %add3A_270 : i32
      %mul3A_272 = arith.constant 48 : i32
      %mul3A_273 = arith.muli %add3A_271, %mul3A_272 : i32
      %add3A_274 = arith.addi %add3A_63, %mul3A_273 : i32
      %dma_wait3A_275 = arith.constant 0 : i32
      %dma_wait3A_276 = arith.constant 0 : i32
      %dma_wait3A_277 = tpu.memref_slice %arg3[%dma_wait3A_275, %dma_wait3A_276] : memref<10000x128xf32, #tpu.memory_space<hbm>> -> memref<10000x128xf32, #tpu.memory_space<hbm>>
      tpu.wait_indirect_dma semaphore(%arg27 : memref<!tpu.dma_semaphore, #tpu.memory_space<semaphore_mem>>) src(%dma_wait3A_277 : memref<10000x128xf32, #tpu.memory_space<hbm>>) dst(%arg21 : memref<48x128xf32, #tpu.memory_space<vmem>>)
      %dma_wait3A_278 = arith.constant 0 : i32
      %dma_wait3A_279 = arith.constant 0 : i32
      %dma_wait3A_280 = tpu.memref_slice %arg4[%dma_wait3A_278, %dma_wait3A_279] : memref<10000x128xi32, #tpu.memory_space<hbm>> -> memref<10000x128xi32, #tpu.memory_space<hbm>>
      tpu.wait_indirect_dma semaphore(%arg27 : memref<!tpu.dma_semaphore, #tpu.memory_space<semaphore_mem>>) src(%dma_wait3A_280 : memref<10000x128xi32, #tpu.memory_space<hbm>>) dst(%arg22 : memref<48x128xi32, #tpu.memory_space<vmem>>)
      %dma_wait3A_281 = arith.constant 0 : i32
      %dma_wait3A_282 = tpu.memref_slice %arg5[%add3A_274, %dma_wait3A_281] : memref<320000x128xi32, #tpu.memory_space<hbm>> -> memref<48x128xi32, #tpu.memory_space<hbm>>
      %dma_wait3A_283 = arith.constant 0 : i32
      %dma_wait3A_284 = tpu.memref_slice %arg5[%add3A_274, %dma_wait3A_283] : memref<320000x128xi32, #tpu.memory_space<hbm>> -> memref<48x128xi32, #tpu.memory_space<hbm>>
      tpu.wait_dma2 semaphore(%arg27 : memref<!tpu.dma_semaphore, #tpu.memory_space<semaphore_mem>>) src(%dma_wait3A_284 : memref<48x128xi32, #tpu.memory_space<hbm>>) dst(%arg23 : memref<48x128xi32, #tpu.memory_space<vmem>>)
      %ge3A_285 = arith.constant 2 : i32
      %ge3A_286 = arith.cmpi sge, %add3A_271, %ge3A_285 : i32
      %convert_element_type3A_287 = arith.extui %ge3A_286 : i1 to i32
      %cond3A_288 = arith.constant 0 : i32
      %cond3A_289 = arith.cmpi ne, %convert_element_type3A_287, %cond3A_288 : i32
      scf.if %cond3A_289 {
        %dma_wait3A_306 = arith.constant 0 : i32
        %dma_wait3A_307 = arith.constant 0 : i32
        %dma_wait3A_308 = tpu.memref_slice %arg7[%dma_wait3A_306, %dma_wait3A_307] : memref<10000x128xf32, #tpu.memory_space<vmem_shared>> -> memref<10000x128xf32, #tpu.memory_space<vmem_shared>>
        tpu.wait_indirect_dma semaphore(%arg29 : memref<!tpu.dma_semaphore, #tpu.memory_space<semaphore_mem>>) src(%arg25 : memref<48x128xf32, #tpu.memory_space<vmem>>) dst(%dma_wait3A_308 : memref<10000x128xf32, #tpu.memory_space<vmem_shared>>)
      } else {
      }
      %broadcast_in_dim3A_290 = arith.constant -65536 : i32
      %broadcast_in_dim3A_291 = vector.broadcast %broadcast_in_dim3A_290 : i32 to vector<16xi32>
      %parallel_loop3A_292 = arith.constant 0 : i32
      %parallel_loop3A_293 = arith.constant 48 : i32
      %parallel_loop3A_294 = arith.constant 1 : i32
      scf.for %parallel_loop3A_306 = %parallel_loop3A_292 to %parallel_loop3A_293 step %parallel_loop3A_294  : i32 {
        %parallel_loop3A_307 = arith.index_cast %parallel_loop3A_306 : i32 to index
        %parallel_loop3A_308 = arith.constant 0 : index
        %parallel_loop3A_309 = tpu.vector_load %arg23[%parallel_loop3A_307, %parallel_loop3A_308] {strides = array<i32>} : memref<48x128xi32, #tpu.memory_space<vmem>>, vector<1x16xi32>,
        %parallel_loop3A_310 = vector.shape_cast %parallel_loop3A_309 : vector<1x16xi32> to vector<16xi32>
        %parallel_loop3A_311 = arith.constant 16 : i32
        %parallel_loop3A_312 = vector.broadcast %parallel_loop3A_311 : i32 to vector<16xi32>
        %parallel_loop3A_313 = arith.shli %parallel_loop3A_310, %parallel_loop3A_312 : vector<16xi32>
        %parallel_loop3A_314 = tpu.bitcast %parallel_loop3A_313 : vector<16xi32> -> vector<16xf32>
        %parallel_loop3A_315 = arith.andi %parallel_loop3A_310, %broadcast_in_dim3A_291 : vector<16xi32>
        %parallel_loop3A_316 = tpu.bitcast %parallel_loop3A_315 : vector<16xi32> -> vector<16xf32>
        %parallel_loop3A_317 = arith.index_cast %parallel_loop3A_306 : i32 to index
        %parallel_loop3A_318 = arith.constant 0 : index
        %parallel_loop3A_319 = tpu.vector_load %arg22[%parallel_loop3A_317, %parallel_loop3A_318] {strides = array<i32>} : memref<48x128xi32, #tpu.memory_space<vmem>>, vector<1x16xi32>,
        %parallel_loop3A_320 = vector.shape_cast %parallel_loop3A_319 : vector<1x16xi32> to vector<16xi32>
        %parallel_loop3A_321 = arith.constant 16 : i32
        %parallel_loop3A_322 = vector.broadcast %parallel_loop3A_321 : i32 to vector<16xi32>
        %parallel_loop3A_323 = arith.shli %parallel_loop3A_320, %parallel_loop3A_322 : vector<16xi32>
        %parallel_loop3A_324 = tpu.bitcast %parallel_loop3A_323 : vector<16xi32> -> vector<16xf32>
        %parallel_loop3A_325 = arith.andi %parallel_loop3A_320, %broadcast_in_dim3A_291 : vector<16xi32>
        %parallel_loop3A_326 = tpu.bitcast %parallel_loop3A_325 : vector<16xi32> -> vector<16xf32>
        %parallel_loop3A_327 = arith.index_cast %parallel_loop3A_306 : i32 to index
        %parallel_loop3A_328 = arith.constant 0 : index
        %parallel_loop3A_329 = tpu.vector_load %arg21[%parallel_loop3A_327, %parallel_loop3A_328] {strides = array<i32>} : memref<48x128xf32, #tpu.memory_space<vmem>>, vector<1x16xf32>,
        %parallel_loop3A_330 = vector.shape_cast %parallel_loop3A_329 : vector<1x16xf32> to vector<16xf32>
        %parallel_loop3A_331 = arith.mulf %parallel_loop3A_330, %parallel_loop3A_324 : vector<16xf32>
        %parallel_loop3A_332 = arith.mulf %parallel_loop3A_331, %parallel_loop3A_314 : vector<16xf32>
        %parallel_loop3A_333 = arith.addf %broadcast_in_dim3A_0, %parallel_loop3A_332 : vector<16xf32>
        %parallel_loop3A_334 = arith.mulf %parallel_loop3A_326, %parallel_loop3A_316 : vector<16xf32>
        %parallel_loop3A_335 = arith.index_cast %parallel_loop3A_306 : i32 to index
        %parallel_loop3A_336 = arith.constant 16 : index
        %parallel_loop3A_337 = tpu.vector_load %arg23[%parallel_loop3A_335, %parallel_loop3A_336] {strides = array<i32>} : memref<48x128xi32, #tpu.memory_space<vmem>>, vector<1x16xi32>,
        %parallel_loop3A_338 = vector.shape_cast %parallel_loop3A_337 : vector<1x16xi32> to vector<16xi32>
        %parallel_loop3A_339 = arith.constant 16 : i32
        %parallel_loop3A_340 = vector.broadcast %parallel_loop3A_339 : i32 to vector<16xi32>
        %parallel_loop3A_341 = arith.shli %parallel_loop3A_338, %parallel_loop3A_340 : vector<16xi32>
        %parallel_loop3A_342 = tpu.bitcast %parallel_loop3A_341 : vector<16xi32> -> vector<16xf32>
        %parallel_loop3A_343 = arith.andi %parallel_loop3A_338, %broadcast_in_dim3A_291 : vector<16xi32>
        %parallel_loop3A_344 = tpu.bitcast %parallel_loop3A_343 : vector<16xi32> -> vector<16xf32>
        %parallel_loop3A_345 = arith.index_cast %parallel_loop3A_306 : i32 to index
        %parallel_loop3A_346 = arith.constant 16 : index
        %parallel_loop3A_347 = tpu.vector_load %arg22[%parallel_loop3A_345, %parallel_loop3A_346] {strides = array<i32>} : memref<48x128xi32, #tpu.memory_space<vmem>>, vector<1x16xi32>,
        %parallel_loop3A_348 = vector.shape_cast %parallel_loop3A_347 : vector<1x16xi32> to vector<16xi32>
        %parallel_loop3A_349 = arith.constant 16 : i32
        %parallel_loop3A_350 = vector.broadcast %parallel_loop3A_349 : i32 to vector<16xi32>
        %parallel_loop3A_351 = arith.shli %parallel_loop3A_348, %parallel_loop3A_350 : vector<16xi32>
        %parallel_loop3A_352 = tpu.bitcast %parallel_loop3A_351 : vector<16xi32> -> vector<16xf32>
        %parallel_loop3A_353 = arith.andi %parallel_loop3A_348, %broadcast_in_dim3A_291 : vector<16xi32>
        %parallel_loop3A_354 = tpu.bitcast %parallel_loop3A_353 : vector<16xi32> -> vector<16xf32>
        %parallel_loop3A_355 = arith.index_cast %parallel_loop3A_306 : i32 to index
        %parallel_loop3A_356 = arith.constant 16 : index
        %parallel_loop3A_357 = tpu.vector_load %arg21[%parallel_loop3A_355, %parallel_loop3A_356] {strides = array<i32>} : memref<48x128xf32, #tpu.memory_space<vmem>>, vector<1x16xf32>,
        %parallel_loop3A_358 = vector.shape_cast %parallel_loop3A_357 : vector<1x16xf32> to vector<16xf32>
        %parallel_loop3A_359 = arith.mulf %parallel_loop3A_358, %parallel_loop3A_352 : vector<16xf32>
        %parallel_loop3A_360 = arith.mulf %parallel_loop3A_359, %parallel_loop3A_342 : vector<16xf32>
        %parallel_loop3A_361 = arith.addf %parallel_loop3A_333, %parallel_loop3A_360 : vector<16xf32>
        %parallel_loop3A_362 = arith.mulf %parallel_loop3A_354, %parallel_loop3A_344 : vector<16xf32>
        %parallel_loop3A_363 = arith.index_cast %parallel_loop3A_306 : i32 to index
        %parallel_loop3A_364 = arith.constant 32 : index
        %parallel_loop3A_365 = tpu.vector_load %arg23[%parallel_loop3A_363, %parallel_loop3A_364] {strides = array<i32>} : memref<48x128xi32, #tpu.memory_space<vmem>>, vector<1x16xi32>,
        %parallel_loop3A_366 = vector.shape_cast %parallel_loop3A_365 : vector<1x16xi32> to vector<16xi32>
        %parallel_loop3A_367 = arith.constant 16 : i32
        %parallel_loop3A_368 = vector.broadcast %parallel_loop3A_367 : i32 to vector<16xi32>
        %parallel_loop3A_369 = arith.shli %parallel_loop3A_366, %parallel_loop3A_368 : vector<16xi32>
        %parallel_loop3A_370 = tpu.bitcast %parallel_loop3A_369 : vector<16xi32> -> vector<16xf32>
        %parallel_loop3A_371 = arith.andi %parallel_loop3A_366, %broadcast_in_dim3A_291 : vector<16xi32>
        %parallel_loop3A_372 = tpu.bitcast %parallel_loop3A_371 : vector<16xi32> -> vector<16xf32>
        %parallel_loop3A_373 = arith.index_cast %parallel_loop3A_306 : i32 to index
        %parallel_loop3A_374 = arith.constant 32 : index
        %parallel_loop3A_375 = tpu.vector_load %arg22[%parallel_loop3A_373, %parallel_loop3A_374] {strides = array<i32>} : memref<48x128xi32, #tpu.memory_space<vmem>>, vector<1x16xi32>,
        %parallel_loop3A_376 = vector.shape_cast %parallel_loop3A_375 : vector<1x16xi32> to vector<16xi32>
        %parallel_loop3A_377 = arith.constant 16 : i32
        %parallel_loop3A_378 = vector.broadcast %parallel_loop3A_377 : i32 to vector<16xi32>
        %parallel_loop3A_379 = arith.shli %parallel_loop3A_376, %parallel_loop3A_378 : vector<16xi32>
        %parallel_loop3A_380 = tpu.bitcast %parallel_loop3A_379 : vector<16xi32> -> vector<16xf32>
        %parallel_loop3A_381 = arith.andi %parallel_loop3A_376, %broadcast_in_dim3A_291 : vector<16xi32>
        %parallel_loop3A_382 = tpu.bitcast %parallel_loop3A_381 : vector<16xi32> -> vector<16xf32>
        %parallel_loop3A_383 = arith.index_cast %parallel_loop3A_306 : i32 to index
        %parallel_loop3A_384 = arith.constant 32 : index
        %parallel_loop3A_385 = tpu.vector_load %arg21[%parallel_loop3A_383, %parallel_loop3A_384] {strides = array<i32>} : memref<48x128xf32, #tpu.memory_space<vmem>>, vector<1x16xf32>,
        %parallel_loop3A_386 = vector.shape_cast %parallel_loop3A_385 : vector<1x16xf32> to vector<16xf32>
        %parallel_loop3A_387 = arith.mulf %parallel_loop3A_386, %parallel_loop3A_380 : vector<16xf32>
        %parallel_loop3A_388 = arith.mulf %parallel_loop3A_387, %parallel_loop3A_370 : vector<16xf32>
        %parallel_loop3A_389 = arith.addf %parallel_loop3A_361, %parallel_loop3A_388 : vector<16xf32>
        %parallel_loop3A_390 = arith.mulf %parallel_loop3A_382, %parallel_loop3A_372 : vector<16xf32>
        %parallel_loop3A_391 = arith.index_cast %parallel_loop3A_306 : i32 to index
        %parallel_loop3A_392 = arith.constant 48 : index
        %parallel_loop3A_393 = tpu.vector_load %arg23[%parallel_loop3A_391, %parallel_loop3A_392] {strides = array<i32>} : memref<48x128xi32, #tpu.memory_space<vmem>>, vector<1x16xi32>,
        %parallel_loop3A_394 = vector.shape_cast %parallel_loop3A_393 : vector<1x16xi32> to vector<16xi32>
        %parallel_loop3A_395 = arith.constant 16 : i32
        %parallel_loop3A_396 = vector.broadcast %parallel_loop3A_395 : i32 to vector<16xi32>
        %parallel_loop3A_397 = arith.shli %parallel_loop3A_394, %parallel_loop3A_396 : vector<16xi32>
        %parallel_loop3A_398 = tpu.bitcast %parallel_loop3A_397 : vector<16xi32> -> vector<16xf32>
        %parallel_loop3A_399 = arith.andi %parallel_loop3A_394, %broadcast_in_dim3A_291 : vector<16xi32>
        %parallel_loop3A_400 = tpu.bitcast %parallel_loop3A_399 : vector<16xi32> -> vector<16xf32>
        %parallel_loop3A_401 = arith.index_cast %parallel_loop3A_306 : i32 to index
        %parallel_loop3A_402 = arith.constant 48 : index
        %parallel_loop3A_403 = tpu.vector_load %arg22[%parallel_loop3A_401, %parallel_loop3A_402] {strides = array<i32>} : memref<48x128xi32, #tpu.memory_space<vmem>>, vector<1x16xi32>,
        %parallel_loop3A_404 = vector.shape_cast %parallel_loop3A_403 : vector<1x16xi32> to vector<16xi32>
        %parallel_loop3A_405 = arith.constant 16 : i32
        %parallel_loop3A_406 = vector.broadcast %parallel_loop3A_405 : i32 to vector<16xi32>
        %parallel_loop3A_407 = arith.shli %parallel_loop3A_404, %parallel_loop3A_406 : vector<16xi32>
        %parallel_loop3A_408 = tpu.bitcast %parallel_loop3A_407 : vector<16xi32> -> vector<16xf32>
        %parallel_loop3A_409 = arith.andi %parallel_loop3A_404, %broadcast_in_dim3A_291 : vector<16xi32>
        %parallel_loop3A_410 = tpu.bitcast %parallel_loop3A_409 : vector<16xi32> -> vector<16xf32>
        %parallel_loop3A_411 = arith.index_cast %parallel_loop3A_306 : i32 to index
        %parallel_loop3A_412 = arith.constant 48 : index
        %parallel_loop3A_413 = tpu.vector_load %arg21[%parallel_loop3A_411, %parallel_loop3A_412] {strides = array<i32>} : memref<48x128xf32, #tpu.memory_space<vmem>>, vector<1x16xf32>,
        %parallel_loop3A_414 = vector.shape_cast %parallel_loop3A_413 : vector<1x16xf32> to vector<16xf32>
        %parallel_loop3A_415 = arith.mulf %parallel_loop3A_414, %parallel_loop3A_408 : vector<16xf32>
        %parallel_loop3A_416 = arith.mulf %parallel_loop3A_415, %parallel_loop3A_398 : vector<16xf32>
        %parallel_loop3A_417 = arith.addf %parallel_loop3A_389, %parallel_loop3A_416 : vector<16xf32>
        %parallel_loop3A_418 = arith.mulf %parallel_loop3A_410, %parallel_loop3A_400 : vector<16xf32>
        %parallel_loop3A_419 = arith.index_cast %parallel_loop3A_306 : i32 to index
        %parallel_loop3A_420 = arith.constant 64 : index
        %parallel_loop3A_421 = tpu.vector_load %arg23[%parallel_loop3A_419, %parallel_loop3A_420] {strides = array<i32>} : memref<48x128xi32, #tpu.memory_space<vmem>>, vector<1x16xi32>,
        %parallel_loop3A_422 = vector.shape_cast %parallel_loop3A_421 : vector<1x16xi32> to vector<16xi32>
        %parallel_loop3A_423 = arith.constant 16 : i32
        %parallel_loop3A_424 = vector.broadcast %parallel_loop3A_423 : i32 to vector<16xi32>
        %parallel_loop3A_425 = arith.shli %parallel_loop3A_422, %parallel_loop3A_424 : vector<16xi32>
        %parallel_loop3A_426 = tpu.bitcast %parallel_loop3A_425 : vector<16xi32> -> vector<16xf32>
        %parallel_loop3A_427 = arith.andi %parallel_loop3A_422, %broadcast_in_dim3A_291 : vector<16xi32>
        %parallel_loop3A_428 = tpu.bitcast %parallel_loop3A_427 : vector<16xi32> -> vector<16xf32>
        %parallel_loop3A_429 = arith.index_cast %parallel_loop3A_306 : i32 to index
        %parallel_loop3A_430 = arith.constant 64 : index
        %parallel_loop3A_431 = tpu.vector_load %arg22[%parallel_loop3A_429, %parallel_loop3A_430] {strides = array<i32>} : memref<48x128xi32, #tpu.memory_space<vmem>>, vector<1x16xi32>,
        %parallel_loop3A_432 = vector.shape_cast %parallel_loop3A_431 : vector<1x16xi32> to vector<16xi32>
        %parallel_loop3A_433 = arith.constant 16 : i32
        %parallel_loop3A_434 = vector.broadcast %parallel_loop3A_433 : i32 to vector<16xi32>
        %parallel_loop3A_435 = arith.shli %parallel_loop3A_432, %parallel_loop3A_434 : vector<16xi32>
        %parallel_loop3A_436 = tpu.bitcast %parallel_loop3A_435 : vector<16xi32> -> vector<16xf32>
        %parallel_loop3A_437 = arith.andi %parallel_loop3A_432, %broadcast_in_dim3A_291 : vector<16xi32>
        %parallel_loop3A_438 = tpu.bitcast %parallel_loop3A_437 : vector<16xi32> -> vector<16xf32>
        %parallel_loop3A_439 = arith.index_cast %parallel_loop3A_306 : i32 to index
        %parallel_loop3A_440 = arith.constant 64 : index
        %parallel_loop3A_441 = tpu.vector_load %arg21[%parallel_loop3A_439, %parallel_loop3A_440] {strides = array<i32>} : memref<48x128xf32, #tpu.memory_space<vmem>>, vector<1x16xf32>,
        %parallel_loop3A_442 = vector.shape_cast %parallel_loop3A_441 : vector<1x16xf32> to vector<16xf32>
        %parallel_loop3A_443 = arith.mulf %parallel_loop3A_442, %parallel_loop3A_436 : vector<16xf32>
        %parallel_loop3A_444 = arith.mulf %parallel_loop3A_443, %parallel_loop3A_426 : vector<16xf32>
        %parallel_loop3A_445 = arith.addf %parallel_loop3A_417, %parallel_loop3A_444 : vector<16xf32>
        %parallel_loop3A_446 = arith.mulf %parallel_loop3A_438, %parallel_loop3A_428 : vector<16xf32>
        %parallel_loop3A_447 = arith.index_cast %parallel_loop3A_306 : i32 to index
        %parallel_loop3A_448 = arith.constant 80 : index
        %parallel_loop3A_449 = tpu.vector_load %arg23[%parallel_loop3A_447, %parallel_loop3A_448] {strides = array<i32>} : memref<48x128xi32, #tpu.memory_space<vmem>>, vector<1x16xi32>,
        %parallel_loop3A_450 = vector.shape_cast %parallel_loop3A_449 : vector<1x16xi32> to vector<16xi32>
        %parallel_loop3A_451 = arith.constant 16 : i32
        %parallel_loop3A_452 = vector.broadcast %parallel_loop3A_451 : i32 to vector<16xi32>
        %parallel_loop3A_453 = arith.shli %parallel_loop3A_450, %parallel_loop3A_452 : vector<16xi32>
        %parallel_loop3A_454 = tpu.bitcast %parallel_loop3A_453 : vector<16xi32> -> vector<16xf32>
        %parallel_loop3A_455 = arith.andi %parallel_loop3A_450, %broadcast_in_dim3A_291 : vector<16xi32>
        %parallel_loop3A_456 = tpu.bitcast %parallel_loop3A_455 : vector<16xi32> -> vector<16xf32>
        %parallel_loop3A_457 = arith.index_cast %parallel_loop3A_306 : i32 to index
        %parallel_loop3A_458 = arith.constant 80 : index
        %parallel_loop3A_459 = tpu.vector_load %arg22[%parallel_loop3A_457, %parallel_loop3A_458] {strides = array<i32>} : memref<48x128xi32, #tpu.memory_space<vmem>>, vector<1x16xi32>,
        %parallel_loop3A_460 = vector.shape_cast %parallel_loop3A_459 : vector<1x16xi32> to vector<16xi32>
        %parallel_loop3A_461 = arith.constant 16 : i32
        %parallel_loop3A_462 = vector.broadcast %parallel_loop3A_461 : i32 to vector<16xi32>
        %parallel_loop3A_463 = arith.shli %parallel_loop3A_460, %parallel_loop3A_462 : vector<16xi32>
        %parallel_loop3A_464 = tpu.bitcast %parallel_loop3A_463 : vector<16xi32> -> vector<16xf32>
        %parallel_loop3A_465 = arith.andi %parallel_loop3A_460, %broadcast_in_dim3A_291 : vector<16xi32>
        %parallel_loop3A_466 = tpu.bitcast %parallel_loop3A_465 : vector<16xi32> -> vector<16xf32>
        %parallel_loop3A_467 = arith.index_cast %parallel_loop3A_306 : i32 to index
        %parallel_loop3A_468 = arith.constant 80 : index
        %parallel_loop3A_469 = tpu.vector_load %arg21[%parallel_loop3A_467, %parallel_loop3A_468] {strides = array<i32>} : memref<48x128xf32, #tpu.memory_space<vmem>>, vector<1x16xf32>,
        %parallel_loop3A_470 = vector.shape_cast %parallel_loop3A_469 : vector<1x16xf32> to vector<16xf32>
        %parallel_loop3A_471 = arith.mulf %parallel_loop3A_470, %parallel_loop3A_464 : vector<16xf32>
        %parallel_loop3A_472 = arith.mulf %parallel_loop3A_471, %parallel_loop3A_454 : vector<16xf32>
        %parallel_loop3A_473 = arith.addf %parallel_loop3A_445, %parallel_loop3A_472 : vector<16xf32>
        %parallel_loop3A_474 = arith.mulf %parallel_loop3A_466, %parallel_loop3A_456 : vector<16xf32>
        %parallel_loop3A_475 = arith.index_cast %parallel_loop3A_306 : i32 to index
        %parallel_loop3A_476 = arith.constant 96 : index
        %parallel_loop3A_477 = tpu.vector_load %arg23[%parallel_loop3A_475, %parallel_loop3A_476] {strides = array<i32>} : memref<48x128xi32, #tpu.memory_space<vmem>>, vector<1x16xi32>,
        %parallel_loop3A_478 = vector.shape_cast %parallel_loop3A_477 : vector<1x16xi32> to vector<16xi32>
        %parallel_loop3A_479 = arith.constant 16 : i32
        %parallel_loop3A_480 = vector.broadcast %parallel_loop3A_479 : i32 to vector<16xi32>
        %parallel_loop3A_481 = arith.shli %parallel_loop3A_478, %parallel_loop3A_480 : vector<16xi32>
        %parallel_loop3A_482 = tpu.bitcast %parallel_loop3A_481 : vector<16xi32> -> vector<16xf32>
        %parallel_loop3A_483 = arith.andi %parallel_loop3A_478, %broadcast_in_dim3A_291 : vector<16xi32>
        %parallel_loop3A_484 = tpu.bitcast %parallel_loop3A_483 : vector<16xi32> -> vector<16xf32>
        %parallel_loop3A_485 = arith.index_cast %parallel_loop3A_306 : i32 to index
        %parallel_loop3A_486 = arith.constant 96 : index
        %parallel_loop3A_487 = tpu.vector_load %arg22[%parallel_loop3A_485, %parallel_loop3A_486] {strides = array<i32>} : memref<48x128xi32, #tpu.memory_space<vmem>>, vector<1x16xi32>,
        %parallel_loop3A_488 = vector.shape_cast %parallel_loop3A_487 : vector<1x16xi32> to vector<16xi32>
        %parallel_loop3A_489 = arith.constant 16 : i32
        %parallel_loop3A_490 = vector.broadcast %parallel_loop3A_489 : i32 to vector<16xi32>
        %parallel_loop3A_491 = arith.shli %parallel_loop3A_488, %parallel_loop3A_490 : vector<16xi32>
        %parallel_loop3A_492 = tpu.bitcast %parallel_loop3A_491 : vector<16xi32> -> vector<16xf32>
        %parallel_loop3A_493 = arith.andi %parallel_loop3A_488, %broadcast_in_dim3A_291 : vector<16xi32>
        %parallel_loop3A_494 = tpu.bitcast %parallel_loop3A_493 : vector<16xi32> -> vector<16xf32>
        %parallel_loop3A_495 = arith.index_cast %parallel_loop3A_306 : i32 to index
        %parallel_loop3A_496 = arith.constant 96 : index
        %parallel_loop3A_497 = tpu.vector_load %arg21[%parallel_loop3A_495, %parallel_loop3A_496] {strides = array<i32>} : memref<48x128xf32, #tpu.memory_space<vmem>>, vector<1x16xf32>,
        %parallel_loop3A_498 = vector.shape_cast %parallel_loop3A_497 : vector<1x16xf32> to vector<16xf32>
        %parallel_loop3A_499 = arith.mulf %parallel_loop3A_498, %parallel_loop3A_492 : vector<16xf32>
        %parallel_loop3A_500 = arith.mulf %parallel_loop3A_499, %parallel_loop3A_482 : vector<16xf32>
        %parallel_loop3A_501 = arith.addf %parallel_loop3A_473, %parallel_loop3A_500 : vector<16xf32>
        %parallel_loop3A_502 = arith.mulf %parallel_loop3A_494, %parallel_loop3A_484 : vector<16xf32>
        %parallel_loop3A_503 = arith.index_cast %parallel_loop3A_306 : i32 to index
        %parallel_loop3A_504 = arith.constant 112 : index
        %parallel_loop3A_505 = tpu.vector_load %arg23[%parallel_loop3A_503, %parallel_loop3A_504] {strides = array<i32>} : memref<48x128xi32, #tpu.memory_space<vmem>>, vector<1x16xi32>,
        %parallel_loop3A_506 = vector.shape_cast %parallel_loop3A_505 : vector<1x16xi32> to vector<16xi32>
        %parallel_loop3A_507 = arith.constant 16 : i32
        %parallel_loop3A_508 = vector.broadcast %parallel_loop3A_507 : i32 to vector<16xi32>
        %parallel_loop3A_509 = arith.shli %parallel_loop3A_506, %parallel_loop3A_508 : vector<16xi32>
        %parallel_loop3A_510 = tpu.bitcast %parallel_loop3A_509 : vector<16xi32> -> vector<16xf32>
        %parallel_loop3A_511 = arith.andi %parallel_loop3A_506, %broadcast_in_dim3A_291 : vector<16xi32>
        %parallel_loop3A_512 = tpu.bitcast %parallel_loop3A_511 : vector<16xi32> -> vector<16xf32>
        %parallel_loop3A_513 = arith.index_cast %parallel_loop3A_306 : i32 to index
        %parallel_loop3A_514 = arith.constant 112 : index
        %parallel_loop3A_515 = tpu.vector_load %arg22[%parallel_loop3A_513, %parallel_loop3A_514] {strides = array<i32>} : memref<48x128xi32, #tpu.memory_space<vmem>>, vector<1x16xi32>,
        %parallel_loop3A_516 = vector.shape_cast %parallel_loop3A_515 : vector<1x16xi32> to vector<16xi32>
        %parallel_loop3A_517 = arith.constant 16 : i32
        %parallel_loop3A_518 = vector.broadcast %parallel_loop3A_517 : i32 to vector<16xi32>
        %parallel_loop3A_519 = arith.shli %parallel_loop3A_516, %parallel_loop3A_518 : vector<16xi32>
        %parallel_loop3A_520 = tpu.bitcast %parallel_loop3A_519 : vector<16xi32> -> vector<16xf32>
        %parallel_loop3A_521 = arith.andi %parallel_loop3A_516, %broadcast_in_dim3A_291 : vector<16xi32>
        %parallel_loop3A_522 = tpu.bitcast %parallel_loop3A_521 : vector<16xi32> -> vector<16xf32>
        %parallel_loop3A_523 = arith.index_cast %parallel_loop3A_306 : i32 to index
        %parallel_loop3A_524 = arith.constant 112 : index
        %parallel_loop3A_525 = tpu.vector_load %arg21[%parallel_loop3A_523, %parallel_loop3A_524] {strides = array<i32>} : memref<48x128xf32, #tpu.memory_space<vmem>>, vector<1x16xf32>,
        %parallel_loop3A_526 = vector.shape_cast %parallel_loop3A_525 : vector<1x16xf32> to vector<16xf32>
        %parallel_loop3A_527 = arith.mulf %parallel_loop3A_526, %parallel_loop3A_520 : vector<16xf32>
        %parallel_loop3A_528 = arith.mulf %parallel_loop3A_527, %parallel_loop3A_510 : vector<16xf32>
        %parallel_loop3A_529 = arith.addf %parallel_loop3A_501, %parallel_loop3A_528 : vector<16xf32>
        %parallel_loop3A_530 = arith.mulf %parallel_loop3A_522, %parallel_loop3A_512 : vector<16xf32>
        %parallel_loop3A_531 = arith.constant 8 : i32
        %parallel_loop3A_532 = vector.broadcast %parallel_loop3A_531 : i32 to vector<16xi32>
        %parallel_loop3A_533 = arith.xori %iota3A, %parallel_loop3A_532 : vector<16xi32>
        %parallel_loop3A_534 = vector.shape_cast %parallel_loop3A_533 : vector<16xi32> to vector<16x1xi32>
        %parallel_loop3A_535 = vector.shape_cast %parallel_loop3A_534 : vector<16x1xi32> to vector<16xi32>
        %parallel_loop3A_536 = tpu.dynamic_gather %parallel_loop3A_529[%parallel_loop3A_535] in [0] : vector<16xf32>, vector<16xi32> -> vector<16xf32>
        %parallel_loop3A_537 = arith.addf %parallel_loop3A_529, %parallel_loop3A_536 : vector<16xf32>
        %parallel_loop3A_538 = arith.constant 4 : i32
        %parallel_loop3A_539 = vector.broadcast %parallel_loop3A_538 : i32 to vector<16xi32>
        %parallel_loop3A_540 = arith.xori %iota3A, %parallel_loop3A_539 : vector<16xi32>
        %parallel_loop3A_541 = vector.shape_cast %parallel_loop3A_540 : vector<16xi32> to vector<16x1xi32>
        %parallel_loop3A_542 = vector.shape_cast %parallel_loop3A_541 : vector<16x1xi32> to vector<16xi32>
        %parallel_loop3A_543 = tpu.dynamic_gather %parallel_loop3A_537[%parallel_loop3A_542] in [0] : vector<16xf32>, vector<16xi32> -> vector<16xf32>
        %parallel_loop3A_544 = arith.addf %parallel_loop3A_537, %parallel_loop3A_543 : vector<16xf32>
        %parallel_loop3A_545 = arith.constant 2 : i32
        %parallel_loop3A_546 = vector.broadcast %parallel_loop3A_545 : i32 to vector<16xi32>
        %parallel_loop3A_547 = arith.xori %iota3A, %parallel_loop3A_546 : vector<16xi32>
        %parallel_loop3A_548 = vector.shape_cast %parallel_loop3A_547 : vector<16xi32> to vector<16x1xi32>
        %parallel_loop3A_549 = vector.shape_cast %parallel_loop3A_548 : vector<16x1xi32> to vector<16xi32>
        %parallel_loop3A_550 = tpu.dynamic_gather %parallel_loop3A_544[%parallel_loop3A_549] in [0] : vector<16xf32>, vector<16xi32> -> vector<16xf32>
        %parallel_loop3A_551 = arith.addf %parallel_loop3A_544, %parallel_loop3A_550 : vector<16xf32>
        %parallel_loop3A_552 = arith.constant 1 : i32
        %parallel_loop3A_553 = vector.broadcast %parallel_loop3A_552 : i32 to vector<16xi32>
        %parallel_loop3A_554 = arith.xori %iota3A, %parallel_loop3A_553 : vector<16xi32>
        %parallel_loop3A_555 = vector.shape_cast %parallel_loop3A_554 : vector<16xi32> to vector<16x1xi32>
        %parallel_loop3A_556 = vector.shape_cast %parallel_loop3A_555 : vector<16x1xi32> to vector<16xi32>
        %parallel_loop3A_557 = tpu.dynamic_gather %parallel_loop3A_551[%parallel_loop3A_556] in [0] : vector<16xf32>, vector<16xi32> -> vector<16xf32>
        %parallel_loop3A_558 = arith.addf %parallel_loop3A_551, %parallel_loop3A_557 : vector<16xf32>
        %parallel_loop3A_559 = arith.constant 0.000000e+00 : f32
        %parallel_loop3A_560 = vector.broadcast %parallel_loop3A_559 : f32 to vector<16xf32>
        %parallel_loop3A_561 = arith.subf %parallel_loop3A_560, %parallel_loop3A_558 : vector<16xf32>
        %parallel_loop3A_562 = math.exp %parallel_loop3A_561 : vector<16xf32>
        %parallel_loop3A_563 = arith.constant 1.000000e+00 : f32
        %parallel_loop3A_564 = vector.broadcast %parallel_loop3A_563 : f32 to vector<16xf32>
        %parallel_loop3A_565 = arith.addf %parallel_loop3A_564, %parallel_loop3A_562 : vector<16xf32>
        %parallel_loop3A_566 = arith.divf %parallel_loop3A_558, %parallel_loop3A_565 : vector<16xf32>
        %parallel_loop3A_567 = arith.mulf %parallel_loop3A_334, %parallel_loop3A_566 : vector<16xf32>
        %parallel_loop3A_568 = arith.index_cast %parallel_loop3A_306 : i32 to index
        %parallel_loop3A_569 = arith.constant 0 : index
        %parallel_loop3A_570 = tpu.vector_load %arg25[%parallel_loop3A_568, %parallel_loop3A_569] {strides = array<i32>} : memref<48x128xf32, #tpu.memory_space<vmem>>, vector<1x16xf32>,
        %parallel_loop3A_571 = vector.shape_cast %parallel_loop3A_570 : vector<1x16xf32> to vector<16xf32>
        %parallel_loop3A_572 = vector.shape_cast %parallel_loop3A_567 : vector<16xf32> to vector<1x16xf32>
        tpu.vector_store %arg25[%parallel_loop3A_568, %parallel_loop3A_569], %parallel_loop3A_572 {strides = array<i32>} : memref<48x128xf32, #tpu.memory_space<vmem>>, vector<1x16xf32>,
        %parallel_loop3A_573 = arith.mulf %parallel_loop3A_362, %parallel_loop3A_566 : vector<16xf32>
        %parallel_loop3A_574 = arith.index_cast %parallel_loop3A_306 : i32 to index
        %parallel_loop3A_575 = arith.constant 16 : index
        %parallel_loop3A_576 = tpu.vector_load %arg25[%parallel_loop3A_574, %parallel_loop3A_575] {strides = array<i32>} : memref<48x128xf32, #tpu.memory_space<vmem>>, vector<1x16xf32>,
        %parallel_loop3A_577 = vector.shape_cast %parallel_loop3A_576 : vector<1x16xf32> to vector<16xf32>
        %parallel_loop3A_578 = vector.shape_cast %parallel_loop3A_573 : vector<16xf32> to vector<1x16xf32>
        tpu.vector_store %arg25[%parallel_loop3A_574, %parallel_loop3A_575], %parallel_loop3A_578 {strides = array<i32>} : memref<48x128xf32, #tpu.memory_space<vmem>>, vector<1x16xf32>,
        %parallel_loop3A_579 = arith.mulf %parallel_loop3A_390, %parallel_loop3A_566 : vector<16xf32>
        %parallel_loop3A_580 = arith.index_cast %parallel_loop3A_306 : i32 to index
        %parallel_loop3A_581 = arith.constant 32 : index
        %parallel_loop3A_582 = tpu.vector_load %arg25[%parallel_loop3A_580, %parallel_loop3A_581] {strides = array<i32>} : memref<48x128xf32, #tpu.memory_space<vmem>>, vector<1x16xf32>,
        %parallel_loop3A_583 = vector.shape_cast %parallel_loop3A_582 : vector<1x16xf32> to vector<16xf32>
        %parallel_loop3A_584 = vector.shape_cast %parallel_loop3A_579 : vector<16xf32> to vector<1x16xf32>
        tpu.vector_store %arg25[%parallel_loop3A_580, %parallel_loop3A_581], %parallel_loop3A_584 {strides = array<i32>} : memref<48x128xf32, #tpu.memory_space<vmem>>, vector<1x16xf32>,
        %parallel_loop3A_585 = arith.mulf %parallel_loop3A_418, %parallel_loop3A_566 : vector<16xf32>
        %parallel_loop3A_586 = arith.index_cast %parallel_loop3A_306 : i32 to index
        %parallel_loop3A_587 = arith.constant 48 : index
        %parallel_loop3A_588 = tpu.vector_load %arg25[%parallel_loop3A_586, %parallel_loop3A_587] {strides = array<i32>} : memref<48x128xf32, #tpu.memory_space<vmem>>, vector<1x16xf32>,
        %parallel_loop3A_589 = vector.shape_cast %parallel_loop3A_588 : vector<1x16xf32> to vector<16xf32>
        %parallel_loop3A_590 = vector.shape_cast %parallel_loop3A_585 : vector<16xf32> to vector<1x16xf32>
        tpu.vector_store %arg25[%parallel_loop3A_586, %parallel_loop3A_587], %parallel_loop3A_590 {strides = array<i32>} : memref<48x128xf32, #tpu.memory_space<vmem>>, vector<1x16xf32>,
        %parallel_loop3A_591 = arith.mulf %parallel_loop3A_446, %parallel_loop3A_566 : vector<16xf32>
        %parallel_loop3A_592 = arith.index_cast %parallel_loop3A_306 : i32 to index
        %parallel_loop3A_593 = arith.constant 64 : index
        %parallel_loop3A_594 = tpu.vector_load %arg25[%parallel_loop3A_592, %parallel_loop3A_593] {strides = array<i32>} : memref<48x128xf32, #tpu.memory_space<vmem>>, vector<1x16xf32>,
        %parallel_loop3A_595 = vector.shape_cast %parallel_loop3A_594 : vector<1x16xf32> to vector<16xf32>
        %parallel_loop3A_596 = vector.shape_cast %parallel_loop3A_591 : vector<16xf32> to vector<1x16xf32>
        tpu.vector_store %arg25[%parallel_loop3A_592, %parallel_loop3A_593], %parallel_loop3A_596 {strides = array<i32>} : memref<48x128xf32, #tpu.memory_space<vmem>>, vector<1x16xf32>,
        %parallel_loop3A_597 = arith.mulf %parallel_loop3A_474, %parallel_loop3A_566 : vector<16xf32>
        %parallel_loop3A_598 = arith.index_cast %parallel_loop3A_306 : i32 to index
        %parallel_loop3A_599 = arith.constant 80 : index
        %parallel_loop3A_600 = tpu.vector_load %arg25[%parallel_loop3A_598, %parallel_loop3A_599] {strides = array<i32>} : memref<48x128xf32, #tpu.memory_space<vmem>>, vector<1x16xf32>,
        %parallel_loop3A_601 = vector.shape_cast %parallel_loop3A_600 : vector<1x16xf32> to vector<16xf32>
        %parallel_loop3A_602 = vector.shape_cast %parallel_loop3A_597 : vector<16xf32> to vector<1x16xf32>
        tpu.vector_store %arg25[%parallel_loop3A_598, %parallel_loop3A_599], %parallel_loop3A_602 {strides = array<i32>} : memref<48x128xf32, #tpu.memory_space<vmem>>, vector<1x16xf32>,
        %parallel_loop3A_603 = arith.mulf %parallel_loop3A_502, %parallel_loop3A_566 : vector<16xf32>
        %parallel_loop3A_604 = arith.index_cast %parallel_loop3A_306 : i32 to index
        %parallel_loop3A_605 = arith.constant 96 : index
        %parallel_loop3A_606 = tpu.vector_load %arg25[%parallel_loop3A_604, %parallel_loop3A_605] {strides = array<i32>} : memref<48x128xf32, #tpu.memory_space<vmem>>, vector<1x16xf32>,
        %parallel_loop3A_607 = vector.shape_cast %parallel_loop3A_606 : vector<1x16xf32> to vector<16xf32>
        %parallel_loop3A_608 = vector.shape_cast %parallel_loop3A_603 : vector<16xf32> to vector<1x16xf32>
        tpu.vector_store %arg25[%parallel_loop3A_604, %parallel_loop3A_605], %parallel_loop3A_608 {strides = array<i32>} : memref<48x128xf32, #tpu.memory_space<vmem>>, vector<1x16xf32>,
        %parallel_loop3A_609 = arith.mulf %parallel_loop3A_530, %parallel_loop3A_566 : vector<16xf32>
        %parallel_loop3A_610 = arith.index_cast %parallel_loop3A_306 : i32 to index
        %parallel_loop3A_611 = arith.constant 112 : index
        %parallel_loop3A_612 = tpu.vector_load %arg25[%parallel_loop3A_610, %parallel_loop3A_611] {strides = array<i32>} : memref<48x128xf32, #tpu.memory_space<vmem>>, vector<1x16xf32>,
        %parallel_loop3A_613 = vector.shape_cast %parallel_loop3A_612 : vector<1x16xf32> to vector<16xf32>
        %parallel_loop3A_614 = vector.shape_cast %parallel_loop3A_609 : vector<16xf32> to vector<1x16xf32>
        tpu.vector_store %arg25[%parallel_loop3A_610, %parallel_loop3A_611], %parallel_loop3A_614 {strides = array<i32>} : memref<48x128xf32, #tpu.memory_space<vmem>>, vector<1x16xf32>,
      } {sc.loop_unroll_factor = 2 : i64, sc.parallel_access}
      %dma_start3A_295 = arith.constant 0 : i32
      %dma_start3A_296 = arith.constant 0 : i32
      %dma_start3A_297 = tpu.memref_slice %arg7[%dma_start3A_295, %dma_start3A_296] : memref<10000x128xf32, #tpu.memory_space<vmem_shared>> -> memref<10000x128xf32, #tpu.memory_space<vmem_shared>>
      tpu.enqueue_indirect_dma source(%arg25 : memref<48x128xf32, #tpu.memory_space<vmem>>) target(%dma_start3A_297 : memref<10000x128xf32, #tpu.memory_space<vmem_shared>>) offsets(%arg15 : memref<48xi32, #tpu.memory_space<vmem>>) semaphore(%arg29 : memref<!tpu.dma_semaphore, #tpu.memory_space<semaphore_mem>>) {add = true}
      %add3A_298 = arith.constant 2 : i32
      %add3A_299 = arith.addi %add3A_271, %add3A_298 : i32
      %lt3A_300 = arith.constant 208 : i32
      %lt3A_301 = arith.cmpi slt, %add3A_299, %lt3A_300 : i32
      %convert_element_type3A_302 = arith.extui %lt3A_301 : i1 to i32
      %cond3A_303 = arith.constant 0 : i32
      %cond3A_304 = arith.cmpi ne, %convert_element_type3A_302, %cond3A_303 : i32
      scf.if %cond3A_304 {
        %add3A_306 = arith.constant 96 : i32
        %add3A_307 = arith.addi %add3A_274, %add3A_306 : i32
        "tpu.region"() ({
          %run_scoped3A = tpu.sem_alloc : memref<!tpu.dma_semaphore, #tpu.memory_space<semaphore_mem>>
          %dma_start3A_320 = tpu.memref_slice %arg2[%add3A_307] : memref<640000xi32, #tpu.memory_space<hbm>> -> memref<48xi32, #tpu.memory_space<hbm>>
          %dma_start3A_321 = tpu.memref_slice %arg2[%add3A_307] : memref<640000xi32, #tpu.memory_space<hbm>> -> memref<48xi32, #tpu.memory_space<hbm>>
          tpu.enqueue_dma source(%dma_start3A_321 : memref<48xi32, #tpu.memory_space<hbm>>) target(%arg10 : memref<48xi32, #tpu.memory_space<vmem>>) target_semaphore(%run_scoped3A : memref<!tpu.dma_semaphore, #tpu.memory_space<semaphore_mem>>)
          %dma_wait3A_322 = tpu.memref_slice %arg2[%add3A_307] : memref<640000xi32, #tpu.memory_space<hbm>> -> memref<48xi32, #tpu.memory_space<hbm>>
          %dma_wait3A_323 = tpu.memref_slice %arg2[%add3A_307] : memref<640000xi32, #tpu.memory_space<hbm>> -> memref<48xi32, #tpu.memory_space<hbm>>
          tpu.wait_dma2 semaphore(%run_scoped3A : memref<!tpu.dma_semaphore, #tpu.memory_space<semaphore_mem>>) src(%dma_wait3A_323 : memref<48xi32, #tpu.memory_space<hbm>>) dst(%arg10 : memref<48xi32, #tpu.memory_space<vmem>>)
          tpu.yield
        }) : () -> ()
        %add3A_308 = arith.constant 320000 : i32
        %add3A_309 = arith.addi %add3A_308, %add3A_307 : i32
        "tpu.region"() ({
          %run_scoped3A = tpu.sem_alloc : memref<!tpu.dma_semaphore, #tpu.memory_space<semaphore_mem>>
          %dma_start3A_320 = tpu.memref_slice %arg2[%add3A_309] : memref<640000xi32, #tpu.memory_space<hbm>> -> memref<48xi32, #tpu.memory_space<hbm>>
          %dma_start3A_321 = tpu.memref_slice %arg2[%add3A_309] : memref<640000xi32, #tpu.memory_space<hbm>> -> memref<48xi32, #tpu.memory_space<hbm>>
          tpu.enqueue_dma source(%dma_start3A_321 : memref<48xi32, #tpu.memory_space<hbm>>) target(%arg11 : memref<48xi32, #tpu.memory_space<vmem>>) target_semaphore(%run_scoped3A : memref<!tpu.dma_semaphore, #tpu.memory_space<semaphore_mem>>)
          %dma_wait3A_322 = tpu.memref_slice %arg2[%add3A_309] : memref<640000xi32, #tpu.memory_space<hbm>> -> memref<48xi32, #tpu.memory_space<hbm>>
          %dma_wait3A_323 = tpu.memref_slice %arg2[%add3A_309] : memref<640000xi32, #tpu.memory_space<hbm>> -> memref<48xi32, #tpu.memory_space<hbm>>
          tpu.wait_dma2 semaphore(%run_scoped3A : memref<!tpu.dma_semaphore, #tpu.memory_space<semaphore_mem>>) src(%dma_wait3A_323 : memref<48xi32, #tpu.memory_space<hbm>>) dst(%arg11 : memref<48xi32, #tpu.memory_space<vmem>>)
          tpu.yield
        }) : () -> ()
        %dma_start3A_310 = arith.constant 0 : i32
        %dma_start3A_311 = arith.constant 0 : i32
        %dma_start3A_312 = tpu.memref_slice %arg3[%dma_start3A_310, %dma_start3A_311] : memref<10000x128xf32, #tpu.memory_space<hbm>> -> memref<10000x128xf32, #tpu.memory_space<hbm>>
        tpu.enqueue_indirect_dma source(%dma_start3A_312 : memref<10000x128xf32, #tpu.memory_space<hbm>>) target(%arg21 : memref<48x128xf32, #tpu.memory_space<vmem>>) offsets(%arg11 : memref<48xi32, #tpu.memory_space<vmem>>) semaphore(%arg27 : memref<!tpu.dma_semaphore, #tpu.memory_space<semaphore_mem>>)
        %dma_start3A_313 = arith.constant 0 : i32
        %dma_start3A_314 = arith.constant 0 : i32
        %dma_start3A_315 = tpu.memref_slice %arg4[%dma_start3A_313, %dma_start3A_314] : memref<10000x128xi32, #tpu.memory_space<hbm>> -> memref<10000x128xi32, #tpu.memory_space<hbm>>
        tpu.enqueue_indirect_dma source(%dma_start3A_315 : memref<10000x128xi32, #tpu.memory_space<hbm>>) target(%arg22 : memref<48x128xi32, #tpu.memory_space<vmem>>) offsets(%arg10 : memref<48xi32, #tpu.memory_space<vmem>>) semaphore(%arg27 : memref<!tpu.dma_semaphore, #tpu.memory_space<semaphore_mem>>)
        %dma_start3A_316 = arith.constant 0 : i32
        %dma_start3A_317 = tpu.memref_slice %arg5[%add3A_307, %dma_start3A_316] : memref<320000x128xi32, #tpu.memory_space<hbm>> -> memref<48x128xi32, #tpu.memory_space<hbm>>
        %dma_start3A_318 = arith.constant 0 : i32
        %dma_start3A_319 = tpu.memref_slice %arg5[%add3A_307, %dma_start3A_318] : memref<320000x128xi32, #tpu.memory_space<hbm>> -> memref<48x128xi32, #tpu.memory_space<hbm>>
        tpu.enqueue_dma source(%dma_start3A_319 : memref<48x128xi32, #tpu.memory_space<hbm>>) target(%arg23 : memref<48x128xi32, #tpu.memory_space<vmem>>) target_semaphore(%arg27 : memref<!tpu.dma_semaphore, #tpu.memory_space<semaphore_mem>>)
      } else {
      }
      %scan3A_305 = arith.constant 0 : i32
      scf.yield %scan3A_305 : i32
    }
    %scan3A_97 = arith.constant 52 : i32
    %dma_wait3A = arith.constant 0 : i32
    %dma_wait3A_98 = arith.constant 0 : i32
    %dma_wait3A_99 = tpu.memref_slice %arg7[%dma_wait3A, %dma_wait3A_98] : memref<10000x128xf32, #tpu.memory_space<vmem_shared>> -> memref<10000x128xf32, #tpu.memory_space<vmem_shared>>
    tpu.wait_indirect_dma semaphore(%arg28 : memref<!tpu.dma_semaphore, #tpu.memory_space<semaphore_mem>>) src(%arg24 : memref<48x128xf32, #tpu.memory_space<vmem>>) dst(%dma_wait3A_99 : memref<10000x128xf32, #tpu.memory_space<vmem_shared>>)
    %dma_wait3A_100 = arith.constant 0 : i32
    %dma_wait3A_101 = arith.constant 0 : i32
    %dma_wait3A_102 = tpu.memref_slice %arg7[%dma_wait3A_100, %dma_wait3A_101] : memref<10000x128xf32, #tpu.memory_space<vmem_shared>> -> memref<10000x128xf32, #tpu.memory_space<vmem_shared>>
    tpu.wait_indirect_dma semaphore(%arg29 : memref<!tpu.dma_semaphore, #tpu.memory_space<semaphore_mem>>) src(%arg25 : memref<48x128xf32, #tpu.memory_space<vmem>>) dst(%dma_wait3A_102 : memref<10000x128xf32, #tpu.memory_space<vmem_shared>>)
    %add3A_103 = arith.constant 9984 : i32
    %add3A_104 = arith.addi %add3A_63, %add3A_103 : i32
    "tpu.region"() ({
      %run_scoped3A = tpu.sem_alloc : memref<!tpu.dma_semaphore, #tpu.memory_space<semaphore_mem>>
      %dma_start3A_163 = tpu.memref_slice %arg2[%add3A_104] : memref<640000xi32, #tpu.memory_space<hbm>> -> memref<16xi32, #tpu.memory_space<hbm>>
      %dma_start3A_164 = tpu.memref_slice %arg2[%add3A_104] : memref<640000xi32, #tpu.memory_space<hbm>> -> memref<16xi32, #tpu.memory_space<hbm>>
      tpu.enqueue_dma source(%dma_start3A_164 : memref<16xi32, #tpu.memory_space<hbm>>) target(%arg16 : memref<16xi32, #tpu.memory_space<vmem>>) target_semaphore(%run_scoped3A : memref<!tpu.dma_semaphore, #tpu.memory_space<semaphore_mem>>)
      %dma_wait3A_165 = tpu.memref_slice %arg2[%add3A_104] : memref<640000xi32, #tpu.memory_space<hbm>> -> memref<16xi32, #tpu.memory_space<hbm>>
      %dma_wait3A_166 = tpu.memref_slice %arg2[%add3A_104] : memref<640000xi32, #tpu.memory_space<hbm>> -> memref<16xi32, #tpu.memory_space<hbm>>
      tpu.wait_dma2 semaphore(%run_scoped3A : memref<!tpu.dma_semaphore, #tpu.memory_space<semaphore_mem>>) src(%dma_wait3A_166 : memref<16xi32, #tpu.memory_space<hbm>>) dst(%arg16 : memref<16xi32, #tpu.memory_space<vmem>>)
      tpu.yield
    }) : () -> ()
    %add3A_105 = arith.constant 320000 : i32
    %add3A_106 = arith.addi %add3A_105, %add3A_104 : i32
    "tpu.region"() ({
      %run_scoped3A = tpu.sem_alloc : memref<!tpu.dma_semaphore, #tpu.memory_space<semaphore_mem>>
      %dma_start3A_163 = tpu.memref_slice %arg2[%add3A_106] : memref<640000xi32, #tpu.memory_space<hbm>> -> memref<16xi32, #tpu.memory_space<hbm>>
      %dma_start3A_164 = tpu.memref_slice %arg2[%add3A_106] : memref<640000xi32, #tpu.memory_space<hbm>> -> memref<16xi32, #tpu.memory_space<hbm>>
      tpu.enqueue_dma source(%dma_start3A_164 : memref<16xi32, #tpu.memory_space<hbm>>) target(%arg17 : memref<16xi32, #tpu.memory_space<vmem>>) target_semaphore(%run_scoped3A : memref<!tpu.dma_semaphore, #tpu.memory_space<semaphore_mem>>)
      %dma_wait3A_165 = tpu.memref_slice %arg2[%add3A_106] : memref<640000xi32, #tpu.memory_space<hbm>> -> memref<16xi32, #tpu.memory_space<hbm>>
      %dma_wait3A_166 = tpu.memref_slice %arg2[%add3A_106] : memref<640000xi32, #tpu.memory_space<hbm>> -> memref<16xi32, #tpu.memory_space<hbm>>
      tpu.wait_dma2 semaphore(%run_scoped3A : memref<!tpu.dma_semaphore, #tpu.memory_space<semaphore_mem>>) src(%dma_wait3A_166 : memref<16xi32, #tpu.memory_space<hbm>>) dst(%arg17 : memref<16xi32, #tpu.memory_space<vmem>>)
      tpu.yield
    }) : () -> ()
    %dma_start3A_107 = arith.constant 0 : i32
    %dma_start3A_108 = arith.constant 0 : i32
    %dma_start3A_109 = tpu.memref_slice %arg18[%dma_start3A_107, %dma_start3A_108] : memref<48x128xf32, #tpu.memory_space<vmem>> -> memref<16x128xf32, #tpu.memory_space<vmem>>
    %dma_start3A_110 = arith.constant 0 : i32
    %dma_start3A_111 = arith.constant 0 : i32
    %dma_start3A_112 = tpu.memref_slice %arg3[%dma_start3A_110, %dma_start3A_111] : memref<10000x128xf32, #tpu.memory_space<hbm>> -> memref<10000x128xf32, #tpu.memory_space<hbm>>
    tpu.enqueue_indirect_dma source(%dma_start3A_112 : memref<10000x128xf32, #tpu.memory_space<hbm>>) target(%dma_start3A_109 : memref<16x128xf32, #tpu.memory_space<vmem>>) offsets(%arg17 : memref<16xi32, #tpu.memory_space<vmem>>) semaphore(%arg26 : memref<!tpu.dma_semaphore, #tpu.memory_space<semaphore_mem>>)
    %dma_start3A_113 = arith.constant 0 : i32
    %dma_start3A_114 = arith.constant 0 : i32
    %dma_start3A_115 = tpu.memref_slice %arg19[%dma_start3A_113, %dma_start3A_114] : memref<48x128xi32, #tpu.memory_space<vmem>> -> memref<16x128xi32, #tpu.memory_space<vmem>>
    %dma_start3A_116 = arith.constant 0 : i32
    %dma_start3A_117 = arith.constant 0 : i32
    %dma_start3A_118 = tpu.memref_slice %arg4[%dma_start3A_116, %dma_start3A_117] : memref<10000x128xi32, #tpu.memory_space<hbm>> -> memref<10000x128xi32, #tpu.memory_space<hbm>>
    tpu.enqueue_indirect_dma source(%dma_start3A_118 : memref<10000x128xi32, #tpu.memory_space<hbm>>) target(%dma_start3A_115 : memref<16x128xi32, #tpu.memory_space<vmem>>) offsets(%arg16 : memref<16xi32, #tpu.memory_space<vmem>>) semaphore(%arg26 : memref<!tpu.dma_semaphore, #tpu.memory_space<semaphore_mem>>)
    %dma_start3A_119 = arith.constant 0 : i32
    %dma_start3A_120 = arith.constant 0 : i32
    %dma_start3A_121 = tpu.memref_slice %arg20[%dma_start3A_119, %dma_start3A_120] : memref<48x128xi32, #tpu.memory_space<vmem>> -> memref<16x128xi32, #tpu.memory_space<vmem>>
    %dma_start3A_122 = arith.constant 0 : i32
    %dma_start3A_123 = tpu.memref_slice %arg5[%add3A_104, %dma_start3A_122] : memref<320000x128xi32, #tpu.memory_space<hbm>> -> memref<16x128xi32, #tpu.memory_space<hbm>>
    %dma_start3A_124 = arith.constant 0 : i32
    %dma_start3A_125 = arith.constant 0 : i32
    %dma_start3A_126 = tpu.memref_slice %arg20[%dma_start3A_124, %dma_start3A_125] : memref<48x128xi32, #tpu.memory_space<vmem>> -> memref<16x128xi32, #tpu.memory_space<vmem>>
    %dma_start3A_127 = arith.constant 0 : i32
    %dma_start3A_128 = tpu.memref_slice %arg5[%add3A_104, %dma_start3A_127] : memref<320000x128xi32, #tpu.memory_space<hbm>> -> memref<16x128xi32, #tpu.memory_space<hbm>>
    tpu.enqueue_dma source(%dma_start3A_128 : memref<16x128xi32, #tpu.memory_space<hbm>>) target(%dma_start3A_126 : memref<16x128xi32, #tpu.memory_space<vmem>>) target_semaphore(%arg26 : memref<!tpu.dma_semaphore, #tpu.memory_space<semaphore_mem>>)
    %dma_wait3A_129 = arith.constant 0 : i32
    %dma_wait3A_130 = arith.constant 0 : i32
    %dma_wait3A_131 = tpu.memref_slice %arg18[%dma_wait3A_129, %dma_wait3A_130] : memref<48x128xf32, #tpu.memory_space<vmem>> -> memref<16x128xf32, #tpu.memory_space<vmem>>
    %dma_wait3A_132 = arith.constant 0 : i32
    %dma_wait3A_133 = arith.constant 0 : i32
    %dma_wait3A_134 = tpu.memref_slice %arg3[%dma_wait3A_132, %dma_wait3A_133] : memref<10000x128xf32, #tpu.memory_space<hbm>> -> memref<10000x128xf32, #tpu.memory_space<hbm>>
    tpu.wait_indirect_dma semaphore(%arg26 : memref<!tpu.dma_semaphore, #tpu.memory_space<semaphore_mem>>) src(%dma_wait3A_134 : memref<10000x128xf32, #tpu.memory_space<hbm>>) dst(%dma_wait3A_131 : memref<16x128xf32, #tpu.memory_space<vmem>>)
    %dma_wait3A_135 = arith.constant 0 : i32
    %dma_wait3A_136 = arith.constant 0 : i32
    %dma_wait3A_137 = tpu.memref_slice %arg19[%dma_wait3A_135, %dma_wait3A_136] : memref<48x128xi32, #tpu.memory_space<vmem>> -> memref<16x128xi32, #tpu.memory_space<vmem>>
    %dma_wait3A_138 = arith.constant 0 : i32
    %dma_wait3A_139 = arith.constant 0 : i32
    %dma_wait3A_140 = tpu.memref_slice %arg4[%dma_wait3A_138, %dma_wait3A_139] : memref<10000x128xi32, #tpu.memory_space<hbm>> -> memref<10000x128xi32, #tpu.memory_space<hbm>>
    tpu.wait_indirect_dma semaphore(%arg26 : memref<!tpu.dma_semaphore, #tpu.memory_space<semaphore_mem>>) src(%dma_wait3A_140 : memref<10000x128xi32, #tpu.memory_space<hbm>>) dst(%dma_wait3A_137 : memref<16x128xi32, #tpu.memory_space<vmem>>)
    %dma_wait3A_141 = arith.constant 0 : i32
    %dma_wait3A_142 = arith.constant 0 : i32
    %dma_wait3A_143 = tpu.memref_slice %arg20[%dma_wait3A_141, %dma_wait3A_142] : memref<48x128xi32, #tpu.memory_space<vmem>> -> memref<16x128xi32, #tpu.memory_space<vmem>>
    %dma_wait3A_144 = arith.constant 0 : i32
    %dma_wait3A_145 = tpu.memref_slice %arg5[%add3A_104, %dma_wait3A_144] : memref<320000x128xi32, #tpu.memory_space<hbm>> -> memref<16x128xi32, #tpu.memory_space<hbm>>
    %dma_wait3A_146 = arith.constant 0 : i32
    %dma_wait3A_147 = arith.constant 0 : i32
    %dma_wait3A_148 = tpu.memref_slice %arg20[%dma_wait3A_146, %dma_wait3A_147] : memref<48x128xi32, #tpu.memory_space<vmem>> -> memref<16x128xi32, #tpu.memory_space<vmem>>
    %dma_wait3A_149 = arith.constant 0 : i32
    %dma_wait3A_150 = tpu.memref_slice %arg5[%add3A_104, %dma_wait3A_149] : memref<320000x128xi32, #tpu.memory_space<hbm>> -> memref<16x128xi32, #tpu.memory_space<hbm>>
    tpu.wait_dma2 semaphore(%arg26 : memref<!tpu.dma_semaphore, #tpu.memory_space<semaphore_mem>>) src(%dma_wait3A_150 : memref<16x128xi32, #tpu.memory_space<hbm>>) dst(%dma_wait3A_148 : memref<16x128xi32, #tpu.memory_space<vmem>>)
    %broadcast_in_dim3A_151 = arith.constant -65536 : i32
    %broadcast_in_dim3A_152 = vector.broadcast %broadcast_in_dim3A_151 : i32 to vector<16xi32>
    %parallel_loop3A = arith.constant 0 : i32
    %parallel_loop3A_153 = arith.constant 16 : i32
    %parallel_loop3A_154 = arith.constant 1 : i32
    scf.for %parallel_loop3A_163 = %parallel_loop3A to %parallel_loop3A_153 step %parallel_loop3A_154  : i32 {
      %parallel_loop3A_164 = arith.index_cast %parallel_loop3A_163 : i32 to index
      %parallel_loop3A_165 = arith.constant 0 : index
      %parallel_loop3A_166 = tpu.vector_load %arg20[%parallel_loop3A_164, %parallel_loop3A_165] {strides = array<i32>} : memref<48x128xi32, #tpu.memory_space<vmem>>, vector<1x16xi32>,
      %parallel_loop3A_167 = vector.shape_cast %parallel_loop3A_166 : vector<1x16xi32> to vector<16xi32>
      %parallel_loop3A_168 = arith.constant 16 : i32
      %parallel_loop3A_169 = vector.broadcast %parallel_loop3A_168 : i32 to vector<16xi32>
      %parallel_loop3A_170 = arith.shli %parallel_loop3A_167, %parallel_loop3A_169 : vector<16xi32>
      %parallel_loop3A_171 = tpu.bitcast %parallel_loop3A_170 : vector<16xi32> -> vector<16xf32>
      %parallel_loop3A_172 = arith.andi %parallel_loop3A_167, %broadcast_in_dim3A_152 : vector<16xi32>
      %parallel_loop3A_173 = tpu.bitcast %parallel_loop3A_172 : vector<16xi32> -> vector<16xf32>
      %parallel_loop3A_174 = arith.index_cast %parallel_loop3A_163 : i32 to index
      %parallel_loop3A_175 = arith.constant 0 : index
      %parallel_loop3A_176 = tpu.vector_load %arg19[%parallel_loop3A_174, %parallel_loop3A_175] {strides = array<i32>} : memref<48x128xi32, #tpu.memory_space<vmem>>, vector<1x16xi32>,
      %parallel_loop3A_177 = vector.shape_cast %parallel_loop3A_176 : vector<1x16xi32> to vector<16xi32>
      %parallel_loop3A_178 = arith.constant 16 : i32
      %parallel_loop3A_179 = vector.broadcast %parallel_loop3A_178 : i32 to vector<16xi32>
      %parallel_loop3A_180 = arith.shli %parallel_loop3A_177, %parallel_loop3A_179 : vector<16xi32>
      %parallel_loop3A_181 = tpu.bitcast %parallel_loop3A_180 : vector<16xi32> -> vector<16xf32>
      %parallel_loop3A_182 = arith.andi %parallel_loop3A_177, %broadcast_in_dim3A_152 : vector<16xi32>
      %parallel_loop3A_183 = tpu.bitcast %parallel_loop3A_182 : vector<16xi32> -> vector<16xf32>
      %parallel_loop3A_184 = arith.index_cast %parallel_loop3A_163 : i32 to index
      %parallel_loop3A_185 = arith.constant 0 : index
      %parallel_loop3A_186 = tpu.vector_load %arg18[%parallel_loop3A_184, %parallel_loop3A_185] {strides = array<i32>} : memref<48x128xf32, #tpu.memory_space<vmem>>, vector<1x16xf32>,
      %parallel_loop3A_187 = vector.shape_cast %parallel_loop3A_186 : vector<1x16xf32> to vector<16xf32>
      %parallel_loop3A_188 = arith.mulf %parallel_loop3A_187, %parallel_loop3A_181 : vector<16xf32>
      %parallel_loop3A_189 = arith.mulf %parallel_loop3A_188, %parallel_loop3A_171 : vector<16xf32>
      %parallel_loop3A_190 = arith.addf %broadcast_in_dim3A_0, %parallel_loop3A_189 : vector<16xf32>
      %parallel_loop3A_191 = arith.mulf %parallel_loop3A_183, %parallel_loop3A_173 : vector<16xf32>
      %parallel_loop3A_192 = arith.index_cast %parallel_loop3A_163 : i32 to index
      %parallel_loop3A_193 = arith.constant 16 : index
      %parallel_loop3A_194 = tpu.vector_load %arg20[%parallel_loop3A_192, %parallel_loop3A_193] {strides = array<i32>} : memref<48x128xi32, #tpu.memory_space<vmem>>, vector<1x16xi32>,
      %parallel_loop3A_195 = vector.shape_cast %parallel_loop3A_194 : vector<1x16xi32> to vector<16xi32>
      %parallel_loop3A_196 = arith.constant 16 : i32
      %parallel_loop3A_197 = vector.broadcast %parallel_loop3A_196 : i32 to vector<16xi32>
      %parallel_loop3A_198 = arith.shli %parallel_loop3A_195, %parallel_loop3A_197 : vector<16xi32>
      %parallel_loop3A_199 = tpu.bitcast %parallel_loop3A_198 : vector<16xi32> -> vector<16xf32>
      %parallel_loop3A_200 = arith.andi %parallel_loop3A_195, %broadcast_in_dim3A_152 : vector<16xi32>
      %parallel_loop3A_201 = tpu.bitcast %parallel_loop3A_200 : vector<16xi32> -> vector<16xf32>
      %parallel_loop3A_202 = arith.index_cast %parallel_loop3A_163 : i32 to index
      %parallel_loop3A_203 = arith.constant 16 : index
      %parallel_loop3A_204 = tpu.vector_load %arg19[%parallel_loop3A_202, %parallel_loop3A_203] {strides = array<i32>} : memref<48x128xi32, #tpu.memory_space<vmem>>, vector<1x16xi32>,
      %parallel_loop3A_205 = vector.shape_cast %parallel_loop3A_204 : vector<1x16xi32> to vector<16xi32>
      %parallel_loop3A_206 = arith.constant 16 : i32
      %parallel_loop3A_207 = vector.broadcast %parallel_loop3A_206 : i32 to vector<16xi32>
      %parallel_loop3A_208 = arith.shli %parallel_loop3A_205, %parallel_loop3A_207 : vector<16xi32>
      %parallel_loop3A_209 = tpu.bitcast %parallel_loop3A_208 : vector<16xi32> -> vector<16xf32>
      %parallel_loop3A_210 = arith.andi %parallel_loop3A_205, %broadcast_in_dim3A_152 : vector<16xi32>
      %parallel_loop3A_211 = tpu.bitcast %parallel_loop3A_210 : vector<16xi32> -> vector<16xf32>
      %parallel_loop3A_212 = arith.index_cast %parallel_loop3A_163 : i32 to index
      %parallel_loop3A_213 = arith.constant 16 : index
      %parallel_loop3A_214 = tpu.vector_load %arg18[%parallel_loop3A_212, %parallel_loop3A_213] {strides = array<i32>} : memref<48x128xf32, #tpu.memory_space<vmem>>, vector<1x16xf32>,
      %parallel_loop3A_215 = vector.shape_cast %parallel_loop3A_214 : vector<1x16xf32> to vector<16xf32>
      %parallel_loop3A_216 = arith.mulf %parallel_loop3A_215, %parallel_loop3A_209 : vector<16xf32>
      %parallel_loop3A_217 = arith.mulf %parallel_loop3A_216, %parallel_loop3A_199 : vector<16xf32>
      %parallel_loop3A_218 = arith.addf %parallel_loop3A_190, %parallel_loop3A_217 : vector<16xf32>
      %parallel_loop3A_219 = arith.mulf %parallel_loop3A_211, %parallel_loop3A_201 : vector<16xf32>
      %parallel_loop3A_220 = arith.index_cast %parallel_loop3A_163 : i32 to index
      %parallel_loop3A_221 = arith.constant 32 : index
      %parallel_loop3A_222 = tpu.vector_load %arg20[%parallel_loop3A_220, %parallel_loop3A_221] {strides = array<i32>} : memref<48x128xi32, #tpu.memory_space<vmem>>, vector<1x16xi32>,
      %parallel_loop3A_223 = vector.shape_cast %parallel_loop3A_222 : vector<1x16xi32> to vector<16xi32>
      %parallel_loop3A_224 = arith.constant 16 : i32
      %parallel_loop3A_225 = vector.broadcast %parallel_loop3A_224 : i32 to vector<16xi32>
      %parallel_loop3A_226 = arith.shli %parallel_loop3A_223, %parallel_loop3A_225 : vector<16xi32>
      %parallel_loop3A_227 = tpu.bitcast %parallel_loop3A_226 : vector<16xi32> -> vector<16xf32>
      %parallel_loop3A_228 = arith.andi %parallel_loop3A_223, %broadcast_in_dim3A_152 : vector<16xi32>
      %parallel_loop3A_229 = tpu.bitcast %parallel_loop3A_228 : vector<16xi32> -> vector<16xf32>
      %parallel_loop3A_230 = arith.index_cast %parallel_loop3A_163 : i32 to index
      %parallel_loop3A_231 = arith.constant 32 : index
      %parallel_loop3A_232 = tpu.vector_load %arg19[%parallel_loop3A_230, %parallel_loop3A_231] {strides = array<i32>} : memref<48x128xi32, #tpu.memory_space<vmem>>, vector<1x16xi32>,
      %parallel_loop3A_233 = vector.shape_cast %parallel_loop3A_232 : vector<1x16xi32> to vector<16xi32>
      %parallel_loop3A_234 = arith.constant 16 : i32
      %parallel_loop3A_235 = vector.broadcast %parallel_loop3A_234 : i32 to vector<16xi32>
      %parallel_loop3A_236 = arith.shli %parallel_loop3A_233, %parallel_loop3A_235 : vector<16xi32>
      %parallel_loop3A_237 = tpu.bitcast %parallel_loop3A_236 : vector<16xi32> -> vector<16xf32>
      %parallel_loop3A_238 = arith.andi %parallel_loop3A_233, %broadcast_in_dim3A_152 : vector<16xi32>
      %parallel_loop3A_239 = tpu.bitcast %parallel_loop3A_238 : vector<16xi32> -> vector<16xf32>
      %parallel_loop3A_240 = arith.index_cast %parallel_loop3A_163 : i32 to index
      %parallel_loop3A_241 = arith.constant 32 : index
      %parallel_loop3A_242 = tpu.vector_load %arg18[%parallel_loop3A_240, %parallel_loop3A_241] {strides = array<i32>} : memref<48x128xf32, #tpu.memory_space<vmem>>, vector<1x16xf32>,
      %parallel_loop3A_243 = vector.shape_cast %parallel_loop3A_242 : vector<1x16xf32> to vector<16xf32>
      %parallel_loop3A_244 = arith.mulf %parallel_loop3A_243, %parallel_loop3A_237 : vector<16xf32>
      %parallel_loop3A_245 = arith.mulf %parallel_loop3A_244, %parallel_loop3A_227 : vector<16xf32>
      %parallel_loop3A_246 = arith.addf %parallel_loop3A_218, %parallel_loop3A_245 : vector<16xf32>
      %parallel_loop3A_247 = arith.mulf %parallel_loop3A_239, %parallel_loop3A_229 : vector<16xf32>
      %parallel_loop3A_248 = arith.index_cast %parallel_loop3A_163 : i32 to index
      %parallel_loop3A_249 = arith.constant 48 : index
      %parallel_loop3A_250 = tpu.vector_load %arg20[%parallel_loop3A_248, %parallel_loop3A_249] {strides = array<i32>} : memref<48x128xi32, #tpu.memory_space<vmem>>, vector<1x16xi32>,
      %parallel_loop3A_251 = vector.shape_cast %parallel_loop3A_250 : vector<1x16xi32> to vector<16xi32>
      %parallel_loop3A_252 = arith.constant 16 : i32
      %parallel_loop3A_253 = vector.broadcast %parallel_loop3A_252 : i32 to vector<16xi32>
      %parallel_loop3A_254 = arith.shli %parallel_loop3A_251, %parallel_loop3A_253 : vector<16xi32>
      %parallel_loop3A_255 = tpu.bitcast %parallel_loop3A_254 : vector<16xi32> -> vector<16xf32>
      %parallel_loop3A_256 = arith.andi %parallel_loop3A_251, %broadcast_in_dim3A_152 : vector<16xi32>
      %parallel_loop3A_257 = tpu.bitcast %parallel_loop3A_256 : vector<16xi32> -> vector<16xf32>
      %parallel_loop3A_258 = arith.index_cast %parallel_loop3A_163 : i32 to index
      %parallel_loop3A_259 = arith.constant 48 : index
      %parallel_loop3A_260 = tpu.vector_load %arg19[%parallel_loop3A_258, %parallel_loop3A_259] {strides = array<i32>} : memref<48x128xi32, #tpu.memory_space<vmem>>, vector<1x16xi32>,
      %parallel_loop3A_261 = vector.shape_cast %parallel_loop3A_260 : vector<1x16xi32> to vector<16xi32>
      %parallel_loop3A_262 = arith.constant 16 : i32
      %parallel_loop3A_263 = vector.broadcast %parallel_loop3A_262 : i32 to vector<16xi32>
      %parallel_loop3A_264 = arith.shli %parallel_loop3A_261, %parallel_loop3A_263 : vector<16xi32>
      %parallel_loop3A_265 = tpu.bitcast %parallel_loop3A_264 : vector<16xi32> -> vector<16xf32>
      %parallel_loop3A_266 = arith.andi %parallel_loop3A_261, %broadcast_in_dim3A_152 : vector<16xi32>
      %parallel_loop3A_267 = tpu.bitcast %parallel_loop3A_266 : vector<16xi32> -> vector<16xf32>
      %parallel_loop3A_268 = arith.index_cast %parallel_loop3A_163 : i32 to index
      %parallel_loop3A_269 = arith.constant 48 : index
      %parallel_loop3A_270 = tpu.vector_load %arg18[%parallel_loop3A_268, %parallel_loop3A_269] {strides = array<i32>} : memref<48x128xf32, #tpu.memory_space<vmem>>, vector<1x16xf32>,
      %parallel_loop3A_271 = vector.shape_cast %parallel_loop3A_270 : vector<1x16xf32> to vector<16xf32>
      %parallel_loop3A_272 = arith.mulf %parallel_loop3A_271, %parallel_loop3A_265 : vector<16xf32>
      %parallel_loop3A_273 = arith.mulf %parallel_loop3A_272, %parallel_loop3A_255 : vector<16xf32>
      %parallel_loop3A_274 = arith.addf %parallel_loop3A_246, %parallel_loop3A_273 : vector<16xf32>
      %parallel_loop3A_275 = arith.mulf %parallel_loop3A_267, %parallel_loop3A_257 : vector<16xf32>
      %parallel_loop3A_276 = arith.index_cast %parallel_loop3A_163 : i32 to index
      %parallel_loop3A_277 = arith.constant 64 : index
      %parallel_loop3A_278 = tpu.vector_load %arg20[%parallel_loop3A_276, %parallel_loop3A_277] {strides = array<i32>} : memref<48x128xi32, #tpu.memory_space<vmem>>, vector<1x16xi32>,
      %parallel_loop3A_279 = vector.shape_cast %parallel_loop3A_278 : vector<1x16xi32> to vector<16xi32>
      %parallel_loop3A_280 = arith.constant 16 : i32
      %parallel_loop3A_281 = vector.broadcast %parallel_loop3A_280 : i32 to vector<16xi32>
      %parallel_loop3A_282 = arith.shli %parallel_loop3A_279, %parallel_loop3A_281 : vector<16xi32>
      %parallel_loop3A_283 = tpu.bitcast %parallel_loop3A_282 : vector<16xi32> -> vector<16xf32>
      %parallel_loop3A_284 = arith.andi %parallel_loop3A_279, %broadcast_in_dim3A_152 : vector<16xi32>
      %parallel_loop3A_285 = tpu.bitcast %parallel_loop3A_284 : vector<16xi32> -> vector<16xf32>
      %parallel_loop3A_286 = arith.index_cast %parallel_loop3A_163 : i32 to index
      %parallel_loop3A_287 = arith.constant 64 : index
      %parallel_loop3A_288 = tpu.vector_load %arg19[%parallel_loop3A_286, %parallel_loop3A_287] {strides = array<i32>} : memref<48x128xi32, #tpu.memory_space<vmem>>, vector<1x16xi32>,
      %parallel_loop3A_289 = vector.shape_cast %parallel_loop3A_288 : vector<1x16xi32> to vector<16xi32>
      %parallel_loop3A_290 = arith.constant 16 : i32
      %parallel_loop3A_291 = vector.broadcast %parallel_loop3A_290 : i32 to vector<16xi32>
      %parallel_loop3A_292 = arith.shli %parallel_loop3A_289, %parallel_loop3A_291 : vector<16xi32>
      %parallel_loop3A_293 = tpu.bitcast %parallel_loop3A_292 : vector<16xi32> -> vector<16xf32>
      %parallel_loop3A_294 = arith.andi %parallel_loop3A_289, %broadcast_in_dim3A_152 : vector<16xi32>
      %parallel_loop3A_295 = tpu.bitcast %parallel_loop3A_294 : vector<16xi32> -> vector<16xf32>
      %parallel_loop3A_296 = arith.index_cast %parallel_loop3A_163 : i32 to index
      %parallel_loop3A_297 = arith.constant 64 : index
      %parallel_loop3A_298 = tpu.vector_load %arg18[%parallel_loop3A_296, %parallel_loop3A_297] {strides = array<i32>} : memref<48x128xf32, #tpu.memory_space<vmem>>, vector<1x16xf32>,
      %parallel_loop3A_299 = vector.shape_cast %parallel_loop3A_298 : vector<1x16xf32> to vector<16xf32>
      %parallel_loop3A_300 = arith.mulf %parallel_loop3A_299, %parallel_loop3A_293 : vector<16xf32>
      %parallel_loop3A_301 = arith.mulf %parallel_loop3A_300, %parallel_loop3A_283 : vector<16xf32>
      %parallel_loop3A_302 = arith.addf %parallel_loop3A_274, %parallel_loop3A_301 : vector<16xf32>
      %parallel_loop3A_303 = arith.mulf %parallel_loop3A_295, %parallel_loop3A_285 : vector<16xf32>
      %parallel_loop3A_304 = arith.index_cast %parallel_loop3A_163 : i32 to index
      %parallel_loop3A_305 = arith.constant 80 : index
      %parallel_loop3A_306 = tpu.vector_load %arg20[%parallel_loop3A_304, %parallel_loop3A_305] {strides = array<i32>} : memref<48x128xi32, #tpu.memory_space<vmem>>, vector<1x16xi32>,
      %parallel_loop3A_307 = vector.shape_cast %parallel_loop3A_306 : vector<1x16xi32> to vector<16xi32>
      %parallel_loop3A_308 = arith.constant 16 : i32
      %parallel_loop3A_309 = vector.broadcast %parallel_loop3A_308 : i32 to vector<16xi32>
      %parallel_loop3A_310 = arith.shli %parallel_loop3A_307, %parallel_loop3A_309 : vector<16xi32>
      %parallel_loop3A_311 = tpu.bitcast %parallel_loop3A_310 : vector<16xi32> -> vector<16xf32>
      %parallel_loop3A_312 = arith.andi %parallel_loop3A_307, %broadcast_in_dim3A_152 : vector<16xi32>
      %parallel_loop3A_313 = tpu.bitcast %parallel_loop3A_312 : vector<16xi32> -> vector<16xf32>
      %parallel_loop3A_314 = arith.index_cast %parallel_loop3A_163 : i32 to index
      %parallel_loop3A_315 = arith.constant 80 : index
      %parallel_loop3A_316 = tpu.vector_load %arg19[%parallel_loop3A_314, %parallel_loop3A_315] {strides = array<i32>} : memref<48x128xi32, #tpu.memory_space<vmem>>, vector<1x16xi32>,
      %parallel_loop3A_317 = vector.shape_cast %parallel_loop3A_316 : vector<1x16xi32> to vector<16xi32>
      %parallel_loop3A_318 = arith.constant 16 : i32
      %parallel_loop3A_319 = vector.broadcast %parallel_loop3A_318 : i32 to vector<16xi32>
      %parallel_loop3A_320 = arith.shli %parallel_loop3A_317, %parallel_loop3A_319 : vector<16xi32>
      %parallel_loop3A_321 = tpu.bitcast %parallel_loop3A_320 : vector<16xi32> -> vector<16xf32>
      %parallel_loop3A_322 = arith.andi %parallel_loop3A_317, %broadcast_in_dim3A_152 : vector<16xi32>
      %parallel_loop3A_323 = tpu.bitcast %parallel_loop3A_322 : vector<16xi32> -> vector<16xf32>
      %parallel_loop3A_324 = arith.index_cast %parallel_loop3A_163 : i32 to index
      %parallel_loop3A_325 = arith.constant 80 : index
      %parallel_loop3A_326 = tpu.vector_load %arg18[%parallel_loop3A_324, %parallel_loop3A_325] {strides = array<i32>} : memref<48x128xf32, #tpu.memory_space<vmem>>, vector<1x16xf32>,
      %parallel_loop3A_327 = vector.shape_cast %parallel_loop3A_326 : vector<1x16xf32> to vector<16xf32>
      %parallel_loop3A_328 = arith.mulf %parallel_loop3A_327, %parallel_loop3A_321 : vector<16xf32>
      %parallel_loop3A_329 = arith.mulf %parallel_loop3A_328, %parallel_loop3A_311 : vector<16xf32>
      %parallel_loop3A_330 = arith.addf %parallel_loop3A_302, %parallel_loop3A_329 : vector<16xf32>
      %parallel_loop3A_331 = arith.mulf %parallel_loop3A_323, %parallel_loop3A_313 : vector<16xf32>
      %parallel_loop3A_332 = arith.index_cast %parallel_loop3A_163 : i32 to index
      %parallel_loop3A_333 = arith.constant 96 : index
      %parallel_loop3A_334 = tpu.vector_load %arg20[%parallel_loop3A_332, %parallel_loop3A_333] {strides = array<i32>} : memref<48x128xi32, #tpu.memory_space<vmem>>, vector<1x16xi32>,
      %parallel_loop3A_335 = vector.shape_cast %parallel_loop3A_334 : vector<1x16xi32> to vector<16xi32>
      %parallel_loop3A_336 = arith.constant 16 : i32
      %parallel_loop3A_337 = vector.broadcast %parallel_loop3A_336 : i32 to vector<16xi32>
      %parallel_loop3A_338 = arith.shli %parallel_loop3A_335, %parallel_loop3A_337 : vector<16xi32>
      %parallel_loop3A_339 = tpu.bitcast %parallel_loop3A_338 : vector<16xi32> -> vector<16xf32>
      %parallel_loop3A_340 = arith.andi %parallel_loop3A_335, %broadcast_in_dim3A_152 : vector<16xi32>
      %parallel_loop3A_341 = tpu.bitcast %parallel_loop3A_340 : vector<16xi32> -> vector<16xf32>
      %parallel_loop3A_342 = arith.index_cast %parallel_loop3A_163 : i32 to index
      %parallel_loop3A_343 = arith.constant 96 : index
      %parallel_loop3A_344 = tpu.vector_load %arg19[%parallel_loop3A_342, %parallel_loop3A_343] {strides = array<i32>} : memref<48x128xi32, #tpu.memory_space<vmem>>, vector<1x16xi32>,
      %parallel_loop3A_345 = vector.shape_cast %parallel_loop3A_344 : vector<1x16xi32> to vector<16xi32>
      %parallel_loop3A_346 = arith.constant 16 : i32
      %parallel_loop3A_347 = vector.broadcast %parallel_loop3A_346 : i32 to vector<16xi32>
      %parallel_loop3A_348 = arith.shli %parallel_loop3A_345, %parallel_loop3A_347 : vector<16xi32>
      %parallel_loop3A_349 = tpu.bitcast %parallel_loop3A_348 : vector<16xi32> -> vector<16xf32>
      %parallel_loop3A_350 = arith.andi %parallel_loop3A_345, %broadcast_in_dim3A_152 : vector<16xi32>
      %parallel_loop3A_351 = tpu.bitcast %parallel_loop3A_350 : vector<16xi32> -> vector<16xf32>
      %parallel_loop3A_352 = arith.index_cast %parallel_loop3A_163 : i32 to index
      %parallel_loop3A_353 = arith.constant 96 : index
      %parallel_loop3A_354 = tpu.vector_load %arg18[%parallel_loop3A_352, %parallel_loop3A_353] {strides = array<i32>} : memref<48x128xf32, #tpu.memory_space<vmem>>, vector<1x16xf32>,
      %parallel_loop3A_355 = vector.shape_cast %parallel_loop3A_354 : vector<1x16xf32> to vector<16xf32>
      %parallel_loop3A_356 = arith.mulf %parallel_loop3A_355, %parallel_loop3A_349 : vector<16xf32>
      %parallel_loop3A_357 = arith.mulf %parallel_loop3A_356, %parallel_loop3A_339 : vector<16xf32>
      %parallel_loop3A_358 = arith.addf %parallel_loop3A_330, %parallel_loop3A_357 : vector<16xf32>
      %parallel_loop3A_359 = arith.mulf %parallel_loop3A_351, %parallel_loop3A_341 : vector<16xf32>
      %parallel_loop3A_360 = arith.index_cast %parallel_loop3A_163 : i32 to index
      %parallel_loop3A_361 = arith.constant 112 : index
      %parallel_loop3A_362 = tpu.vector_load %arg20[%parallel_loop3A_360, %parallel_loop3A_361] {strides = array<i32>} : memref<48x128xi32, #tpu.memory_space<vmem>>, vector<1x16xi32>,
      %parallel_loop3A_363 = vector.shape_cast %parallel_loop3A_362 : vector<1x16xi32> to vector<16xi32>
      %parallel_loop3A_364 = arith.constant 16 : i32
      %parallel_loop3A_365 = vector.broadcast %parallel_loop3A_364 : i32 to vector<16xi32>
      %parallel_loop3A_366 = arith.shli %parallel_loop3A_363, %parallel_loop3A_365 : vector<16xi32>
      %parallel_loop3A_367 = tpu.bitcast %parallel_loop3A_366 : vector<16xi32> -> vector<16xf32>
      %parallel_loop3A_368 = arith.andi %parallel_loop3A_363, %broadcast_in_dim3A_152 : vector<16xi32>
      %parallel_loop3A_369 = tpu.bitcast %parallel_loop3A_368 : vector<16xi32> -> vector<16xf32>
      %parallel_loop3A_370 = arith.index_cast %parallel_loop3A_163 : i32 to index
      %parallel_loop3A_371 = arith.constant 112 : index
      %parallel_loop3A_372 = tpu.vector_load %arg19[%parallel_loop3A_370, %parallel_loop3A_371] {strides = array<i32>} : memref<48x128xi32, #tpu.memory_space<vmem>>, vector<1x16xi32>,
      %parallel_loop3A_373 = vector.shape_cast %parallel_loop3A_372 : vector<1x16xi32> to vector<16xi32>
      %parallel_loop3A_374 = arith.constant 16 : i32
      %parallel_loop3A_375 = vector.broadcast %parallel_loop3A_374 : i32 to vector<16xi32>
      %parallel_loop3A_376 = arith.shli %parallel_loop3A_373, %parallel_loop3A_375 : vector<16xi32>
      %parallel_loop3A_377 = tpu.bitcast %parallel_loop3A_376 : vector<16xi32> -> vector<16xf32>
      %parallel_loop3A_378 = arith.andi %parallel_loop3A_373, %broadcast_in_dim3A_152 : vector<16xi32>
      %parallel_loop3A_379 = tpu.bitcast %parallel_loop3A_378 : vector<16xi32> -> vector<16xf32>
      %parallel_loop3A_380 = arith.index_cast %parallel_loop3A_163 : i32 to index
      %parallel_loop3A_381 = arith.constant 112 : index
      %parallel_loop3A_382 = tpu.vector_load %arg18[%parallel_loop3A_380, %parallel_loop3A_381] {strides = array<i32>} : memref<48x128xf32, #tpu.memory_space<vmem>>, vector<1x16xf32>,
      %parallel_loop3A_383 = vector.shape_cast %parallel_loop3A_382 : vector<1x16xf32> to vector<16xf32>
      %parallel_loop3A_384 = arith.mulf %parallel_loop3A_383, %parallel_loop3A_377 : vector<16xf32>
      %parallel_loop3A_385 = arith.mulf %parallel_loop3A_384, %parallel_loop3A_367 : vector<16xf32>
      %parallel_loop3A_386 = arith.addf %parallel_loop3A_358, %parallel_loop3A_385 : vector<16xf32>
      %parallel_loop3A_387 = arith.mulf %parallel_loop3A_379, %parallel_loop3A_369 : vector<16xf32>
      %parallel_loop3A_388 = arith.constant 8 : i32
      %parallel_loop3A_389 = vector.broadcast %parallel_loop3A_388 : i32 to vector<16xi32>
      %parallel_loop3A_390 = arith.xori %iota3A, %parallel_loop3A_389 : vector<16xi32>
      %parallel_loop3A_391 = vector.shape_cast %parallel_loop3A_390 : vector<16xi32> to vector<16x1xi32>
      %parallel_loop3A_392 = vector.shape_cast %parallel_loop3A_391 : vector<16x1xi32> to vector<16xi32>
      %parallel_loop3A_393 = tpu.dynamic_gather %parallel_loop3A_386[%parallel_loop3A_392] in [0] : vector<16xf32>, vector<16xi32> -> vector<16xf32>
      %parallel_loop3A_394 = arith.addf %parallel_loop3A_386, %parallel_loop3A_393 : vector<16xf32>
      %parallel_loop3A_395 = arith.constant 4 : i32
      %parallel_loop3A_396 = vector.broadcast %parallel_loop3A_395 : i32 to vector<16xi32>
      %parallel_loop3A_397 = arith.xori %iota3A, %parallel_loop3A_396 : vector<16xi32>
      %parallel_loop3A_398 = vector.shape_cast %parallel_loop3A_397 : vector<16xi32> to vector<16x1xi32>
      %parallel_loop3A_399 = vector.shape_cast %parallel_loop3A_398 : vector<16x1xi32> to vector<16xi32>
      %parallel_loop3A_400 = tpu.dynamic_gather %parallel_loop3A_394[%parallel_loop3A_399] in [0] : vector<16xf32>, vector<16xi32> -> vector<16xf32>
      %parallel_loop3A_401 = arith.addf %parallel_loop3A_394, %parallel_loop3A_400 : vector<16xf32>
      %parallel_loop3A_402 = arith.constant 2 : i32
      %parallel_loop3A_403 = vector.broadcast %parallel_loop3A_402 : i32 to vector<16xi32>
      %parallel_loop3A_404 = arith.xori %iota3A, %parallel_loop3A_403 : vector<16xi32>
      %parallel_loop3A_405 = vector.shape_cast %parallel_loop3A_404 : vector<16xi32> to vector<16x1xi32>
      %parallel_loop3A_406 = vector.shape_cast %parallel_loop3A_405 : vector<16x1xi32> to vector<16xi32>
      %parallel_loop3A_407 = tpu.dynamic_gather %parallel_loop3A_401[%parallel_loop3A_406] in [0] : vector<16xf32>, vector<16xi32> -> vector<16xf32>
      %parallel_loop3A_408 = arith.addf %parallel_loop3A_401, %parallel_loop3A_407 : vector<16xf32>
      %parallel_loop3A_409 = arith.constant 1 : i32
      %parallel_loop3A_410 = vector.broadcast %parallel_loop3A_409 : i32 to vector<16xi32>
      %parallel_loop3A_411 = arith.xori %iota3A, %parallel_loop3A_410 : vector<16xi32>
      %parallel_loop3A_412 = vector.shape_cast %parallel_loop3A_411 : vector<16xi32> to vector<16x1xi32>
      %parallel_loop3A_413 = vector.shape_cast %parallel_loop3A_412 : vector<16x1xi32> to vector<16xi32>
      %parallel_loop3A_414 = tpu.dynamic_gather %parallel_loop3A_408[%parallel_loop3A_413] in [0] : vector<16xf32>, vector<16xi32> -> vector<16xf32>
      %parallel_loop3A_415 = arith.addf %parallel_loop3A_408, %parallel_loop3A_414 : vector<16xf32>
      %parallel_loop3A_416 = arith.constant 0.000000e+00 : f32
      %parallel_loop3A_417 = vector.broadcast %parallel_loop3A_416 : f32 to vector<16xf32>
      %parallel_loop3A_418 = arith.subf %parallel_loop3A_417, %parallel_loop3A_415 : vector<16xf32>
      %parallel_loop3A_419 = math.exp %parallel_loop3A_418 : vector<16xf32>
      %parallel_loop3A_420 = arith.constant 1.000000e+00 : f32
      %parallel_loop3A_421 = vector.broadcast %parallel_loop3A_420 : f32 to vector<16xf32>
      %parallel_loop3A_422 = arith.addf %parallel_loop3A_421, %parallel_loop3A_419 : vector<16xf32>
      %parallel_loop3A_423 = arith.divf %parallel_loop3A_415, %parallel_loop3A_422 : vector<16xf32>
      %parallel_loop3A_424 = arith.mulf %parallel_loop3A_191, %parallel_loop3A_423 : vector<16xf32>
      %parallel_loop3A_425 = arith.index_cast %parallel_loop3A_163 : i32 to index
      %parallel_loop3A_426 = arith.constant 0 : index
      %parallel_loop3A_427 = tpu.vector_load %arg24[%parallel_loop3A_425, %parallel_loop3A_426] {strides = array<i32>} : memref<48x128xf32, #tpu.memory_space<vmem>>, vector<1x16xf32>,
      %parallel_loop3A_428 = vector.shape_cast %parallel_loop3A_427 : vector<1x16xf32> to vector<16xf32>
      %parallel_loop3A_429 = vector.shape_cast %parallel_loop3A_424 : vector<16xf32> to vector<1x16xf32>
      tpu.vector_store %arg24[%parallel_loop3A_425, %parallel_loop3A_426], %parallel_loop3A_429 {strides = array<i32>} : memref<48x128xf32, #tpu.memory_space<vmem>>, vector<1x16xf32>,
      %parallel_loop3A_430 = arith.mulf %parallel_loop3A_219, %parallel_loop3A_423 : vector<16xf32>
      %parallel_loop3A_431 = arith.index_cast %parallel_loop3A_163 : i32 to index
      %parallel_loop3A_432 = arith.constant 16 : index
      %parallel_loop3A_433 = tpu.vector_load %arg24[%parallel_loop3A_431, %parallel_loop3A_432] {strides = array<i32>} : memref<48x128xf32, #tpu.memory_space<vmem>>, vector<1x16xf32>,
      %parallel_loop3A_434 = vector.shape_cast %parallel_loop3A_433 : vector<1x16xf32> to vector<16xf32>
      %parallel_loop3A_435 = vector.shape_cast %parallel_loop3A_430 : vector<16xf32> to vector<1x16xf32>
      tpu.vector_store %arg24[%parallel_loop3A_431, %parallel_loop3A_432], %parallel_loop3A_435 {strides = array<i32>} : memref<48x128xf32, #tpu.memory_space<vmem>>, vector<1x16xf32>,
      %parallel_loop3A_436 = arith.mulf %parallel_loop3A_247, %parallel_loop3A_423 : vector<16xf32>
      %parallel_loop3A_437 = arith.index_cast %parallel_loop3A_163 : i32 to index
      %parallel_loop3A_438 = arith.constant 32 : index
      %parallel_loop3A_439 = tpu.vector_load %arg24[%parallel_loop3A_437, %parallel_loop3A_438] {strides = array<i32>} : memref<48x128xf32, #tpu.memory_space<vmem>>, vector<1x16xf32>,
      %parallel_loop3A_440 = vector.shape_cast %parallel_loop3A_439 : vector<1x16xf32> to vector<16xf32>
      %parallel_loop3A_441 = vector.shape_cast %parallel_loop3A_436 : vector<16xf32> to vector<1x16xf32>
      tpu.vector_store %arg24[%parallel_loop3A_437, %parallel_loop3A_438], %parallel_loop3A_441 {strides = array<i32>} : memref<48x128xf32, #tpu.memory_space<vmem>>, vector<1x16xf32>,
      %parallel_loop3A_442 = arith.mulf %parallel_loop3A_275, %parallel_loop3A_423 : vector<16xf32>
      %parallel_loop3A_443 = arith.index_cast %parallel_loop3A_163 : i32 to index
      %parallel_loop3A_444 = arith.constant 48 : index
      %parallel_loop3A_445 = tpu.vector_load %arg24[%parallel_loop3A_443, %parallel_loop3A_444] {strides = array<i32>} : memref<48x128xf32, #tpu.memory_space<vmem>>, vector<1x16xf32>,
      %parallel_loop3A_446 = vector.shape_cast %parallel_loop3A_445 : vector<1x16xf32> to vector<16xf32>
      %parallel_loop3A_447 = vector.shape_cast %parallel_loop3A_442 : vector<16xf32> to vector<1x16xf32>
      tpu.vector_store %arg24[%parallel_loop3A_443, %parallel_loop3A_444], %parallel_loop3A_447 {strides = array<i32>} : memref<48x128xf32, #tpu.memory_space<vmem>>, vector<1x16xf32>,
      %parallel_loop3A_448 = arith.mulf %parallel_loop3A_303, %parallel_loop3A_423 : vector<16xf32>
      %parallel_loop3A_449 = arith.index_cast %parallel_loop3A_163 : i32 to index
      %parallel_loop3A_450 = arith.constant 64 : index
      %parallel_loop3A_451 = tpu.vector_load %arg24[%parallel_loop3A_449, %parallel_loop3A_450] {strides = array<i32>} : memref<48x128xf32, #tpu.memory_space<vmem>>, vector<1x16xf32>,
      %parallel_loop3A_452 = vector.shape_cast %parallel_loop3A_451 : vector<1x16xf32> to vector<16xf32>
      %parallel_loop3A_453 = vector.shape_cast %parallel_loop3A_448 : vector<16xf32> to vector<1x16xf32>
      tpu.vector_store %arg24[%parallel_loop3A_449, %parallel_loop3A_450], %parallel_loop3A_453 {strides = array<i32>} : memref<48x128xf32, #tpu.memory_space<vmem>>, vector<1x16xf32>,
      %parallel_loop3A_454 = arith.mulf %parallel_loop3A_331, %parallel_loop3A_423 : vector<16xf32>
      %parallel_loop3A_455 = arith.index_cast %parallel_loop3A_163 : i32 to index
      %parallel_loop3A_456 = arith.constant 80 : index
      %parallel_loop3A_457 = tpu.vector_load %arg24[%parallel_loop3A_455, %parallel_loop3A_456] {strides = array<i32>} : memref<48x128xf32, #tpu.memory_space<vmem>>, vector<1x16xf32>,
      %parallel_loop3A_458 = vector.shape_cast %parallel_loop3A_457 : vector<1x16xf32> to vector<16xf32>
      %parallel_loop3A_459 = vector.shape_cast %parallel_loop3A_454 : vector<16xf32> to vector<1x16xf32>
      tpu.vector_store %arg24[%parallel_loop3A_455, %parallel_loop3A_456], %parallel_loop3A_459 {strides = array<i32>} : memref<48x128xf32, #tpu.memory_space<vmem>>, vector<1x16xf32>,
      %parallel_loop3A_460 = arith.mulf %parallel_loop3A_359, %parallel_loop3A_423 : vector<16xf32>
      %parallel_loop3A_461 = arith.index_cast %parallel_loop3A_163 : i32 to index
      %parallel_loop3A_462 = arith.constant 96 : index
      %parallel_loop3A_463 = tpu.vector_load %arg24[%parallel_loop3A_461, %parallel_loop3A_462] {strides = array<i32>} : memref<48x128xf32, #tpu.memory_space<vmem>>, vector<1x16xf32>,
      %parallel_loop3A_464 = vector.shape_cast %parallel_loop3A_463 : vector<1x16xf32> to vector<16xf32>
      %parallel_loop3A_465 = vector.shape_cast %parallel_loop3A_460 : vector<16xf32> to vector<1x16xf32>
      tpu.vector_store %arg24[%parallel_loop3A_461, %parallel_loop3A_462], %parallel_loop3A_465 {strides = array<i32>} : memref<48x128xf32, #tpu.memory_space<vmem>>, vector<1x16xf32>,
      %parallel_loop3A_466 = arith.mulf %parallel_loop3A_387, %parallel_loop3A_423 : vector<16xf32>
      %parallel_loop3A_467 = arith.index_cast %parallel_loop3A_163 : i32 to index
      %parallel_loop3A_468 = arith.constant 112 : index
      %parallel_loop3A_469 = tpu.vector_load %arg24[%parallel_loop3A_467, %parallel_loop3A_468] {strides = array<i32>} : memref<48x128xf32, #tpu.memory_space<vmem>>, vector<1x16xf32>,
      %parallel_loop3A_470 = vector.shape_cast %parallel_loop3A_469 : vector<1x16xf32> to vector<16xf32>
      %parallel_loop3A_471 = vector.shape_cast %parallel_loop3A_466 : vector<16xf32> to vector<1x16xf32>
      tpu.vector_store %arg24[%parallel_loop3A_467, %parallel_loop3A_468], %parallel_loop3A_471 {strides = array<i32>} : memref<48x128xf32, #tpu.memory_space<vmem>>, vector<1x16xf32>,
    } {sc.loop_unroll_factor = 2 : i64, sc.parallel_access}
    "tpu.region"() ({
      %run_scoped3A = tpu.sem_alloc : memref<!tpu.dma_semaphore, #tpu.memory_space<semaphore_mem>>
      %dma_start3A_163 = arith.constant 0 : i32
      %dma_start3A_164 = arith.constant 0 : i32
      %dma_start3A_165 = tpu.memref_slice %arg24[%dma_start3A_163, %dma_start3A_164] : memref<48x128xf32, #tpu.memory_space<vmem>> -> memref<16x128xf32, #tpu.memory_space<vmem>>
      %dma_start3A_166 = arith.constant 0 : i32
      %dma_start3A_167 = arith.constant 0 : i32
      %dma_start3A_168 = tpu.memref_slice %arg7[%dma_start3A_166, %dma_start3A_167] : memref<10000x128xf32, #tpu.memory_space<vmem_shared>> -> memref<10000x128xf32, #tpu.memory_space<vmem_shared>>
      tpu.enqueue_indirect_dma source(%dma_start3A_165 : memref<16x128xf32, #tpu.memory_space<vmem>>) target(%dma_start3A_168 : memref<10000x128xf32, #tpu.memory_space<vmem_shared>>) offsets(%arg17 : memref<16xi32, #tpu.memory_space<vmem>>) semaphore(%run_scoped3A : memref<!tpu.dma_semaphore, #tpu.memory_space<semaphore_mem>>) {add = true}
      %dma_wait3A_169 = arith.constant 0 : i32
      %dma_wait3A_170 = arith.constant 0 : i32
      %dma_wait3A_171 = tpu.memref_slice %arg24[%dma_wait3A_169, %dma_wait3A_170] : memref<48x128xf32, #tpu.memory_space<vmem>> -> memref<16x128xf32, #tpu.memory_space<vmem>>
      %dma_wait3A_172 = arith.constant 0 : i32
      %dma_wait3A_173 = arith.constant 0 : i32
      %dma_wait3A_174 = tpu.memref_slice %arg7[%dma_wait3A_172, %dma_wait3A_173] : memref<10000x128xf32, #tpu.memory_space<vmem_shared>> -> memref<10000x128xf32, #tpu.memory_space<vmem_shared>>
      tpu.wait_indirect_dma semaphore(%run_scoped3A : memref<!tpu.dma_semaphore, #tpu.memory_space<semaphore_mem>>) src(%dma_wait3A_171 : memref<16x128xf32, #tpu.memory_space<vmem>>) dst(%dma_wait3A_174 : memref<10000x128xf32, #tpu.memory_space<vmem_shared>>)
      tpu.yield
    }) : () -> ()
    %barrier3A_155 = arith.constant 0 : index
    tpu.barrier barrier_id(%barrier3A_155)
    %mul3A_156 = arith.constant 624 : i32
    %mul3A_157 = arith.muli %arg1, %mul3A_156 : i32
    "tpu.region"() ({
      %run_scoped3A = tpu.sem_alloc : memref<!tpu.dma_semaphore, #tpu.memory_space<semaphore_mem>>
      %dma_start3A_163 = arith.constant 0 : i32
      %dma_start3A_164 = tpu.memref_slice %arg6[%arg0, %mul3A_157, %dma_start3A_163] : memref<2x10000x128xf32, #tpu.memory_space<hbm>> -> memref<1x624x128xf32, #tpu.memory_space<hbm>>
      %dma_start3A_165 = tpu.memref_squeeze %dma_start3A_164 : memref<1x624x128xf32, #tpu.memory_space<hbm>> -> memref<624x128xf32, #tpu.memory_space<hbm>>
      %dma_start3A_166 = arith.constant 0 : i32
      %dma_start3A_167 = tpu.memref_slice %arg7[%mul3A_157, %dma_start3A_166] : memref<10000x128xf32, #tpu.memory_space<vmem_shared>> -> memref<624x128xf32, #tpu.memory_space<vmem_shared>>
      tpu.enqueue_dma source(%dma_start3A_167 : memref<624x128xf32, #tpu.memory_space<vmem_shared>>) target(%dma_start3A_165 : memref<624x128xf32, #tpu.memory_space<hbm>>) target_semaphore(%run_scoped3A : memref<!tpu.dma_semaphore, #tpu.memory_space<semaphore_mem>>)
      %dma_wait3A_168 = arith.constant 0 : i32
      %dma_wait3A_169 = tpu.memref_slice %arg6[%arg0, %mul3A_157, %dma_wait3A_168] : memref<2x10000x128xf32, #tpu.memory_space<hbm>> -> memref<1x624x128xf32, #tpu.memory_space<hbm>>
      %dma_wait3A_170 = tpu.memref_squeeze %dma_wait3A_169 : memref<1x624x128xf32, #tpu.memory_space<hbm>> -> memref<624x128xf32, #tpu.memory_space<hbm>>
      %dma_wait3A_171 = arith.constant 0 : i32
      %dma_wait3A_172 = tpu.memref_slice %arg7[%mul3A_157, %dma_wait3A_171] : memref<10000x128xf32, #tpu.memory_space<vmem_shared>> -> memref<624x128xf32, #tpu.memory_space<vmem_shared>>
      tpu.wait_dma2 semaphore(%run_scoped3A : memref<!tpu.dma_semaphore, #tpu.memory_space<semaphore_mem>>) src(%dma_wait3A_172 : memref<624x128xf32, #tpu.memory_space<vmem_shared>>) dst(%dma_wait3A_170 : memref<624x128xf32, #tpu.memory_space<hbm>>)
      tpu.yield
    }) : () -> ()
    %eq3A_158 = arith.constant 15 : i32
    %eq3A_159 = arith.cmpi eq, %arg1, %eq3A_158 : i32
    %convert_element_type3A_160 = arith.extui %eq3A_159 : i1 to i32
    %cond3A_161 = arith.constant 0 : i32
    %cond3A_162 = arith.cmpi ne, %convert_element_type3A_160, %cond3A_161 : i32
    scf.if %cond3A_162 {
      "tpu.region"() ({
        %run_scoped3A = tpu.sem_alloc : memref<!tpu.dma_semaphore, #tpu.memory_space<semaphore_mem>>
        %dma_start3A_163 = arith.constant 9984 : i32
        %dma_start3A_164 = arith.constant 0 : i32
        %dma_start3A_165 = tpu.memref_slice %arg6[%arg0, %dma_start3A_163, %dma_start3A_164] : memref<2x10000x128xf32, #tpu.memory_space<hbm>> -> memref<1x16x128xf32, #tpu.memory_space<hbm>>
        %dma_start3A_166 = tpu.memref_squeeze %dma_start3A_165 : memref<1x16x128xf32, #tpu.memory_space<hbm>> -> memref<16x128xf32, #tpu.memory_space<hbm>>
        %dma_start3A_167 = arith.constant 9984 : i32
        %dma_start3A_168 = arith.constant 0 : i32
        %dma_start3A_169 = tpu.memref_slice %arg7[%dma_start3A_167, %dma_start3A_168] : memref<10000x128xf32, #tpu.memory_space<vmem_shared>> -> memref<16x128xf32, #tpu.memory_space<vmem_shared>>
        tpu.enqueue_dma source(%dma_start3A_169 : memref<16x128xf32, #tpu.memory_space<vmem_shared>>) target(%dma_start3A_166 : memref<16x128xf32, #tpu.memory_space<hbm>>) target_semaphore(%run_scoped3A : memref<!tpu.dma_semaphore, #tpu.memory_space<semaphore_mem>>)
        %dma_wait3A_170 = arith.constant 9984 : i32
        %dma_wait3A_171 = arith.constant 0 : i32
        %dma_wait3A_172 = tpu.memref_slice %arg6[%arg0, %dma_wait3A_170, %dma_wait3A_171] : memref<2x10000x128xf32, #tpu.memory_space<hbm>> -> memref<1x16x128xf32, #tpu.memory_space<hbm>>
        %dma_wait3A_173 = tpu.memref_squeeze %dma_wait3A_172 : memref<1x16x128xf32, #tpu.memory_space<hbm>> -> memref<16x128xf32, #tpu.memory_space<hbm>>
        %dma_wait3A_174 = arith.constant 9984 : i32
        %dma_wait3A_175 = arith.constant 0 : i32
        %dma_wait3A_176 = tpu.memref_slice %arg7[%dma_wait3A_174, %dma_wait3A_175] : memref<10000x128xf32, #tpu.memory_space<vmem_shared>> -> memref<16x128xf32, #tpu.memory_space<vmem_shared>>
        tpu.wait_dma2 semaphore(%run_scoped3A : memref<!tpu.dma_semaphore, #tpu.memory_space<semaphore_mem>>) src(%dma_wait3A_176 : memref<16x128xf32, #tpu.memory_space<vmem_shared>>) dst(%dma_wait3A_173 : memref<16x128xf32, #tpu.memory_space<hbm>>)
        tpu.yield
      }) : () -> ()
    } else {
    }
    return
  }
}

module attributes {stable_mosaic.version = 14 : i64} {
  func.func @_dkdv_body(%arg0: i32, %arg1: memref<12800x50xf32, #tpu.memory_space<vmem>>, %arg2: memref<1x12800xf32, #tpu.memory_space<vmem>>, %arg3: memref<50x128xf32, #tpu.memory_space<vmem>>, %arg4: memref<1x128xf32, #tpu.memory_space<vmem>>, %arg5: memref<50x128xf32, #tpu.memory_space<vmem>>, %arg6: memref<1x128xf32, #tpu.memory_space<vmem>>, %arg7: memref<12800x128xi32, #tpu.memory_space<vmem>>) attributes {dimension_semantics = [#tpu.dimension_semantics<arbitrary>], iteration_bounds = array<i64: 25>, scalar_prefetch = 0 : i64, scratch_operands = 0 : i64, tpu.core_type = #tpu.core_type<tc>, window_params = [{transform_indices = @transform_0, window_bounds = array<i64: 12800, 50>}, {transform_indices = @transform_1, window_bounds = array<i64: 1, 12800>}, {pipeline_mode = #tpu.pipeline_mode<synchronous>, transform_indices = @transform_2, window_bounds = array<i64: 50, 128>}, {pipeline_mode = #tpu.pipeline_mode<synchronous>, transform_indices = @transform_3, window_bounds = array<i64: 1, 128>}, {pipeline_mode = #tpu.pipeline_mode<synchronous>, transform_indices = @transform_4, window_bounds = array<i64: 50, 128>}, {pipeline_mode = #tpu.pipeline_mode<synchronous>, transform_indices = @transform_5, window_bounds = array<i64: 1, 128>}, {transform_indices = @transform_6, window_bounds = array<i64: 12800, 128>}]} {
    %get3A = arith.constant 0 : index
    %get3A_0 = arith.constant 0 : index
    %get3A_1 = vector.load %arg1[%get3A, %get3A_0] : memref<12800x50xf32, #tpu.memory_space<vmem>>, vector<12800x50xf32>
    %get3A_2 = arith.constant 0 : index
    %get3A_3 = arith.constant 0 : index
    %get3A_4 = vector.load %arg3[%get3A_2, %get3A_3] : memref<50x128xf32, #tpu.memory_space<vmem>>, vector<50x128xf32>
    %dot_general3A = arith.constant dense<0.000000e+00> : vector<12800x128xf32>
    %dot_general3A_5 = tpu.matmul %get3A_1, %get3A_4, %dot_general3A {dimension_numbers = #tpu.dot_dimension_numbers<[1], [0], [0], [1], [0, 0, 1, 1], [], []>, transpose_lhs_hint = false} : vector<12800x50xf32>, vector<50x128xf32>, vector<12800x128xf32> -> vector<12800x128xf32>
    %get3A_6 = arith.constant 0 : index
    %get3A_7 = arith.constant 0 : index
    %get3A_8 = vector.load %arg4[%get3A_6, %get3A_7] : memref<1x128xf32, #tpu.memory_space<vmem>>, vector<1x128xf32>
    %add3A = vector.broadcast %get3A_8 : vector<1x128xf32> to vector<12800x128xf32>
    %add3A_9 = arith.addf %dot_general3A_5, %add3A : vector<12800x128xf32>
    %logistic3A = arith.negf %add3A_9 : vector<12800x128xf32>
    %logistic3A_10 = math.exp %logistic3A : vector<12800x128xf32>
    %logistic3A_11 = arith.constant 1.000000e+00 : f32
    %logistic3A_12 = vector.broadcast %logistic3A_11 : f32 to vector<12800x128xf32>
    %logistic3A_13 = arith.addf %logistic3A_12, %logistic3A_10 : vector<12800x128xf32>
    %logistic3A_14 = arith.divf %logistic3A_12, %logistic3A_13 : vector<12800x128xf32>
    %mul3A = arith.mulf %add3A_9, %logistic3A_14 : vector<12800x128xf32>
    %get3A_15 = arith.constant 0 : index
    %get3A_16 = arith.constant 0 : index
    %get3A_17 = vector.load %arg5[%get3A_15, %get3A_16] : memref<50x128xf32, #tpu.memory_space<vmem>>, vector<50x128xf32>
    %dot_general3A_18 = arith.constant dense<0.000000e+00> : vector<12800x128xf32>
    %dot_general3A_19 = tpu.matmul %get3A_1, %get3A_17, %dot_general3A_18 {dimension_numbers = #tpu.dot_dimension_numbers<[1], [0], [0], [1], [0, 0, 1, 1], [], []>, transpose_lhs_hint = false} : vector<12800x50xf32>, vector<50x128xf32>, vector<12800x128xf32> -> vector<12800x128xf32>
    %get3A_20 = arith.constant 0 : index
    %get3A_21 = arith.constant 0 : index
    %get3A_22 = vector.load %arg6[%get3A_20, %get3A_21] : memref<1x128xf32, #tpu.memory_space<vmem>>, vector<1x128xf32>
    %add3A_23 = vector.broadcast %get3A_22 : vector<1x128xf32> to vector<12800x128xf32>
    %add3A_24 = arith.addf %dot_general3A_19, %add3A_23 : vector<12800x128xf32>
    %logistic3A_25 = arith.negf %add3A_24 : vector<12800x128xf32>
    %logistic3A_26 = math.exp %logistic3A_25 : vector<12800x128xf32>
    %logistic3A_27 = arith.constant 1.000000e+00 : f32
    %logistic3A_28 = vector.broadcast %logistic3A_27 : f32 to vector<12800x128xf32>
    %logistic3A_29 = arith.addf %logistic3A_28, %logistic3A_26 : vector<12800x128xf32>
    %logistic3A_30 = arith.divf %logistic3A_28, %logistic3A_29 : vector<12800x128xf32>
    %mul3A_31 = arith.mulf %add3A_24, %logistic3A_30 : vector<12800x128xf32>
    %get3A_32 = arith.constant 0 : index
    %get3A_33 = arith.constant 0 : index
    %get3A_34 = vector.load %arg2[%get3A_32, %get3A_33] : memref<1x12800xf32, #tpu.memory_space<vmem>>, vector<1x12800xf32>
    %mul3A_35 = arith.constant 0.628318548 : f32
    %mul3A_36 = vector.broadcast %mul3A_35 : f32 to vector<1x12800xf32>
    %mul3A_37 = arith.mulf %get3A_34, %mul3A_36 : vector<1x12800xf32>
    %cos3A = math.cos %mul3A_37 : vector<1x12800xf32>
    %add3A_38 = arith.constant 1.000000e+00 : f32
    %add3A_39 = vector.broadcast %add3A_38 : f32 to vector<1x12800xf32>
    %add3A_40 = arith.addf %cos3A, %add3A_39 : vector<1x12800xf32>
    %mul3A_41 = arith.constant 5.000000e-01 : f32
    %mul3A_42 = vector.broadcast %mul3A_41 : f32 to vector<1x12800xf32>
    %mul3A_43 = arith.mulf %mul3A_42, %add3A_40 : vector<1x12800xf32>
    %lt3A = arith.constant 5.000000e+00 : f32
    %lt3A_44 = vector.broadcast %lt3A : f32 to vector<1x12800xf32>
    %lt3A_45 = arith.cmpf olt, %get3A_34, %lt3A_44 : vector<1x12800xf32>
    %convert_element_type3A = arith.extui %lt3A_45 : vector<1x12800xi1> to vector<1x12800xi32>
    %convert_element_type3A_46 = arith.sitofp %convert_element_type3A : vector<1x12800xi32> to vector<1x12800xf32>
    %mul3A_47 = arith.mulf %mul3A_43, %convert_element_type3A_46 : vector<1x12800xf32>
    %broadcast_in_dim3A = vector.shape_cast %mul3A_47 : vector<1x12800xf32> to vector<1x12800x1xf32>
    %reshape3A = vector.shape_cast %broadcast_in_dim3A : vector<1x12800x1xf32> to vector<12800x1xf32>
    %mul3A_48 = vector.broadcast %reshape3A : vector<12800x1xf32> to vector<12800x128xf32>
    %mul3A_49 = arith.mulf %mul3A_31, %mul3A_48 : vector<12800x128xf32>
    %convert_element_type3A_50 = arith.truncf %mul3A : vector<12800x128xf32> to vector<12800x128xbf16>
    %bitcast_convert_type3A = tpu.bitcast %convert_element_type3A_50 : vector<12800x128xbf16> -> vector<12800x128xi16>
    %convert_element_type3A_51 = arith.extui %bitcast_convert_type3A : vector<12800x128xi16> to vector<12800x128xi32>
    %convert_element_type3A_52 = arith.truncf %mul3A_49 : vector<12800x128xf32> to vector<12800x128xbf16>
    %bitcast_convert_type3A_53 = tpu.bitcast %convert_element_type3A_52 : vector<12800x128xbf16> -> vector<12800x128xi16>
    %convert_element_type3A_54 = arith.extui %bitcast_convert_type3A_53 : vector<12800x128xi16> to vector<12800x128xi32>
    %shift_left3A = arith.constant 16 : i32
    %shift_left3A_55 = vector.broadcast %shift_left3A : i32 to vector<12800x128xi32>
    %shift_left3A_56 = arith.shli %convert_element_type3A_54, %shift_left3A_55 : vector<12800x128xi32>
    %or3A = arith.ori %convert_element_type3A_51, %shift_left3A_56 : vector<12800x128xi32>
    %bitcast_convert_type3A_57 = tpu.bitcast %or3A : vector<12800x128xi32> -> vector<12800x128xi32>
    %swap3A = arith.constant 0 : index
    %swap3A_58 = arith.constant 0 : index
    %swap3A_59 = vector.load %arg7[%swap3A, %swap3A_58] : memref<12800x128xi32, #tpu.memory_space<vmem>>, vector<12800x128xi32>
    tpu.vector_store %arg7[%swap3A, %swap3A_58], %bitcast_convert_type3A_57 {strides = array<i32>} : memref<12800x128xi32, #tpu.memory_space<vmem>>, vector<12800x128xi32>,
    return
  }
  func.func @transform_0(%arg0: i32) -> (i32, i32) {
    %c0_i32 = arith.constant 0 : i32
    %c0_i32_0 = arith.constant 0 : i32
    return %arg0, %c0_i32 : i32, i32
  }
  func.func @transform_1(%arg0: i32) -> (i32, i32) {
    %c0_i32 = arith.constant 0 : i32
    %c0_i32_0 = arith.constant 0 : i32
    return %c0_i32, %arg0 : i32, i32
  }
  func.func @transform_2(%arg0: i32) -> (i32, i32) {
    %c0_i32 = arith.constant 0 : i32
    %c0_i32_0 = arith.constant 0 : i32
    %c0_i32_1 = arith.constant 0 : i32
    return %c0_i32, %c0_i32_0 : i32, i32
  }
  func.func @transform_3(%arg0: i32) -> (i32, i32) {
    %c0_i32 = arith.constant 0 : i32
    %c0_i32_0 = arith.constant 0 : i32
    %c0_i32_1 = arith.constant 0 : i32
    return %c0_i32, %c0_i32_0 : i32, i32
  }
  func.func @transform_4(%arg0: i32) -> (i32, i32) {
    %c0_i32 = arith.constant 0 : i32
    %c0_i32_0 = arith.constant 0 : i32
    %c0_i32_1 = arith.constant 0 : i32
    return %c0_i32, %c0_i32_0 : i32, i32
  }
  func.func @transform_5(%arg0: i32) -> (i32, i32) {
    %c0_i32 = arith.constant 0 : i32
    %c0_i32_0 = arith.constant 0 : i32
    %c0_i32_1 = arith.constant 0 : i32
    return %c0_i32, %c0_i32_0 : i32, i32
  }
  func.func @transform_6(%arg0: i32) -> (i32, i32) {
    %c0_i32 = arith.constant 0 : i32
    %c0_i32_0 = arith.constant 0 : i32
    return %arg0, %c0_i32 : i32, i32
  }
}

module attributes {stable_mosaic.version = 14 : i64} {
  func.func @_qkv_body(%arg0: i32, %arg1: memref<2000x128xf32, #tpu.memory_space<vmem>>, %arg2: memref<128x128xf32, #tpu.memory_space<vmem>>, %arg3: memref<1x128xf32, #tpu.memory_space<vmem>>, %arg4: memref<128x128xf32, #tpu.memory_space<vmem>>, %arg5: memref<1x128xf32, #tpu.memory_space<vmem>>, %arg6: memref<128x128xf32, #tpu.memory_space<vmem>>, %arg7: memref<1x128xf32, #tpu.memory_space<vmem>>, %arg8: memref<1x128xf32, #tpu.memory_space<vmem>>, %arg9: memref<1x128xf32, #tpu.memory_space<vmem>>, %arg10: memref<2000x128xf32, #tpu.memory_space<vmem>>, %arg11: memref<2000x128xi32, #tpu.memory_space<vmem>>) attributes {dimension_semantics = [#tpu.dimension_semantics<arbitrary>], iteration_bounds = array<i64: 5>, scalar_prefetch = 0 : i64, scratch_operands = 0 : i64, tpu.core_type = #tpu.core_type<tc>, window_params = [{transform_indices = @transform_0, window_bounds = array<i64: 2000, 128>}, {pipeline_mode = #tpu.pipeline_mode<synchronous>, transform_indices = @transform_1, window_bounds = array<i64: 128, 128>}, {pipeline_mode = #tpu.pipeline_mode<synchronous>, transform_indices = @transform_2, window_bounds = array<i64: 1, 128>}, {pipeline_mode = #tpu.pipeline_mode<synchronous>, transform_indices = @transform_3, window_bounds = array<i64: 128, 128>}, {pipeline_mode = #tpu.pipeline_mode<synchronous>, transform_indices = @transform_4, window_bounds = array<i64: 1, 128>}, {pipeline_mode = #tpu.pipeline_mode<synchronous>, transform_indices = @transform_5, window_bounds = array<i64: 128, 128>}, {pipeline_mode = #tpu.pipeline_mode<synchronous>, transform_indices = @transform_6, window_bounds = array<i64: 1, 128>}, {pipeline_mode = #tpu.pipeline_mode<synchronous>, transform_indices = @transform_7, window_bounds = array<i64: 1, 128>}, {pipeline_mode = #tpu.pipeline_mode<synchronous>, transform_indices = @transform_8, window_bounds = array<i64: 1, 128>}, {transform_indices = @transform_9, window_bounds = array<i64: 2000, 128>}, {transform_indices = @transform_10, window_bounds = array<i64: 2000, 128>}]} {
    %get3A = arith.constant 0 : index
    %get3A_0 = arith.constant 0 : index
    %get3A_1 = vector.load %arg1[%get3A, %get3A_0] : memref<2000x128xf32, #tpu.memory_space<vmem>>, vector<2000x128xf32>
    %reduce_sum3A = arith.constant dense<0.000000e+00> : vector<2000xf32>
    %reduce_sum3A_2 = vector.multi_reduction <add>, %get3A_1, %reduce_sum3A [1] : vector<2000x128xf32> to vector<2000xf32>
    %broadcast_in_dim3A = vector.shape_cast %reduce_sum3A_2 : vector<2000xf32> to vector<2000x1xf32>
    %div3A = arith.constant 1.280000e+02 : f32
    %div3A_3 = vector.broadcast %div3A : f32 to vector<2000x1xf32>
    %div3A_4 = arith.divf %broadcast_in_dim3A, %div3A_3 : vector<2000x1xf32>
    %sub3A = vector.broadcast %div3A_4 : vector<2000x1xf32> to vector<2000x128xf32>
    %sub3A_5 = arith.subf %get3A_1, %sub3A : vector<2000x128xf32>
    %integer_pow3A = arith.mulf %sub3A_5, %sub3A_5 : vector<2000x128xf32>
    %reduce_sum3A_6 = arith.constant dense<0.000000e+00> : vector<2000xf32>
    %reduce_sum3A_7 = vector.multi_reduction <add>, %integer_pow3A, %reduce_sum3A_6 [1] : vector<2000x128xf32> to vector<2000xf32>
    %broadcast_in_dim3A_8 = vector.shape_cast %reduce_sum3A_7 : vector<2000xf32> to vector<2000x1xf32>
    %div3A_9 = arith.constant 1.280000e+02 : f32
    %div3A_10 = vector.broadcast %div3A_9 : f32 to vector<2000x1xf32>
    %div3A_11 = arith.divf %broadcast_in_dim3A_8, %div3A_10 : vector<2000x1xf32>
    %sub3A_12 = vector.broadcast %div3A_4 : vector<2000x1xf32> to vector<2000x128xf32>
    %sub3A_13 = arith.subf %get3A_1, %sub3A_12 : vector<2000x128xf32>
    %add3A = arith.constant 9.99999974E-6 : f32
    %add3A_14 = vector.broadcast %add3A : f32 to vector<2000x1xf32>
    %add3A_15 = arith.addf %div3A_11, %add3A_14 : vector<2000x1xf32>
    %sqrt3A = math.sqrt %add3A_15 : vector<2000x1xf32>
    %div3A_16 = vector.broadcast %sqrt3A : vector<2000x1xf32> to vector<2000x128xf32>
    %div3A_17 = arith.divf %sub3A_13, %div3A_16 : vector<2000x128xf32>
    %get3A_18 = arith.constant 0 : index
    %get3A_19 = arith.constant 0 : index
    %get3A_20 = vector.load %arg8[%get3A_18, %get3A_19] : memref<1x128xf32, #tpu.memory_space<vmem>>, vector<1x128xf32>
    %mul3A = vector.broadcast %get3A_20 : vector<1x128xf32> to vector<2000x128xf32>
    %mul3A_21 = arith.mulf %div3A_17, %mul3A : vector<2000x128xf32>
    %get3A_22 = arith.constant 0 : index
    %get3A_23 = arith.constant 0 : index
    %get3A_24 = vector.load %arg9[%get3A_22, %get3A_23] : memref<1x128xf32, #tpu.memory_space<vmem>>, vector<1x128xf32>
    %add3A_25 = vector.broadcast %get3A_24 : vector<1x128xf32> to vector<2000x128xf32>
    %add3A_26 = arith.addf %mul3A_21, %add3A_25 : vector<2000x128xf32>
    %get3A_27 = arith.constant 0 : index
    %get3A_28 = arith.constant 0 : index
    %get3A_29 = vector.load %arg2[%get3A_27, %get3A_28] : memref<128x128xf32, #tpu.memory_space<vmem>>, vector<128x128xf32>
    %dot_general3A = arith.constant dense<0.000000e+00> : vector<2000x128xf32>
    %dot_general3A_30 = tpu.matmul %add3A_26, %get3A_29, %dot_general3A {dimension_numbers = #tpu.dot_dimension_numbers<[1], [0], [0], [1], [0, 0, 1, 1], [], []>, transpose_lhs_hint = false} : vector<2000x128xf32>, vector<128x128xf32>, vector<2000x128xf32> -> vector<2000x128xf32>
    %get3A_31 = arith.constant 0 : index
    %get3A_32 = arith.constant 0 : index
    %get3A_33 = vector.load %arg3[%get3A_31, %get3A_32] : memref<1x128xf32, #tpu.memory_space<vmem>>, vector<1x128xf32>
    %add3A_34 = vector.broadcast %get3A_33 : vector<1x128xf32> to vector<2000x128xf32>
    %add3A_35 = arith.addf %dot_general3A_30, %add3A_34 : vector<2000x128xf32>
    %swap3A = arith.constant 0 : index
    %swap3A_36 = arith.constant 0 : index
    %swap3A_37 = vector.load %arg10[%swap3A, %swap3A_36] : memref<2000x128xf32, #tpu.memory_space<vmem>>, vector<2000x128xf32>
    tpu.vector_store %arg10[%swap3A, %swap3A_36], %add3A_35 {strides = array<i32>} : memref<2000x128xf32, #tpu.memory_space<vmem>>, vector<2000x128xf32>,
    %get3A_38 = arith.constant 0 : index
    %get3A_39 = arith.constant 0 : index
    %get3A_40 = vector.load %arg4[%get3A_38, %get3A_39] : memref<128x128xf32, #tpu.memory_space<vmem>>, vector<128x128xf32>
    %dot_general3A_41 = arith.constant dense<0.000000e+00> : vector<2000x128xf32>
    %dot_general3A_42 = tpu.matmul %add3A_26, %get3A_40, %dot_general3A_41 {dimension_numbers = #tpu.dot_dimension_numbers<[1], [0], [0], [1], [0, 0, 1, 1], [], []>, transpose_lhs_hint = false} : vector<2000x128xf32>, vector<128x128xf32>, vector<2000x128xf32> -> vector<2000x128xf32>
    %get3A_43 = arith.constant 0 : index
    %get3A_44 = arith.constant 0 : index
    %get3A_45 = vector.load %arg5[%get3A_43, %get3A_44] : memref<1x128xf32, #tpu.memory_space<vmem>>, vector<1x128xf32>
    %add3A_46 = vector.broadcast %get3A_45 : vector<1x128xf32> to vector<2000x128xf32>
    %add3A_47 = arith.addf %dot_general3A_42, %add3A_46 : vector<2000x128xf32>
    %get3A_48 = arith.constant 0 : index
    %get3A_49 = arith.constant 0 : index
    %get3A_50 = vector.load %arg6[%get3A_48, %get3A_49] : memref<128x128xf32, #tpu.memory_space<vmem>>, vector<128x128xf32>
    %dot_general3A_51 = arith.constant dense<0.000000e+00> : vector<2000x128xf32>
    %dot_general3A_52 = tpu.matmul %add3A_26, %get3A_50, %dot_general3A_51 {dimension_numbers = #tpu.dot_dimension_numbers<[1], [0], [0], [1], [0, 0, 1, 1], [], []>, transpose_lhs_hint = false} : vector<2000x128xf32>, vector<128x128xf32>, vector<2000x128xf32> -> vector<2000x128xf32>
    %get3A_53 = arith.constant 0 : index
    %get3A_54 = arith.constant 0 : index
    %get3A_55 = vector.load %arg7[%get3A_53, %get3A_54] : memref<1x128xf32, #tpu.memory_space<vmem>>, vector<1x128xf32>
    %add3A_56 = vector.broadcast %get3A_55 : vector<1x128xf32> to vector<2000x128xf32>
    %add3A_57 = arith.addf %dot_general3A_52, %add3A_56 : vector<2000x128xf32>
    %convert_element_type3A = arith.truncf %add3A_47 : vector<2000x128xf32> to vector<2000x128xbf16>
    %bitcast_convert_type3A = tpu.bitcast %convert_element_type3A : vector<2000x128xbf16> -> vector<2000x128xi16>
    %convert_element_type3A_58 = arith.extui %bitcast_convert_type3A : vector<2000x128xi16> to vector<2000x128xi32>
    %convert_element_type3A_59 = arith.truncf %add3A_57 : vector<2000x128xf32> to vector<2000x128xbf16>
    %bitcast_convert_type3A_60 = tpu.bitcast %convert_element_type3A_59 : vector<2000x128xbf16> -> vector<2000x128xi16>
    %convert_element_type3A_61 = arith.extui %bitcast_convert_type3A_60 : vector<2000x128xi16> to vector<2000x128xi32>
    %shift_left3A = arith.constant 16 : i32
    %shift_left3A_62 = vector.broadcast %shift_left3A : i32 to vector<2000x128xi32>
    %shift_left3A_63 = arith.shli %convert_element_type3A_61, %shift_left3A_62 : vector<2000x128xi32>
    %or3A = arith.ori %convert_element_type3A_58, %shift_left3A_63 : vector<2000x128xi32>
    %bitcast_convert_type3A_64 = tpu.bitcast %or3A : vector<2000x128xi32> -> vector<2000x128xi32>
    %swap3A_65 = arith.constant 0 : index
    %swap3A_66 = arith.constant 0 : index
    %swap3A_67 = vector.load %arg11[%swap3A_65, %swap3A_66] : memref<2000x128xi32, #tpu.memory_space<vmem>>, vector<2000x128xi32>
    tpu.vector_store %arg11[%swap3A_65, %swap3A_66], %bitcast_convert_type3A_64 {strides = array<i32>} : memref<2000x128xi32, #tpu.memory_space<vmem>>, vector<2000x128xi32>,
    return
  }
  func.func @transform_0(%arg0: i32) -> (i32, i32) {
    %c0_i32 = arith.constant 0 : i32
    %c0_i32_0 = arith.constant 0 : i32
    return %arg0, %c0_i32 : i32, i32
  }
  func.func @transform_1(%arg0: i32) -> (i32, i32) {
    %c0_i32 = arith.constant 0 : i32
    %c0_i32_0 = arith.constant 0 : i32
    %c0_i32_1 = arith.constant 0 : i32
    return %c0_i32, %c0_i32_0 : i32, i32
  }
  func.func @transform_2(%arg0: i32) -> (i32, i32) {
    %c0_i32 = arith.constant 0 : i32
    %c0_i32_0 = arith.constant 0 : i32
    %c0_i32_1 = arith.constant 0 : i32
    return %c0_i32, %c0_i32_0 : i32, i32
  }
  func.func @transform_3(%arg0: i32) -> (i32, i32) {
    %c0_i32 = arith.constant 0 : i32
    %c0_i32_0 = arith.constant 0 : i32
    %c0_i32_1 = arith.constant 0 : i32
    return %c0_i32, %c0_i32_0 : i32, i32
  }
  func.func @transform_4(%arg0: i32) -> (i32, i32) {
    %c0_i32 = arith.constant 0 : i32
    %c0_i32_0 = arith.constant 0 : i32
    %c0_i32_1 = arith.constant 0 : i32
    return %c0_i32, %c0_i32_0 : i32, i32
  }
  func.func @transform_5(%arg0: i32) -> (i32, i32) {
    %c0_i32 = arith.constant 0 : i32
    %c0_i32_0 = arith.constant 0 : i32
    %c0_i32_1 = arith.constant 0 : i32
    return %c0_i32, %c0_i32_0 : i32, i32
  }
  func.func @transform_6(%arg0: i32) -> (i32, i32) {
    %c0_i32 = arith.constant 0 : i32
    %c0_i32_0 = arith.constant 0 : i32
    %c0_i32_1 = arith.constant 0 : i32
    return %c0_i32, %c0_i32_0 : i32, i32
  }
  func.func @transform_7(%arg0: i32) -> (i32, i32) {
    %c0_i32 = arith.constant 0 : i32
    %c0_i32_0 = arith.constant 0 : i32
    %c0_i32_1 = arith.constant 0 : i32
    return %c0_i32, %c0_i32_0 : i32, i32
  }
  func.func @transform_8(%arg0: i32) -> (i32, i32) {
    %c0_i32 = arith.constant 0 : i32
    %c0_i32_0 = arith.constant 0 : i32
    %c0_i32_1 = arith.constant 0 : i32
    return %c0_i32, %c0_i32_0 : i32, i32
  }
  func.func @transform_9(%arg0: i32) -> (i32, i32) {
    %c0_i32 = arith.constant 0 : i32
    %c0_i32_0 = arith.constant 0 : i32
    return %arg0, %c0_i32 : i32, i32
  }
  func.func @transform_10(%arg0: i32) -> (i32, i32) {
    %c0_i32 = arith.constant 0 : i32
    %c0_i32_0 = arith.constant 0 : i32
    return %arg0, %c0_i32 : i32, i32
  }
}

module attributes {stable_mosaic.version = 14 : i64} {
  func.func @_final_body(%arg0: i32, %arg1: memref<2000x128xf32, #tpu.memory_space<vmem>>, %arg2: memref<2000x128xf32, #tpu.memory_space<vmem>>, %arg3: memref<2000x128xf32, #tpu.memory_space<vmem>>, %arg4: memref<128x128xf32, #tpu.memory_space<vmem>>, %arg5: memref<1x128xf32, #tpu.memory_space<vmem>>, %arg6: memref<2000x128xf32, #tpu.memory_space<vmem>>) attributes {dimension_semantics = [#tpu.dimension_semantics<arbitrary>], iteration_bounds = array<i64: 5>, scalar_prefetch = 0 : i64, scratch_operands = 0 : i64, tpu.core_type = #tpu.core_type<tc>, window_params = [{transform_indices = @transform_0, window_bounds = array<i64: 2000, 128>}, {transform_indices = @transform_1, window_bounds = array<i64: 2000, 128>}, {transform_indices = @transform_2, window_bounds = array<i64: 2000, 128>}, {pipeline_mode = #tpu.pipeline_mode<synchronous>, transform_indices = @transform_3, window_bounds = array<i64: 128, 128>}, {pipeline_mode = #tpu.pipeline_mode<synchronous>, transform_indices = @transform_4, window_bounds = array<i64: 1, 128>}, {transform_indices = @transform_5, window_bounds = array<i64: 2000, 128>}]} {
    %get3A = arith.constant 0 : index
    %get3A_0 = arith.constant 0 : index
    %get3A_1 = vector.load %arg2[%get3A, %get3A_0] : memref<2000x128xf32, #tpu.memory_space<vmem>>, vector<2000x128xf32>
    %get3A_2 = arith.constant 0 : index
    %get3A_3 = arith.constant 0 : index
    %get3A_4 = vector.load %arg3[%get3A_2, %get3A_3] : memref<2000x128xf32, #tpu.memory_space<vmem>>, vector<2000x128xf32>
    %add3A = arith.addf %get3A_1, %get3A_4 : vector<2000x128xf32>
    %get3A_5 = arith.constant 0 : index
    %get3A_6 = arith.constant 0 : index
    %get3A_7 = vector.load %arg1[%get3A_5, %get3A_6] : memref<2000x128xf32, #tpu.memory_space<vmem>>, vector<2000x128xf32>
    %get3A_8 = arith.constant 0 : index
    %get3A_9 = arith.constant 0 : index
    %get3A_10 = vector.load %arg4[%get3A_8, %get3A_9] : memref<128x128xf32, #tpu.memory_space<vmem>>, vector<128x128xf32>
    %dot_general3A = arith.constant dense<0.000000e+00> : vector<2000x128xf32>
    %dot_general3A_11 = tpu.matmul %add3A, %get3A_10, %dot_general3A {dimension_numbers = #tpu.dot_dimension_numbers<[1], [0], [0], [1], [0, 0, 1, 1], [], []>, transpose_lhs_hint = false} : vector<2000x128xf32>, vector<128x128xf32>, vector<2000x128xf32> -> vector<2000x128xf32>
    %add3A_12 = arith.addf %get3A_7, %dot_general3A_11 : vector<2000x128xf32>
    %get3A_13 = arith.constant 0 : index
    %get3A_14 = arith.constant 0 : index
    %get3A_15 = vector.load %arg5[%get3A_13, %get3A_14] : memref<1x128xf32, #tpu.memory_space<vmem>>, vector<1x128xf32>
    %add3A_16 = vector.broadcast %get3A_15 : vector<1x128xf32> to vector<2000x128xf32>
    %add3A_17 = arith.addf %add3A_12, %add3A_16 : vector<2000x128xf32>
    %swap3A = arith.constant 0 : index
    %swap3A_18 = arith.constant 0 : index
    %swap3A_19 = vector.load %arg6[%swap3A, %swap3A_18] : memref<2000x128xf32, #tpu.memory_space<vmem>>, vector<2000x128xf32>
    tpu.vector_store %arg6[%swap3A, %swap3A_18], %add3A_17 {strides = array<i32>} : memref<2000x128xf32, #tpu.memory_space<vmem>>, vector<2000x128xf32>,
    return
  }
  func.func @transform_0(%arg0: i32) -> (i32, i32) {
    %c0_i32 = arith.constant 0 : i32
    %c0_i32_0 = arith.constant 0 : i32
    return %arg0, %c0_i32 : i32, i32
  }
  func.func @transform_1(%arg0: i32) -> (i32, i32) {
    %c0_i32 = arith.constant 0 : i32
    %c0_i32_0 = arith.constant 0 : i32
    return %arg0, %c0_i32 : i32, i32
  }
  func.func @transform_2(%arg0: i32) -> (i32, i32) {
    %c0_i32 = arith.constant 0 : i32
    %c0_i32_0 = arith.constant 0 : i32
    return %arg0, %c0_i32 : i32, i32
  }
  func.func @transform_3(%arg0: i32) -> (i32, i32) {
    %c0_i32 = arith.constant 0 : i32
    %c0_i32_0 = arith.constant 0 : i32
    %c0_i32_1 = arith.constant 0 : i32
    return %c0_i32, %c0_i32_0 : i32, i32
  }
  func.func @transform_4(%arg0: i32) -> (i32, i32) {
    %c0_i32 = arith.constant 0 : i32
    %c0_i32_0 = arith.constant 0 : i32
    %c0_i32_1 = arith.constant 0 : i32
    return %c0_i32, %c0_i32_0 : i32, i32
  }
  func.func @transform_5(%arg0: i32) -> (i32, i32) {
    %c0_i32 = arith.constant 0 : i32
    %c0_i32_0 = arith.constant 0 : i32
    return %arg0, %c0_i32 : i32, i32
  }
}

</mosaic_0001>

<sc_bundles>
// kernel: kernel.6.cloned.1.call-start
scs
__scs_entry_jumppad:
0x0: {  	(pc) =	sbr.rel $0x88, $3  }
0x1: {  	(tag) =	ssettag $0x0;
	lr =	simm.s32 $0x1  }
0x2: {  	[smem:$0x3F8F] =	sst lr;
	_ =	strace $0xD0000000  }
0x3: {  	_ = 	snop  }
0x4: {  	_ = 	snop  }
0x5: {  	_ = 	snop  }
0x6: {  	_ = 	snop  }
0x7: {  	_ = 	snop  }
__scs_overlays_trampoline_lowered:
0x8: {  	[smem:$0x3F9E] =	sst s0  }
0x9: {  	[smem:$0x3F9F] =	sst s1  }
0xa: {  	[smem:$0x3FA0] =	sst s2  }
0xb: {  	[smem:$0x3FA1] =	sst s3  }
0xc: {  	[smem:$0x3FA2] =	sst s4  }
0xd: {  	[smem:$0x3FA3] =	sst s5  }
0xe: {  	[smem:$0x3FA4] =	sst s6  }
0xf: {  	[smem:$0x3FA5] =	sst s7  }
0x10: {  	[smem:$0x3FA6] =	sst s8  }
0x11: {  	[smem:$0x3FA7] =	sst s9;
	s0 =	simm.s32 @!p0 $0x0  }
0x12: {  	s1 =	sld [smem:$0x3F8D];
	s0 =	simm.s32 @p0 $0x1  }
0x13: {  	[smem:$0x3FA8] =	sst s0;
	s0 =	simm.s32 @!p1 $0x0  }
0x14: {  	s2 =	sld [smem:$0x3F8C];
	s0 =	simm.s32 @p1 $0x1  }
0x15: {  	[smem:$0x3FA9] =	sst s0;
	s0 =	simm.s32 @!p2 $0x0  }
0x16: {  	s3 =	sld [smem:$0x3FDB];
	s0 =	simm.s32 @p2 $0x1  }
0x17: {  	s4 =	simm.s32 $0x1BF5;
	[smem:$0x3FAB] =	sst s0  }
0x18: {  	s0 =	sld [smem:$0x3F8E];
	_ =	swait.ge [sflag:s4], $0x0  }
0x19: {  	s7 =	sld [smem:$0x3F8F]  }
0x1a: {  	s8 =	sadd.s32 $0xFFFFE003, lr  }
0x1b: {  	s9 =	sadd.s32 $0xFFFFFEF7, lr;
	s5 =	simm.s32 $0xFFFFFFFF;
	p2 =	slt.u32 s8, $0xFFFFF086  }
0x1c: {  	p1 =	slt.u32 s9, $0xF7A;
	s5 =	simm.s32 @!p2 $0x0  }
0x1d: {  	s5 =	simm.s32 @p1 $0x1;
	p0 =	seq.s32 s7, s2  }
0x1e: {  	s7 =	smul.u32 @!p0 $0xF7A, s2;
	p2 =	seq.s32 @!p0 s5, $0x0  }
0x1f: {  	s9 =	smul.u32 $0xF7A, s1;
	s8 =	simm.s32 @!p0 $0x1BF5;
	p2 =	por !p2, p0  }
0x20: {  	[sflag:s8] =	ssyncset.s32 @!p0 $0xFFFFF086;
	s6 =	sadd.s32 @!p0 s3, s7;
	s7 =	simm.s32 @!p0 $0x108  }
0x21: {  	s3 =	sadd.s32 s3, s9;
	s6 =	sadd.s32 @!p0 $0x88, s6;
	s7 =	simm.s32 @p2 $0x1082  }
0x22: {  	[simem:s7], [sflag:s8] =	dma.local @!p0 [hbm:s6], $0xF7A  }
0x23: {  	s9 =	sor.u32 $0xD0000000, s2;
	s6 =	simm.s32 $0x108;
	_ =	swait.ge @!p0 [sflag:s8], $0x0  }
0x24: {  	s3 =	sadd.s32 $0x88, s3;
	s6 =	simm.s32 @!p1 $0x1082;
	[sflag:s4] =	ssyncset.s32 $0xFFFFF086  }
0x25: {  	[simem:s6], [sflag:s4] =	dma.local [hbm:s3], $0xF7A  }
0x26: {  	[smem:$0x3F8F] =	sst s1;
	(tag) =	ssettag s2;
	_ =	strace s9  }
0x27: {  	s1 =	sld [smem:$0x3F9F]  }
0x28: {  	s2 =	sld [smem:$0x3FA0]  }
0x29: {  	s4 =	sld [smem:$0x3FA2]  }
0x2a: {  	p0 =	seq.s32 s5, $0x0;
	s5 =	sld [smem:$0x3FA3]  }
0x2b: {  	s6 =	sld [smem:$0x3FA4]  }
0x2c: {  	s7 =	sld [smem:$0x3FA5]  }
0x2d: {  	s3 =	simm.s32 $0x108;
	s8 =	sld [smem:$0x3FA6]  }
0x2e: {  	s3 =	simm.s32 @!p0 $0x1082;
	s9 =	sld [smem:$0x3FA7]  }
0x2f: {  	lr =	sadd.s32 s0, s3;
	s0 =	sld [smem:$0x3F9E]  }
0x30: {  	s3 =	sld [smem:$0x3FA1]  }
0x31: {  	[smem:$0x3FAA] =	sst s10  }
0x32: {  	s10 =	sld [smem:$0x3FA8];
	_ =	sdelay $0x3  }
0x33: {  	p0 =	seq.s32 s10, $0x1;
	s10 =	sld [smem:$0x3FAA];
	_ =	sdelay $0x3  }
0x34: {  	[smem:$0x3FAA] =	sst s10  }
0x35: {  	s10 =	sld [smem:$0x3FA9];
	_ =	sdelay $0x3  }
0x36: {  	p1 =	seq.s32 s10, $0x1;
	s10 =	sld [smem:$0x3FAA];
	_ =	sdelay $0x3  }
0x37: {  	[smem:$0x3FAA] =	sst s10  }
0x38: {  	s10 =	sld [smem:$0x3FAB]  }
0x39: {  	_ = 	snop;
	(pc) =	sbr.ind lr, $3  }
0x3a: {  	_ = 	snop  }
0x3b: {  	_ = 	snop  }
0x3c: {  	p2 =	seq.s32 s10, $0x1;
	s10 =	sld [smem:$0x3FAA]  }
0x3d: {  	_ =	shalt  }
0x3e: {  	_ =	shalt  }
0x3f: {  	_ =	shalt  }
0x40: {  	_ =	shalt  }
0x41: {  	_ =	shalt  }
0x42: {  	_ =	shalt  }
0x43: {  	_ =	shalt  }
0x44: {  	_ =	shalt  }
0x45: {  	_ =	shalt  }
0x46: {  	_ =	shalt  }
0x47: {  	_ =	shalt  }
0x48: {  	_ =	shalt  }
0x49: {  	_ =	shalt  }
0x4a: {  	_ =	shalt  }
0x4b: {  	_ =	shalt  }
0x4c: {  	_ =	shalt  }
0x4d: {  	_ =	shalt  }
0x4e: {  	_ =	shalt  }
0x4f: {  	_ =	shalt  }
0x50: {  	_ =	shalt  }
0x51: {  	_ =	shalt  }
0x52: {  	_ =	shalt  }
0x53: {  	_ =	shalt  }
0x54: {  	_ =	shalt  }
0x55: {  	_ =	shalt  }
0x56: {  	_ =	shalt  }
0x57: {  	_ =	shalt  }
0x58: {  	_ =	shalt  }
0x59: {  	_ =	shalt  }
0x5a: {  	_ =	shalt  }
0x5b: {  	_ =	shalt  }
0x5c: {  	_ =	shalt  }
0x5d: {  	_ =	shalt  }
0x5e: {  	_ =	shalt  }
0x5f: {  	_ =	shalt  }
0x60: {  	_ =	shalt  }
0x61: {  	_ =	shalt  }
0x62: {  	_ =	shalt  }
0x63: {  	_ =	shalt  }
0x64: {  	_ =	shalt  }
0x65: {  	_ =	shalt  }
0x66: {  	_ =	shalt  }
0x67: {  	_ =	shalt  }
0x68: {  	_ =	shalt  }
0x69: {  	_ =	shalt  }
0x6a: {  	_ =	shalt  }
0x6b: {  	_ =	shalt  }
0x6c: {  	_ =	shalt  }
0x6d: {  	_ =	shalt  }
0x6e: {  	_ =	shalt  }
0x6f: {  	_ =	shalt  }
0x70: {  	_ =	shalt  }
0x71: {  	_ =	shalt  }
0x72: {  	_ =	shalt  }
0x73: {  	_ =	shalt  }
0x74: {  	_ =	shalt  }
0x75: {  	_ =	shalt  }
0x76: {  	_ =	shalt  }
0x77: {  	_ =	shalt  }
0x78: {  	_ =	shalt  }
0x79: {  	_ =	shalt  }
0x7a: {  	_ =	shalt  }
0x7b: {  	_ =	shalt  }
0x7c: {  	_ =	shalt  }
0x7d: {  	_ =	shalt  }
0x7e: {  	_ =	shalt  }
0x7f: {  	_ =	shalt  }
0x80: {  	_ =	shalt  }
0x81: {  	_ =	shalt  }
0x82: {  	_ =	shalt  }
0x83: {  	_ =	shalt  }
0x84: {  	_ =	shalt  }
0x85: {  	_ =	shalt  }
0x86: {  	_ =	shalt  }
0x87: {  	_ =	shalt  }
.Lfunc_end0:
.L_simem_size_0:
called_computation_lowered:
.L_overlay_start_0:
0x88: {  	s2 =	sld [smem:$0x3FD9]  }
0x89: {  	s3 =	sld [smem:$0x3FFE];
	_ =	sdelay $0x1  }
0x8a: {  	s1 =	srdreg.scid  }
0x8b: {  	s0 =	sand.u32 $0x1, s1  }
0x8c: {  	s17 =	sshll.u32 s0, $0xA;
	s2 =	sadd.s32 s3, s2  }
0x8d: {  	s2 =	sadd.s32 s2, s17  }
0x8e: {  	[smem:$0x3FB6] =	sst s2  }
0x8f: {  	_ = 	snop  }
0x90: {  	s2 =	sld [smem:$0x3FD0];
	(tm) =	ssettm $0x1  }
0x91: {  	s18 =	sld [smem:$0x3FFB];
	_ =	sdelay $0x3  }
0x92: {  	_ =	strace s18  }
0x93: {  	s3 =	sld [smem:$0x3FFC];
	_ =	sdelay $0x3  }
0x94: {  	_ =	strace s3  }
0x95: {  	s3 =	sld [smem:$0x3FFD];
	_ =	sdelay $0x3  }
0x96: {  	_ =	strace s3  }
0x97: {  	_ =	strace $0x8FFFFFFF  }
0x98: {  	s19 =	sld [smem:$0x3FDB];
	_ =	sdelay $0x1  }
0x99: {  	s4 =	simm.s32 $_scs_section_size  }
0x9a: {  	s5 =	simm.s32 $_size__tile_overlayer_lowered;
	s6 =	simm.s32 $_tile_overlayer_lowered  }
0x9b: {  	s22 =	simm.s32 $0x1BFF;
	s21 =	sshll.u32 s6, $0x1;
	s3 =	sadd.s32 s4, s19  }
0x9c: {  	s7 =	simm.s32 $0x0;
	s20 =	sshll.u32 s5, $0x1;
	s5 =	sadd.s32 s21, s3  }
0x9d: {  	[timem:s7], [sflag:s22] =	dma.local [hbm:s5], s20  }
0x9e: {  	_ =	swait.ge [sflag:s22], s20  }
0x9f: {  	s4 =	ssub.s32 $0x0, s20;
	[sflag:s22] =	ssyncset.done $0x0  }
0xa0: {  	[sflag:s22] =	ssyncadd.s32 s4;
	_ =	sdelay $0x1  }
0xa1: {  	s23 =	simm.s32 $0x1B8B  }
0xa2: {  	_ =	swait.ge [sflag:s23], $0x1  }
0xa3: {  	[sflag:s23] =	ssyncset.done $0x0  }
0xa4: {  	s25 =	simm.s32 $0x1B8E;
	s24 =	sld [smem:$0x3FFE];
	[sflag:s23] =	ssyncadd.s32 $0xFFFFFFFF  }
0xa5: {  	s26 =	simm.s32 $execute0_lowered;
	[smem:$0x3FD2] =	sst s25  }
0xa6: {  	s5 =	sshll.u32 s26, $0x1;
	_ =	strace $0x80000046;
	[dreg:$0x1] =	wrdreg $0xFFFFFFFF  }
0xa7: {  	s28 =	simm.s32 $_size_execute0_lowered;
	s3 =	sadd.s32 s3, s5;
	[dreg:$0x0] =	wrdreg $0x0  }
0xa8: {  	s5 =	sshll.u32 s28, $0x1;
	[dreg:$0x2] =	wrdreg s3  }
0xa9: {  	[dreg:$0x3] =	wrdreg s5  }
0xaa: {  	[dreg:$0x4] =	wrdreg $0xC0  }
0xab: {  	_ =	task [dreg:s7], $0x5FFFF  }
0xac: {  	[dreg:$0x1] =	wrdreg $0xFFFFFFFF  }
0xad: {  	[dreg:$0x0] =	wrdreg $0x60  }
0xae: {  	[dreg:$0x2] =	wrdreg s24  }
0xaf: {  	[dreg:$0x3] =	wrdreg s2  }
0xb0: {  	[dreg:$0x4] =	wrdreg $0x0  }
0xb1: {  	[dreg:$0x5] =	wrdreg $0x9  }
0xb2: {  	_ =	task.clear_ibuf [dreg:s7], $0x6FFFF;
	_ =	strace $0x90000046  }
0xb3: {  	s29 =	simm.s32 $0x9;
	_ =	strace $0x80000048  }
0xb4: {  	_ =	swait.ge [sflag:s29], $0x1  }
0xb5: {  	[sflag:s29] =	ssyncadd.s32 $0xFFFFFFFF  }
0xb6: {  	_ =	strace $0x90000048  }
0xb7: {  	_ =	sfence  }
0xb8: {  	s30 =	sld [smem:$0x0];
	_ =	sdelay $0x2  }
0xb9: {  	s31 =	sshll.u32 s1, $0xD;
	s1 =	sshrl.u32 s1, $0x2  }
0xba: {  	s3 =	sand.u32 $0x4000, s31;
	s1 =	sadd.s32 s1, s30  }
0xbb: {  	s0 =	sor.u32 s3, s0;
	s1 =	sshll.u32 s1, $0x11  }
0xbc: {  	s0 =	sor.u32 s1, s0  }
0xbd: {  	s0 =	sadd.s32 $0x8F2B, s0  }
0xbe: {  	[sflag:s0] =	ssyncadd.remote.s32 $0x1  }
0xbf: {  	_ =	sfence.sel $0xFFFF  }
0xc0: {  	[dreg:$0x0] =	wrdreg $0xFFFFFFFF;
	(pc) =	sbr.abs _section_cstart, $3  }
0xc1: {  	[dreg:$0x1] =	wrdreg $0xFFFFFFFF  }
0xc2: {  	_ =	task.clear_ibuf [dreg:s7], $0x2FFFF;
	_ =	strace $0x9FFFFFFF  }
0xc3: {  	(tm) =	ssettm $0x7FFFFFFF  }
tec
execute0_lowered:
.L_overlay_start_1:
0x0: {  	(tag) =	ssettag $0x1  }
0x1: {  	s0 =	rddreg [dreg:$0x0]  }
0x2: {  	s1 =	rddreg [dreg:$0x1]  }
0x3: {  	s3 =	rddreg [dreg:$0x2];
	s4 =	simm.s32 $0x0  }
0x4: {  	s12 =	stileid.u32;
	s2 =	srdreg.scid;
	s28 =	simm.s32 $0x1  }
0x5: {  	s29 =	simm.s32 $0x13A80;
	s30 =	simm.s32 $0x13B00;
	s31 =	simm.s32 $0x2  }
0x6: {  	[smem:$0x7FF] =	sst s4;
	s8 =	smul.u32 $0x4E000, s12;
	s5 =	sadd.s32 $0x4E6C00, s0  }
0x7: {  	s6 =	sadd.s32 $0x3C00, s0;
	s2 =	sand.u32 $0x1, s2;
	s7 =	sadd.s32 $0x4FA600, s0  }
0x8: {  	s0 =	sadd.s32 $0x2AE00, s0;
	s17 =	smul.u32 $0x2710, s12;
	s8 =	sshrl.u32 s8, $0x2  }
0x9: {  	s21 =	smul.u32 $0x13800, s12;
	p0 =	sne.s32 s12, $0xF;
	s15 =	sadd.s32 s8, s3  }
0xa: {  	_ =	strace $0x80000047;
	s11 =	sadd.s32 $0x1800, s15;
	[dreg:$0x4] =	wrdreg s15  }
0xb: {  	s12 =	simm.s32 $0x13C00;
	s14 =	sadd.s32 $0x3000, s15;
	[dreg:$0x5] =	wrdreg s11  }
0xc: {  	s9 =	ssub.s32 $0x2, s2;
	s16 =	sadd.s32 $0x4800, s15;
	[dreg:$0x6] =	wrdreg s14  }
0xd: {  	s13 =	smul.u32 $0x27100, s2;
	s18 =	sadd.s32 $0x7800, s15;
	[dreg:$0x7] =	wrdreg s16  }
0xe: {  	s2 =	smul.u32 $0x138800, s2;
	s19 =	sadd.s32 $0x9000, s15;
	[dreg:$0x9] =	wrdreg s18  }
0xf: {  	s10 =	sshrl.u32 s9, $0x1;
	s20 =	sadd.s32 $0xA800, s15;
	[dreg:$0xa] =	wrdreg s19  }
0x10: {  	s8 =	ssub.s32 s9, s10;
	s11 =	sadd.s32 $0x6000, s15;
	[dreg:$0xb] =	wrdreg s20  }
0x11: {  	s16 =	sadd.s32 s17, s13;
	s14 =	smax.u32 s8, $0x1;
	[dreg:$0x8] =	wrdreg s11  }
0x12: {  	s17 =	sadd.s32 $0xC000, s15;
	s18 =	sadd.s32 $0xD800, s15;
	[dreg:$0x14] =	wrdreg s14  }
0x13: {  	s19 =	sadd.s32 $0xF000, s15;
	s20 =	sadd.s32 $0x10800, s15;
	[dreg:$0x15] =	wrdreg s17  }
0x14: {  	s9 =	sshrl.u32 s16, $0x3;
	s10 =	sshll.u32 s16, $0x4;
	[dreg:$0x16] =	wrdreg s18  }
0x15: {  	s23 =	sadd.s32 $0x30, s16;
	s11 =	sadd.s32 s21, s2;
	[dreg:$0x17] =	wrdreg s19  }
0x16: {  	s26 =	sadd.s32 $0x2700, s16;
	[dreg:$0x18] =	wrdreg s20;
	s21 =	sadd.s32 $0x12000, s15  }
0x17: {  	s2 =	sshrl.u32 s2, $0x3;
	s19 =	sadd.s32 $0x138000, s3;
	[dreg:$0x19] =	wrdreg s21  }
0x18: {  	s14 =	simm.s32 $0x5;
	s22 =	sadd.s32 s7, s10;
	[dreg:$0x1a] =	wrdreg s19  }
0x19: {  	s13 =	sadd.s32 s5, s9;
	s24 =	sshrl.u32 s23, $0x3;
	[dreg:$0xd] =	wrdreg s22  }
0x1a: {  	v0 =	vimm.s32 $0xFEDCBA98;
	s9 =	sshll.u32 s23, $0x4;
	s10 =	sadd.s32 s5, s24;
	[dreg:$0xc] =	wrdreg s13  }
0x1b: {  	v1 =	vimm.s32 $0x76543210;
	v2 =	vimm.s32 $0xBA98FEDC;
	v3 =	vimm.s32 $0x32107654;
	s18 =	simm.s32 $0x30;
	s9 =	sadd.s32 s7, s9;
	[dreg:$0xe] =	wrdreg s10  }
0x1c: {  	v4 =	vimm.s32 $0xDCFE98BA;
	v5 =	vimm.s32 $0x54761032;
	s17 =	simm.s32 $0x3;
	s22 =	sadd.s32 $0x9C40, s13;
	[dreg:$0xf] =	wrdreg s9  }
0x1d: {  	v6 =	vimm.s32 $0xEFCDAB89;
	v7 =	vimm.s32 $0x67452301;
	s25 =	sshrl.u32 s11, $0x3;
	s23 =	sadd.s32 $0x9C46, s13;
	[dreg:$0x1b] =	wrdreg s22  }
0x1e: {  	v0 =	vunpack.c.l.s4.s8 v0;
	v1 =	vunpack.c.l.s4.s8 v1;
	v2 =	vunpack.c.l.s4.s8 v2;
	s24 =	sadd.s32 $0x60, s16;
	s9 =	sadd.s32 s0, s25;
	[dreg:$0x1c] =	wrdreg s23  }
0x1f: {  	v3 =	vunpack.c.l.s4.s8 v3;
	v4 =	vunpack.c.l.s4.s8 v4;
	v5 =	vunpack.c.l.s4.s8 v5;
	s0 =	sadd.s32 s0, s2;
	s10 =	sshll.u32 s26, $0x4;
	[dreg:$0x1d] =	wrdreg s24  }
0x20: {  	v6 =	vunpack.c.l.s4.s8 v6;
	v7 =	vunpack.c.l.s4.s8 v7;
	v0 =	vunpack.c.0.s8.s32 v0;
	s25 =	sadd.s32 $0x90, s16;
	s23 =	simm.s32 $0x13A00;
	[dreg:$0x10] =	wrdreg s9  }
0x21: {  	v2 =	vunpack.c.0.s8.s32 v2;
	v3 =	vunpack.c.0.s8.s32 v3;
	v4 =	vunpack.c.0.s8.s32 v4;
	s24 =	simm.s32 $0x18580;
	s11 =	sadd.s32 s7, s10;
	[dreg:$0x1e] =	wrdreg s25  }
0x22: {  	v5 =	vunpack.c.0.s8.s32 v5;
	v6 =	vunpack.c.0.s8.s32 v6;
	v7 =	vunpack.c.0.s8.s32 v7;
	s9 =	sshrl.u32 s26, $0x3;
	s0 =	sadd.s32 $0x27000, s0;
	[dreg:$0x12] =	wrdreg s11  }
0x23: {  	v1 =	vunpack.c.0.s8.s32 v1;
	v2 =	vcombine.low v3, v2;
	s26 =	sadd.s32 $0xA120, s13;
	s13 =	simm.s32 $0x1CD80;
	[dreg:$0x13] =	wrdreg s0  }
0x24: {  	v3 =	vcombine.low v5, v4;
	v4 =	vand.u32 $0xF, v0;
	v5 =	vcombine.low v7, v6;
	s25 =	simm.s32 $0x19D80;
	s2 =	sadd.s32 s5, s9;
	[dreg:$0x1f] =	wrdreg s26  }
0x25: {  	v0 =	vimm.f32 $0.0e+00;
	v1 =	vcombine.low v4, v1;
	s26 =	simm.s32 $0x1B580;
	s9 =	simm.s32 $0x13B80;
	s0 =	simm.s32 $0x4  }
0x26: {  	v2 =	vand.u32 $0xF, v2;
	v3 =	vand.u32 $0xF, v3;
	v4 =	vand.u32 $0xF, v5;
	s11 =	simm.s32 $0x0;
	[dreg:$0x11] =	wrdreg s2;
	s2 =	simm.s32 $0x1E580  }
.LBB2_1:
0x27: {  	[smem:$0x7FD] =	sst s11;
	s8 =	simm.s32 $0x0;
	s10 =	simm.s32 $0x200  }
.LBB2_2:
0x28: {  	p1 =	sne.s32 s10, $0x5E00;
	[tilespmem:s8+$0x1CDF0] =	vst v0  }
0x29: {  	[tilespmem:s8+$0x1CD80] =	vst v0  }
0x2a: {  	[tilespmem:s8+$0x1CD90] =	vst v0  }
.Ltmp0:
0x2b: {  	[tilespmem:s8+$0x1CDA0] =	vst v0;
	(pc) =	sbr.rel @p1 .LBB2_2-.Ltmp0, $4  }
0x2c: {  	[tilespmem:s8+$0x1CDB0] =	vst v0  }
0x2d: {  	[tilespmem:s8+$0x1CDC0] =	vst v0  }
0x2e: {  	[tilespmem:s8+$0x1CDD0] =	vst v0  }
0x2f: {  	[tilespmem:s8+$0x1CDE0] =	vst v0;
	s8 =	sshra.s32 s10, $0x2;
	s10 =	sadd.s32 $0x200, s10  }
0x30: {  	[tilespmem:s8+$0x1CDF0] =	vst v0  }
0x31: {  	[tilespmem:s8+$0x1CD80] =	vst v0  }
0x32: {  	[tilespmem:s8+$0x1CD90] =	vst v0  }
0x33: {  	[tilespmem:s8+$0x1CDA0] =	vst v0  }
0x34: {  	[tilespmem:s8+$0x1CDB0] =	vst v0  }
0x35: {  	[tilespmem:s8+$0x1CDC0] =	vst v0  }
0x36: {  	[tilespmem:s8+$0x1CDD0] =	vst v0  }
0x37: {  	[tilespmem:s8+$0x1CDE0] =	vst v0  }
0x38: {  	[spmem:s15] =	stream.linear.scatter [tilespmem:s13], [sflag:$0x5], $0x1800, $0x38;
	[tilespmem:$0x1FD80] =	vst v63  }
0x39: {  	_ =	swait.ge [sflag:s14], $0x1800  }
0x3a: {  	[sflag:s14] =	ssyncset.done $0x0  }
0x3b: {  	s20 =	rddreg [dreg:$0x5];
	[sflag:s14] =	ssyncadd.s32 $0xFFFFE800  }
0x3c: {  	[spmem:s20] =	stream.linear.scatter [tilespmem:s13], [sflag:$0x5], $0x1800, $0x38;
	[tilespmem:$0x1FD80] =	vst v63  }
0x3d: {  	_ =	swait.ge [sflag:s14], $0x1800  }
0x3e: {  	[sflag:s14] =	ssyncset.done $0x0  }
0x3f: {  	s21 =	rddreg [dreg:$0x6];
	[sflag:s14] =	ssyncadd.s32 $0xFFFFE800  }
0x40: {  	[spmem:s21] =	stream.linear.scatter [tilespmem:s13], [sflag:$0x5], $0x1800, $0x38;
	[tilespmem:$0x1FD80] =	vst v63  }
0x41: {  	_ =	swait.ge [sflag:s14], $0x1800  }
0x42: {  	[sflag:s14] =	ssyncset.done $0x0  }
0x43: {  	s22 =	rddreg [dreg:$0x7];
	[sflag:s14] =	ssyncadd.s32 $0xFFFFE800  }
0x44: {  	[spmem:s22] =	stream.linear.scatter [tilespmem:s13], [sflag:$0x5], $0x1800, $0x38;
	[tilespmem:$0x1FD80] =	vst v63  }
0x45: {  	_ =	swait.ge [sflag:s14], $0x1800  }
0x46: {  	[sflag:s14] =	ssyncset.done $0x0  }
0x47: {  	s10 =	rddreg [dreg:$0x8];
	[sflag:s14] =	ssyncadd.s32 $0xFFFFE800  }
0x48: {  	[spmem:s10] =	stream.linear.scatter [tilespmem:s13], [sflag:$0x5], $0x1800, $0x38;
	[tilespmem:$0x1FD80] =	vst v63  }
0x49: {  	_ =	swait.ge [sflag:s14], $0x1800  }
0x4a: {  	[sflag:s14] =	ssyncset.done $0x0  }
0x4b: {  	s11 =	rddreg [dreg:$0x9];
	[sflag:s14] =	ssyncadd.s32 $0xFFFFE800  }
0x4c: {  	[spmem:s11] =	stream.linear.scatter [tilespmem:s13], [sflag:$0x5], $0x1800, $0x38;
	[tilespmem:$0x1FD80] =	vst v63  }
0x4d: {  	_ =	swait.ge [sflag:s14], $0x1800  }
0x4e: {  	[sflag:s14] =	ssyncset.done $0x0  }
0x4f: {  	s15 =	rddreg [dreg:$0xa];
	[sflag:s14] =	ssyncadd.s32 $0xFFFFE800  }
0x50: {  	[spmem:s15] =	stream.linear.scatter [tilespmem:s13], [sflag:$0x5], $0x1800, $0x38;
	[tilespmem:$0x1FD80] =	vst v63  }
0x51: {  	_ =	swait.ge [sflag:s14], $0x1800  }
0x52: {  	[sflag:s14] =	ssyncset.done $0x0  }
0x53: {  	s20 =	rddreg [dreg:$0xb];
	[sflag:s14] =	ssyncadd.s32 $0xFFFFE800  }
0x54: {  	[spmem:s20] =	stream.linear.scatter [tilespmem:s13], [sflag:$0x5], $0x1800, $0x38;
	[tilespmem:$0x1FD80] =	vst v63  }
0x55: {  	_ =	swait.ge [sflag:s14], $0x1800  }
0x56: {  	[sflag:s14] =	ssyncset.done $0x0  }
0x57: {  	s21 =	rddreg [dreg:$0x15];
	[sflag:s14] =	ssyncadd.s32 $0xFFFFE800  }
0x58: {  	[spmem:s21] =	stream.linear.scatter [tilespmem:s13], [sflag:$0x5], $0x1800, $0x38;
	[tilespmem:$0x1FD80] =	vst v63  }
0x59: {  	_ =	swait.ge [sflag:s14], $0x1800  }
0x5a: {  	[sflag:s14] =	ssyncset.done $0x0  }
0x5b: {  	s22 =	rddreg [dreg:$0x16];
	[sflag:s14] =	ssyncadd.s32 $0xFFFFE800  }
0x5c: {  	[spmem:s22] =	stream.linear.scatter [tilespmem:s13], [sflag:$0x5], $0x1800, $0x38;
	[tilespmem:$0x1FD80] =	vst v63  }
0x5d: {  	_ =	swait.ge [sflag:s14], $0x1800  }
0x5e: {  	[sflag:s14] =	ssyncset.done $0x0  }
0x5f: {  	s10 =	rddreg [dreg:$0x17];
	[sflag:s14] =	ssyncadd.s32 $0xFFFFE800  }
0x60: {  	[spmem:s10] =	stream.linear.scatter [tilespmem:s13], [sflag:$0x5], $0x1800, $0x38;
	[tilespmem:$0x1FD80] =	vst v63  }
0x61: {  	_ =	swait.ge [sflag:s14], $0x1800  }
0x62: {  	[sflag:s14] =	ssyncset.done $0x0  }
0x63: {  	s11 =	rddreg [dreg:$0x18];
	[sflag:s14] =	ssyncadd.s32 $0xFFFFE800  }
0x64: {  	[spmem:s11] =	stream.linear.scatter [tilespmem:s13], [sflag:$0x5], $0x1800, $0x38;
	[tilespmem:$0x1FD80] =	vst v63  }
0x65: {  	_ =	swait.ge [sflag:s14], $0x1800  }
0x66: {  	[sflag:s14] =	ssyncset.done $0x0  }
0x67: {  	s15 =	rddreg [dreg:$0x19];
	[sflag:s14] =	ssyncadd.s32 $0xFFFFE800  }
0x68: {  	[spmem:s15] =	stream.linear.scatter [tilespmem:s13], [sflag:$0x5], $0x1800, $0x38;
	[tilespmem:$0x1FD80] =	vst v63  }
0x69: {  	_ =	swait.ge [sflag:s14], $0x1800  }
0x6a: {  	[sflag:s14] =	ssyncset.done $0x0  }
0x6b: {  	s8 =	simm.s32 @!p0 $0x1CD80;
	[sflag:s14] =	ssyncadd.s32 $0xFFFFE800  }
0x6c: {  	[spmem:s19] =	stream.linear.scatter @!p0 [tilespmem:s8], [sflag:$0x5], $0x800, $0x38;
	[tilespmem:$0x1FD80] =	vst v63  }
0x6d: {  	s8 =	simm.s32 @!p0 $0x5  }
0x6e: {  	_ =	swait.ge @!p0 [sflag:s8], $0x800  }
0x6f: {  	[sflag:s8] =	ssyncset.done @!p0 $0x0  }
0x70: {  	[sflag:s8] =	ssyncadd.s32 @!p0 $0xFFFFF800  }
0x71: {  	[bflag:$0x0] =	sbarrier.arrive $0xFFFF  }
0x72: {  	s11 =	simm.s32 $0x13880;
	s8 =	simm.s32 $0x0;
	s10 =	rddreg [dreg:$0xc]  }
0x73: {  	[tilespmem:s11], [sflag:$0x5] =	stream.linear.gather [hbm4b:s10+s8], $0x30, $0x38;
	[tilespmem:$0x1FD80] =	vst v63  }
0x74: {  	_ =	swait.ge [sflag:s14], $0x30  }
0x75: {  	[sflag:s14] =	ssyncset.done $0x0  }
0x76: {  	s20 =	simm.s32 $0x13900;
	s19 =	rddreg [dreg:$0x1b];
	[sflag:s14] =	ssyncadd.s32 $0xFFFFFFD0  }
0x77: {  	[tilespmem:s20], [sflag:$0x5] =	stream.linear.gather [hbm4b:s19+s8], $0x30, $0x38;
	[tilespmem:$0x1FD80] =	vst v63  }
0x78: {  	_ =	swait.ge [sflag:s14], $0x30  }
0x79: {  	[sflag:s14] =	ssyncset.done $0x0  }
0x7a: {  	s21 =	simm.s32 $0x13D80;
	[sflag:s14] =	ssyncadd.s32 $0xFFFFFFD0  }
0x7b: {  	[tilespmem:s21], [sflag:$0x1] =	stream.indirect.gather [hbm4b:s1+s18], $0x80, s20, s18, $0xb8;
	[tilespmem:$0x1FD80] =	vst v63  }
0x7c: {  	s22 =	simm.s32 $0x15580  }
0x7d: {  	[tilespmem:s22], [sflag:$0x1] =	stream.indirect.gather [hbm4b:s6+s18], $0x80, s11, s18, $0xb8;
	[tilespmem:$0x1FD80] =	vst v63  }
0x7e: {  	s15 =	simm.s32 $0x16D80;
	s11 =	rddreg [dreg:$0xd]  }
0x7f: {  	[tilespmem:s15], [sflag:$0x1] =	stream.linear.gather [hbm4b:s11+s8], $0x1800, $0x38;
	[tilespmem:$0x1FD80] =	vst v63  }
0x80: {  	s19 =	rddreg [dreg:$0xe];
	s20 =	simm.s32 $0x13980  }
0x81: {  	[tilespmem:s20], [sflag:$0x5] =	stream.linear.gather [hbm4b:s19+s8], $0x30, $0x38;
	[tilespmem:$0x1FD80] =	vst v63  }
0x82: {  	_ =	swait.ge [sflag:s14], $0x30  }
0x83: {  	[sflag:s14] =	ssyncset.done $0x0  }
0x84: {  	s21 =	rddreg [dreg:$0x1c];
	[sflag:s14] =	ssyncadd.s32 $0xFFFFFFD0  }
0x85: {  	[tilespmem:s23], [sflag:$0x5] =	stream.linear.gather [hbm4b:s21+s8], $0x30, $0x38;
	[tilespmem:$0x1FD80] =	vst v63  }
0x86: {  	_ =	swait.ge [sflag:s14], $0x30  }
0x87: {  	[sflag:s14] =	ssyncset.done $0x0  }
0x88: {  	[sflag:s14] =	ssyncadd.s32 $0xFFFFFFD0  }
0x89: {  	[tilespmem:s24], [sflag:$0x2] =	stream.indirect.gather [hbm4b:s1+s18], $0x80, s23, s18, $0xb8;
	[tilespmem:$0x1FD80] =	vst v63  }
0x8a: {  	_ = 	snop  }
0x8b: {  	[tilespmem:s25], [sflag:$0x2] =	stream.indirect.gather [hbm4b:s6+s18], $0x80, s20, s18, $0xb8;
	[tilespmem:$0x1FD80] =	vst v63  }
0x8c: {  	s22 =	rddreg [dreg:$0xf]  }
0x8d: {  	[tilespmem:s26], [sflag:$0x2] =	stream.linear.gather [hbm4b:s22+s8], $0x1800, $0x38;
	[tilespmem:$0x1FD80] =	vst v63  }
.LBB2_4:
0x8e: {  	_ =	swait.ge [sflag:s28], $0x1800  }
0x8f: {  	[sflag:s28] =	ssyncset.done $0x0  }
0x90: {  	[sflag:s28] =	ssyncadd.s32 $0xFFFFE800  }
0x91: {  	_ =	swait.ge [sflag:s28], $0x1800  }
0x92: {  	[sflag:s28] =	ssyncset.done $0x0  }
0x93: {  	[sflag:s28] =	ssyncadd.s32 $0xFFFFE800  }
0x94: {  	_ =	swait.ge [sflag:s28], $0x1800  }
0x95: {  	p1 =	seq.s32 s8, $0x0;
	[sflag:s28] =	ssyncset.done $0x0  }
0x96: {  	s10 =	simm.s32 @!p1 $0x3;
	[sflag:s28] =	ssyncadd.s32 $0xFFFFE800  }
0x97: {  	_ =	swait.ge @!p1 [sflag:s10], $0x1800  }
0x98: {  	[sflag:s10] =	ssyncset.done @!p1 $0x0  }
0x99: {  	s21 =	simm.s32 $0x16E00;
	[sflag:s10] =	ssyncadd.s32 @!p1 $0xFFFFE800  }
0x9a: {  	v9 =	vld [tilespmem:s21+$0x60]  }
0x9b: {  	v10 =	vld [tilespmem:s21+$0x50]  }
0x9c: {  	v11 =	vld [tilespmem:s21+$0x40]  }
0x9d: {  	v12 =	vld [tilespmem:s21+$0x30]  }
0x9e: {  	v13 =	vld [tilespmem:s21+$0x20]  }
0x9f: {  	v14 =	vld [tilespmem:s21+$0x10]  }
0xa0: {  	s15 =	simm.s32 $0x15600;
	v15 =	vld [tilespmem:s21+$0x0]  }
0xa1: {  	s11 =	simm.s32 $0x13E00;
	v16 =	vld [tilespmem:s15+$0x0]  }
0xa2: {  	v6 =	vld [tilespmem:s11+$0x0]  }
0xa3: {  	v17 =	vld [tilespmem:s15+$0x10]  }
0xa4: {  	v7 =	vld [tilespmem:s11+$0x10]  }
0xa5: {  	v18 =	vld [tilespmem:s15+$0x20]  }
0xa6: {  	v19 =	vld [tilespmem:s11+$0x20]  }
0xa7: {  	v5 =	vld [tilespmem:s15+$0x30]  }
0xa8: {  	v20 =	vld [tilespmem:s11+$0x30]  }
0xa9: {  	v8 =	vld [tilespmem:s15+$0x40];
	v21 =	vshll.u32 v16, $0x10  }
0xaa: {  	v23 =	vld [tilespmem:s11+$0x40];
	v21 =	vmul.f32 v21, v6  }
0xab: {  	v44 =	vld [tilespmem:s11+$0x50];
	v22 =	vshll.u32 v15, $0x10;
	v24 =	vshll.u32 v17, $0x10  }
0xac: {  	v45 =	vld [tilespmem:s11+$0x60];
	v21 =	vmul.f32 v22, v21;
	v22 =	vmul.f32 v24, v7  }
0xad: {  	v47 =	vld [tilespmem:s11+$0x70];
	v25 =	vshll.u32 v14, $0x10;
	v26 =	vshll.u32 v18, $0x10  }
0xae: {  	v6 =	vld [tilespmem:s15+$0x50];
	v19 =	vmul.f32 v26, v19;
	v27 =	vadd.f32 $0.0e+00, v21;
	v22 =	vmul.f32 v25, v22  }
0xaf: {  	v30 =	vld [tilespmem:s11+$0xFFFFFF80];
	v46 =	vshll.u32 v13, $0x10;
	v28 =	vshll.u32 v5, $0x10  }
0xb0: {  	v20 =	vmul.f32 v28, v20;
	v7 =	vld [tilespmem:s15+$0x60];
	v19 =	vmul.f32 v46, v19;
	v27 =	vadd.f32 v22, v27  }
0xb1: {  	v31 =	vld [tilespmem:s21+$0xFFFFFF80];
	v29 =	vshll.u32 v8, $0x10;
	v28 =	vshll.u32 v12, $0x10  }
0xb2: {  	v23 =	vmul.f32 v29, v23;
	v20 =	vmul.f32 v28, v20;
	v21 =	vld [tilespmem:s15+$0x70];
	v19 =	vadd.f32 v19, v27  }
0xb3: {  	v48 =	vld [tilespmem:s11+$0xFFFFFF90];
	v28 =	vshll.u32 v11, $0x10;
	v29 =	vshll.u32 v6, $0x10  }
0xb4: {  	v22 =	vld [tilespmem:s21+$0x70];
	v19 =	vadd.f32 v20, v19;
	v20 =	vmul.f32 v28, v23;
	v23 =	vmul.f32 v29, v44  }
0xb5: {  	v32 =	vld [tilespmem:s21+$0xFFFFFF90];
	v28 =	vshll.u32 v10, $0x10;
	v29 =	vshll.u32 v7, $0x10  }
0xb6: {  	v37 =	vld [tilespmem:s15+$0xFFFFFFC0];
	v19 =	vadd.f32 v20, v19;
	v20 =	vmul.f32 v28, v23;
	v23 =	vmul.f32 v29, v45  }
0xb7: {  	v41 =	vld [tilespmem:s11+$0xFFFFFFD0];
	v28 =	vshll.u32 v9, $0x10;
	v29 =	vshll.u32 v21, $0x10  }
0xb8: {  	v26 =	vld [tilespmem:s15+$0xFFFFFFA0];
	v19 =	vadd.f32 v20, v19;
	v20 =	vmul.f32 v28, v23;
	v23 =	vmul.f32 v29, v47  }
0xb9: {  	v27 =	vld [tilespmem:s15+$0xFFFFFF80];
	v28 =	vshll.u32 v22, $0x10  }
0xba: {  	v24 =	vld [tilespmem:s15+$0xFFFFFF90];
	v19 =	vadd.f32 v20, v19;
	v20 =	vmul.f32 v28, v23  }
0xbb: {  	v35 =	vand.u32 $0xFFFF0000, v11;
	v11 =	vld [tilespmem:s11+$0xFFFFFFB0]  }
0xbc: {  	v34 =	vand.u32 $0xFFFF0000, v10;
	v36 =	vand.u32 $0xFFFF0000, v14;
	v44 =	vld [tilespmem:s21+$0xFFFFFFE0];
	v10 =	vadd.f32 v20, v19  }
0xbd: {  	v14 =	vand.u32 $0xFFFF0000, v15;
	v16 =	vand.u32 $0xFFFF0000, v16;
	v17 =	vand.u32 $0xFFFF0000, v17;
	v29 =	vld [tilespmem:s11+$0xFFFFFFA0]  }
0xbe: {  	v28 =	vld [tilespmem:s21+$0xFFFFFFA0];
	v20 =	vand.u32 $0xFFFF0000, v13;
	v13 =	vshll.u32 v27, $0x10;
	v15 =	vperm.xlane v10, v1  }
0xbf: {  	v38 =	vshll.u32 v31, $0x10;
	v23 =	vand.u32 $0xFFFF0000, v9;
	v9 =	vld [tilespmem:s15+$0xFFFFFFB0];
	v13 =	vmul.f32 v13, v30  }
0xc0: {  	v33 =	vshll.u32 v24, $0x10;
	v19 =	vand.u32 $0xFFFF0000, v12;
	v12 =	vld [tilespmem:s21+$0xFFFFFFB0];
	v10 =	vadd.f32 v10, v15  }
0xc1: {  	v18 =	vand.u32 $0xFFFF0000, v18;
	v25 =	vmul.f32 v33, v48;
	v30 =	vld [tilespmem:s11+$0xFFFFFFC0];
	v13 =	vmul.f32 v38, v13  }
0xc2: {  	v49 =	vshll.u32 v32, $0x10;
	v39 =	vshll.u32 v26, $0x10;
	v38 =	vld [tilespmem:s15+$0xFFFFFFD0];
	v40 =	vperm.xlane v10, v2  }
0xc3: {  	v25 =	vmul.f32 v49, v25;
	v29 =	vmul.f32 v39, v29;
	v15 =	vld [tilespmem:s21+$0xFFFFFFC0];
	v13 =	vadd.f32 $0.0e+00, v13  }
0xc4: {  	v39 =	vld [tilespmem:s21+$0xFFFFFFD0];
	v50 =	vshll.u32 v28, $0x10;
	v42 =	vshll.u32 v9, $0x10;
	v10 =	vadd.f32 v10, v40  }
0xc5: {  	v51 =	vmul.f32 v50, v29;
	v11 =	vmul.f32 v42, v11;
	v13 =	vadd.f32 v25, v13;
	v40 =	vld [tilespmem:s15+$0xFFFFFFE0]  }
0xc6: {  	v53 =	vshll.u32 v37, $0x10;
	v29 =	vld [tilespmem:s11+$0xFFFFFFE0];
	v52 =	vshll.u32 v12, $0x10;
	v43 =	vperm.xlane v10, v3  }
0xc7: {  	v11 =	vmul.f32 v52, v11;
	v54 =	vmul.f32 v53, v30;
	v30 =	vld [tilespmem:s15+$0xFFFFFFF0];
	v13 =	vadd.f32 v51, v13  }
0xc8: {  	v57 =	vld [tilespmem:s11+$0xFFFFFFF0];
	v56 =	vshll.u32 v38, $0x10;
	v55 =	vshll.u32 v15, $0x10;
	v10 =	vadd.f32 v10, v43  }
0xc9: {  	v59 =	vld [tilespmem:s21+$0xFFFFFFF0];
	v58 =	vmul.f32 v56, v41;
	v11 =	vadd.f32 v11, v13;
	v13 =	vmul.f32 v55, v54  }
0xca: {  	v61 =	vshll.u32 v39, $0x10;
	v45 =	vshll.u32 v40, $0x10;
	v60 =	vperm.xlane v10, v4  }
0xcb: {  	v11 =	vadd.f32 v13, v11;
	v13 =	vmul.f32 v61, v58;
	v62 =	vmul.f32 v45, v29  }
0xcc: {  	v29 =	vshll.u32 v30, $0x10;
	v33 =	vadd.f32 v10, v60;
	v10 =	vshll.u32 v44, $0x10  }
0xcd: {  	v11 =	vadd.f32 v13, v11;
	v13 =	vmul.f32 v29, v57;
	v10 =	vmul.f32 v10, v62  }
0xce: {  	v63 =	vand.u32 $0xFFFF0000, v5;
	v14 =	vmul.f32 v16, v14;
	v29 =	vshll.u32 v59, $0x10  }
0xcf: {  	v48 =	vand.u32 $0xFFFF0000, v8;
	v8 =	vadd.f32 v10, v11;
	v10 =	vmul.f32 v29, v13  }
0xd0: {  	v16 =	vmul.f32 v17, v36;
	v6 =	vand.u32 $0xFFFF0000, v6;
	v49 =	vand.u32 $0xFFFF0000, v31  }
0xd1: {  	v31 =	vand.u32 $0xFFFF0000, v37;
	v17 =	vmul.f32 v18, v20;
	v8 =	vadd.f32 v10, v8  }
0xd2: {  	s19 =	simm.s32 $0x15700;
	v7 =	vand.u32 $0xFFFF0000, v7;
	v18 =	vmul.f32 v63, v19;
	v20 =	vmul.f32 v48, v35  }
0xd3: {  	s20 =	simm.s32 $0x13F00;
	v36 =	vld [tilespmem:s19+$0x0];
	v50 =	vand.u32 $0xFFFF0000, v28;
	v28 =	vand.u32 $0xFFFF0000, v9;
	v9 =	vperm.xlane v8, v1  }
0xd4: {  	s22 =	simm.s32 $0x16F00;
	v46 =	vld [tilespmem:s20+$0x30];
	v19 =	vmul.f32 v6, v34;
	v6 =	vmul.f32 v7, v23;
	v52 =	vand.u32 $0xFFFF0000, v39  }
0xd5: {  	v37 =	vld [tilespmem:s22+$0x60];
	v15 =	vand.u32 $0xFFFF0000, v15;
	v5 =	vsub.f32 $0.0e+00, v33;
	v53 =	vadd.f32 v8, v9  }
0xd6: {  	v34 =	vld [tilespmem:s19+$0x10];
	v51 =	vand.u32 $0xFFFF0000, v38;
	v11 =	vand.u32 $0xFFFF0000, v27;
	v13 =	vand.u32 $0xFFFF0000, v24  }
0xd7: {  	v23 =	vld [tilespmem:s20+$0x10];
	v27 =	vand.u32 $0xFFFF0000, v32;
	v5 =	vmul.f32 $1.442695020e+00, v5;
	v55 =	vperm.xlane v53, v2  }
0xd8: {  	v35 =	vld [tilespmem:s19+$0x20];
	v29 =	vand.u32 $0xFFFF0000, v12;
	v12 =	vmul.f32 v13, v27;
	v27 =	vand.u32 $0xFFFF0000, v30  }
0xd9: {  	v39 =	vld [tilespmem:s22+$0x50];
	v10 =	vand.u32 $0xFFFF0000, v26;
	(erf) = vpow2.f32 v5;
	v24 =	vadd.f32 v53, v55  }
0xda: {  	v38 =	vld [tilespmem:s22+$0x0];
	v30 =	vand.u32 $0xFFFF0000, v59;
	v9 =	vmul.f32 v10, v50;
	v10 =	vmul.f32 v31, v15  }
0xdb: {  	v45 =	vld [tilespmem:s22+$0x30];
	v15 =	vmul.f32 v27, v30;
	v27 =	vperm.xlane v24, v3  }
0xdc: {  	v21 =	vand.u32 $0xFFFF0000, v21;
	v5 =	vmul.f32 v11, v49;
	v11 =	vmul.f32 v28, v29;
	v28 =	vld [tilespmem:s20+$0x0]  }
0xdd: {  	v63 =	vand.u32 $0xFFFF0000, v22;
	v54 =	vand.u32 $0xFFFF0000, v44;
	v44 =	vld [tilespmem:s22+$0x40];
	v29 =	vadd.f32 v24, v27  }
0xde: {  	v7 =	vand.u32 $0xFFFF0000, v37;
	v43 =	vmul.f32 v21, v63;
	v21 =	vshll.u32 v39, $0x10;
	v31 =	vld [tilespmem:s22+$0x10]  }
0xdf: {  	v42 =	vld [tilespmem:s19+$0x30];
	v40 =	vand.u32 $0xFFFF0000, v40;
	v62 =	vshll.u32 v34, $0x10;
	v30 =	vperm.xlane v29, v4  }
0xe0: {  	v61 =	vshll.u32 v38, $0x10;
	v60 =	vld [tilespmem:s20+$0x20];
	v23 =	vmul.f32 v62, v23;
	v59 =	vshll.u32 v36, $0x10  }
0xe1: {  	v56 =	vld [tilespmem:s22+$0x20];
	v13 =	vmul.f32 v40, v54;
	v29 =	vadd.f32 v29, v30;
	v30 =	vmul.f32 v59, v28  }
0xe2: {  	v48 =	vld [tilespmem:s20+$0x40];
	v25 =	vand.u32 $0xFFFF0000, v44;
	v26 =	vand.u32 $0xFFFF0000, v45;
	v45 =	vshll.u32 v45, $0x10  }
0xe3: {  	v8 =	vmul.f32 v51, v52;
	v22 =	vshll.u32 v31, $0x10;
	v57 =	vpop (erf);
	v32 =	vmul.f32 v61, v30;
	v30 =	vld [tilespmem:s19+$0x40]  }
0xe4: {  	v62 =	vld [tilespmem:s19+$0xFFFFFF80];
	v58 =	vadd.f32 $1.000000000e+00, v57;
	v28 =	vand.u32 $0xFFFF0000, v31;
	v31 =	vshll.u32 v35, $0x10  }
0xe5: {  	v22 =	vmul.f32 v22, v23;
	v23 =	vmul.f32 v31, v60;
	v31 =	vld [tilespmem:s19+$0x50];
	v32 =	vadd.f32 $0.0e+00, v32  }
0xe6: {  	v49 =	vld [tilespmem:s20+$0x50];
	v52 =	vshll.u32 v56, $0x10;
	v53 =	vshll.u32 v42, $0x10;
	(erf) = vrcp.f32 v58  }
0xe7: {  	v54 =	vmul.f32 v53, v46;
	v23 =	vmul.f32 v52, v23;
	v22 =	vadd.f32 v22, v32;
	v32 =	vld [tilespmem:s19+$0x60]  }
0xe8: {  	v57 =	vld [tilespmem:s20+$0x60];
	v27 =	vand.u32 $0xFFFF0000, v56;
	v47 =	vsub.f32 $0.0e+00, v29;
	v56 =	vshll.u32 v30, $0x10  }
0xe9: {  	v40 =	vmul.f32 v45, v54;
	v23 =	vadd.f32 v23, v22;
	v58 =	vmul.f32 v56, v48;
	v22 =	vld [tilespmem:s19+$0x70]  }
0xea: {  	v59 =	vshll.u32 v44, $0x10;
	v61 =	vld [tilespmem:s20+$0x70];
	v55 =	vmul.f32 $1.442695020e+00, v47;
	v60 =	vshll.u32 v31, $0x10  }
0xeb: {  	v44 =	vmul.f32 v60, v49;
	v40 =	vadd.f32 v40, v23;
	v41 =	vmul.f32 v59, v58;
	v23 =	vld [tilespmem:s22+$0x70]  }
0xec: {  	v53 =	vld [tilespmem:s20+$0xFFFFFF80];
	v24 =	vand.u32 $0xFFFF0000, v39;
	(erf) = vpow2.f32 v55;
	v63 =	vshll.u32 v32, $0x10  }
0xed: {  	v47 =	vld [tilespmem:s22+$0xFFFFFF80];
	v54 =	vmul.f32 v21, v44;
	v40 =	vadd.f32 v41, v40;
	v39 =	vmul.f32 v63, v57  }
0xee: {  	v37 =	vshll.u32 v37, $0x10;
	v55 =	vld [tilespmem:s19+$0xFFFFFF90];
	v48 =	vand.u32 $0xFFFF0000, v38;
	v56 =	vshll.u32 v22, $0x10  }
0xef: {  	v52 =	vpop (erf);
	v38 =	vld [tilespmem:s20+$0xFFFFFF90];
	v40 =	vadd.f32 v54, v40;
	v37 =	vmul.f32 v37, v39;
	v57 =	vmul.f32 v56, v61  }
0xf0: {  	v34 =	vand.u32 $0xFFFF0000, v34;
	v21 =	vmul.f32 v52, v33;
	v52 =	vld [tilespmem:s19+$0xFFFFFFB0];
	v58 =	vshll.u32 v23, $0x10  }
0xf1: {  	v36 =	vand.u32 $0xFFFF0000, v36;
	v44 =	vld [tilespmem:s22+$0xFFFFFFB0];
	v37 =	vadd.f32 v37, v40;
	v39 =	vmul.f32 v58, v57  }
0xf2: {  	v45 =	vand.u32 $0xFFFF0000, v62;
	v59 =	vshll.u32 v62, $0x10;
	v50 =	vmul.f32 v21, v43;
	v43 =	vld [tilespmem:s22+$0xFFFFFF90]  }
0xf3: {  	v35 =	vand.u32 $0xFFFF0000, v35;
	v41 =	vld [tilespmem:s19+$0xFFFFFFA0];
	v63 =	vmul.f32 v59, v53;
	v37 =	vadd.f32 v39, v37  }
0xf4: {  	v28 =	vmul.f32 v34, v28;
	v62 =	vshll.u32 v47, $0x10;
	v47 =	vand.u32 $0xFFFF0000, v47;
	v61 =	vld [tilespmem:s20+$0xFFFFFFA0]  }
0xf5: {  	v51 =	vand.u32 $0xFFFF0000, v55;
	v33 =	vmul.f32 v62, v63;
	v63 =	vld [tilespmem:s20+$0xFFFFFFB0];
	v60 =	vpop (erf);
	v53 =	vperm.xlane v37, v1  }
0xf6: {  	v62 =	vshll.u32 v52, $0x10;
	v52 =	vand.u32 $0xFFFF0000, v52;
	v56 =	vadd.f32 $1.000000000e+00, v60;
	v58 =	vld [tilespmem:s22+$0xFFFFFFA0]  }
0xf7: {  	v54 =	vld [tilespmem:s19+$0xFFFFFFC0];
	v40 =	vand.u32 $0xFFFF0000, v42;
	v57 =	vshll.u32 v55, $0x10;
	v37 =	vadd.f32 v37, v53  }
0xf8: {  	v59 =	vshll.u32 v43, $0x10;
	v42 =	vld [tilespmem:s20+$0xFFFFFFC0];
	v38 =	vmul.f32 v57, v38;
	(erf) = vrcp.f32 v56  }
0xf9: {  	v43 =	vand.u32 $0xFFFF0000, v43;
	v60 =	vshll.u32 v41, $0x10;
	v57 =	vld [tilespmem:s19+$0xFFFFFFD0];
	v55 =	vperm.xlane v37, v2  }
0xfa: {  	v33 =	vadd.f32 $0.0e+00, v33;
	v56 =	vld [tilespmem:s22+$0xFFFFFFC0];
	v38 =	vmul.f32 v59, v38;
	v46 =	vmul.f32 v60, v61  }
0xfb: {  	v41 =	vand.u32 $0xFFFF0000, v41;
	v39 =	vld [tilespmem:s20+$0xFFFFFFD0];
	v61 =	vshll.u32 v58, $0x10;
	v37 =	vadd.f32 v37, v55  }
0xfc: {  	v34 =	vmul.f32 v40, v26;
	v33 =	vadd.f32 v38, v33;
	v46 =	vmul.f32 v61, v46  }
0xfd: {  	v60 =	vshll.u32 v54, $0x10;
	v49 =	vand.u32 $0xFFFF0000, v58;
	v58 =	vld [tilespmem:s22+$0xFFFFFFD0];
	v59 =	vperm.xlane v37, v3  }
0xfe: {  	v38 =	vmul.f32 v62, v63;
	v63 =	vshll.u32 v44, $0x10;
	v33 =	vadd.f32 v46, v33;
	v46 =	vld [tilespmem:s19+$0xFFFFFFE0]  }
0xff: {  	v42 =	vmul.f32 v60, v42;
	v62 =	vshll.u32 v57, $0x10;
	v55 =	vld [tilespmem:s20+$0xFFFFFFE0];
	v37 =	vadd.f32 v37, v59  }
0x100: {  	v53 =	vld [tilespmem:s22+$0xFFFFFFE0];
	v38 =	vmul.f32 v63, v38;
	v61 =	vshll.u32 v56, $0x10;
	v39 =	vmul.f32 v62, v39  }
0x101: {  	v54 =	vand.u32 $0xFFFF0000, v54;
	v60 =	vld [tilespmem:s19+$0xFFFFFFF0];
	v42 =	vmul.f32 v61, v42;
	v59 =	vpop (erf);
	v61 =	vperm.xlane v37, v4  }
0x102: {  	v38 =	vadd.f32 v38, v33;
	v33 =	vmul.f32 v59, v29;
	v29 =	vshll.u32 v58, $0x10;
	v59 =	vld [tilespmem:s20+$0xFFFFFFF0]  }
0x103: {  	v63 =	vshll.u32 v46, $0x10;
	v39 =	vmul.f32 v29, v39;
	v29 =	vadd.f32 v37, v61;
	v37 =	vld [tilespmem:s22+$0xFFFFFFF0]  }
0x104: {  	v44 =	vand.u32 $0xFFFF0000, v44;
	v57 =	vand.u32 $0xFFFF0000, v57;
	v55 =	vmul.f32 v63, v55  }
0x105: {  	v62 =	vshll.u32 v53, $0x10;
	v42 =	vadd.f32 v42, v38;
	v63 =	vsub.f32 $0.0e+00, v29  }
0x106: {  	v38 =	vmul.f32 v45, v47;
	v45 =	vmul.f32 v62, v55;
	v61 =	vshll.u32 v60, $0x10  }
0x107: {  	v39 =	vadd.f32 v39, v42;
	v62 =	vmul.f32 v61, v59;
	v47 =	vmul.f32 $1.442695020e+00, v63  }
0x108: {  	v56 =	vand.u32 $0xFFFF0000, v56;
	v53 =	vand.u32 $0xFFFF0000, v53;
	v59 =	vshll.u32 v37, $0x10  }
0x109: {  	v39 =	vadd.f32 v45, v39;
	v42 =	vmul.f32 v59, v62;
	(erf) = vpow2.f32 v47  }
0x10a: {  	v58 =	vand.u32 $0xFFFF0000, v58;
	v60 =	vand.u32 $0xFFFF0000, v60;
	v63 =	vand.u32 $0xFFFF0000, v46  }
0x10b: {  	v46 =	vmul.f32 v51, v43;
	v45 =	vmul.f32 v52, v44;
	v42 =	vadd.f32 v42, v39  }
0x10c: {  	v44 =	vmul.f32 v54, v56;
	v43 =	vmul.f32 v57, v58;
	v61 =	vand.u32 $0xFFFF0000, v30  }
0x10d: {  	v30 =	vmul.f32 v35, v27;
	v37 =	vand.u32 $0xFFFF0000, v37;
	v62 =	vperm.xlane v42, v1  }
0x10e: {  	s15 =	smul.u32 $0xC0, s8;
	v47 =	vmul.f32 v41, v49;
	v41 =	vmul.f32 v63, v53;
	v63 =	vand.u32 $0xFFFF0000, v31  }
0x10f: {  	s11 =	simm.s32 $0x1CE00;
	v39 =	vmul.f32 v60, v37;
	v37 =	vmul.f32 v36, v48;
	v48 =	vadd.f32 v42, v62  }
0x110: {  	s10 =	simm.s32 $0x2;
	s21 =	sadd.s32 s16, s15;
	[tilespmem:s11+$0x70] =	vst v50;
	s22 =	simm.s32 $0x17000;
	v35 =	vmul.f32 v61, v25;
	v31 =	vand.u32 $0xFFFF0000, v32;
	v32 =	vmul.f32 v63, v24  }
.LBB2_5:
0x111: {  	v36 =	vld [tilespmem:s22+$0x60];
	v24 =	vperm.xlane v48, v2;
	v40 =	vmul.f32 v31, v7  }
0x112: {  	v25 =	vmul.f32 v33, v5;
	v26 =	vmul.f32 v33, v12;
	v5 =	vmov v38;
	v31 =	vld [tilespmem:s22+$0x50];
	v7 =	vpop (erf)  }
0x113: {  	v12 =	vmovc v46;
	v38 =	vld [tilespmem:s22+$0x40];
	v27 =	vadd.f32 v48, v24;
	v7 =	vadd.f32 $1.000000000e+00, v7;
	v24 =	vmul.f32 v33, v9;
	v9 =	vmovc v47  }
0x114: {  	v46 =	vmul.f32 v33, v10;
	v10 =	vmovc v44;
	v42 =	vld [tilespmem:s22+$0x30];
	[tilespmem:s11+$0xFFFFFF80] =	vst v25;
	v25 =	vmul.f32 v33, v11;
	v11 =	vmov v45  }
0x115: {  	v44 =	vld [tilespmem:s22+$0x20];
	v45 =	vperm.xlane v27, v3;
	(erf) = vrcp.f32 v7;
	[tilespmem:s11+$0xFFFFFF90] =	vst v26  }
0x116: {  	v49 =	vmul.f32 v33, v13;
	v48 =	vmul.f32 v33, v8;
	v8 =	vmovc v43;
	v47 =	vld [tilespmem:s22+$0x10];
	v7 =	vand.u32 $0xFFFF0000, v36;
	[tilespmem:s11+$0xFFFFFFA0] =	vst v24  }
0x117: {  	s19 =	sadd.s32 $0x100, s19;
	v50 =	vmul.f32 v33, v15;
	v13 =	vmovc v41;
	v43 =	vld [tilespmem:s22+$0x0];
	v24 =	vand.u32 $0xFFFF0000, v31;
	v45 =	vadd.f32 v27, v45;
	[tilespmem:s11+$0xFFFFFFB0] =	vst v25  }
0x118: {  	s10 =	sadd.s32 $0x2, s10;
	s20 =	sadd.s32 $0x100, s20;
	v51 =	vmul.f32 v21, v16;
	v15 =	vmovc v39;
	v41 =	vld [tilespmem:s19+$0x0];
	v25 =	vand.u32 $0xFFFF0000, v38;
	[tilespmem:s11+$0xFFFFFFC0] =	vst v46;
	v46 =	vmul.f32 v21, v14  }
0x119: {  	p2 =	slt.u32 s10, $0x2E;
	v14 =	vmovc v37;
	v39 =	vld [tilespmem:s20+$0x0];
	v26 =	vand.u32 $0xFFFF0000, v42;
	v33 =	vperm.xlane v45, v4;
	[tilespmem:s11+$0xFFFFFFD0] =	vst v48;
	v48 =	vmul.f32 v21, v17  }
0x11a: {  	v52 =	vmul.f32 v21, v20;
	v16 =	vmovc v28;
	v37 =	vld [tilespmem:s19+$0x10];
	v27 =	vand.u32 $0xFFFF0000, v44;
	[tilespmem:s11+$0xFFFFFFE0] =	vst v49;
	v49 =	vmul.f32 v21, v18  }
0x11b: {  	v17 =	vmovc v30;
	v28 =	vand.u32 $0xFFFF0000, v47;
	v53 =	vld [tilespmem:s20+$0x10];
	v33 =	vadd.f32 v45, v33;
	[tilespmem:s11+$0xFFFFFFF0] =	vst v50;
	v45 =	vmul.f32 v21, v19  }
0x11c: {  	v20 =	vmovc v35;
	v18 =	vmovc v34;
	v30 =	vand.u32 $0xFFFF0000, v43;
	v50 =	vld [tilespmem:s19+$0x20];
	[tilespmem:s11+$0x0] =	vst v46;
	v46 =	vmul.f32 v21, v6;
	v6 =	vmov v40  }
0x11d: {  	v23 =	vand.u32 $0xFFFF0000, v23;
	v19 =	vmovc v32;
	v21 =	vshll.u32 v41, $0x10;
	v34 =	vld [tilespmem:s20+$0x20];
	v35 =	vsub.f32 $0.0e+00, v33;
	[tilespmem:s11+$0x10] =	vst v51  }
0x11e: {  	v40 =	vshll.u32 v43, $0x10;
	v39 =	vmul.f32 v21, v39;
	v43 =	vld [tilespmem:s19+$0x30];
	v21 =	vand.u32 $0xFFFF0000, v22;
	v22 =	vpop (erf);
	[tilespmem:s11+$0x20] =	vst v48  }
0x11f: {  	v48 =	vshll.u32 v37, $0x10;
	v51 =	vld [tilespmem:s20+$0x30];
	v23 =	vmul.f32 v21, v23;
	v21 =	vmul.f32 v22, v29;
	[tilespmem:s11+$0x30] =	vst v49  }
0x120: {  	v32 =	vand.u32 $0xFFFF0000, v41;
	v22 =	vmul.f32 v40, v39;
	v29 =	vmul.f32 v48, v53;
	v39 =	vld [tilespmem:s19+$0x40];
	[tilespmem:s11+$0x40] =	vst v52  }
0x121: {  	v40 =	vshll.u32 v47, $0x10;
	v41 =	vshll.u32 v50, $0x10;
	v47 =	vld [tilespmem:s20+$0x40];
	v23 =	vmul.f32 v21, v23;
	[tilespmem:s11+$0x50] =	vst v45  }
0x122: {  	v22 =	vadd.f32 $0.0e+00, v22;
	v29 =	vmul.f32 v40, v29;
	v34 =	vmul.f32 v41, v34;
	v41 =	vld [tilespmem:s19+$0x50];
	[tilespmem:s11+$0x60] =	vst v46;
	s11 =	sadd.s32 $0x100, s11  }
0x123: {  	v35 =	vmul.f32 $1.442695020e+00, v35;
	v40 =	vshll.u32 v44, $0x10;
	v44 =	vshll.u32 v43, $0x10;
	v45 =	vld [tilespmem:s20+$0x50];
	[tilespmem:s11+$0x70] =	vst v23  }
0x124: {  	v22 =	vadd.f32 v29, v22;
	v23 =	vmul.f32 v40, v34;
	v29 =	vmul.f32 v44, v51;
	v44 =	vld [tilespmem:s19+$0x60]  }
0x125: {  	v34 =	vshll.u32 v42, $0x10;
	v40 =	vshll.u32 v39, $0x10;
	v42 =	vld [tilespmem:s20+$0x60];
	(erf) = vpow2.f32 v35  }
0x126: {  	v23 =	vadd.f32 v23, v22;
	v29 =	vmul.f32 v34, v29;
	v35 =	vmul.f32 v40, v47;
	v22 =	vld [tilespmem:s19+$0x70]  }
0x127: {  	v34 =	vand.u32 $0xFFFF0000, v37;
	v37 =	vshll.u32 v38, $0x10;
	v38 =	vshll.u32 v41, $0x10;
	v46 =	vld [tilespmem:s20+$0x70]  }
0x128: {  	v29 =	vadd.f32 v29, v23;
	v37 =	vmul.f32 v37, v35;
	v38 =	vmul.f32 v38, v45;
	v23 =	vld [tilespmem:s22+$0x70]  }
0x129: {  	v31 =	vshll.u32 v31, $0x10;
	v35 =	vand.u32 $0xFFFF0000, v50;
	v45 =	vld [tilespmem:s19+$0xFFFFFF80];
	v40 =	vshll.u32 v44, $0x10  }
0x12a: {  	v47 =	vld [tilespmem:s20+$0xFFFFFF80];
	v29 =	vadd.f32 v37, v29;
	v31 =	vmul.f32 v31, v38;
	v37 =	vmul.f32 v40, v42  }
0x12b: {  	v36 =	vshll.u32 v36, $0x10;
	v40 =	vand.u32 $0xFFFF0000, v43;
	v38 =	vld [tilespmem:s19+$0xFFFFFF90];
	v42 =	vshll.u32 v22, $0x10  }
0x12c: {  	v43 =	vld [tilespmem:s22+$0xFFFFFF80];
	v29 =	vadd.f32 v31, v29;
	v31 =	vmul.f32 v36, v37;
	v49 =	vmul.f32 v42, v46  }
0x12d: {  	v36 =	vand.u32 $0xFFFF0000, v39;
	v42 =	vand.u32 $0xFFFF0000, v41;
	v46 =	vld [tilespmem:s20+$0xFFFFFF90];
	v39 =	vshll.u32 v23, $0x10  }
0x12e: {  	v41 =	vshll.u32 v45, $0x10;
	v48 =	vld [tilespmem:s22+$0xFFFFFF90];
	v29 =	vadd.f32 v31, v29;
	v31 =	vmul.f32 v39, v49;
	v37 =	vpop (erf)  }
0x12f: {  	v39 =	vand.u32 $0xFFFF0000, v45;
	v41 =	vmul.f32 v41, v47;
	v45 =	vld [tilespmem:s19+$0xFFFFFFA0];
	v37 =	vadd.f32 $1.000000000e+00, v37  }
0x130: {  	v47 =	vshll.u32 v38, $0x10;
	v49 =	vand.u32 $0xFFFF0000, v38;
	v38 =	vld [tilespmem:s20+$0xFFFFFFA0];
	v29 =	vadd.f32 v31, v29  }
0x131: {  	v31 =	vshll.u32 v43, $0x10;
	v43 =	vand.u32 $0xFFFF0000, v43;
	v50 =	vld [tilespmem:s22+$0xFFFFFFA0];
	(erf) = vrcp.f32 v37  }
0x132: {  	v37 =	vmul.f32 v31, v41;
	v41 =	vld [tilespmem:s19+$0xFFFFFFB0];
	v31 =	vand.u32 $0xFFFF0000, v44;
	v44 =	vperm.xlane v29, v1  }
0x133: {  	v46 =	vmul.f32 v47, v46;
	v51 =	vshll.u32 v48, $0x10;
	v48 =	vand.u32 $0xFFFF0000, v48;
	v47 =	vld [tilespmem:s20+$0xFFFFFFB0]  }
0x134: {  	v37 =	vadd.f32 $0.0e+00, v37;
	v52 =	vshll.u32 v45, $0x10;
	v53 =	vld [tilespmem:s22+$0xFFFFFFB0];
	v29 =	vadd.f32 v29, v44  }
0x135: {  	v44 =	vmul.f32 v51, v46;
	v45 =	vand.u32 $0xFFFF0000, v45;
	v38 =	vmul.f32 v52, v38;
	v46 =	vld [tilespmem:s19+$0xFFFFFFC0]  }
0x136: {  	v51 =	vshll.u32 v50, $0x10;
	v50 =	vand.u32 $0xFFFF0000, v50;
	v52 =	vld [tilespmem:s20+$0xFFFFFFC0];
	v54 =	vperm.xlane v29, v2  }
0x137: {  	v37 =	vadd.f32 v44, v37;
	v38 =	vmul.f32 v51, v38;
	v44 =	vshll.u32 v41, $0x10;
	v51 =	vld [tilespmem:s22+$0xFFFFFFC0]  }
0x138: {  	v41 =	vand.u32 $0xFFFF0000, v41;
	v44 =	vmul.f32 v44, v47;
	v47 =	vld [tilespmem:s19+$0xFFFFFFD0];
	v29 =	vadd.f32 v29, v54  }
0x139: {  	v37 =	vadd.f32 v38, v37;
	v38 =	vshll.u32 v53, $0x10;
	v53 =	vand.u32 $0xFFFF0000, v53;
	v54 =	vld [tilespmem:s20+$0xFFFFFFD0]  }
0x13a: {  	v38 =	vmul.f32 v38, v44;
	v44 =	vshll.u32 v46, $0x10;
	v55 =	vld [tilespmem:s22+$0xFFFFFFD0];
	v56 =	vperm.xlane v29, v3;
	v57 =	vpop (erf)  }
0x13b: {  	v58 =	vand.u32 $0xFFFF0000, v46;
	v44 =	vmul.f32 v44, v52;
	v46 =	vld [tilespmem:s19+$0xFFFFFFE0];
	v33 =	vmul.f32 v57, v33  }
0x13c: {  	v37 =	vadd.f32 v38, v37;
	v38 =	vshll.u32 v51, $0x10;
	v52 =	vld [tilespmem:s20+$0xFFFFFFE0];
	v29 =	vadd.f32 v29, v56  }
0x13d: {  	v51 =	vand.u32 $0xFFFF0000, v51;
	v38 =	vmul.f32 v38, v44;
	v44 =	vshll.u32 v47, $0x10;
	v56 =	vld [tilespmem:s22+$0xFFFFFFE0]  }
0x13e: {  	v57 =	vand.u32 $0xFFFF0000, v47;
	v44 =	vmul.f32 v44, v54;
	v47 =	vld [tilespmem:s19+$0xFFFFFFF0];
	v54 =	vperm.xlane v29, v4  }
0x13f: {  	v37 =	vadd.f32 v38, v37;
	v38 =	vshll.u32 v55, $0x10;
	v55 =	vand.u32 $0xFFFF0000, v55;
	v59 =	vld [tilespmem:s20+$0xFFFFFFF0]  }
0x140: {  	v44 =	vmul.f32 v38, v44;
	v60 =	vshll.u32 v46, $0x10;
	v61 =	vld [tilespmem:s22+$0xFFFFFFF0];
	v29 =	vadd.f32 v29, v54  }
0x141: {  	v38 =	vmul.f32 v39, v43;
	v39 =	vand.u32 $0xFFFF0000, v46;
	v43 =	vmul.f32 v60, v52  }
0x142: {  	v37 =	vadd.f32 v44, v37;
	v44 =	vshll.u32 v56, $0x10;
	v46 =	vsub.f32 $0.0e+00, v29  }
0x143: {  	v52 =	vand.u32 $0xFFFF0000, v56;
	v43 =	vmul.f32 v44, v43;
	v44 =	vshll.u32 v47, $0x10  }
0x144: {  	v54 =	vand.u32 $0xFFFF0000, v47;
	v44 =	vmul.f32 v44, v59;
	v46 =	vmul.f32 $1.442695020e+00, v46  }
0x145: {  	v37 =	vadd.f32 v43, v37;
	v43 =	vshll.u32 v61, $0x10;
	v56 =	vand.u32 $0xFFFF0000, v61  }
0x146: {  	v43 =	vmul.f32 v43, v44;
	(erf) = vpow2.f32 v46  }
0x147: {  	v47 =	vmul.f32 v45, v50;
	v46 =	vmul.f32 v49, v48  }
0x148: {  	v45 =	vmul.f32 v41, v53;
	v44 =	vmul.f32 v58, v51;
	v48 =	vadd.f32 v43, v37  }
.Ltmp1:
0x149: {  	v41 =	vmul.f32 v39, v52;
	v43 =	vmul.f32 v57, v55;
	(pc) =	sbr.rel @p2 .LBB2_5-.Ltmp1, $4  }
0x14a: {  	v39 =	vmul.f32 v54, v56;
	v49 =	vperm.xlane v48, v1  }
0x14b: {  	v28 =	vmul.f32 v34, v28;
	v37 =	vmul.f32 v32, v30  }
0x14c: {  	v34 =	vmul.f32 v40, v26;
	v30 =	vmul.f32 v35, v27;
	v48 =	vadd.f32 v48, v49  }
0x14d: {  	s22 =	sadd.s32 $0x100, s22;
	v35 =	vmul.f32 v36, v25;
	v32 =	vmul.f32 v42, v24  }
0x14e: {  	v24 =	vperm.xlane v48, v2;
	_ =	sdelay $0x1  }
0x14f: {  	v24 =	vadd.f32 v48, v24;
	_ =	sdelay $0x1  }
0x150: {  	v25 =	vperm.xlane v24, v3;
	_ =	sdelay $0x1  }
0x151: {  	v24 =	vadd.f32 v24, v25;
	_ =	sdelay $0x1  }
0x152: {  	v25 =	vperm.xlane v24, v4;
	_ =	sdelay $0x1  }
0x153: {  	v24 =	vadd.f32 v24, v25;
	_ =	sdelay $0x1  }
0x154: {  	v42 =	vpop (erf);
	v26 =	vsub.f32 $0.0e+00, v24  }
0x155: {  	v25 =	vadd.f32 $1.000000000e+00, v42  }
0x156: {  	v26 =	vmul.f32 $1.442695020e+00, v26  }
0x157: {  	(erf) = vrcp.f32 v25  }
0x158: {  	(erf) = vpow2.f32 v26;
	_ =	sdelay $0x7  }
0x159: {  	v5 =	vmul.f32 v33, v5;
	v25 =	vpop (erf)  }
0x15a: {  	v12 =	vmul.f32 v33, v12;
	v26 =	vpop (erf)  }
0x15b: {  	v9 =	vmul.f32 v33, v9;
	[tilespmem:s11+$0xFFFFFF80] =	vst v5;
	v5 =	vadd.f32 $1.000000000e+00, v26  }
0x15c: {  	v11 =	vmul.f32 v33, v11;
	[tilespmem:s11+$0xFFFFFF90] =	vst v12  }
0x15d: {  	v10 =	vmul.f32 v33, v10;
	[tilespmem:s11+$0xFFFFFFA0] =	vst v9;
	(erf) = vrcp.f32 v5  }
0x15e: {  	[tilespmem:s11+$0xFFFFFFB0] =	vst v11;
	v5 =	vmul.f32 v33, v8  }
0x15f: {  	[tilespmem:s11+$0xFFFFFFC0] =	vst v10;
	v9 =	vmul.f32 v33, v15  }
0x160: {  	[tilespmem:s11+$0xFFFFFFD0] =	vst v5;
	v5 =	vmul.f32 v21, v14  }
0x161: {  	v6 =	vmul.f32 v21, v6;
	[tilespmem:s11+$0xFFFFFFF0] =	vst v9  }
0x162: {  	v9 =	vmul.f32 v21, v17;
	[tilespmem:s11+$0x0] =	vst v5;
	v5 =	vmul.f32 v21, v18  }
0x163: {  	[tilespmem:s11+$0x60] =	vst v6;
	v8 =	vmul.f32 v33, v13  }
0x164: {  	v10 =	vmul.f32 v21, v20;
	v11 =	vand.u32 $0xFFFF0000, v23;
	v12 =	vand.u32 $0xFFFF0000, v22;
	[tilespmem:s11+$0x20] =	vst v9  }
0x165: {  	v9 =	vmul.f32 v12, v11;
	v11 =	vmul.f32 v25, v29;
	[tilespmem:s11+$0xFFFFFFE0] =	vst v8  }
0x166: {  	v8 =	vmul.f32 v21, v16;
	[tilespmem:s11+$0x30] =	vst v5;
	v5 =	vpop (erf)  }
0x167: {  	[tilespmem:s11+$0x40] =	vst v10;
	v9 =	vmul.f32 v11, v9;
	v5 =	vmul.f32 v5, v24  }
0x168: {  	s10 =	sadd.s32 $0x100, s11;
	[tilespmem:s11+$0x10] =	vst v8;
	v8 =	vmul.f32 v21, v19  }
0x169: {  	[tilespmem:s10+$0x70] =	vst v9;
	v6 =	vmul.f32 v5, v38  }
0x16a: {  	[tilespmem:s11+$0x50] =	vst v8;
	v8 =	vmul.f32 v5, v46  }
0x16b: {  	v9 =	vmul.f32 v5, v47;
	[tilespmem:s10+$0xFFFFFF80] =	vst v6  }
0x16c: {  	v6 =	vmul.f32 v5, v45;
	[tilespmem:s10+$0xFFFFFF90] =	vst v8  }
0x16d: {  	v8 =	vmul.f32 v5, v44;
	[tilespmem:s10+$0xFFFFFFA0] =	vst v9  }
0x16e: {  	v9 =	vmul.f32 v5, v43;
	[tilespmem:s10+$0xFFFFFFB0] =	vst v6  }
0x16f: {  	v6 =	vmul.f32 v5, v41;
	[tilespmem:s10+$0xFFFFFFC0] =	vst v8  }
0x170: {  	v5 =	vmul.f32 v5, v39;
	[tilespmem:s10+$0xFFFFFFD0] =	vst v9  }
0x171: {  	v8 =	vmul.f32 v11, v37;
	[tilespmem:s10+$0xFFFFFFE0] =	vst v6  }
0x172: {  	v6 =	vmul.f32 v11, v28;
	[tilespmem:s10+$0xFFFFFFF0] =	vst v5  }
0x173: {  	v5 =	vmul.f32 v11, v30;
	[tilespmem:s10+$0x0] =	vst v8  }
0x174: {  	v8 =	vmul.f32 v11, v34;
	[tilespmem:s10+$0x10] =	vst v6  }
0x175: {  	v6 =	vmul.f32 v31, v7;
	v7 =	vmul.f32 v11, v35;
	[tilespmem:s10+$0x20] =	vst v5  }
0x176: {  	v5 =	vmul.f32 v11, v32;
	[tilespmem:s10+$0x30] =	vst v8  }
0x177: {  	v6 =	vmul.f32 v11, v6;
	[tilespmem:s10+$0x40] =	vst v7  }
0x178: {  	[tilespmem:s10+$0x50] =	vst v5  }
0x179: {  	s19 =	simm.s32 $0x13900;
	[tilespmem:s10+$0x60] =	vst v6;
	s10 =	sadd.s32 $0x60, s21  }
0x17a: {  	[spmem:s3] =	stream.indirect.scatter.add.f32 [tilespmem:s13], [sflag:$0x3], $0x80, s19, s18, $0xb8;
	[tilespmem:$0x1FD80] =	vst v63  }
0x17b: {  	s20 =	sshrl.u32 s10, $0x3  }
0x17c: {  	s11 =	sadd.s32 s5, s20  }
0x17d: {  	[tilespmem:s29], [sflag:$0x5] =	stream.linear.gather [hbm4b:s11+s4], $0x30, $0x38;
	[tilespmem:$0x1FD80] =	vst v63  }
0x17e: {  	s22 =	sshrl.u32 s21, $0x3;
	_ =	swait.ge [sflag:s14], $0x30  }
0x17f: {  	s11 =	sadd.s32 s5, s22;
	[sflag:s14] =	ssyncset.done $0x0  }
0x180: {  	s11 =	sadd.s32 $0x9C4C, s11;
	[sflag:s14] =	ssyncadd.s32 $0xFFFFFFD0  }
0x181: {  	[tilespmem:s30], [sflag:$0x5] =	stream.linear.gather [hbm4b:s11+s4], $0x30, $0x38;
	[tilespmem:$0x1FD80] =	vst v63  }
0x182: {  	_ =	swait.ge [sflag:s14], $0x30  }
0x183: {  	[sflag:s14] =	ssyncset.done $0x0  }
0x184: {  	s19 =	simm.s32 $0x13D80;
	[sflag:s14] =	ssyncadd.s32 $0xFFFFFFD0  }
0x185: {  	[tilespmem:s19], [sflag:$0x1] =	stream.indirect.gather [hbm4b:s1+s18], $0x80, s30, s18, $0xb8;
	[tilespmem:$0x1FD80] =	vst v63  }
0x186: {  	s10 =	sshll.u32 s10, $0x4;
	s20 =	simm.s32 $0x15580  }
0x187: {  	[tilespmem:s20], [sflag:$0x1] =	stream.indirect.gather [hbm4b:s6+s18], $0x80, s29, s18, $0xb8;
	[tilespmem:$0x1FD80] =	vst v63  }
0x188: {  	s21 =	simm.s32 $0x16D80;
	s10 =	sadd.s32 s7, s10  }
0x189: {  	[tilespmem:s21], [sflag:$0x1] =	stream.linear.gather [hbm4b:s10+s4], $0x1800, $0x38;
	[tilespmem:$0x1FD80] =	vst v63  }
0x18a: {  	_ =	swait.ge [sflag:s31], $0x1800  }
0x18b: {  	[sflag:s31] =	ssyncset.done $0x0  }
0x18c: {  	[sflag:s31] =	ssyncadd.s32 $0xFFFFE800  }
0x18d: {  	_ =	swait.ge [sflag:s31], $0x1800  }
0x18e: {  	[sflag:s31] =	ssyncset.done $0x0  }
0x18f: {  	[sflag:s31] =	ssyncadd.s32 $0xFFFFE800  }
0x190: {  	_ =	swait.ge [sflag:s31], $0x1800  }
0x191: {  	[sflag:s31] =	ssyncset.done $0x0  }
0x192: {  	s10 =	simm.s32 @!p1 $0x4;
	[sflag:s31] =	ssyncadd.s32 $0xFFFFE800  }
0x193: {  	_ =	swait.ge @!p1 [sflag:s10], $0x1800  }
0x194: {  	[sflag:s10] =	ssyncset.done @!p1 $0x0  }
0x195: {  	s22 =	simm.s32 $0x1B600;
	[sflag:s10] =	ssyncadd.s32 @!p1 $0xFFFFE800  }
0x196: {  	v9 =	vld [tilespmem:s22+$0x60]  }
0x197: {  	v10 =	vld [tilespmem:s22+$0x50]  }
0x198: {  	v11 =	vld [tilespmem:s22+$0x40]  }
0x199: {  	v12 =	vld [tilespmem:s22+$0x30]  }
0x19a: {  	v13 =	vld [tilespmem:s22+$0x20]  }
0x19b: {  	v14 =	vld [tilespmem:s22+$0x10]  }
0x19c: {  	s19 =	simm.s32 $0x19E00;
	v15 =	vld [tilespmem:s22+$0x0]  }
0x19d: {  	s20 =	simm.s32 $0x18600;
	v16 =	vld [tilespmem:s19+$0x0]  }
0x19e: {  	v6 =	vld [tilespmem:s20+$0x0]  }
0x19f: {  	v17 =	vld [tilespmem:s19+$0x10]  }
0x1a0: {  	v7 =	vld [tilespmem:s20+$0x10]  }
0x1a1: {  	v18 =	vld [tilespmem:s19+$0x20]  }
0x1a2: {  	v19 =	vld [tilespmem:s20+$0x20]  }
0x1a3: {  	v5 =	vld [tilespmem:s19+$0x30]  }
0x1a4: {  	v20 =	vld [tilespmem:s20+$0x30]  }
0x1a5: {  	v8 =	vld [tilespmem:s19+$0x40];
	v21 =	vshll.u32 v16, $0x10  }
0x1a6: {  	v23 =	vld [tilespmem:s20+$0x40];
	v21 =	vmul.f32 v21, v6  }
0x1a7: {  	v49 =	vld [tilespmem:s20+$0x50];
	v22 =	vshll.u32 v15, $0x10;
	v48 =	vshll.u32 v17, $0x10  }
0x1a8: {  	v52 =	vld [tilespmem:s20+$0x60];
	v21 =	vmul.f32 v22, v21;
	v22 =	vmul.f32 v48, v7  }
0x1a9: {  	v54 =	vld [tilespmem:s20+$0x70];
	v50 =	vshll.u32 v14, $0x10;
	v51 =	vshll.u32 v18, $0x10  }
0x1aa: {  	v6 =	vld [tilespmem:s19+$0x50];
	v19 =	vmul.f32 v51, v19;
	v27 =	vadd.f32 $0.0e+00, v21;
	v22 =	vmul.f32 v50, v22  }
0x1ab: {  	v30 =	vld [tilespmem:s20+$0xFFFFFF80];
	v53 =	vshll.u32 v13, $0x10;
	v28 =	vshll.u32 v5, $0x10  }
0x1ac: {  	v20 =	vmul.f32 v28, v20;
	v7 =	vld [tilespmem:s19+$0x60];
	v19 =	vmul.f32 v53, v19;
	v27 =	vadd.f32 v22, v27  }
0x1ad: {  	v24 =	vld [tilespmem:s19+$0xFFFFFF90];
	v29 =	vshll.u32 v8, $0x10;
	v28 =	vshll.u32 v12, $0x10  }
0x1ae: {  	v23 =	vmul.f32 v29, v23;
	v20 =	vmul.f32 v28, v20;
	v21 =	vld [tilespmem:s19+$0x70];
	v19 =	vadd.f32 v19, v27  }
0x1af: {  	v31 =	vld [tilespmem:s22+$0xFFFFFF80];
	v28 =	vshll.u32 v11, $0x10;
	v29 =	vshll.u32 v6, $0x10  }
0x1b0: {  	v22 =	vld [tilespmem:s22+$0x70];
	v19 =	vadd.f32 v20, v19;
	v20 =	vmul.f32 v28, v23;
	v23 =	vmul.f32 v29, v49  }
0x1b1: {  	v55 =	vld [tilespmem:s20+$0xFFFFFF90];
	v28 =	vshll.u32 v10, $0x10;
	v29 =	vshll.u32 v7, $0x10  }
0x1b2: {  	v32 =	vld [tilespmem:s22+$0xFFFFFF90];
	v19 =	vadd.f32 v20, v19;
	v20 =	vmul.f32 v28, v23;
	v23 =	vmul.f32 v29, v52  }
0x1b3: {  	v26 =	vld [tilespmem:s19+$0xFFFFFFA0];
	v28 =	vshll.u32 v9, $0x10;
	v29 =	vshll.u32 v21, $0x10  }
0x1b4: {  	v37 =	vld [tilespmem:s19+$0xFFFFFFC0];
	v19 =	vadd.f32 v20, v19;
	v20 =	vmul.f32 v28, v23;
	v23 =	vmul.f32 v29, v54  }
0x1b5: {  	v27 =	vld [tilespmem:s19+$0xFFFFFF80];
	v28 =	vshll.u32 v22, $0x10  }
0x1b6: {  	v38 =	vld [tilespmem:s19+$0xFFFFFFD0];
	v19 =	vadd.f32 v20, v19;
	v20 =	vmul.f32 v28, v23  }
0x1b7: {  	v60 =	vld [tilespmem:s20+$0xFFFFFFD0];
	v34 =	vand.u32 $0xFFFF0000, v10  }
0x1b8: {  	v39 =	vld [tilespmem:s22+$0xFFFFFFD0];
	v35 =	vand.u32 $0xFFFF0000, v11;
	v36 =	vand.u32 $0xFFFF0000, v14;
	v10 =	vadd.f32 v20, v19  }
0x1b9: {  	v14 =	vand.u32 $0xFFFF0000, v15;
	v16 =	vand.u32 $0xFFFF0000, v16;
	v17 =	vand.u32 $0xFFFF0000, v17;
	v29 =	vld [tilespmem:s20+$0xFFFFFFA0]  }
0x1ba: {  	v28 =	vld [tilespmem:s22+$0xFFFFFFA0];
	v20 =	vand.u32 $0xFFFF0000, v13;
	v13 =	vshll.u32 v27, $0x10;
	v15 =	vperm.xlane v10, v1  }
0x1bb: {  	v56 =	vshll.u32 v24, $0x10;
	v23 =	vand.u32 $0xFFFF0000, v9;
	v9 =	vld [tilespmem:s19+$0xFFFFFFB0];
	v13 =	vmul.f32 v13, v30  }
0x1bc: {  	v57 =	vshll.u32 v31, $0x10;
	v18 =	vand.u32 $0xFFFF0000, v18;
	v11 =	vld [tilespmem:s20+$0xFFFFFFB0];
	v10 =	vadd.f32 v10, v15  }
0x1bd: {  	v25 =	vmul.f32 v56, v55;
	v19 =	vand.u32 $0xFFFF0000, v12;
	v12 =	vld [tilespmem:s22+$0xFFFFFFB0];
	v13 =	vmul.f32 v57, v13  }
0x1be: {  	v58 =	vshll.u32 v32, $0x10;
	v59 =	vshll.u32 v26, $0x10;
	v30 =	vld [tilespmem:s20+$0xFFFFFFC0];
	v40 =	vperm.xlane v10, v2  }
0x1bf: {  	v25 =	vmul.f32 v58, v25;
	v29 =	vmul.f32 v59, v29;
	v15 =	vld [tilespmem:s22+$0xFFFFFFC0];
	v13 =	vadd.f32 $0.0e+00, v13  }
0x1c0: {  	v44 =	vld [tilespmem:s22+$0xFFFFFFE0];
	v61 =	vshll.u32 v28, $0x10;
	v42 =	vshll.u32 v9, $0x10;
	v10 =	vadd.f32 v10, v40  }
0x1c1: {  	v62 =	vmul.f32 v61, v29;
	v11 =	vmul.f32 v42, v11;
	v13 =	vadd.f32 v25, v13;
	v40 =	vld [tilespmem:s19+$0xFFFFFFE0]  }
0x1c2: {  	v48 =	vshll.u32 v37, $0x10;
	v29 =	vld [tilespmem:s20+$0xFFFFFFE0];
	v63 =	vshll.u32 v12, $0x10;
	v49 =	vperm.xlane v10, v3  }
0x1c3: {  	v11 =	vmul.f32 v63, v11;
	v50 =	vmul.f32 v48, v30;
	v30 =	vld [tilespmem:s19+$0xFFFFFFF0];
	v13 =	vadd.f32 v62, v13  }
0x1c4: {  	v53 =	vld [tilespmem:s20+$0xFFFFFFF0];
	v52 =	vshll.u32 v38, $0x10;
	v51 =	vshll.u32 v15, $0x10;
	v10 =	vadd.f32 v10, v49  }
0x1c5: {  	v55 =	vld [tilespmem:s22+$0xFFFFFFF0];
	v54 =	vmul.f32 v52, v60;
	v11 =	vadd.f32 v11, v13;
	v13 =	vmul.f32 v51, v50  }
0x1c6: {  	v57 =	vshll.u32 v39, $0x10;
	v58 =	vshll.u32 v40, $0x10;
	v56 =	vperm.xlane v10, v4  }
0x1c7: {  	v11 =	vadd.f32 v13, v11;
	v13 =	vmul.f32 v57, v54;
	v59 =	vmul.f32 v58, v29  }
0x1c8: {  	v29 =	vshll.u32 v30, $0x10;
	v33 =	vadd.f32 v10, v56;
	v10 =	vshll.u32 v44, $0x10  }
0x1c9: {  	v11 =	vadd.f32 v13, v11;
	v13 =	vmul.f32 v29, v53;
	v10 =	vmul.f32 v10, v59  }
0x1ca: {  	v14 =	vmul.f32 v16, v14;
	v16 =	vmul.f32 v17, v36;
	v29 =	vshll.u32 v55, $0x10  }
0x1cb: {  	v61 =	vand.u32 $0xFFFF0000, v8;
	v8 =	vadd.f32 v10, v11;
	v10 =	vmul.f32 v29, v13  }
0x1cc: {  	v6 =	vand.u32 $0xFFFF0000, v6;
	v7 =	vand.u32 $0xFFFF0000, v7;
	v60 =	vand.u32 $0xFFFF0000, v5  }
0x1cd: {  	v17 =	vmul.f32 v18, v20;
	v18 =	vmul.f32 v60, v19;
	v8 =	vadd.f32 v10, v8  }
0x1ce: {  	s21 =	simm.s32 $0x1B700;
	v19 =	vmul.f32 v6, v34;
	v6 =	vmul.f32 v7, v23  }
0x1cf: {  	v45 =	vld [tilespmem:s21+$0x30];
	v63 =	vand.u32 $0xFFFF0000, v28;
	v28 =	vand.u32 $0xFFFF0000, v9;
	v9 =	vperm.xlane v8, v1  }
0x1d0: {  	v47 =	vld [tilespmem:s21+$0xFFFFFF80];
	s20 =	simm.s32 $0x18700;
	v20 =	vmul.f32 v61, v35;
	v48 =	vand.u32 $0xFFFF0000, v38;
	v62 =	vand.u32 $0xFFFF0000, v31  }
0x1d1: {  	v23 =	vld [tilespmem:s20+$0x10];
	v31 =	vand.u32 $0xFFFF0000, v37;
	v5 =	vsub.f32 $0.0e+00, v33;
	v50 =	vadd.f32 v8, v9  }
0x1d2: {  	v60 =	vld [tilespmem:s20+$0x30];
	v15 =	vand.u32 $0xFFFF0000, v15;
	v11 =	vand.u32 $0xFFFF0000, v27;
	v13 =	vand.u32 $0xFFFF0000, v24  }
0x1d3: {  	v38 =	vld [tilespmem:s21+$0x0];
	s19 =	simm.s32 $0x19F00;
	v27 =	vand.u32 $0xFFFF0000, v32;
	v5 =	vmul.f32 $1.442695020e+00, v5;
	v52 =	vperm.xlane v50, v2  }
0x1d4: {  	v34 =	vld [tilespmem:s19+$0x10];
	v29 =	vand.u32 $0xFFFF0000, v12;
	v12 =	vmul.f32 v13, v27;
	v27 =	vand.u32 $0xFFFF0000, v30  }
0x1d5: {  	v37 =	vld [tilespmem:s21+$0x60];
	v10 =	vand.u32 $0xFFFF0000, v26;
	(erf) = vpow2.f32 v5;
	v24 =	vadd.f32 v50, v52  }
0x1d6: {  	v36 =	vld [tilespmem:s19+$0x0];
	v30 =	vand.u32 $0xFFFF0000, v55;
	v9 =	vmul.f32 v10, v63;
	v10 =	vmul.f32 v31, v15  }
0x1d7: {  	v51 =	vand.u32 $0xFFFF0000, v44;
	v44 =	vld [tilespmem:s21+$0x40];
	v15 =	vmul.f32 v27, v30;
	v27 =	vperm.xlane v24, v3  }
0x1d8: {  	v21 =	vand.u32 $0xFFFF0000, v21;
	v5 =	vmul.f32 v11, v62;
	v11 =	vmul.f32 v28, v29;
	v28 =	vld [tilespmem:s20+$0x0]  }
0x1d9: {  	v49 =	vand.u32 $0xFFFF0000, v39;
	v53 =	vld [tilespmem:s21+$0x20];
	v59 =	vshll.u32 v34, $0x10;
	v29 =	vadd.f32 v24, v27  }
0x1da: {  	v40 =	vand.u32 $0xFFFF0000, v40;
	v58 =	vshll.u32 v38, $0x10;
	v23 =	vmul.f32 v59, v23;
	v31 =	vld [tilespmem:s21+$0x10]  }
0x1db: {  	v35 =	vld [tilespmem:s19+$0x20];
	v56 =	vshll.u32 v36, $0x10;
	v13 =	vmul.f32 v40, v51;
	v30 =	vperm.xlane v29, v4  }
0x1dc: {  	v57 =	vld [tilespmem:s20+$0x20];
	v25 =	vand.u32 $0xFFFF0000, v44;
	v26 =	vand.u32 $0xFFFF0000, v45;
	v45 =	vshll.u32 v45, $0x10  }
0x1dd: {  	v42 =	vld [tilespmem:s19+$0x30];
	v62 =	vand.u32 $0xFFFF0000, v22;
	v29 =	vadd.f32 v29, v30;
	v30 =	vmul.f32 v56, v28  }
0x1de: {  	v39 =	vld [tilespmem:s21+$0x50];
	v59 =	vshll.u32 v44, $0x10;
	v43 =	vmul.f32 v21, v62;
	v8 =	vmul.f32 v48, v49  }
0x1df: {  	v52 =	vshll.u32 v53, $0x10;
	v22 =	vshll.u32 v31, $0x10;
	v54 =	vpop (erf);
	v32 =	vmul.f32 v58, v30;
	v30 =	vld [tilespmem:s19+$0x40]  }
0x1e0: {  	v63 =	vld [tilespmem:s20+$0x40];
	v55 =	vadd.f32 $1.000000000e+00, v54;
	v28 =	vand.u32 $0xFFFF0000, v31;
	v31 =	vshll.u32 v35, $0x10  }
0x1e1: {  	v22 =	vmul.f32 v22, v23;
	v23 =	vmul.f32 v31, v57;
	v31 =	vld [tilespmem:s19+$0x50];
	v32 =	vadd.f32 $0.0e+00, v32  }
0x1e2: {  	v49 =	vld [tilespmem:s20+$0x50];
	v27 =	vand.u32 $0xFFFF0000, v53;
	v53 =	vshll.u32 v42, $0x10;
	(erf) = vrcp.f32 v55  }
0x1e3: {  	v54 =	vmul.f32 v53, v60;
	v23 =	vmul.f32 v52, v23;
	v22 =	vadd.f32 v22, v32;
	v32 =	vld [tilespmem:s19+$0x60]  }
0x1e4: {  	v21 =	vshll.u32 v39, $0x10;
	v57 =	vld [tilespmem:s20+$0x60];
	v61 =	vsub.f32 $0.0e+00, v29;
	v56 =	vshll.u32 v30, $0x10  }
0x1e5: {  	v40 =	vmul.f32 v45, v54;
	v23 =	vadd.f32 v23, v22;
	v58 =	vmul.f32 v56, v63;
	v22 =	vld [tilespmem:s19+$0x70]  }
0x1e6: {  	v48 =	vand.u32 $0xFFFF0000, v38;
	v55 =	vmul.f32 $1.442695020e+00, v61;
	v61 =	vld [tilespmem:s20+$0x70];
	v60 =	vshll.u32 v31, $0x10  }
0x1e7: {  	v44 =	vmul.f32 v60, v49;
	v40 =	vadd.f32 v40, v23;
	v41 =	vmul.f32 v59, v58;
	v23 =	vld [tilespmem:s21+$0x70]  }
0x1e8: {  	v62 =	vld [tilespmem:s19+$0xFFFFFF80];
	v24 =	vand.u32 $0xFFFF0000, v39;
	(erf) = vpow2.f32 v55;
	v63 =	vshll.u32 v32, $0x10  }
0x1e9: {  	v38 =	vld [tilespmem:s20+$0xFFFFFF90];
	v54 =	vmul.f32 v21, v44;
	v40 =	vadd.f32 v41, v40;
	v39 =	vmul.f32 v63, v57  }
0x1ea: {  	v7 =	vand.u32 $0xFFFF0000, v37;
	v37 =	vshll.u32 v37, $0x10;
	v53 =	vld [tilespmem:s20+$0xFFFFFF80];
	v56 =	vshll.u32 v22, $0x10  }
0x1eb: {  	v52 =	vpop (erf);
	v55 =	vld [tilespmem:s19+$0xFFFFFF90];
	v40 =	vadd.f32 v54, v40;
	v37 =	vmul.f32 v37, v39;
	v57 =	vmul.f32 v56, v61  }
0x1ec: {  	v36 =	vand.u32 $0xFFFF0000, v36;
	v21 =	vmul.f32 v52, v33;
	v52 =	vld [tilespmem:s19+$0xFFFFFFB0];
	v58 =	vshll.u32 v23, $0x10  }
0x1ed: {  	v34 =	vand.u32 $0xFFFF0000, v34;
	v44 =	vld [tilespmem:s21+$0xFFFFFFB0];
	v37 =	vadd.f32 v37, v40;
	v39 =	vmul.f32 v58, v57  }
0x1ee: {  	v45 =	vand.u32 $0xFFFF0000, v62;
	v59 =	vshll.u32 v62, $0x10;
	v50 =	vmul.f32 v21, v43;
	v43 =	vld [tilespmem:s21+$0xFFFFFF90]  }
0x1ef: {  	v35 =	vand.u32 $0xFFFF0000, v35;
	v41 =	vld [tilespmem:s19+$0xFFFFFFA0];
	v63 =	vmul.f32 v59, v53;
	v37 =	vadd.f32 v39, v37  }
0x1f0: {  	v28 =	vmul.f32 v34, v28;
	v62 =	vshll.u32 v47, $0x10;
	v47 =	vand.u32 $0xFFFF0000, v47;
	v61 =	vld [tilespmem:s20+$0xFFFFFFA0]  }
0x1f1: {  	v51 =	vand.u32 $0xFFFF0000, v55;
	v33 =	vmul.f32 v62, v63;
	v63 =	vld [tilespmem:s20+$0xFFFFFFB0];
	v60 =	vpop (erf);
	v53 =	vperm.xlane v37, v1  }
0x1f2: {  	v62 =	vshll.u32 v52, $0x10;
	v52 =	vand.u32 $0xFFFF0000, v52;
	v56 =	vadd.f32 $1.000000000e+00, v60;
	v58 =	vld [tilespmem:s21+$0xFFFFFFA0]  }
0x1f3: {  	v54 =	vld [tilespmem:s19+$0xFFFFFFC0];
	v40 =	vand.u32 $0xFFFF0000, v42;
	v57 =	vshll.u32 v55, $0x10;
	v37 =	vadd.f32 v37, v53  }
0x1f4: {  	v59 =	vshll.u32 v43, $0x10;
	v42 =	vld [tilespmem:s20+$0xFFFFFFC0];
	v38 =	vmul.f32 v57, v38;
	(erf) = vrcp.f32 v56  }
0x1f5: {  	v43 =	vand.u32 $0xFFFF0000, v43;
	v60 =	vshll.u32 v41, $0x10;
	v57 =	vld [tilespmem:s19+$0xFFFFFFD0];
	v55 =	vperm.xlane v37, v2  }
0x1f6: {  	v33 =	vadd.f32 $0.0e+00, v33;
	v56 =	vld [tilespmem:s21+$0xFFFFFFC0];
	v38 =	vmul.f32 v59, v38;
	v46 =	vmul.f32 v60, v61  }
0x1f7: {  	v41 =	vand.u32 $0xFFFF0000, v41;
	v39 =	vld [tilespmem:s20+$0xFFFFFFD0];
	v61 =	vshll.u32 v58, $0x10;
	v37 =	vadd.f32 v37, v55  }
0x1f8: {  	v34 =	vmul.f32 v40, v26;
	v33 =	vadd.f32 v38, v33;
	v46 =	vmul.f32 v61, v46  }
0x1f9: {  	v60 =	vshll.u32 v54, $0x10;
	v49 =	vand.u32 $0xFFFF0000, v58;
	v58 =	vld [tilespmem:s21+$0xFFFFFFD0];
	v59 =	vperm.xlane v37, v3  }
0x1fa: {  	v38 =	vmul.f32 v62, v63;
	v63 =	vshll.u32 v44, $0x10;
	v33 =	vadd.f32 v46, v33;
	v46 =	vld [tilespmem:s19+$0xFFFFFFE0]  }
0x1fb: {  	v42 =	vmul.f32 v60, v42;
	v62 =	vshll.u32 v57, $0x10;
	v55 =	vld [tilespmem:s20+$0xFFFFFFE0];
	v37 =	vadd.f32 v37, v59  }
0x1fc: {  	v53 =	vld [tilespmem:s21+$0xFFFFFFE0];
	v38 =	vmul.f32 v63, v38;
	v61 =	vshll.u32 v56, $0x10;
	v39 =	vmul.f32 v62, v39  }
0x1fd: {  	v54 =	vand.u32 $0xFFFF0000, v54;
	v60 =	vld [tilespmem:s19+$0xFFFFFFF0];
	v42 =	vmul.f32 v61, v42;
	v59 =	vpop (erf);
	v61 =	vperm.xlane v37, v4  }
0x1fe: {  	v38 =	vadd.f32 v38, v33;
	v33 =	vmul.f32 v59, v29;
	v29 =	vshll.u32 v58, $0x10;
	v59 =	vld [tilespmem:s20+$0xFFFFFFF0]  }
0x1ff: {  	v63 =	vshll.u32 v46, $0x10;
	v39 =	vmul.f32 v29, v39;
	v29 =	vadd.f32 v37, v61;
	v37 =	vld [tilespmem:s21+$0xFFFFFFF0]  }
0x200: {  	v44 =	vand.u32 $0xFFFF0000, v44;
	v57 =	vand.u32 $0xFFFF0000, v57;
	v55 =	vmul.f32 v63, v55  }
0x201: {  	v62 =	vshll.u32 v53, $0x10;
	v42 =	vadd.f32 v42, v38;
	v63 =	vsub.f32 $0.0e+00, v29  }
0x202: {  	v38 =	vmul.f32 v45, v47;
	v45 =	vmul.f32 v62, v55;
	v61 =	vshll.u32 v60, $0x10  }
0x203: {  	v39 =	vadd.f32 v39, v42;
	v62 =	vmul.f32 v61, v59;
	v47 =	vmul.f32 $1.442695020e+00, v63  }
0x204: {  	v56 =	vand.u32 $0xFFFF0000, v56;
	v53 =	vand.u32 $0xFFFF0000, v53;
	v59 =	vshll.u32 v37, $0x10  }
0x205: {  	v39 =	vadd.f32 v45, v39;
	v42 =	vmul.f32 v59, v62;
	(erf) = vpow2.f32 v47  }
0x206: {  	v58 =	vand.u32 $0xFFFF0000, v58;
	v60 =	vand.u32 $0xFFFF0000, v60;
	v63 =	vand.u32 $0xFFFF0000, v46  }
0x207: {  	v46 =	vmul.f32 v51, v43;
	v45 =	vmul.f32 v52, v44;
	v42 =	vadd.f32 v42, v39  }
0x208: {  	v44 =	vmul.f32 v54, v56;
	v43 =	vmul.f32 v57, v58;
	v61 =	vand.u32 $0xFFFF0000, v30  }
0x209: {  	v30 =	vmul.f32 v35, v27;
	v37 =	vand.u32 $0xFFFF0000, v37;
	v62 =	vperm.xlane v42, v1  }
0x20a: {  	v47 =	vmul.f32 v41, v49;
	v41 =	vmul.f32 v63, v53;
	v63 =	vand.u32 $0xFFFF0000, v31  }
0x20b: {  	s11 =	simm.s32 $0x1E600;
	s22 =	sadd.s32 s15, s16;
	v39 =	vmul.f32 v60, v37;
	v37 =	vmul.f32 v36, v48;
	v48 =	vadd.f32 v42, v62  }
0x20c: {  	s10 =	simm.s32 $0x2;
	[tilespmem:s11+$0x70] =	vst v50;
	s21 =	sadd.s32 $0x30, s22;
	s22 =	simm.s32 $0x1B800;
	v35 =	vmul.f32 v61, v25;
	v31 =	vand.u32 $0xFFFF0000, v32;
	v32 =	vmul.f32 v63, v24  }
.LBB2_7:
0x20d: {  	v36 =	vld [tilespmem:s22+$0x60];
	v24 =	vperm.xlane v48, v2;
	v40 =	vmul.f32 v31, v7  }
0x20e: {  	v25 =	vmul.f32 v33, v5;
	v26 =	vmul.f32 v33, v12;
	v5 =	vmov v38;
	v31 =	vld [tilespmem:s22+$0x50];
	v7 =	vpop (erf)  }
0x20f: {  	v12 =	vmovc v46;
	v38 =	vld [tilespmem:s22+$0x40];
	v27 =	vadd.f32 v48, v24;
	v7 =	vadd.f32 $1.000000000e+00, v7;
	v24 =	vmul.f32 v33, v9;
	v9 =	vmovc v47  }
0x210: {  	v46 =	vmul.f32 v33, v10;
	v10 =	vmovc v44;
	v42 =	vld [tilespmem:s22+$0x30];
	[tilespmem:s11+$0xFFFFFF80] =	vst v25;
	v25 =	vmul.f32 v33, v11;
	v11 =	vmov v45  }
0x211: {  	v44 =	vld [tilespmem:s22+$0x20];
	v45 =	vperm.xlane v27, v3;
	(erf) = vrcp.f32 v7;
	[tilespmem:s11+$0xFFFFFF90] =	vst v26  }
0x212: {  	v49 =	vmul.f32 v33, v13;
	v48 =	vmul.f32 v33, v8;
	v8 =	vmovc v43;
	v47 =	vld [tilespmem:s22+$0x10];
	v7 =	vand.u32 $0xFFFF0000, v36;
	[tilespmem:s11+$0xFFFFFFA0] =	vst v24  }
0x213: {  	s19 =	sadd.s32 $0x100, s19;
	v50 =	vmul.f32 v33, v15;
	v13 =	vmovc v41;
	v43 =	vld [tilespmem:s22+$0x0];
	v24 =	vand.u32 $0xFFFF0000, v31;
	v45 =	vadd.f32 v27, v45;
	[tilespmem:s11+$0xFFFFFFB0] =	vst v25  }
0x214: {  	s10 =	sadd.s32 $0x2, s10;
	s20 =	sadd.s32 $0x100, s20;
	v51 =	vmul.f32 v21, v16;
	v15 =	vmovc v39;
	v41 =	vld [tilespmem:s19+$0x0];
	v25 =	vand.u32 $0xFFFF0000, v38;
	[tilespmem:s11+$0xFFFFFFC0] =	vst v46;
	v46 =	vmul.f32 v21, v14  }
0x215: {  	p1 =	slt.u32 s10, $0x2E;
	v14 =	vmovc v37;
	v39 =	vld [tilespmem:s20+$0x0];
	v26 =	vand.u32 $0xFFFF0000, v42;
	v33 =	vperm.xlane v45, v4;
	[tilespmem:s11+$0xFFFFFFD0] =	vst v48;
	v48 =	vmul.f32 v21, v17  }
0x216: {  	v52 =	vmul.f32 v21, v20;
	v16 =	vmovc v28;
	v37 =	vld [tilespmem:s19+$0x10];
	v27 =	vand.u32 $0xFFFF0000, v44;
	[tilespmem:s11+$0xFFFFFFE0] =	vst v49;
	v49 =	vmul.f32 v21, v18  }
0x217: {  	v17 =	vmovc v30;
	v28 =	vand.u32 $0xFFFF0000, v47;
	v53 =	vld [tilespmem:s20+$0x10];
	v33 =	vadd.f32 v45, v33;
	[tilespmem:s11+$0xFFFFFFF0] =	vst v50;
	v45 =	vmul.f32 v21, v19  }
0x218: {  	v20 =	vmovc v35;
	v18 =	vmovc v34;
	v30 =	vand.u32 $0xFFFF0000, v43;
	v50 =	vld [tilespmem:s19+$0x20];
	[tilespmem:s11+$0x0] =	vst v46;
	v46 =	vmul.f32 v21, v6;
	v6 =	vmov v40  }
0x219: {  	v23 =	vand.u32 $0xFFFF0000, v23;
	v19 =	vmovc v32;
	v21 =	vshll.u32 v41, $0x10;
	v34 =	vld [tilespmem:s20+$0x20];
	v35 =	vsub.f32 $0.0e+00, v33;
	[tilespmem:s11+$0x10] =	vst v51  }
0x21a: {  	v40 =	vshll.u32 v43, $0x10;
	v39 =	vmul.f32 v21, v39;
	v43 =	vld [tilespmem:s19+$0x30];
	v21 =	vand.u32 $0xFFFF0000, v22;
	v22 =	vpop (erf);
	[tilespmem:s11+$0x20] =	vst v48  }
0x21b: {  	v48 =	vshll.u32 v37, $0x10;
	v51 =	vld [tilespmem:s20+$0x30];
	v23 =	vmul.f32 v21, v23;
	v21 =	vmul.f32 v22, v29;
	[tilespmem:s11+$0x30] =	vst v49  }
0x21c: {  	v32 =	vand.u32 $0xFFFF0000, v41;
	v22 =	vmul.f32 v40, v39;
	v29 =	vmul.f32 v48, v53;
	v39 =	vld [tilespmem:s19+$0x40];
	[tilespmem:s11+$0x40] =	vst v52  }
0x21d: {  	v40 =	vshll.u32 v47, $0x10;
	v41 =	vshll.u32 v50, $0x10;
	v47 =	vld [tilespmem:s20+$0x40];
	v23 =	vmul.f32 v21, v23;
	[tilespmem:s11+$0x50] =	vst v45  }
0x21e: {  	v22 =	vadd.f32 $0.0e+00, v22;
	v29 =	vmul.f32 v40, v29;
	v34 =	vmul.f32 v41, v34;
	v41 =	vld [tilespmem:s19+$0x50];
	[tilespmem:s11+$0x60] =	vst v46;
	s11 =	sadd.s32 $0x100, s11  }
0x21f: {  	v35 =	vmul.f32 $1.442695020e+00, v35;
	v40 =	vshll.u32 v44, $0x10;
	v44 =	vshll.u32 v43, $0x10;
	v45 =	vld [tilespmem:s20+$0x50];
	[tilespmem:s11+$0x70] =	vst v23  }
0x220: {  	v22 =	vadd.f32 v29, v22;
	v23 =	vmul.f32 v40, v34;
	v29 =	vmul.f32 v44, v51;
	v44 =	vld [tilespmem:s19+$0x60]  }
0x221: {  	v34 =	vshll.u32 v42, $0x10;
	v40 =	vshll.u32 v39, $0x10;
	v42 =	vld [tilespmem:s20+$0x60];
	(erf) = vpow2.f32 v35  }
0x222: {  	v23 =	vadd.f32 v23, v22;
	v29 =	vmul.f32 v34, v29;
	v35 =	vmul.f32 v40, v47;
	v22 =	vld [tilespmem:s19+$0x70]  }
0x223: {  	v34 =	vand.u32 $0xFFFF0000, v37;
	v37 =	vshll.u32 v38, $0x10;
	v38 =	vshll.u32 v41, $0x10;
	v46 =	vld [tilespmem:s20+$0x70]  }
0x224: {  	v29 =	vadd.f32 v29, v23;
	v37 =	vmul.f32 v37, v35;
	v38 =	vmul.f32 v38, v45;
	v23 =	vld [tilespmem:s22+$0x70]  }
0x225: {  	v31 =	vshll.u32 v31, $0x10;
	v35 =	vand.u32 $0xFFFF0000, v50;
	v45 =	vld [tilespmem:s19+$0xFFFFFF80];
	v40 =	vshll.u32 v44, $0x10  }
0x226: {  	v47 =	vld [tilespmem:s20+$0xFFFFFF80];
	v29 =	vadd.f32 v37, v29;
	v31 =	vmul.f32 v31, v38;
	v37 =	vmul.f32 v40, v42  }
0x227: {  	v36 =	vshll.u32 v36, $0x10;
	v40 =	vand.u32 $0xFFFF0000, v43;
	v38 =	vld [tilespmem:s19+$0xFFFFFF90];
	v42 =	vshll.u32 v22, $0x10  }
0x228: {  	v43 =	vld [tilespmem:s22+$0xFFFFFF80];
	v29 =	vadd.f32 v31, v29;
	v31 =	vmul.f32 v36, v37;
	v49 =	vmul.f32 v42, v46  }
0x229: {  	v36 =	vand.u32 $0xFFFF0000, v39;
	v42 =	vand.u32 $0xFFFF0000, v41;
	v46 =	vld [tilespmem:s20+$0xFFFFFF90];
	v39 =	vshll.u32 v23, $0x10  }
0x22a: {  	v41 =	vshll.u32 v45, $0x10;
	v48 =	vld [tilespmem:s22+$0xFFFFFF90];
	v29 =	vadd.f32 v31, v29;
	v31 =	vmul.f32 v39, v49;
	v37 =	vpop (erf)  }
0x22b: {  	v39 =	vand.u32 $0xFFFF0000, v45;
	v41 =	vmul.f32 v41, v47;
	v45 =	vld [tilespmem:s19+$0xFFFFFFA0];
	v37 =	vadd.f32 $1.000000000e+00, v37  }
0x22c: {  	v47 =	vshll.u32 v38, $0x10;
	v49 =	vand.u32 $0xFFFF0000, v38;
	v38 =	vld [tilespmem:s20+$0xFFFFFFA0];
	v29 =	vadd.f32 v31, v29  }
0x22d: {  	v31 =	vshll.u32 v43, $0x10;
	v43 =	vand.u32 $0xFFFF0000, v43;
	v50 =	vld [tilespmem:s22+$0xFFFFFFA0];
	(erf) = vrcp.f32 v37  }
0x22e: {  	v37 =	vmul.f32 v31, v41;
	v41 =	vld [tilespmem:s19+$0xFFFFFFB0];
	v31 =	vand.u32 $0xFFFF0000, v44;
	v44 =	vperm.xlane v29, v1  }
0x22f: {  	v46 =	vmul.f32 v47, v46;
	v51 =	vshll.u32 v48, $0x10;
	v48 =	vand.u32 $0xFFFF0000, v48;
	v47 =	vld [tilespmem:s20+$0xFFFFFFB0]  }
0x230: {  	v37 =	vadd.f32 $0.0e+00, v37;
	v52 =	vshll.u32 v45, $0x10;
	v53 =	vld [tilespmem:s22+$0xFFFFFFB0];
	v29 =	vadd.f32 v29, v44  }
0x231: {  	v44 =	vmul.f32 v51, v46;
	v45 =	vand.u32 $0xFFFF0000, v45;
	v38 =	vmul.f32 v52, v38;
	v46 =	vld [tilespmem:s19+$0xFFFFFFC0]  }
0x232: {  	v51 =	vshll.u32 v50, $0x10;
	v50 =	vand.u32 $0xFFFF0000, v50;
	v52 =	vld [tilespmem:s20+$0xFFFFFFC0];
	v54 =	vperm.xlane v29, v2  }
0x233: {  	v37 =	vadd.f32 v44, v37;
	v38 =	vmul.f32 v51, v38;
	v44 =	vshll.u32 v41, $0x10;
	v51 =	vld [tilespmem:s22+$0xFFFFFFC0]  }
0x234: {  	v41 =	vand.u32 $0xFFFF0000, v41;
	v44 =	vmul.f32 v44, v47;
	v47 =	vld [tilespmem:s19+$0xFFFFFFD0];
	v29 =	vadd.f32 v29, v54  }
0x235: {  	v37 =	vadd.f32 v38, v37;
	v38 =	vshll.u32 v53, $0x10;
	v53 =	vand.u32 $0xFFFF0000, v53;
	v54 =	vld [tilespmem:s20+$0xFFFFFFD0]  }
0x236: {  	v38 =	vmul.f32 v38, v44;
	v44 =	vshll.u32 v46, $0x10;
	v55 =	vld [tilespmem:s22+$0xFFFFFFD0];
	v56 =	vperm.xlane v29, v3;
	v57 =	vpop (erf)  }
0x237: {  	v58 =	vand.u32 $0xFFFF0000, v46;
	v44 =	vmul.f32 v44, v52;
	v46 =	vld [tilespmem:s19+$0xFFFFFFE0];
	v33 =	vmul.f32 v57, v33  }
0x238: {  	v37 =	vadd.f32 v38, v37;
	v38 =	vshll.u32 v51, $0x10;
	v52 =	vld [tilespmem:s20+$0xFFFFFFE0];
	v29 =	vadd.f32 v29, v56  }
0x239: {  	v51 =	vand.u32 $0xFFFF0000, v51;
	v38 =	vmul.f32 v38, v44;
	v44 =	vshll.u32 v47, $0x10;
	v56 =	vld [tilespmem:s22+$0xFFFFFFE0]  }
0x23a: {  	v57 =	vand.u32 $0xFFFF0000, v47;
	v44 =	vmul.f32 v44, v54;
	v47 =	vld [tilespmem:s19+$0xFFFFFFF0];
	v54 =	vperm.xlane v29, v4  }
0x23b: {  	v37 =	vadd.f32 v38, v37;
	v38 =	vshll.u32 v55, $0x10;
	v55 =	vand.u32 $0xFFFF0000, v55;
	v59 =	vld [tilespmem:s20+$0xFFFFFFF0]  }
0x23c: {  	v44 =	vmul.f32 v38, v44;
	v60 =	vshll.u32 v46, $0x10;
	v61 =	vld [tilespmem:s22+$0xFFFFFFF0];
	v29 =	vadd.f32 v29, v54  }
0x23d: {  	v38 =	vmul.f32 v39, v43;
	v39 =	vand.u32 $0xFFFF0000, v46;
	v43 =	vmul.f32 v60, v52  }
0x23e: {  	v37 =	vadd.f32 v44, v37;
	v44 =	vshll.u32 v56, $0x10;
	v46 =	vsub.f32 $0.0e+00, v29  }
0x23f: {  	v52 =	vand.u32 $0xFFFF0000, v56;
	v43 =	vmul.f32 v44, v43;
	v44 =	vshll.u32 v47, $0x10  }
0x240: {  	v54 =	vand.u32 $0xFFFF0000, v47;
	v44 =	vmul.f32 v44, v59;
	v46 =	vmul.f32 $1.442695020e+00, v46  }
0x241: {  	v37 =	vadd.f32 v43, v37;
	v43 =	vshll.u32 v61, $0x10;
	v56 =	vand.u32 $0xFFFF0000, v61  }
0x242: {  	v43 =	vmul.f32 v43, v44;
	(erf) = vpow2.f32 v46  }
0x243: {  	v47 =	vmul.f32 v45, v50;
	v46 =	vmul.f32 v49, v48  }
0x244: {  	v45 =	vmul.f32 v41, v53;
	v44 =	vmul.f32 v58, v51;
	v48 =	vadd.f32 v43, v37  }
.Ltmp2:
0x245: {  	v41 =	vmul.f32 v39, v52;
	v43 =	vmul.f32 v57, v55;
	(pc) =	sbr.rel @p1 .LBB2_7-.Ltmp2, $4  }
0x246: {  	v39 =	vmul.f32 v54, v56;
	v49 =	vperm.xlane v48, v1  }
0x247: {  	v28 =	vmul.f32 v34, v28;
	v37 =	vmul.f32 v32, v30  }
0x248: {  	v34 =	vmul.f32 v40, v26;
	v30 =	vmul.f32 v35, v27;
	v48 =	vadd.f32 v48, v49  }
0x249: {  	s22 =	sadd.s32 $0x100, s22;
	v35 =	vmul.f32 v36, v25;
	v32 =	vmul.f32 v42, v24  }
0x24a: {  	v24 =	vperm.xlane v48, v2;
	_ =	sdelay $0x1  }
0x24b: {  	v24 =	vadd.f32 v48, v24;
	_ =	sdelay $0x1  }
0x24c: {  	v25 =	vperm.xlane v24, v3;
	_ =	sdelay $0x1  }
0x24d: {  	v24 =	vadd.f32 v24, v25;
	_ =	sdelay $0x1  }
0x24e: {  	v25 =	vperm.xlane v24, v4;
	_ =	sdelay $0x1  }
0x24f: {  	v24 =	vadd.f32 v24, v25;
	_ =	sdelay $0x1  }
0x250: {  	v42 =	vpop (erf);
	v26 =	vsub.f32 $0.0e+00, v24  }
0x251: {  	v25 =	vadd.f32 $1.000000000e+00, v42  }
0x252: {  	v26 =	vmul.f32 $1.442695020e+00, v26  }
0x253: {  	(erf) = vrcp.f32 v25  }
0x254: {  	(erf) = vpow2.f32 v26;
	_ =	sdelay $0x7  }
0x255: {  	v5 =	vmul.f32 v33, v5;
	v25 =	vpop (erf)  }
0x256: {  	v12 =	vmul.f32 v33, v12;
	v26 =	vpop (erf)  }
0x257: {  	v9 =	vmul.f32 v33, v9;
	[tilespmem:s11+$0xFFFFFF80] =	vst v5;
	v5 =	vadd.f32 $1.000000000e+00, v26  }
0x258: {  	v11 =	vmul.f32 v33, v11;
	[tilespmem:s11+$0xFFFFFF90] =	vst v12  }
0x259: {  	v10 =	vmul.f32 v33, v10;
	[tilespmem:s11+$0xFFFFFFA0] =	vst v9;
	(erf) = vrcp.f32 v5  }
0x25a: {  	[tilespmem:s11+$0xFFFFFFB0] =	vst v11;
	v5 =	vmul.f32 v33, v8  }
0x25b: {  	[tilespmem:s11+$0xFFFFFFC0] =	vst v10;
	v9 =	vmul.f32 v33, v15  }
0x25c: {  	[tilespmem:s11+$0xFFFFFFD0] =	vst v5;
	v5 =	vmul.f32 v21, v14  }
0x25d: {  	v6 =	vmul.f32 v21, v6;
	[tilespmem:s11+$0xFFFFFFF0] =	vst v9  }
0x25e: {  	v9 =	vmul.f32 v21, v17;
	[tilespmem:s11+$0x0] =	vst v5;
	v5 =	vmul.f32 v21, v18  }
0x25f: {  	[tilespmem:s11+$0x60] =	vst v6;
	v8 =	vmul.f32 v33, v13  }
0x260: {  	v10 =	vmul.f32 v21, v20;
	v11 =	vand.u32 $0xFFFF0000, v23;
	v12 =	vand.u32 $0xFFFF0000, v22;
	[tilespmem:s11+$0x20] =	vst v9  }
0x261: {  	v9 =	vmul.f32 v12, v11;
	v11 =	vmul.f32 v25, v29;
	[tilespmem:s11+$0xFFFFFFE0] =	vst v8  }
0x262: {  	v8 =	vmul.f32 v21, v16;
	[tilespmem:s11+$0x30] =	vst v5;
	v5 =	vpop (erf)  }
0x263: {  	[tilespmem:s11+$0x40] =	vst v10;
	v9 =	vmul.f32 v11, v9;
	v5 =	vmul.f32 v5, v24  }
0x264: {  	s10 =	sadd.s32 $0x100, s11;
	[tilespmem:s11+$0x10] =	vst v8;
	v8 =	vmul.f32 v21, v19  }
0x265: {  	[tilespmem:s10+$0x70] =	vst v9;
	v6 =	vmul.f32 v5, v38  }
0x266: {  	[tilespmem:s11+$0x50] =	vst v8;
	v8 =	vmul.f32 v5, v46  }
0x267: {  	v9 =	vmul.f32 v5, v47;
	[tilespmem:s10+$0xFFFFFF80] =	vst v6  }
0x268: {  	v6 =	vmul.f32 v5, v45;
	[tilespmem:s10+$0xFFFFFF90] =	vst v8  }
0x269: {  	v8 =	vmul.f32 v5, v44;
	[tilespmem:s10+$0xFFFFFFA0] =	vst v9  }
0x26a: {  	v9 =	vmul.f32 v5, v43;
	[tilespmem:s10+$0xFFFFFFB0] =	vst v6  }
0x26b: {  	v6 =	vmul.f32 v5, v41;
	[tilespmem:s10+$0xFFFFFFC0] =	vst v8  }
0x26c: {  	v5 =	vmul.f32 v5, v39;
	[tilespmem:s10+$0xFFFFFFD0] =	vst v9  }
0x26d: {  	v8 =	vmul.f32 v11, v37;
	[tilespmem:s10+$0xFFFFFFE0] =	vst v6  }
0x26e: {  	v6 =	vmul.f32 v11, v28;
	[tilespmem:s10+$0xFFFFFFF0] =	vst v5  }
0x26f: {  	v5 =	vmul.f32 v11, v30;
	[tilespmem:s10+$0x0] =	vst v8  }
0x270: {  	v8 =	vmul.f32 v11, v34;
	[tilespmem:s10+$0x10] =	vst v6  }
0x271: {  	v6 =	vmul.f32 v31, v7;
	v7 =	vmul.f32 v11, v35;
	[tilespmem:s10+$0x20] =	vst v5  }
0x272: {  	v5 =	vmul.f32 v11, v32;
	[tilespmem:s10+$0x30] =	vst v8  }
0x273: {  	v6 =	vmul.f32 v11, v6;
	[tilespmem:s10+$0x40] =	vst v7  }
0x274: {  	s20 =	sadd.s32 $0x60, s21;
	[tilespmem:s10+$0x50] =	vst v5  }
0x275: {  	s22 =	sshrl.u32 s20, $0x3;
	[tilespmem:s10+$0x60] =	vst v6  }
0x276: {  	[spmem:s3] =	stream.indirect.scatter.add.f32 [tilespmem:s2], [sflag:$0x4], $0x80, s23, s18, $0xb8;
	[tilespmem:$0x1FD80] =	vst v63  }
0x277: {  	s11 =	sadd.s32 s5, s22  }
0x278: {  	[tilespmem:s9], [sflag:$0x5] =	stream.linear.gather [hbm4b:s11+s4], $0x30, $0x38;
	[tilespmem:$0x1FD80] =	vst v63  }
0x279: {  	s19 =	sshrl.u32 s21, $0x3;
	_ =	swait.ge [sflag:s14], $0x30  }
0x27a: {  	s11 =	sadd.s32 s5, s19;
	[sflag:s14] =	ssyncset.done $0x0  }
0x27b: {  	s11 =	sadd.s32 $0x9C4C, s11;
	[sflag:s14] =	ssyncadd.s32 $0xFFFFFFD0  }
0x27c: {  	[tilespmem:s12], [sflag:$0x5] =	stream.linear.gather [hbm4b:s11+s4], $0x30, $0x38;
	[tilespmem:$0x1FD80] =	vst v63  }
0x27d: {  	_ =	swait.ge [sflag:s14], $0x30  }
0x27e: {  	[sflag:s14] =	ssyncset.done $0x0  }
0x27f: {  	[sflag:s14] =	ssyncadd.s32 $0xFFFFFFD0  }
0x280: {  	[tilespmem:s24], [sflag:$0x2] =	stream.indirect.gather [hbm4b:s1+s18], $0x80, s12, s18, $0xb8;
	[tilespmem:$0x1FD80] =	vst v63  }
0x281: {  	s10 =	sshll.u32 s20, $0x4  }
0x282: {  	[tilespmem:s25], [sflag:$0x2] =	stream.indirect.gather [hbm4b:s6+s18], $0x80, s9, s18, $0xb8;
	[tilespmem:$0x1FD80] =	vst v63  }
0x283: {  	s10 =	sadd.s32 s7, s10  }
0x284: {  	[tilespmem:s26], [sflag:$0x2] =	stream.linear.gather [hbm4b:s10+s4], $0x1800, $0x38;
	[tilespmem:$0x1FD80] =	vst v63  }
0x285: {  	_ =	swait.ge [sflag:s28], $0x1800  }
0x286: {  	[sflag:s28] =	ssyncset.done $0x0  }
0x287: {  	[sflag:s28] =	ssyncadd.s32 $0xFFFFE800  }
0x288: {  	_ =	swait.ge [sflag:s28], $0x1800  }
0x289: {  	[sflag:s28] =	ssyncset.done $0x0  }
0x28a: {  	[sflag:s28] =	ssyncadd.s32 $0xFFFFE800  }
0x28b: {  	_ =	swait.ge [sflag:s28], $0x1800  }
0x28c: {  	[sflag:s28] =	ssyncset.done $0x0  }
0x28d: {  	[sflag:s28] =	ssyncadd.s32 $0xFFFFE800  }
0x28e: {  	_ =	swait.ge [sflag:s17], $0x1800  }
0x28f: {  	[sflag:s17] =	ssyncset.done $0x0  }
0x290: {  	s20 =	simm.s32 $0x16E00;
	[sflag:s17] =	ssyncadd.s32 $0xFFFFE800  }
0x291: {  	v9 =	vld [tilespmem:s20+$0x60]  }
0x292: {  	v10 =	vld [tilespmem:s20+$0x50]  }
0x293: {  	v11 =	vld [tilespmem:s20+$0x40]  }
0x294: {  	v12 =	vld [tilespmem:s20+$0x30]  }
0x295: {  	v13 =	vld [tilespmem:s20+$0x20]  }
0x296: {  	v14 =	vld [tilespmem:s20+$0x10]  }
0x297: {  	s19 =	simm.s32 $0x15600;
	v15 =	vld [tilespmem:s20+$0x0]  }
0x298: {  	s21 =	simm.s32 $0x13E00;
	v16 =	vld [tilespmem:s19+$0x0]  }
0x299: {  	v6 =	vld [tilespmem:s21+$0x0]  }
0x29a: {  	v17 =	vld [tilespmem:s19+$0x10]  }
0x29b: {  	v7 =	vld [tilespmem:s21+$0x10]  }
0x29c: {  	v18 =	vld [tilespmem:s19+$0x20]  }
0x29d: {  	v19 =	vld [tilespmem:s21+$0x20]  }
0x29e: {  	v5 =	vld [tilespmem:s19+$0x30]  }
0x29f: {  	v20 =	vld [tilespmem:s21+$0x30]  }
0x2a0: {  	v8 =	vld [tilespmem:s19+$0x40];
	v21 =	vshll.u32 v16, $0x10  }
0x2a1: {  	v23 =	vld [tilespmem:s21+$0x40];
	v21 =	vmul.f32 v21, v6  }
0x2a2: {  	v49 =	vld [tilespmem:s21+$0x50];
	v22 =	vshll.u32 v15, $0x10;
	v48 =	vshll.u32 v17, $0x10  }
0x2a3: {  	v52 =	vld [tilespmem:s21+$0x60];
	v21 =	vmul.f32 v22, v21;
	v22 =	vmul.f32 v48, v7  }
0x2a4: {  	v54 =	vld [tilespmem:s21+$0x70];
	v50 =	vshll.u32 v14, $0x10;
	v51 =	vshll.u32 v18, $0x10  }
0x2a5: {  	v6 =	vld [tilespmem:s19+$0x50];
	v19 =	vmul.f32 v51, v19;
	v27 =	vadd.f32 $0.0e+00, v21;
	v22 =	vmul.f32 v50, v22  }
0x2a6: {  	v30 =	vld [tilespmem:s21+$0xFFFFFF80];
	v53 =	vshll.u32 v13, $0x10;
	v28 =	vshll.u32 v5, $0x10  }
0x2a7: {  	v20 =	vmul.f32 v28, v20;
	v7 =	vld [tilespmem:s19+$0x60];
	v19 =	vmul.f32 v53, v19;
	v27 =	vadd.f32 v22, v27  }
0x2a8: {  	v24 =	vld [tilespmem:s19+$0xFFFFFF90];
	v29 =	vshll.u32 v8, $0x10;
	v28 =	vshll.u32 v12, $0x10  }
0x2a9: {  	v23 =	vmul.f32 v29, v23;
	v20 =	vmul.f32 v28, v20;
	v21 =	vld [tilespmem:s19+$0x70];
	v19 =	vadd.f32 v19, v27  }
0x2aa: {  	v31 =	vld [tilespmem:s20+$0xFFFFFF80];
	v28 =	vshll.u32 v11, $0x10;
	v29 =	vshll.u32 v6, $0x10  }
0x2ab: {  	v22 =	vld [tilespmem:s20+$0x70];
	v19 =	vadd.f32 v20, v19;
	v20 =	vmul.f32 v28, v23;
	v23 =	vmul.f32 v29, v49  }
0x2ac: {  	v55 =	vld [tilespmem:s21+$0xFFFFFF90];
	v28 =	vshll.u32 v10, $0x10;
	v29 =	vshll.u32 v7, $0x10  }
0x2ad: {  	v32 =	vld [tilespmem:s20+$0xFFFFFF90];
	v19 =	vadd.f32 v20, v19;
	v20 =	vmul.f32 v28, v23;
	v23 =	vmul.f32 v29, v52  }
0x2ae: {  	v26 =	vld [tilespmem:s19+$0xFFFFFFA0];
	v28 =	vshll.u32 v9, $0x10;
	v29 =	vshll.u32 v21, $0x10  }
0x2af: {  	v37 =	vld [tilespmem:s19+$0xFFFFFFC0];
	v19 =	vadd.f32 v20, v19;
	v20 =	vmul.f32 v28, v23;
	v23 =	vmul.f32 v29, v54  }
0x2b0: {  	v27 =	vld [tilespmem:s19+$0xFFFFFF80];
	v28 =	vshll.u32 v22, $0x10  }
0x2b1: {  	v38 =	vld [tilespmem:s19+$0xFFFFFFD0];
	v19 =	vadd.f32 v20, v19;
	v20 =	vmul.f32 v28, v23  }
0x2b2: {  	v60 =	vld [tilespmem:s21+$0xFFFFFFD0];
	v34 =	vand.u32 $0xFFFF0000, v10  }
0x2b3: {  	v39 =	vld [tilespmem:s20+$0xFFFFFFD0];
	v35 =	vand.u32 $0xFFFF0000, v11;
	v36 =	vand.u32 $0xFFFF0000, v14;
	v10 =	vadd.f32 v20, v19  }
0x2b4: {  	v14 =	vand.u32 $0xFFFF0000, v15;
	v16 =	vand.u32 $0xFFFF0000, v16;
	v17 =	vand.u32 $0xFFFF0000, v17;
	v29 =	vld [tilespmem:s21+$0xFFFFFFA0]  }
0x2b5: {  	v28 =	vld [tilespmem:s20+$0xFFFFFFA0];
	v20 =	vand.u32 $0xFFFF0000, v13;
	v13 =	vshll.u32 v27, $0x10;
	v15 =	vperm.xlane v10, v1  }
0x2b6: {  	v56 =	vshll.u32 v24, $0x10;
	v23 =	vand.u32 $0xFFFF0000, v9;
	v9 =	vld [tilespmem:s19+$0xFFFFFFB0];
	v13 =	vmul.f32 v13, v30  }
0x2b7: {  	v57 =	vshll.u32 v31, $0x10;
	v18 =	vand.u32 $0xFFFF0000, v18;
	v11 =	vld [tilespmem:s21+$0xFFFFFFB0];
	v10 =	vadd.f32 v10, v15  }
0x2b8: {  	v25 =	vmul.f32 v56, v55;
	v19 =	vand.u32 $0xFFFF0000, v12;
	v12 =	vld [tilespmem:s20+$0xFFFFFFB0];
	v13 =	vmul.f32 v57, v13  }
0x2b9: {  	v58 =	vshll.u32 v32, $0x10;
	v59 =	vshll.u32 v26, $0x10;
	v30 =	vld [tilespmem:s21+$0xFFFFFFC0];
	v40 =	vperm.xlane v10, v2  }
0x2ba: {  	v25 =	vmul.f32 v58, v25;
	v29 =	vmul.f32 v59, v29;
	v15 =	vld [tilespmem:s20+$0xFFFFFFC0];
	v13 =	vadd.f32 $0.0e+00, v13  }
0x2bb: {  	v44 =	vld [tilespmem:s20+$0xFFFFFFE0];
	v61 =	vshll.u32 v28, $0x10;
	v42 =	vshll.u32 v9, $0x10;
	v10 =	vadd.f32 v10, v40  }
0x2bc: {  	v62 =	vmul.f32 v61, v29;
	v11 =	vmul.f32 v42, v11;
	v13 =	vadd.f32 v25, v13;
	v40 =	vld [tilespmem:s19+$0xFFFFFFE0]  }
0x2bd: {  	v48 =	vshll.u32 v37, $0x10;
	v29 =	vld [tilespmem:s21+$0xFFFFFFE0];
	v63 =	vshll.u32 v12, $0x10;
	v49 =	vperm.xlane v10, v3  }
0x2be: {  	v11 =	vmul.f32 v63, v11;
	v50 =	vmul.f32 v48, v30;
	v30 =	vld [tilespmem:s19+$0xFFFFFFF0];
	v13 =	vadd.f32 v62, v13  }
0x2bf: {  	v53 =	vld [tilespmem:s21+$0xFFFFFFF0];
	v52 =	vshll.u32 v38, $0x10;
	v51 =	vshll.u32 v15, $0x10;
	v10 =	vadd.f32 v10, v49  }
0x2c0: {  	v55 =	vld [tilespmem:s20+$0xFFFFFFF0];
	v54 =	vmul.f32 v52, v60;
	v11 =	vadd.f32 v11, v13;
	v13 =	vmul.f32 v51, v50  }
0x2c1: {  	v57 =	vshll.u32 v39, $0x10;
	v58 =	vshll.u32 v40, $0x10;
	v56 =	vperm.xlane v10, v4  }
0x2c2: {  	v11 =	vadd.f32 v13, v11;
	v13 =	vmul.f32 v57, v54;
	v59 =	vmul.f32 v58, v29  }
0x2c3: {  	v29 =	vshll.u32 v30, $0x10;
	v33 =	vadd.f32 v10, v56;
	v10 =	vshll.u32 v44, $0x10  }
0x2c4: {  	v11 =	vadd.f32 v13, v11;
	v13 =	vmul.f32 v29, v53;
	v10 =	vmul.f32 v10, v59  }
0x2c5: {  	v14 =	vmul.f32 v16, v14;
	v16 =	vmul.f32 v17, v36;
	v29 =	vshll.u32 v55, $0x10  }
0x2c6: {  	v61 =	vand.u32 $0xFFFF0000, v8;
	v8 =	vadd.f32 v10, v11;
	v10 =	vmul.f32 v29, v13  }
0x2c7: {  	v6 =	vand.u32 $0xFFFF0000, v6;
	v7 =	vand.u32 $0xFFFF0000, v7;
	v60 =	vand.u32 $0xFFFF0000, v5  }
0x2c8: {  	v17 =	vmul.f32 v18, v20;
	v18 =	vmul.f32 v60, v19;
	v8 =	vadd.f32 v10, v8  }
0x2c9: {  	s22 =	simm.s32 $0x16F00;
	v19 =	vmul.f32 v6, v34;
	v6 =	vmul.f32 v7, v23  }
0x2ca: {  	v45 =	vld [tilespmem:s22+$0x30];
	v63 =	vand.u32 $0xFFFF0000, v28;
	v28 =	vand.u32 $0xFFFF0000, v9;
	v9 =	vperm.xlane v8, v1  }
0x2cb: {  	v47 =	vld [tilespmem:s22+$0xFFFFFF80];
	s20 =	simm.s32 $0x13F00;
	v20 =	vmul.f32 v61, v35;
	v48 =	vand.u32 $0xFFFF0000, v38;
	v62 =	vand.u32 $0xFFFF0000, v31  }
0x2cc: {  	v23 =	vld [tilespmem:s20+$0x10];
	v31 =	vand.u32 $0xFFFF0000, v37;
	v5 =	vsub.f32 $0.0e+00, v33;
	v50 =	vadd.f32 v8, v9  }
0x2cd: {  	v60 =	vld [tilespmem:s20+$0x30];
	v15 =	vand.u32 $0xFFFF0000, v15;
	v11 =	vand.u32 $0xFFFF0000, v27;
	v13 =	vand.u32 $0xFFFF0000, v24  }
0x2ce: {  	v38 =	vld [tilespmem:s22+$0x0];
	s19 =	simm.s32 $0x15700;
	v27 =	vand.u32 $0xFFFF0000, v32;
	v5 =	vmul.f32 $1.442695020e+00, v5;
	v52 =	vperm.xlane v50, v2  }
0x2cf: {  	v34 =	vld [tilespmem:s19+$0x10];
	v29 =	vand.u32 $0xFFFF0000, v12;
	v12 =	vmul.f32 v13, v27;
	v27 =	vand.u32 $0xFFFF0000, v30  }
0x2d0: {  	v37 =	vld [tilespmem:s22+$0x60];
	v10 =	vand.u32 $0xFFFF0000, v26;
	(erf) = vpow2.f32 v5;
	v24 =	vadd.f32 v50, v52  }
0x2d1: {  	v36 =	vld [tilespmem:s19+$0x0];
	v30 =	vand.u32 $0xFFFF0000, v55;
	v9 =	vmul.f32 v10, v63;
	v10 =	vmul.f32 v31, v15  }
0x2d2: {  	v51 =	vand.u32 $0xFFFF0000, v44;
	v44 =	vld [tilespmem:s22+$0x40];
	v15 =	vmul.f32 v27, v30;
	v27 =	vperm.xlane v24, v3  }
0x2d3: {  	v21 =	vand.u32 $0xFFFF0000, v21;
	v5 =	vmul.f32 v11, v62;
	v11 =	vmul.f32 v28, v29;
	v28 =	vld [tilespmem:s20+$0x0]  }
0x2d4: {  	v49 =	vand.u32 $0xFFFF0000, v39;
	v53 =	vld [tilespmem:s22+$0x20];
	v59 =	vshll.u32 v34, $0x10;
	v29 =	vadd.f32 v24, v27  }
0x2d5: {  	v40 =	vand.u32 $0xFFFF0000, v40;
	v58 =	vshll.u32 v38, $0x10;
	v23 =	vmul.f32 v59, v23;
	v31 =	vld [tilespmem:s22+$0x10]  }
0x2d6: {  	v35 =	vld [tilespmem:s19+$0x20];
	v56 =	vshll.u32 v36, $0x10;
	v13 =	vmul.f32 v40, v51;
	v30 =	vperm.xlane v29, v4  }
0x2d7: {  	v57 =	vld [tilespmem:s20+$0x20];
	v25 =	vand.u32 $0xFFFF0000, v44;
	v26 =	vand.u32 $0xFFFF0000, v45;
	v45 =	vshll.u32 v45, $0x10  }
0x2d8: {  	v42 =	vld [tilespmem:s19+$0x30];
	v62 =	vand.u32 $0xFFFF0000, v22;
	v29 =	vadd.f32 v29, v30;
	v30 =	vmul.f32 v56, v28  }
0x2d9: {  	v39 =	vld [tilespmem:s22+$0x50];
	v59 =	vshll.u32 v44, $0x10;
	v43 =	vmul.f32 v21, v62;
	v8 =	vmul.f32 v48, v49  }
0x2da: {  	v52 =	vshll.u32 v53, $0x10;
	v22 =	vshll.u32 v31, $0x10;
	v54 =	vpop (erf);
	v32 =	vmul.f32 v58, v30;
	v30 =	vld [tilespmem:s19+$0x40]  }
0x2db: {  	v63 =	vld [tilespmem:s20+$0x40];
	v55 =	vadd.f32 $1.000000000e+00, v54;
	v28 =	vand.u32 $0xFFFF0000, v31;
	v31 =	vshll.u32 v35, $0x10  }
0x2dc: {  	v22 =	vmul.f32 v22, v23;
	v23 =	vmul.f32 v31, v57;
	v31 =	vld [tilespmem:s19+$0x50];
	v32 =	vadd.f32 $0.0e+00, v32  }
0x2dd: {  	v49 =	vld [tilespmem:s20+$0x50];
	v27 =	vand.u32 $0xFFFF0000, v53;
	v53 =	vshll.u32 v42, $0x10;
	(erf) = vrcp.f32 v55  }
0x2de: {  	v54 =	vmul.f32 v53, v60;
	v23 =	vmul.f32 v52, v23;
	v22 =	vadd.f32 v22, v32;
	v32 =	vld [tilespmem:s19+$0x60]  }
0x2df: {  	v21 =	vshll.u32 v39, $0x10;
	v57 =	vld [tilespmem:s20+$0x60];
	v61 =	vsub.f32 $0.0e+00, v29;
	v56 =	vshll.u32 v30, $0x10  }
0x2e0: {  	v40 =	vmul.f32 v45, v54;
	v23 =	vadd.f32 v23, v22;
	v58 =	vmul.f32 v56, v63;
	v22 =	vld [tilespmem:s19+$0x70]  }
0x2e1: {  	v50 =	vand.u32 $0xFFFF0000, v42;
	v55 =	vmul.f32 $1.442695020e+00, v61;
	v61 =	vld [tilespmem:s20+$0x70];
	v60 =	vshll.u32 v31, $0x10  }
0x2e2: {  	v44 =	vmul.f32 v60, v49;
	v40 =	vadd.f32 v40, v23;
	v41 =	vmul.f32 v59, v58;
	v23 =	vld [tilespmem:s22+$0x70]  }
0x2e3: {  	v62 =	vld [tilespmem:s19+$0xFFFFFF80];
	v24 =	vand.u32 $0xFFFF0000, v39;
	(erf) = vpow2.f32 v55;
	v63 =	vshll.u32 v32, $0x10  }
0x2e4: {  	v42 =	vld [tilespmem:s20+$0xFFFFFFC0];
	v54 =	vmul.f32 v21, v44;
	v40 =	vadd.f32 v41, v40;
	v39 =	vmul.f32 v63, v57  }
0x2e5: {  	v7 =	vand.u32 $0xFFFF0000, v37;
	v37 =	vshll.u32 v37, $0x10;
	v53 =	vld [tilespmem:s20+$0xFFFFFF80];
	v56 =	vshll.u32 v22, $0x10  }
0x2e6: {  	v52 =	vpop (erf);
	v55 =	vld [tilespmem:s19+$0xFFFFFF90];
	v40 =	vadd.f32 v54, v40;
	v37 =	vmul.f32 v37, v39;
	v57 =	vmul.f32 v56, v61  }
0x2e7: {  	v36 =	vand.u32 $0xFFFF0000, v36;
	v21 =	vmul.f32 v52, v33;
	v52 =	vld [tilespmem:s19+$0xFFFFFFB0];
	v58 =	vshll.u32 v23, $0x10  }
0x2e8: {  	v34 =	vand.u32 $0xFFFF0000, v34;
	v44 =	vld [tilespmem:s22+$0xFFFFFFB0];
	v37 =	vadd.f32 v37, v40;
	v39 =	vmul.f32 v58, v57  }
0x2e9: {  	v45 =	vand.u32 $0xFFFF0000, v62;
	v28 =	vmul.f32 v34, v28;
	v48 =	vmul.f32 v21, v43;
	v43 =	vld [tilespmem:s22+$0xFFFFFF90]  }
0x2ea: {  	v59 =	vshll.u32 v62, $0x10;
	v41 =	vand.u32 $0xFFFF0000, v38;
	v38 =	vld [tilespmem:s20+$0xFFFFFF90];
	v37 =	vadd.f32 v39, v37  }
0x2eb: {  	v35 =	vand.u32 $0xFFFF0000, v35;
	v34 =	vmul.f32 v50, v26;
	v63 =	vmul.f32 v59, v53;
	v40 =	vld [tilespmem:s19+$0xFFFFFFA0]  }
0x2ec: {  	v62 =	vshll.u32 v47, $0x10;
	v47 =	vand.u32 $0xFFFF0000, v47;
	v61 =	vld [tilespmem:s20+$0xFFFFFFA0];
	v60 =	vpop (erf);
	v53 =	vperm.xlane v37, v1  }
0x2ed: {  	v51 =	vand.u32 $0xFFFF0000, v55;
	v33 =	vmul.f32 v62, v63;
	v56 =	vadd.f32 $1.000000000e+00, v60;
	v58 =	vld [tilespmem:s22+$0xFFFFFFA0]  }
0x2ee: {  	v63 =	vld [tilespmem:s20+$0xFFFFFFB0];
	v62 =	vshll.u32 v52, $0x10;
	v57 =	vshll.u32 v55, $0x10;
	v37 =	vadd.f32 v37, v53  }
0x2ef: {  	v54 =	vld [tilespmem:s19+$0xFFFFFFC0];
	v52 =	vand.u32 $0xFFFF0000, v52;
	v38 =	vmul.f32 v57, v38;
	(erf) = vrcp.f32 v56  }
0x2f0: {  	v59 =	vshll.u32 v43, $0x10;
	v57 =	vld [tilespmem:s19+$0xFFFFFFD0];
	v60 =	vshll.u32 v40, $0x10;
	v55 =	vperm.xlane v37, v2  }
0x2f1: {  	v33 =	vadd.f32 $0.0e+00, v33;
	v56 =	vld [tilespmem:s22+$0xFFFFFFC0];
	v38 =	vmul.f32 v59, v38;
	v46 =	vmul.f32 v60, v61  }
0x2f2: {  	v43 =	vand.u32 $0xFFFF0000, v43;
	v39 =	vld [tilespmem:s20+$0xFFFFFFD0];
	v61 =	vshll.u32 v58, $0x10;
	v37 =	vadd.f32 v37, v55  }
0x2f3: {  	v40 =	vand.u32 $0xFFFF0000, v40;
	v33 =	vadd.f32 v38, v33;
	v46 =	vmul.f32 v61, v46  }
0x2f4: {  	v49 =	vand.u32 $0xFFFF0000, v58;
	v38 =	vmul.f32 v62, v63;
	v58 =	vld [tilespmem:s22+$0xFFFFFFD0];
	v59 =	vperm.xlane v37, v3  }
0x2f5: {  	v63 =	vshll.u32 v44, $0x10;
	v60 =	vshll.u32 v54, $0x10;
	v33 =	vadd.f32 v46, v33;
	v46 =	vld [tilespmem:s19+$0xFFFFFFE0]  }
0x2f6: {  	v62 =	vshll.u32 v57, $0x10;
	v42 =	vmul.f32 v60, v42;
	v55 =	vld [tilespmem:s20+$0xFFFFFFE0];
	v37 =	vadd.f32 v37, v59  }
0x2f7: {  	v53 =	vld [tilespmem:s22+$0xFFFFFFE0];
	v38 =	vmul.f32 v63, v38;
	v39 =	vmul.f32 v62, v39;
	v61 =	vshll.u32 v56, $0x10  }
0x2f8: {  	v44 =	vand.u32 $0xFFFF0000, v44;
	v60 =	vld [tilespmem:s19+$0xFFFFFFF0];
	v42 =	vmul.f32 v61, v42;
	v59 =	vpop (erf);
	v61 =	vperm.xlane v37, v4  }
0x2f9: {  	v38 =	vadd.f32 v38, v33;
	v33 =	vmul.f32 v59, v29;
	v29 =	vshll.u32 v58, $0x10;
	v59 =	vld [tilespmem:s20+$0xFFFFFFF0]  }
0x2fa: {  	v63 =	vshll.u32 v46, $0x10;
	v39 =	vmul.f32 v29, v39;
	v29 =	vadd.f32 v37, v61;
	v37 =	vld [tilespmem:s22+$0xFFFFFFF0]  }
0x2fb: {  	v54 =	vand.u32 $0xFFFF0000, v54;
	v57 =	vand.u32 $0xFFFF0000, v57;
	v55 =	vmul.f32 v63, v55  }
0x2fc: {  	v62 =	vshll.u32 v53, $0x10;
	v42 =	vadd.f32 v42, v38;
	v63 =	vsub.f32 $0.0e+00, v29  }
0x2fd: {  	v38 =	vmul.f32 v45, v47;
	v45 =	vmul.f32 v62, v55;
	v61 =	vshll.u32 v60, $0x10  }
0x2fe: {  	v39 =	vadd.f32 v39, v42;
	v62 =	vmul.f32 v61, v59;
	v47 =	vmul.f32 $1.442695020e+00, v63  }
0x2ff: {  	v56 =	vand.u32 $0xFFFF0000, v56;
	v58 =	vand.u32 $0xFFFF0000, v58;
	v59 =	vshll.u32 v37, $0x10  }
0x300: {  	v39 =	vadd.f32 v45, v39;
	v42 =	vmul.f32 v59, v62;
	(erf) = vpow2.f32 v47  }
0x301: {  	v60 =	vand.u32 $0xFFFF0000, v60;
	v63 =	vand.u32 $0xFFFF0000, v46;
	v46 =	vmul.f32 v51, v43  }
0x302: {  	v45 =	vmul.f32 v52, v44;
	v44 =	vmul.f32 v54, v56;
	v39 =	vadd.f32 v42, v39  }
0x303: {  	v43 =	vmul.f32 v57, v58;
	v61 =	vand.u32 $0xFFFF0000, v30;
	v30 =	vmul.f32 v35, v27  }
0x304: {  	v37 =	vand.u32 $0xFFFF0000, v37;
	v35 =	vmul.f32 v61, v25;
	v62 =	vperm.xlane v39, v1  }
0x305: {  	s11 =	simm.s32 $0x1CE00;
	v53 =	vand.u32 $0xFFFF0000, v53;
	v47 =	vmul.f32 v40, v49;
	v40 =	vmul.f32 v60, v37  }
0x306: {  	[tilespmem:s11+$0x70] =	vst v48;
	v42 =	vmul.f32 v63, v53;
	v63 =	vand.u32 $0xFFFF0000, v31;
	v48 =	vadd.f32 v39, v62  }
0x307: {  	s10 =	simm.s32 $0x2;
	s21 =	simm.s32 $0x17000;
	v37 =	vmul.f32 v36, v41;
	v31 =	vand.u32 $0xFFFF0000, v32;
	v32 =	vmul.f32 v63, v24  }
.LBB2_9:
0x308: {  	v36 =	vld [tilespmem:s21+$0x60];
	v24 =	vperm.xlane v48, v2;
	v39 =	vmul.f32 v31, v7  }
0x309: {  	v25 =	vmul.f32 v33, v5;
	v26 =	vmul.f32 v33, v12;
	v5 =	vmov v38;
	v31 =	vld [tilespmem:s21+$0x50];
	v7 =	vpop (erf)  }
0x30a: {  	v12 =	vmovc v46;
	v38 =	vld [tilespmem:s21+$0x40];
	v27 =	vadd.f32 v48, v24;
	v7 =	vadd.f32 $1.000000000e+00, v7;
	v24 =	vmul.f32 v33, v9;
	v9 =	vmovc v47  }
0x30b: {  	v46 =	vmul.f32 v33, v10;
	v10 =	vmovc v44;
	v41 =	vld [tilespmem:s21+$0x30];
	[tilespmem:s11+$0xFFFFFF80] =	vst v25;
	v25 =	vmul.f32 v33, v11;
	v11 =	vmov v45  }
0x30c: {  	v44 =	vld [tilespmem:s21+$0x20];
	v45 =	vperm.xlane v27, v3;
	(erf) = vrcp.f32 v7;
	[tilespmem:s11+$0xFFFFFF90] =	vst v26  }
0x30d: {  	v49 =	vmul.f32 v33, v13;
	v48 =	vmul.f32 v33, v8;
	v8 =	vmovc v43;
	v47 =	vld [tilespmem:s21+$0x10];
	v7 =	vand.u32 $0xFFFF0000, v36;
	[tilespmem:s11+$0xFFFFFFA0] =	vst v24  }
0x30e: {  	s19 =	sadd.s32 $0x100, s19;
	v50 =	vmul.f32 v33, v15;
	v13 =	vmovc v42;
	v43 =	vld [tilespmem:s21+$0x0];
	v24 =	vand.u32 $0xFFFF0000, v31;
	v45 =	vadd.f32 v27, v45;
	[tilespmem:s11+$0xFFFFFFB0] =	vst v25  }
0x30f: {  	s10 =	sadd.s32 $0x2, s10;
	s20 =	sadd.s32 $0x100, s20;
	v51 =	vmul.f32 v21, v16;
	v15 =	vmovc v40;
	v42 =	vld [tilespmem:s19+$0x0];
	v25 =	vand.u32 $0xFFFF0000, v38;
	[tilespmem:s11+$0xFFFFFFC0] =	vst v46;
	v46 =	vmul.f32 v21, v14  }
0x310: {  	p1 =	slt.u32 s10, $0x2E;
	v14 =	vmovc v37;
	v40 =	vld [tilespmem:s20+$0x0];
	v26 =	vand.u32 $0xFFFF0000, v41;
	v33 =	vperm.xlane v45, v4;
	[tilespmem:s11+$0xFFFFFFD0] =	vst v48;
	v48 =	vmul.f32 v21, v17  }
0x311: {  	v52 =	vmul.f32 v21, v20;
	v16 =	vmovc v28;
	v37 =	vld [tilespmem:s19+$0x10];
	v27 =	vand.u32 $0xFFFF0000, v44;
	[tilespmem:s11+$0xFFFFFFE0] =	vst v49;
	v49 =	vmul.f32 v21, v18  }
0x312: {  	v17 =	vmovc v30;
	v28 =	vand.u32 $0xFFFF0000, v47;
	v53 =	vld [tilespmem:s20+$0x10];
	v33 =	vadd.f32 v45, v33;
	[tilespmem:s11+$0xFFFFFFF0] =	vst v50;
	v45 =	vmul.f32 v21, v19  }
0x313: {  	v20 =	vmovc v35;
	v18 =	vmovc v34;
	v30 =	vand.u32 $0xFFFF0000, v43;
	v50 =	vld [tilespmem:s19+$0x20];
	[tilespmem:s11+$0x0] =	vst v46;
	v46 =	vmul.f32 v21, v6;
	v6 =	vmov v39  }
0x314: {  	v23 =	vand.u32 $0xFFFF0000, v23;
	v19 =	vmovc v32;
	v21 =	vshll.u32 v42, $0x10;
	v34 =	vld [tilespmem:s20+$0x20];
	v35 =	vsub.f32 $0.0e+00, v33;
	[tilespmem:s11+$0x10] =	vst v51  }
0x315: {  	v39 =	vshll.u32 v43, $0x10;
	v40 =	vmul.f32 v21, v40;
	v43 =	vld [tilespmem:s19+$0x30];
	v21 =	vand.u32 $0xFFFF0000, v22;
	v22 =	vpop (erf);
	[tilespmem:s11+$0x20] =	vst v48  }
0x316: {  	v48 =	vshll.u32 v37, $0x10;
	v51 =	vld [tilespmem:s20+$0x30];
	v23 =	vmul.f32 v21, v23;
	v21 =	vmul.f32 v22, v29;
	[tilespmem:s11+$0x30] =	vst v49  }
0x317: {  	v32 =	vand.u32 $0xFFFF0000, v42;
	v22 =	vmul.f32 v39, v40;
	v29 =	vmul.f32 v48, v53;
	v40 =	vld [tilespmem:s19+$0x40];
	[tilespmem:s11+$0x40] =	vst v52  }
0x318: {  	v39 =	vshll.u32 v47, $0x10;
	v42 =	vshll.u32 v50, $0x10;
	v47 =	vld [tilespmem:s20+$0x40];
	v23 =	vmul.f32 v21, v23;
	[tilespmem:s11+$0x50] =	vst v45  }
0x319: {  	v22 =	vadd.f32 $0.0e+00, v22;
	v29 =	vmul.f32 v39, v29;
	v34 =	vmul.f32 v42, v34;
	v42 =	vld [tilespmem:s19+$0x50];
	[tilespmem:s11+$0x60] =	vst v46;
	s11 =	sadd.s32 $0x100, s11  }
0x31a: {  	v35 =	vmul.f32 $1.442695020e+00, v35;
	v39 =	vshll.u32 v44, $0x10;
	v44 =	vshll.u32 v43, $0x10;
	v45 =	vld [tilespmem:s20+$0x50];
	[tilespmem:s11+$0x70] =	vst v23  }
0x31b: {  	v22 =	vadd.f32 v29, v22;
	v23 =	vmul.f32 v39, v34;
	v29 =	vmul.f32 v44, v51;
	v44 =	vld [tilespmem:s19+$0x60]  }
0x31c: {  	v34 =	vshll.u32 v41, $0x10;
	v39 =	vshll.u32 v40, $0x10;
	v41 =	vld [tilespmem:s20+$0x60];
	(erf) = vpow2.f32 v35  }
0x31d: {  	v23 =	vadd.f32 v23, v22;
	v29 =	vmul.f32 v34, v29;
	v35 =	vmul.f32 v39, v47;
	v22 =	vld [tilespmem:s19+$0x70]  }
0x31e: {  	v34 =	vand.u32 $0xFFFF0000, v37;
	v37 =	vshll.u32 v38, $0x10;
	v38 =	vshll.u32 v42, $0x10;
	v46 =	vld [tilespmem:s20+$0x70]  }
0x31f: {  	v29 =	vadd.f32 v29, v23;
	v37 =	vmul.f32 v37, v35;
	v38 =	vmul.f32 v38, v45;
	v23 =	vld [tilespmem:s21+$0x70]  }
0x320: {  	v31 =	vshll.u32 v31, $0x10;
	v35 =	vand.u32 $0xFFFF0000, v50;
	v45 =	vld [tilespmem:s19+$0xFFFFFF80];
	v39 =	vshll.u32 v44, $0x10  }
0x321: {  	v47 =	vld [tilespmem:s20+$0xFFFFFF80];
	v29 =	vadd.f32 v37, v29;
	v31 =	vmul.f32 v31, v38;
	v37 =	vmul.f32 v39, v41  }
0x322: {  	v36 =	vshll.u32 v36, $0x10;
	v39 =	vand.u32 $0xFFFF0000, v43;
	v38 =	vld [tilespmem:s19+$0xFFFFFF90];
	v41 =	vshll.u32 v22, $0x10  }
0x323: {  	v43 =	vld [tilespmem:s21+$0xFFFFFF80];
	v29 =	vadd.f32 v31, v29;
	v31 =	vmul.f32 v36, v37;
	v49 =	vmul.f32 v41, v46  }
0x324: {  	v36 =	vand.u32 $0xFFFF0000, v40;
	v41 =	vand.u32 $0xFFFF0000, v42;
	v46 =	vld [tilespmem:s20+$0xFFFFFF90];
	v40 =	vshll.u32 v23, $0x10  }
0x325: {  	v42 =	vshll.u32 v45, $0x10;
	v48 =	vld [tilespmem:s21+$0xFFFFFF90];
	v29 =	vadd.f32 v31, v29;
	v31 =	vmul.f32 v40, v49;
	v37 =	vpop (erf)  }
0x326: {  	v40 =	vand.u32 $0xFFFF0000, v45;
	v42 =	vmul.f32 v42, v47;
	v45 =	vld [tilespmem:s19+$0xFFFFFFA0];
	v37 =	vadd.f32 $1.000000000e+00, v37  }
0x327: {  	v47 =	vshll.u32 v38, $0x10;
	v49 =	vand.u32 $0xFFFF0000, v38;
	v38 =	vld [tilespmem:s20+$0xFFFFFFA0];
	v29 =	vadd.f32 v31, v29  }
0x328: {  	v31 =	vshll.u32 v43, $0x10;
	v43 =	vand.u32 $0xFFFF0000, v43;
	v50 =	vld [tilespmem:s21+$0xFFFFFFA0];
	(erf) = vrcp.f32 v37  }
0x329: {  	v37 =	vmul.f32 v31, v42;
	v42 =	vld [tilespmem:s19+$0xFFFFFFB0];
	v31 =	vand.u32 $0xFFFF0000, v44;
	v44 =	vperm.xlane v29, v1  }
0x32a: {  	v46 =	vmul.f32 v47, v46;
	v51 =	vshll.u32 v48, $0x10;
	v48 =	vand.u32 $0xFFFF0000, v48;
	v47 =	vld [tilespmem:s20+$0xFFFFFFB0]  }
0x32b: {  	v37 =	vadd.f32 $0.0e+00, v37;
	v52 =	vshll.u32 v45, $0x10;
	v53 =	vld [tilespmem:s21+$0xFFFFFFB0];
	v29 =	vadd.f32 v29, v44  }
0x32c: {  	v44 =	vmul.f32 v51, v46;
	v45 =	vand.u32 $0xFFFF0000, v45;
	v38 =	vmul.f32 v52, v38;
	v46 =	vld [tilespmem:s19+$0xFFFFFFC0]  }
0x32d: {  	v51 =	vshll.u32 v50, $0x10;
	v50 =	vand.u32 $0xFFFF0000, v50;
	v52 =	vld [tilespmem:s20+$0xFFFFFFC0];
	v54 =	vperm.xlane v29, v2  }
0x32e: {  	v37 =	vadd.f32 v44, v37;
	v38 =	vmul.f32 v51, v38;
	v44 =	vshll.u32 v42, $0x10;
	v51 =	vld [tilespmem:s21+$0xFFFFFFC0]  }
0x32f: {  	v42 =	vand.u32 $0xFFFF0000, v42;
	v44 =	vmul.f32 v44, v47;
	v47 =	vld [tilespmem:s19+$0xFFFFFFD0];
	v29 =	vadd.f32 v29, v54  }
0x330: {  	v37 =	vadd.f32 v38, v37;
	v38 =	vshll.u32 v53, $0x10;
	v53 =	vand.u32 $0xFFFF0000, v53;
	v54 =	vld [tilespmem:s20+$0xFFFFFFD0]  }
0x331: {  	v38 =	vmul.f32 v38, v44;
	v44 =	vshll.u32 v46, $0x10;
	v55 =	vld [tilespmem:s21+$0xFFFFFFD0];
	v56 =	vperm.xlane v29, v3;
	v57 =	vpop (erf)  }
0x332: {  	v58 =	vand.u32 $0xFFFF0000, v46;
	v44 =	vmul.f32 v44, v52;
	v46 =	vld [tilespmem:s19+$0xFFFFFFE0];
	v33 =	vmul.f32 v57, v33  }
0x333: {  	v37 =	vadd.f32 v38, v37;
	v38 =	vshll.u32 v51, $0x10;
	v52 =	vld [tilespmem:s20+$0xFFFFFFE0];
	v29 =	vadd.f32 v29, v56  }
0x334: {  	v51 =	vand.u32 $0xFFFF0000, v51;
	v38 =	vmul.f32 v38, v44;
	v44 =	vshll.u32 v47, $0x10;
	v56 =	vld [tilespmem:s21+$0xFFFFFFE0]  }
0x335: {  	v57 =	vand.u32 $0xFFFF0000, v47;
	v44 =	vmul.f32 v44, v54;
	v47 =	vld [tilespmem:s19+$0xFFFFFFF0];
	v54 =	vperm.xlane v29, v4  }
0x336: {  	v37 =	vadd.f32 v38, v37;
	v38 =	vshll.u32 v55, $0x10;
	v55 =	vand.u32 $0xFFFF0000, v55;
	v59 =	vld [tilespmem:s20+$0xFFFFFFF0]  }
0x337: {  	v44 =	vmul.f32 v38, v44;
	v60 =	vshll.u32 v46, $0x10;
	v61 =	vld [tilespmem:s21+$0xFFFFFFF0];
	v29 =	vadd.f32 v29, v54  }
0x338: {  	v38 =	vmul.f32 v40, v43;
	v40 =	vand.u32 $0xFFFF0000, v46;
	v43 =	vmul.f32 v60, v52  }
0x339: {  	v37 =	vadd.f32 v44, v37;
	v44 =	vshll.u32 v56, $0x10;
	v46 =	vsub.f32 $0.0e+00, v29  }
0x33a: {  	v52 =	vand.u32 $0xFFFF0000, v56;
	v43 =	vmul.f32 v44, v43;
	v44 =	vshll.u32 v47, $0x10  }
0x33b: {  	v54 =	vand.u32 $0xFFFF0000, v47;
	v44 =	vmul.f32 v44, v59;
	v46 =	vmul.f32 $1.442695020e+00, v46  }
0x33c: {  	v37 =	vadd.f32 v43, v37;
	v43 =	vshll.u32 v61, $0x10;
	v56 =	vand.u32 $0xFFFF0000, v61  }
0x33d: {  	v43 =	vmul.f32 v43, v44;
	(erf) = vpow2.f32 v46  }
0x33e: {  	v47 =	vmul.f32 v45, v50;
	v46 =	vmul.f32 v49, v48  }
0x33f: {  	v45 =	vmul.f32 v42, v53;
	v44 =	vmul.f32 v58, v51;
	v48 =	vadd.f32 v43, v37  }
.Ltmp3:
0x340: {  	v42 =	vmul.f32 v40, v52;
	v43 =	vmul.f32 v57, v55;
	(pc) =	sbr.rel @p1 .LBB2_9-.Ltmp3, $4  }
0x341: {  	v40 =	vmul.f32 v54, v56;
	v49 =	vperm.xlane v48, v1  }
0x342: {  	v28 =	vmul.f32 v34, v28;
	v37 =	vmul.f32 v32, v30  }
0x343: {  	v34 =	vmul.f32 v39, v26;
	v30 =	vmul.f32 v35, v27;
	v48 =	vadd.f32 v48, v49  }
0x344: {  	s21 =	sadd.s32 $0x100, s21;
	v35 =	vmul.f32 v36, v25;
	v32 =	vmul.f32 v41, v24  }
0x345: {  	v24 =	vperm.xlane v48, v2;
	_ =	sdelay $0x1  }
0x346: {  	v24 =	vadd.f32 v48, v24;
	_ =	sdelay $0x1  }
0x347: {  	v25 =	vperm.xlane v24, v3;
	_ =	sdelay $0x1  }
0x348: {  	v24 =	vadd.f32 v24, v25;
	_ =	sdelay $0x1  }
0x349: {  	v25 =	vperm.xlane v24, v4;
	_ =	sdelay $0x1  }
0x34a: {  	v24 =	vadd.f32 v24, v25;
	_ =	sdelay $0x1  }
0x34b: {  	v41 =	vpop (erf);
	v26 =	vsub.f32 $0.0e+00, v24  }
0x34c: {  	v25 =	vadd.f32 $1.000000000e+00, v41  }
0x34d: {  	v26 =	vmul.f32 $1.442695020e+00, v26  }
0x34e: {  	(erf) = vrcp.f32 v25  }
0x34f: {  	(erf) = vpow2.f32 v26;
	_ =	sdelay $0x7  }
0x350: {  	v5 =	vmul.f32 v33, v5;
	v25 =	vpop (erf)  }
0x351: {  	v12 =	vmul.f32 v33, v12;
	v26 =	vpop (erf)  }
0x352: {  	v9 =	vmul.f32 v33, v9;
	[tilespmem:s11+$0xFFFFFF80] =	vst v5;
	v5 =	vadd.f32 $1.000000000e+00, v26  }
0x353: {  	v11 =	vmul.f32 v33, v11;
	[tilespmem:s11+$0xFFFFFF90] =	vst v12  }
0x354: {  	v10 =	vmul.f32 v33, v10;
	[tilespmem:s11+$0xFFFFFFA0] =	vst v9;
	(erf) = vrcp.f32 v5  }
0x355: {  	[tilespmem:s11+$0xFFFFFFB0] =	vst v11;
	v5 =	vmul.f32 v33, v8  }
0x356: {  	[tilespmem:s11+$0xFFFFFFC0] =	vst v10;
	v9 =	vmul.f32 v33, v15  }
0x357: {  	[tilespmem:s11+$0xFFFFFFD0] =	vst v5;
	v5 =	vmul.f32 v21, v14  }
0x358: {  	v6 =	vmul.f32 v21, v6;
	[tilespmem:s11+$0xFFFFFFF0] =	vst v9  }
0x359: {  	v9 =	vmul.f32 v21, v17;
	[tilespmem:s11+$0x0] =	vst v5;
	v5 =	vmul.f32 v21, v18  }
0x35a: {  	[tilespmem:s11+$0x60] =	vst v6;
	v8 =	vmul.f32 v33, v13  }
0x35b: {  	v10 =	vmul.f32 v21, v20;
	v11 =	vand.u32 $0xFFFF0000, v23;
	v12 =	vand.u32 $0xFFFF0000, v22;
	[tilespmem:s11+$0x20] =	vst v9  }
0x35c: {  	v9 =	vmul.f32 v12, v11;
	v11 =	vmul.f32 v25, v29;
	[tilespmem:s11+$0xFFFFFFE0] =	vst v8  }
0x35d: {  	v8 =	vmul.f32 v21, v16;
	[tilespmem:s11+$0x30] =	vst v5;
	v5 =	vpop (erf)  }
0x35e: {  	[tilespmem:s11+$0x40] =	vst v10;
	v9 =	vmul.f32 v11, v9;
	v5 =	vmul.f32 v5, v24  }
0x35f: {  	s10 =	sadd.s32 $0x100, s11;
	[tilespmem:s11+$0x10] =	vst v8;
	v8 =	vmul.f32 v21, v19  }
0x360: {  	[tilespmem:s10+$0x70] =	vst v9;
	v6 =	vmul.f32 v5, v38  }
0x361: {  	[tilespmem:s11+$0x50] =	vst v8;
	v8 =	vmul.f32 v5, v46  }
0x362: {  	v9 =	vmul.f32 v5, v47;
	[tilespmem:s10+$0xFFFFFF80] =	vst v6  }
0x363: {  	v6 =	vmul.f32 v5, v45;
	[tilespmem:s10+$0xFFFFFF90] =	vst v8  }
0x364: {  	v8 =	vmul.f32 v5, v44;
	[tilespmem:s10+$0xFFFFFFA0] =	vst v9  }
0x365: {  	v9 =	vmul.f32 v5, v43;
	[tilespmem:s10+$0xFFFFFFB0] =	vst v6  }
0x366: {  	v6 =	vmul.f32 v5, v42;
	[tilespmem:s10+$0xFFFFFFC0] =	vst v8  }
0x367: {  	v5 =	vmul.f32 v5, v40;
	[tilespmem:s10+$0xFFFFFFD0] =	vst v9  }
0x368: {  	v8 =	vmul.f32 v11, v37;
	[tilespmem:s10+$0xFFFFFFE0] =	vst v6  }
0x369: {  	v6 =	vmul.f32 v11, v28;
	[tilespmem:s10+$0xFFFFFFF0] =	vst v5  }
0x36a: {  	v5 =	vmul.f32 v11, v30;
	[tilespmem:s10+$0x0] =	vst v8  }
0x36b: {  	v8 =	vmul.f32 v11, v34;
	[tilespmem:s10+$0x10] =	vst v6  }
0x36c: {  	v6 =	vmul.f32 v31, v7;
	v7 =	vmul.f32 v11, v35;
	[tilespmem:s10+$0x20] =	vst v5  }
0x36d: {  	v5 =	vmul.f32 v11, v32;
	[tilespmem:s10+$0x30] =	vst v8  }
0x36e: {  	v6 =	vmul.f32 v11, v6;
	[tilespmem:s10+$0x40] =	vst v7  }
0x36f: {  	[tilespmem:s10+$0x50] =	vst v5  }
0x370: {  	[tilespmem:s10+$0x60] =	vst v6  }
0x371: {  	[spmem:s3] =	stream.indirect.scatter.add.f32 [tilespmem:s13], [sflag:$0x3], $0x80, s30, s18, $0xb8;
	[tilespmem:$0x1FD80] =	vst v63  }
0x372: {  	p1 =	seq.s32 s8, $0x33;
	s10 =	rddreg [dreg:$0x1d]  }
0x373: {  	s10 =	sadd.s32 @!p1 s15, s10  }
0x374: {  	s11 =	sadd.s32 @!p1 $0x60, s10  }
0x375: {  	s19 =	sshrl.u32 @!p1 s11, $0x3  }
0x376: {  	s20 =	simm.s32 @!p1 $0x0;
	s21 =	simm.s32 @!p1 $0x13880;
	s19 =	sadd.s32 @!p1 s5, s19  }
0x377: {  	[tilespmem:s21], [sflag:$0x5] =	stream.linear.gather @!p1 [hbm4b:s19+s20], $0x30, $0x38;
	[tilespmem:$0x1FD80] =	vst v63  }
0x378: {  	s19 =	simm.s32 @!p1 $0x5  }
0x379: {  	s10 =	sshrl.u32 @!p1 s10, $0x3;
	_ =	swait.ge @!p1 [sflag:s19], $0x30  }
0x37a: {  	s10 =	sadd.s32 @!p1 s5, s10;
	[sflag:s19] =	ssyncset.done @!p1 $0x0  }
0x37b: {  	s22 =	simm.s32 @!p1 $0x13900;
	s10 =	sadd.s32 @!p1 $0x9C4C, s10;
	[sflag:s19] =	ssyncadd.s32 @!p1 $0xFFFFFFD0  }
0x37c: {  	[tilespmem:s22], [sflag:$0x5] =	stream.linear.gather @!p1 [hbm4b:s10+s20], $0x30, $0x38;
	[tilespmem:$0x1FD80] =	vst v63  }
0x37d: {  	_ =	swait.ge @!p1 [sflag:s19], $0x30  }
0x37e: {  	[sflag:s19] =	ssyncset.done @!p1 $0x0  }
0x37f: {  	s10 =	simm.s32 @!p1 $0x30;
	[sflag:s19] =	ssyncadd.s32 @!p1 $0xFFFFFFD0;
	s19 =	simm.s32 @!p1 $0x13D80  }
0x380: {  	[tilespmem:s19], [sflag:$0x1] =	stream.indirect.gather @!p1 [hbm4b:s1+s10], $0x80, s22, s10, $0xb8;
	[tilespmem:$0x1FD80] =	vst v63  }
0x381: {  	s19 =	simm.s32 @!p1 $0x15580  }
0x382: {  	[tilespmem:s19], [sflag:$0x1] =	stream.indirect.gather @!p1 [hbm4b:s6+s10], $0x80, s21, s10, $0xb8;
	[tilespmem:$0x1FD80] =	vst v63  }
0x383: {  	s10 =	sshll.u32 @!p1 s11, $0x4  }
0x384: {  	s11 =	simm.s32 @!p1 $0x16D80;
	s10 =	sadd.s32 @!p1 s7, s10  }
0x385: {  	[tilespmem:s11], [sflag:$0x1] =	stream.linear.gather @!p1 [hbm4b:s10+s20], $0x1800, $0x38;
	[tilespmem:$0x1FD80] =	vst v63  }
0x386: {  	_ =	swait.ge [sflag:s31], $0x1800  }
0x387: {  	[sflag:s31] =	ssyncset.done $0x0  }
0x388: {  	[sflag:s31] =	ssyncadd.s32 $0xFFFFE800  }
0x389: {  	_ =	swait.ge [sflag:s31], $0x1800  }
0x38a: {  	[sflag:s31] =	ssyncset.done $0x0  }
0x38b: {  	[sflag:s31] =	ssyncadd.s32 $0xFFFFE800  }
0x38c: {  	_ =	swait.ge [sflag:s31], $0x1800  }
0x38d: {  	[sflag:s31] =	ssyncset.done $0x0  }
0x38e: {  	[sflag:s31] =	ssyncadd.s32 $0xFFFFE800  }
0x38f: {  	_ =	swait.ge [sflag:s0], $0x1800  }
0x390: {  	[sflag:s0] =	ssyncset.done $0x0  }
0x391: {  	s22 =	simm.s32 $0x1B600;
	[sflag:s0] =	ssyncadd.s32 $0xFFFFE800  }
0x392: {  	v9 =	vld [tilespmem:s22+$0x60]  }
0x393: {  	v10 =	vld [tilespmem:s22+$0x50]  }
0x394: {  	v11 =	vld [tilespmem:s22+$0x40]  }
0x395: {  	v12 =	vld [tilespmem:s22+$0x30]  }
0x396: {  	v13 =	vld [tilespmem:s22+$0x20]  }
0x397: {  	v14 =	vld [tilespmem:s22+$0x10]  }
0x398: {  	s20 =	simm.s32 $0x19E00;
	v15 =	vld [tilespmem:s22+$0x0]  }
0x399: {  	s21 =	simm.s32 $0x18600;
	v16 =	vld [tilespmem:s20+$0x0]  }
0x39a: {  	v6 =	vld [tilespmem:s21+$0x0]  }
0x39b: {  	v17 =	vld [tilespmem:s20+$0x10]  }
0x39c: {  	v7 =	vld [tilespmem:s21+$0x10]  }
0x39d: {  	v18 =	vld [tilespmem:s20+$0x20]  }
0x39e: {  	v19 =	vld [tilespmem:s21+$0x20]  }
0x39f: {  	v5 =	vld [tilespmem:s20+$0x30]  }
0x3a0: {  	v20 =	vld [tilespmem:s21+$0x30]  }
0x3a1: {  	v8 =	vld [tilespmem:s20+$0x40];
	v21 =	vshll.u32 v16, $0x10  }
0x3a2: {  	v23 =	vld [tilespmem:s21+$0x40];
	v21 =	vmul.f32 v21, v6  }
0x3a3: {  	v48 =	vld [tilespmem:s21+$0x50];
	v22 =	vshll.u32 v15, $0x10;
	v47 =	vshll.u32 v17, $0x10  }
0x3a4: {  	v51 =	vld [tilespmem:s21+$0x60];
	v21 =	vmul.f32 v22, v21;
	v22 =	vmul.f32 v47, v7  }
0x3a5: {  	v53 =	vld [tilespmem:s21+$0x70];
	v49 =	vshll.u32 v14, $0x10;
	v50 =	vshll.u32 v18, $0x10  }
0x3a6: {  	v6 =	vld [tilespmem:s20+$0x50];
	v19 =	vmul.f32 v50, v19;
	v27 =	vadd.f32 $0.0e+00, v21;
	v22 =	vmul.f32 v49, v22  }
0x3a7: {  	v30 =	vld [tilespmem:s21+$0xFFFFFF80];
	v52 =	vshll.u32 v13, $0x10;
	v28 =	vshll.u32 v5, $0x10  }
0x3a8: {  	v20 =	vmul.f32 v28, v20;
	v7 =	vld [tilespmem:s20+$0x60];
	v19 =	vmul.f32 v52, v19;
	v27 =	vadd.f32 v22, v27  }
0x3a9: {  	v24 =	vld [tilespmem:s20+$0xFFFFFF90];
	v29 =	vshll.u32 v8, $0x10;
	v28 =	vshll.u32 v12, $0x10  }
0x3aa: {  	v23 =	vmul.f32 v29, v23;
	v20 =	vmul.f32 v28, v20;
	v21 =	vld [tilespmem:s20+$0x70];
	v19 =	vadd.f32 v19, v27  }
0x3ab: {  	v31 =	vld [tilespmem:s22+$0xFFFFFF80];
	v28 =	vshll.u32 v11, $0x10;
	v29 =	vshll.u32 v6, $0x10  }
0x3ac: {  	v22 =	vld [tilespmem:s22+$0x70];
	v19 =	vadd.f32 v20, v19;
	v20 =	vmul.f32 v28, v23;
	v23 =	vmul.f32 v29, v48  }
0x3ad: {  	v54 =	vld [tilespmem:s21+$0xFFFFFF90];
	v28 =	vshll.u32 v10, $0x10;
	v29 =	vshll.u32 v7, $0x10  }
0x3ae: {  	v32 =	vld [tilespmem:s22+$0xFFFFFF90];
	v19 =	vadd.f32 v20, v19;
	v20 =	vmul.f32 v28, v23;
	v23 =	vmul.f32 v29, v51  }
0x3af: {  	v26 =	vld [tilespmem:s20+$0xFFFFFFA0];
	v28 =	vshll.u32 v9, $0x10;
	v29 =	vshll.u32 v21, $0x10  }
0x3b0: {  	v37 =	vld [tilespmem:s20+$0xFFFFFFC0];
	v19 =	vadd.f32 v20, v19;
	v20 =	vmul.f32 v28, v23;
	v23 =	vmul.f32 v29, v53  }
0x3b1: {  	v27 =	vld [tilespmem:s20+$0xFFFFFF80];
	v28 =	vshll.u32 v22, $0x10  }
0x3b2: {  	v38 =	vld [tilespmem:s20+$0xFFFFFFD0];
	v19 =	vadd.f32 v20, v19;
	v20 =	vmul.f32 v28, v23  }
0x3b3: {  	v41 =	vld [tilespmem:s21+$0xFFFFFFD0]  }
0x3b4: {  	v40 =	vld [tilespmem:s20+$0xFFFFFFE0];
	v34 =	vand.u32 $0xFFFF0000, v10;
	v35 =	vand.u32 $0xFFFF0000, v11;
	v10 =	vadd.f32 v20, v19  }
0x3b5: {  	v36 =	vand.u32 $0xFFFF0000, v14;
	v14 =	vand.u32 $0xFFFF0000, v15;
	v16 =	vand.u32 $0xFFFF0000, v16;
	v29 =	vld [tilespmem:s21+$0xFFFFFFA0]  }
0x3b6: {  	v28 =	vld [tilespmem:s22+$0xFFFFFFA0];
	v20 =	vand.u32 $0xFFFF0000, v13;
	v13 =	vshll.u32 v27, $0x10;
	v15 =	vperm.xlane v10, v1  }
0x3b7: {  	v17 =	vand.u32 $0xFFFF0000, v17;
	v23 =	vand.u32 $0xFFFF0000, v9;
	v9 =	vld [tilespmem:s20+$0xFFFFFFB0];
	v13 =	vmul.f32 v13, v30  }
0x3b8: {  	v55 =	vshll.u32 v24, $0x10;
	v56 =	vshll.u32 v31, $0x10;
	v11 =	vld [tilespmem:s21+$0xFFFFFFB0];
	v10 =	vadd.f32 v10, v15  }
0x3b9: {  	v25 =	vmul.f32 v55, v54;
	v19 =	vand.u32 $0xFFFF0000, v12;
	v12 =	vld [tilespmem:s22+$0xFFFFFFB0];
	v13 =	vmul.f32 v56, v13  }
0x3ba: {  	v57 =	vshll.u32 v32, $0x10;
	v39 =	vshll.u32 v26, $0x10;
	v30 =	vld [tilespmem:s21+$0xFFFFFFC0];
	v58 =	vperm.xlane v10, v2  }
0x3bb: {  	v25 =	vmul.f32 v57, v25;
	v29 =	vmul.f32 v39, v29;
	v15 =	vld [tilespmem:s22+$0xFFFFFFC0];
	v13 =	vadd.f32 $0.0e+00, v13  }
0x3bc: {  	v44 =	vld [tilespmem:s22+$0xFFFFFFE0];
	v59 =	vshll.u32 v28, $0x10;
	v60 =	vshll.u32 v9, $0x10;
	v10 =	vadd.f32 v10, v58  }
0x3bd: {  	v39 =	vld [tilespmem:s22+$0xFFFFFFD0];
	v61 =	vmul.f32 v59, v29;
	v11 =	vmul.f32 v60, v11;
	v13 =	vadd.f32 v25, v13  }
0x3be: {  	v63 =	vshll.u32 v37, $0x10;
	v29 =	vld [tilespmem:s21+$0xFFFFFFE0];
	v62 =	vshll.u32 v12, $0x10;
	v48 =	vperm.xlane v10, v3  }
0x3bf: {  	v11 =	vmul.f32 v62, v11;
	v49 =	vmul.f32 v63, v30;
	v30 =	vld [tilespmem:s20+$0xFFFFFFF0];
	v13 =	vadd.f32 v61, v13  }
0x3c0: {  	v52 =	vld [tilespmem:s21+$0xFFFFFFF0];
	v51 =	vshll.u32 v38, $0x10;
	v50 =	vshll.u32 v15, $0x10;
	v10 =	vadd.f32 v10, v48  }
0x3c1: {  	v54 =	vld [tilespmem:s22+$0xFFFFFFF0];
	v53 =	vmul.f32 v51, v41;
	v11 =	vadd.f32 v11, v13;
	v13 =	vmul.f32 v50, v49  }
0x3c2: {  	v57 =	vshll.u32 v40, $0x10;
	v56 =	vshll.u32 v39, $0x10;
	v55 =	vperm.xlane v10, v4  }
0x3c3: {  	v58 =	vmul.f32 v57, v29;
	v11 =	vadd.f32 v13, v11;
	v13 =	vmul.f32 v56, v53  }
0x3c4: {  	v29 =	vshll.u32 v30, $0x10;
	v33 =	vadd.f32 v10, v55;
	v10 =	vshll.u32 v44, $0x10  }
0x3c5: {  	v11 =	vadd.f32 v13, v11;
	v13 =	vmul.f32 v29, v52;
	v10 =	vmul.f32 v10, v58  }
0x3c6: {  	v18 =	vand.u32 $0xFFFF0000, v18;
	v14 =	vmul.f32 v16, v14;
	v29 =	vshll.u32 v54, $0x10  }
0x3c7: {  	v60 =	vand.u32 $0xFFFF0000, v8;
	v8 =	vadd.f32 v10, v11;
	v10 =	vmul.f32 v29, v13  }
0x3c8: {  	v16 =	vmul.f32 v17, v36;
	v6 =	vand.u32 $0xFFFF0000, v6;
	v7 =	vand.u32 $0xFFFF0000, v7  }
0x3c9: {  	v17 =	vmul.f32 v18, v20;
	v59 =	vand.u32 $0xFFFF0000, v5;
	v8 =	vadd.f32 v10, v8  }
0x3ca: {  	v9 =	vand.u32 $0xFFFF0000, v9;
	v18 =	vmul.f32 v59, v19;
	v20 =	vmul.f32 v60, v35  }
0x3cb: {  	s19 =	simm.s32 $0x19F00;
	v62 =	vand.u32 $0xFFFF0000, v28;
	v28 =	vand.u32 $0xFFFF0000, v12;
	v12 =	vperm.xlane v8, v1  }
0x3cc: {  	v42 =	vld [tilespmem:s19+$0x30];
	v19 =	vmul.f32 v6, v34;
	v6 =	vmul.f32 v7, v23;
	v5 =	vsub.f32 $0.0e+00, v33  }
0x3cd: {  	v36 =	vld [tilespmem:s19+$0x0];
	s22 =	simm.s32 $0x1B700;
	v63 =	vand.u32 $0xFFFF0000, v39;
	v61 =	vand.u32 $0xFFFF0000, v31;
	v48 =	vadd.f32 v8, v12  }
0x3ce: {  	v43 =	vld [tilespmem:s22+$0x40];
	v15 =	vand.u32 $0xFFFF0000, v15;
	v11 =	vand.u32 $0xFFFF0000, v27;
	v5 =	vmul.f32 $1.442695020e+00, v5  }
0x3cf: {  	v34 =	vld [tilespmem:s19+$0x10];
	v13 =	vand.u32 $0xFFFF0000, v24;
	v27 =	vand.u32 $0xFFFF0000, v32;
	v51 =	vperm.xlane v48, v2  }
0x3d0: {  	v35 =	vld [tilespmem:s19+$0x20];
	v29 =	vand.u32 $0xFFFF0000, v37;
	v10 =	vand.u32 $0xFFFF0000, v26;
	(erf) = vpow2.f32 v5  }
0x3d1: {  	v39 =	vld [tilespmem:s22+$0x0];
	s20 =	simm.s32 $0x18700;
	v12 =	vmul.f32 v13, v27;
	v27 =	vand.u32 $0xFFFF0000, v30;
	v24 =	vadd.f32 v48, v51  }
0x3d2: {  	v23 =	vld [tilespmem:s20+$0x10];
	v8 =	vmul.f32 v10, v62;
	v30 =	vand.u32 $0xFFFF0000, v54;
	v10 =	vmul.f32 v29, v15  }
0x3d3: {  	v50 =	vand.u32 $0xFFFF0000, v44;
	v44 =	vld [tilespmem:s22+$0x30];
	v15 =	vmul.f32 v27, v30;
	v27 =	vperm.xlane v24, v3  }
0x3d4: {  	v21 =	vand.u32 $0xFFFF0000, v21;
	v5 =	vmul.f32 v11, v61;
	v11 =	vmul.f32 v9, v28;
	v28 =	vld [tilespmem:s20+$0x0]  }
0x3d5: {  	v31 =	vand.u32 $0xFFFF0000, v38;
	v25 =	vand.u32 $0xFFFF0000, v43;
	v52 =	vld [tilespmem:s22+$0x20];
	v29 =	vadd.f32 v24, v27  }
0x3d6: {  	v49 =	vand.u32 $0xFFFF0000, v40;
	v57 =	vshll.u32 v39, $0x10;
	v9 =	vmul.f32 v31, v63;
	v31 =	vld [tilespmem:s22+$0x10]  }
0x3d7: {  	v59 =	vld [tilespmem:s20+$0x30];
	v55 =	vshll.u32 v36, $0x10;
	v58 =	vshll.u32 v34, $0x10;
	v30 =	vperm.xlane v29, v4  }
0x3d8: {  	v56 =	vld [tilespmem:s20+$0x20];
	v23 =	vmul.f32 v58, v23;
	v58 =	vshll.u32 v43, $0x10;
	v26 =	vand.u32 $0xFFFF0000, v44  }
0x3d9: {  	v38 =	vld [tilespmem:s22+$0x50];
	v61 =	vand.u32 $0xFFFF0000, v22;
	v29 =	vadd.f32 v29, v30;
	v30 =	vmul.f32 v55, v28  }
0x3da: {  	v37 =	vld [tilespmem:s22+$0x60];
	v44 =	vshll.u32 v44, $0x10;
	v63 =	vshll.u32 v52, $0x10;
	v61 =	vmul.f32 v21, v61  }
0x3db: {  	v13 =	vmul.f32 v49, v50;
	v22 =	vshll.u32 v31, $0x10;
	v53 =	vpop (erf);
	v32 =	vmul.f32 v57, v30;
	v30 =	vld [tilespmem:s19+$0x40]  }
0x3dc: {  	v62 =	vld [tilespmem:s20+$0x40];
	v54 =	vadd.f32 $1.000000000e+00, v53;
	v28 =	vand.u32 $0xFFFF0000, v31;
	v31 =	vshll.u32 v35, $0x10  }
0x3dd: {  	v22 =	vmul.f32 v22, v23;
	v23 =	vmul.f32 v31, v56;
	v31 =	vld [tilespmem:s19+$0x50];
	v32 =	vadd.f32 $0.0e+00, v32  }
0x3de: {  	v49 =	vld [tilespmem:s20+$0x50];
	v27 =	vand.u32 $0xFFFF0000, v52;
	v52 =	vshll.u32 v42, $0x10;
	(erf) = vrcp.f32 v54  }
0x3df: {  	v53 =	vmul.f32 v52, v59;
	v23 =	vmul.f32 v63, v23;
	v22 =	vadd.f32 v22, v32;
	v32 =	vld [tilespmem:s19+$0x60]  }
0x3e0: {  	v21 =	vshll.u32 v38, $0x10;
	v56 =	vld [tilespmem:s20+$0x60];
	v60 =	vsub.f32 $0.0e+00, v29;
	v55 =	vshll.u32 v30, $0x10  }
0x3e1: {  	v40 =	vmul.f32 v44, v53;
	v23 =	vadd.f32 v23, v22;
	v57 =	vmul.f32 v55, v62;
	v22 =	vld [tilespmem:s19+$0x70]  }
0x3e2: {  	v50 =	vand.u32 $0xFFFF0000, v42;
	v54 =	vmul.f32 $1.442695020e+00, v60;
	v60 =	vld [tilespmem:s20+$0x70];
	v59 =	vshll.u32 v31, $0x10  }
0x3e3: {  	v43 =	vmul.f32 v59, v49;
	v40 =	vadd.f32 v40, v23;
	v41 =	vmul.f32 v58, v57;
	v23 =	vld [tilespmem:s22+$0x70]  }
0x3e4: {  	v47 =	vld [tilespmem:s22+$0xFFFFFF80];
	v24 =	vand.u32 $0xFFFF0000, v38;
	(erf) = vpow2.f32 v54;
	v63 =	vshll.u32 v32, $0x10  }
0x3e5: {  	v42 =	vld [tilespmem:s20+$0xFFFFFFC0];
	v54 =	vmul.f32 v21, v43;
	v40 =	vadd.f32 v41, v40;
	v38 =	vmul.f32 v63, v56  }
0x3e6: {  	v7 =	vand.u32 $0xFFFF0000, v37;
	v37 =	vshll.u32 v37, $0x10;
	v62 =	vld [tilespmem:s19+$0xFFFFFF80];
	v56 =	vshll.u32 v22, $0x10  }
0x3e7: {  	v55 =	vld [tilespmem:s19+$0xFFFFFF90];
	v40 =	vadd.f32 v54, v40;
	v37 =	vmul.f32 v37, v38;
	v57 =	vmul.f32 v56, v60  }
0x3e8: {  	v39 =	vand.u32 $0xFFFF0000, v39;
	v34 =	vand.u32 $0xFFFF0000, v34;
	v53 =	vld [tilespmem:s20+$0xFFFFFF80];
	v52 =	vpop (erf);
	v58 =	vshll.u32 v23, $0x10  }
0x3e9: {  	v44 =	vld [tilespmem:s22+$0xFFFFFF90];
	v21 =	vmul.f32 v52, v33;
	v37 =	vadd.f32 v37, v40;
	v38 =	vmul.f32 v58, v57  }
0x3ea: {  	v36 =	vand.u32 $0xFFFF0000, v36;
	v35 =	vand.u32 $0xFFFF0000, v35;
	v28 =	vmul.f32 v34, v28;
	v52 =	vld [tilespmem:s19+$0xFFFFFFB0]  }
0x3eb: {  	v34 =	vmul.f32 v50, v26;
	v48 =	vmul.f32 v21, v61;
	v41 =	vld [tilespmem:s20+$0xFFFFFF90];
	v37 =	vadd.f32 v38, v37  }
0x3ec: {  	v59 =	vshll.u32 v62, $0x10;
	v45 =	vand.u32 $0xFFFF0000, v62;
	v51 =	vand.u32 $0xFFFF0000, v55;
	v40 =	vld [tilespmem:s19+$0xFFFFFFA0]  }
0x3ed: {  	v61 =	vld [tilespmem:s20+$0xFFFFFFA0];
	v62 =	vshll.u32 v47, $0x10;
	v63 =	vmul.f32 v59, v53;
	v60 =	vpop (erf);
	v53 =	vperm.xlane v37, v1  }
0x3ee: {  	v47 =	vand.u32 $0xFFFF0000, v47;
	v59 =	vshll.u32 v44, $0x10;
	v56 =	vadd.f32 $1.000000000e+00, v60;
	v58 =	vld [tilespmem:s22+$0xFFFFFFA0]  }
0x3ef: {  	v43 =	vld [tilespmem:s22+$0xFFFFFFB0];
	v57 =	vshll.u32 v55, $0x10;
	v33 =	vmul.f32 v62, v63;
	v37 =	vadd.f32 v37, v53  }
0x3f0: {  	v44 =	vand.u32 $0xFFFF0000, v44;
	v54 =	vld [tilespmem:s19+$0xFFFFFFC0];
	v41 =	vmul.f32 v57, v41;
	(erf) = vrcp.f32 v56  }
0x3f1: {  	v63 =	vld [tilespmem:s20+$0xFFFFFFB0];
	v62 =	vshll.u32 v52, $0x10;
	v60 =	vshll.u32 v40, $0x10;
	v55 =	vperm.xlane v37, v2  }
0x3f2: {  	v33 =	vadd.f32 $0.0e+00, v33;
	v56 =	vld [tilespmem:s22+$0xFFFFFFC0];
	v41 =	vmul.f32 v59, v41;
	v46 =	vmul.f32 v60, v61  }
0x3f3: {  	v52 =	vand.u32 $0xFFFF0000, v52;
	v57 =	vld [tilespmem:s19+$0xFFFFFFD0];
	v61 =	vshll.u32 v58, $0x10;
	v37 =	vadd.f32 v37, v55  }
0x3f4: {  	v40 =	vand.u32 $0xFFFF0000, v40;
	v33 =	vadd.f32 v41, v33;
	v41 =	vld [tilespmem:s20+$0xFFFFFFD0];
	v46 =	vmul.f32 v61, v46  }
0x3f5: {  	v49 =	vand.u32 $0xFFFF0000, v58;
	v60 =	vshll.u32 v54, $0x10;
	v58 =	vld [tilespmem:s22+$0xFFFFFFD0];
	v59 =	vperm.xlane v37, v3  }
0x3f6: {  	v38 =	vmul.f32 v62, v63;
	v42 =	vmul.f32 v60, v42;
	v33 =	vadd.f32 v46, v33;
	v46 =	vld [tilespmem:s19+$0xFFFFFFE0]  }
0x3f7: {  	v63 =	vshll.u32 v43, $0x10;
	v61 =	vshll.u32 v56, $0x10;
	v55 =	vld [tilespmem:s20+$0xFFFFFFE0];
	v37 =	vadd.f32 v37, v59  }
0x3f8: {  	v62 =	vshll.u32 v57, $0x10;
	v53 =	vld [tilespmem:s22+$0xFFFFFFE0];
	v38 =	vmul.f32 v63, v38;
	v42 =	vmul.f32 v61, v42  }
0x3f9: {  	v43 =	vand.u32 $0xFFFF0000, v43;
	v60 =	vld [tilespmem:s19+$0xFFFFFFF0];
	v41 =	vmul.f32 v62, v41;
	v59 =	vpop (erf);
	v61 =	vperm.xlane v37, v4  }
0x3fa: {  	v38 =	vadd.f32 v38, v33;
	v33 =	vmul.f32 v59, v29;
	v29 =	vshll.u32 v58, $0x10;
	v59 =	vld [tilespmem:s20+$0xFFFFFFF0]  }
0x3fb: {  	v63 =	vshll.u32 v46, $0x10;
	v41 =	vmul.f32 v29, v41;
	v29 =	vadd.f32 v37, v61;
	v37 =	vld [tilespmem:s22+$0xFFFFFFF0]  }
0x3fc: {  	v54 =	vand.u32 $0xFFFF0000, v54;
	v57 =	vand.u32 $0xFFFF0000, v57;
	v55 =	vmul.f32 v63, v55  }
0x3fd: {  	v62 =	vshll.u32 v53, $0x10;
	v42 =	vadd.f32 v42, v38;
	v63 =	vsub.f32 $0.0e+00, v29  }
0x3fe: {  	v38 =	vmul.f32 v45, v47;
	v45 =	vmul.f32 v62, v55;
	v61 =	vshll.u32 v60, $0x10  }
0x3ff: {  	v41 =	vadd.f32 v41, v42;
	v62 =	vmul.f32 v61, v59;
	v47 =	vmul.f32 $1.442695020e+00, v63  }
0x400: {  	v56 =	vand.u32 $0xFFFF0000, v56;
	v58 =	vand.u32 $0xFFFF0000, v58;
	v59 =	vshll.u32 v37, $0x10  }
0x401: {  	v41 =	vadd.f32 v45, v41;
	v42 =	vmul.f32 v59, v62;
	(erf) = vpow2.f32 v47  }
0x402: {  	v60 =	vand.u32 $0xFFFF0000, v60;
	v63 =	vand.u32 $0xFFFF0000, v46;
	v46 =	vmul.f32 v51, v44  }
0x403: {  	v45 =	vmul.f32 v52, v43;
	v44 =	vmul.f32 v54, v56;
	v41 =	vadd.f32 v42, v41  }
0x404: {  	v43 =	vmul.f32 v57, v58;
	v61 =	vand.u32 $0xFFFF0000, v30;
	v30 =	vmul.f32 v35, v27  }
0x405: {  	v37 =	vand.u32 $0xFFFF0000, v37;
	v35 =	vmul.f32 v61, v25;
	v62 =	vperm.xlane v41, v1  }
0x406: {  	s11 =	simm.s32 $0x1E600;
	v53 =	vand.u32 $0xFFFF0000, v53;
	v47 =	vmul.f32 v40, v49;
	v40 =	vmul.f32 v60, v37  }
0x407: {  	[tilespmem:s11+$0x70] =	vst v48;
	v42 =	vmul.f32 v63, v53;
	v63 =	vand.u32 $0xFFFF0000, v31;
	v48 =	vadd.f32 v41, v62  }
0x408: {  	s10 =	simm.s32 $0x2;
	s21 =	simm.s32 $0x1B800;
	v37 =	vmul.f32 v36, v39;
	v31 =	vand.u32 $0xFFFF0000, v32;
	v32 =	vmul.f32 v63, v24  }
.LBB2_11:
0x409: {  	v36 =	vld [tilespmem:s21+$0x60];
	v24 =	vperm.xlane v48, v2;
	v39 =	vmul.f32 v31, v7  }
0x40a: {  	v25 =	vmul.f32 v33, v5;
	v26 =	vmul.f32 v33, v12;
	v5 =	vmov v38;
	v31 =	vld [tilespmem:s21+$0x50];
	v7 =	vpop (erf)  }
0x40b: {  	v12 =	vmovc v46;
	v38 =	vld [tilespmem:s21+$0x40];
	v27 =	vadd.f32 v48, v24;
	v7 =	vadd.f32 $1.000000000e+00, v7;
	v24 =	vmul.f32 v33, v8;
	v8 =	vmovc v47  }
0x40c: {  	v46 =	vmul.f32 v33, v10;
	v10 =	vmovc v44;
	v41 =	vld [tilespmem:s21+$0x30];
	[tilespmem:s11+$0xFFFFFF80] =	vst v25;
	v25 =	vmul.f32 v33, v11;
	v11 =	vmov v45  }
0x40d: {  	v44 =	vld [tilespmem:s21+$0x20];
	v45 =	vperm.xlane v27, v3;
	(erf) = vrcp.f32 v7;
	[tilespmem:s11+$0xFFFFFF90] =	vst v26  }
0x40e: {  	v49 =	vmul.f32 v33, v13;
	v48 =	vmul.f32 v33, v9;
	v9 =	vmovc v43;
	v47 =	vld [tilespmem:s21+$0x10];
	v7 =	vand.u32 $0xFFFF0000, v36;
	[tilespmem:s11+$0xFFFFFFA0] =	vst v24  }
0x40f: {  	s19 =	sadd.s32 $0x100, s19;
	v50 =	vmul.f32 v33, v15;
	v13 =	vmovc v42;
	v43 =	vld [tilespmem:s21+$0x0];
	v24 =	vand.u32 $0xFFFF0000, v31;
	v45 =	vadd.f32 v27, v45;
	[tilespmem:s11+$0xFFFFFFB0] =	vst v25  }
0x410: {  	s10 =	sadd.s32 $0x2, s10;
	s20 =	sadd.s32 $0x100, s20;
	v51 =	vmul.f32 v21, v16;
	v15 =	vmovc v40;
	v42 =	vld [tilespmem:s19+$0x0];
	v25 =	vand.u32 $0xFFFF0000, v38;
	[tilespmem:s11+$0xFFFFFFC0] =	vst v46;
	v46 =	vmul.f32 v21, v14  }
0x411: {  	p2 =	slt.u32 s10, $0x2E;
	v14 =	vmovc v37;
	v40 =	vld [tilespmem:s20+$0x0];
	v26 =	vand.u32 $0xFFFF0000, v41;
	v33 =	vperm.xlane v45, v4;
	[tilespmem:s11+$0xFFFFFFD0] =	vst v48;
	v48 =	vmul.f32 v21, v17  }
0x412: {  	v52 =	vmul.f32 v21, v20;
	v16 =	vmovc v28;
	v37 =	vld [tilespmem:s19+$0x10];
	v27 =	vand.u32 $0xFFFF0000, v44;
	[tilespmem:s11+$0xFFFFFFE0] =	vst v49;
	v49 =	vmul.f32 v21, v18  }
0x413: {  	v17 =	vmovc v30;
	v28 =	vand.u32 $0xFFFF0000, v47;
	v53 =	vld [tilespmem:s20+$0x10];
	v33 =	vadd.f32 v45, v33;
	[tilespmem:s11+$0xFFFFFFF0] =	vst v50;
	v45 =	vmul.f32 v21, v19  }
0x414: {  	v20 =	vmovc v35;
	v18 =	vmovc v34;
	v30 =	vand.u32 $0xFFFF0000, v43;
	v50 =	vld [tilespmem:s19+$0x20];
	[tilespmem:s11+$0x0] =	vst v46;
	v46 =	vmul.f32 v21, v6;
	v6 =	vmov v39  }
0x415: {  	v23 =	vand.u32 $0xFFFF0000, v23;
	v19 =	vmovc v32;
	v21 =	vshll.u32 v42, $0x10;
	v34 =	vld [tilespmem:s20+$0x20];
	v35 =	vsub.f32 $0.0e+00, v33;
	[tilespmem:s11+$0x10] =	vst v51  }
0x416: {  	v39 =	vshll.u32 v43, $0x10;
	v40 =	vmul.f32 v21, v40;
	v43 =	vld [tilespmem:s19+$0x30];
	v21 =	vand.u32 $0xFFFF0000, v22;
	v22 =	vpop (erf);
	[tilespmem:s11+$0x20] =	vst v48  }
0x417: {  	v48 =	vshll.u32 v37, $0x10;
	v51 =	vld [tilespmem:s20+$0x30];
	v23 =	vmul.f32 v21, v23;
	v21 =	vmul.f32 v22, v29;
	[tilespmem:s11+$0x30] =	vst v49  }
0x418: {  	v32 =	vand.u32 $0xFFFF0000, v42;
	v22 =	vmul.f32 v39, v40;
	v29 =	vmul.f32 v48, v53;
	v40 =	vld [tilespmem:s19+$0x40];
	[tilespmem:s11+$0x40] =	vst v52  }
0x419: {  	v39 =	vshll.u32 v47, $0x10;
	v42 =	vshll.u32 v50, $0x10;
	v47 =	vld [tilespmem:s20+$0x40];
	v23 =	vmul.f32 v21, v23;
	[tilespmem:s11+$0x50] =	vst v45  }
0x41a: {  	v22 =	vadd.f32 $0.0e+00, v22;
	v29 =	vmul.f32 v39, v29;
	v34 =	vmul.f32 v42, v34;
	v42 =	vld [tilespmem:s19+$0x50];
	[tilespmem:s11+$0x60] =	vst v46;
	s11 =	sadd.s32 $0x100, s11  }
0x41b: {  	v35 =	vmul.f32 $1.442695020e+00, v35;
	v39 =	vshll.u32 v44, $0x10;
	v44 =	vshll.u32 v43, $0x10;
	v45 =	vld [tilespmem:s20+$0x50];
	[tilespmem:s11+$0x70] =	vst v23  }
0x41c: {  	v22 =	vadd.f32 v29, v22;
	v23 =	vmul.f32 v39, v34;
	v29 =	vmul.f32 v44, v51;
	v44 =	vld [tilespmem:s19+$0x60]  }
0x41d: {  	v34 =	vshll.u32 v41, $0x10;
	v39 =	vshll.u32 v40, $0x10;
	v41 =	vld [tilespmem:s20+$0x60];
	(erf) = vpow2.f32 v35  }
0x41e: {  	v23 =	vadd.f32 v23, v22;
	v29 =	vmul.f32 v34, v29;
	v35 =	vmul.f32 v39, v47;
	v22 =	vld [tilespmem:s19+$0x70]  }
0x41f: {  	v34 =	vand.u32 $0xFFFF0000, v37;
	v37 =	vshll.u32 v38, $0x10;
	v38 =	vshll.u32 v42, $0x10;
	v46 =	vld [tilespmem:s20+$0x70]  }
0x420: {  	v29 =	vadd.f32 v29, v23;
	v37 =	vmul.f32 v37, v35;
	v38 =	vmul.f32 v38, v45;
	v23 =	vld [tilespmem:s21+$0x70]  }
0x421: {  	v31 =	vshll.u32 v31, $0x10;
	v35 =	vand.u32 $0xFFFF0000, v50;
	v45 =	vld [tilespmem:s19+$0xFFFFFF80];
	v39 =	vshll.u32 v44, $0x10  }
0x422: {  	v47 =	vld [tilespmem:s20+$0xFFFFFF80];
	v29 =	vadd.f32 v37, v29;
	v31 =	vmul.f32 v31, v38;
	v37 =	vmul.f32 v39, v41  }
0x423: {  	v36 =	vshll.u32 v36, $0x10;
	v39 =	vand.u32 $0xFFFF0000, v43;
	v38 =	vld [tilespmem:s19+$0xFFFFFF90];
	v41 =	vshll.u32 v22, $0x10  }
0x424: {  	v43 =	vld [tilespmem:s21+$0xFFFFFF80];
	v29 =	vadd.f32 v31, v29;
	v31 =	vmul.f32 v36, v37;
	v49 =	vmul.f32 v41, v46  }
0x425: {  	v36 =	vand.u32 $0xFFFF0000, v40;
	v41 =	vand.u32 $0xFFFF0000, v42;
	v46 =	vld [tilespmem:s20+$0xFFFFFF90];
	v40 =	vshll.u32 v23, $0x10  }
0x426: {  	v42 =	vshll.u32 v45, $0x10;
	v48 =	vld [tilespmem:s21+$0xFFFFFF90];
	v29 =	vadd.f32 v31, v29;
	v31 =	vmul.f32 v40, v49;
	v37 =	vpop (erf)  }
0x427: {  	v40 =	vand.u32 $0xFFFF0000, v45;
	v42 =	vmul.f32 v42, v47;
	v45 =	vld [tilespmem:s19+$0xFFFFFFA0];
	v37 =	vadd.f32 $1.000000000e+00, v37  }
0x428: {  	v47 =	vshll.u32 v38, $0x10;
	v49 =	vand.u32 $0xFFFF0000, v38;
	v38 =	vld [tilespmem:s20+$0xFFFFFFA0];
	v29 =	vadd.f32 v31, v29  }
0x429: {  	v31 =	vshll.u32 v43, $0x10;
	v43 =	vand.u32 $0xFFFF0000, v43;
	v50 =	vld [tilespmem:s21+$0xFFFFFFA0];
	(erf) = vrcp.f32 v37  }
0x42a: {  	v37 =	vmul.f32 v31, v42;
	v42 =	vld [tilespmem:s19+$0xFFFFFFB0];
	v31 =	vand.u32 $0xFFFF0000, v44;
	v44 =	vperm.xlane v29, v1  }
0x42b: {  	v46 =	vmul.f32 v47, v46;
	v51 =	vshll.u32 v48, $0x10;
	v48 =	vand.u32 $0xFFFF0000, v48;
	v47 =	vld [tilespmem:s20+$0xFFFFFFB0]  }
0x42c: {  	v37 =	vadd.f32 $0.0e+00, v37;
	v52 =	vshll.u32 v45, $0x10;
	v53 =	vld [tilespmem:s21+$0xFFFFFFB0];
	v29 =	vadd.f32 v29, v44  }
0x42d: {  	v44 =	vmul.f32 v51, v46;
	v45 =	vand.u32 $0xFFFF0000, v45;
	v38 =	vmul.f32 v52, v38;
	v46 =	vld [tilespmem:s19+$0xFFFFFFC0]  }
0x42e: {  	v51 =	vshll.u32 v50, $0x10;
	v50 =	vand.u32 $0xFFFF0000, v50;
	v52 =	vld [tilespmem:s20+$0xFFFFFFC0];
	v54 =	vperm.xlane v29, v2  }
0x42f: {  	v37 =	vadd.f32 v44, v37;
	v38 =	vmul.f32 v51, v38;
	v44 =	vshll.u32 v42, $0x10;
	v51 =	vld [tilespmem:s21+$0xFFFFFFC0]  }
0x430: {  	v42 =	vand.u32 $0xFFFF0000, v42;
	v44 =	vmul.f32 v44, v47;
	v47 =	vld [tilespmem:s19+$0xFFFFFFD0];
	v29 =	vadd.f32 v29, v54  }
0x431: {  	v37 =	vadd.f32 v38, v37;
	v38 =	vshll.u32 v53, $0x10;
	v53 =	vand.u32 $0xFFFF0000, v53;
	v54 =	vld [tilespmem:s20+$0xFFFFFFD0]  }
0x432: {  	v38 =	vmul.f32 v38, v44;
	v44 =	vshll.u32 v46, $0x10;
	v55 =	vld [tilespmem:s21+$0xFFFFFFD0];
	v56 =	vperm.xlane v29, v3;
	v57 =	vpop (erf)  }
0x433: {  	v58 =	vand.u32 $0xFFFF0000, v46;
	v44 =	vmul.f32 v44, v52;
	v46 =	vld [tilespmem:s19+$0xFFFFFFE0];
	v33 =	vmul.f32 v57, v33  }
0x434: {  	v37 =	vadd.f32 v38, v37;
	v38 =	vshll.u32 v51, $0x10;
	v52 =	vld [tilespmem:s20+$0xFFFFFFE0];
	v29 =	vadd.f32 v29, v56  }
0x435: {  	v51 =	vand.u32 $0xFFFF0000, v51;
	v38 =	vmul.f32 v38, v44;
	v44 =	vshll.u32 v47, $0x10;
	v56 =	vld [tilespmem:s21+$0xFFFFFFE0]  }
0x436: {  	v57 =	vand.u32 $0xFFFF0000, v47;
	v44 =	vmul.f32 v44, v54;
	v47 =	vld [tilespmem:s19+$0xFFFFFFF0];
	v54 =	vperm.xlane v29, v4  }
0x437: {  	v37 =	vadd.f32 v38, v37;
	v38 =	vshll.u32 v55, $0x10;
	v55 =	vand.u32 $0xFFFF0000, v55;
	v59 =	vld [tilespmem:s20+$0xFFFFFFF0]  }
0x438: {  	v44 =	vmul.f32 v38, v44;
	v60 =	vshll.u32 v46, $0x10;
	v61 =	vld [tilespmem:s21+$0xFFFFFFF0];
	v29 =	vadd.f32 v29, v54  }
0x439: {  	v38 =	vmul.f32 v40, v43;
	v40 =	vand.u32 $0xFFFF0000, v46;
	v43 =	vmul.f32 v60, v52  }
0x43a: {  	v37 =	vadd.f32 v44, v37;
	v44 =	vshll.u32 v56, $0x10;
	v46 =	vsub.f32 $0.0e+00, v29  }
0x43b: {  	v52 =	vand.u32 $0xFFFF0000, v56;
	v43 =	vmul.f32 v44, v43;
	v44 =	vshll.u32 v47, $0x10  }
0x43c: {  	v54 =	vand.u32 $0xFFFF0000, v47;
	v44 =	vmul.f32 v44, v59;
	v46 =	vmul.f32 $1.442695020e+00, v46  }
0x43d: {  	v37 =	vadd.f32 v43, v37;
	v43 =	vshll.u32 v61, $0x10;
	v56 =	vand.u32 $0xFFFF0000, v61  }
0x43e: {  	v43 =	vmul.f32 v43, v44;
	(erf) = vpow2.f32 v46  }
0x43f: {  	v47 =	vmul.f32 v45, v50;
	v46 =	vmul.f32 v49, v48  }
0x440: {  	v45 =	vmul.f32 v42, v53;
	v44 =	vmul.f32 v58, v51;
	v48 =	vadd.f32 v43, v37  }
.Ltmp4:
0x441: {  	v42 =	vmul.f32 v40, v52;
	v43 =	vmul.f32 v57, v55;
	(pc) =	sbr.rel @p2 .LBB2_11-.Ltmp4, $4  }
0x442: {  	v40 =	vmul.f32 v54, v56;
	v49 =	vperm.xlane v48, v1  }
0x443: {  	v28 =	vmul.f32 v34, v28;
	v37 =	vmul.f32 v32, v30  }
0x444: {  	v34 =	vmul.f32 v39, v26;
	v30 =	vmul.f32 v35, v27;
	v48 =	vadd.f32 v48, v49  }
0x445: {  	s21 =	sadd.s32 $0x100, s21;
	v35 =	vmul.f32 v36, v25;
	v32 =	vmul.f32 v41, v24  }
0x446: {  	v24 =	vperm.xlane v48, v2;
	_ =	sdelay $0x1  }
0x447: {  	v24 =	vadd.f32 v48, v24;
	_ =	sdelay $0x1  }
0x448: {  	v25 =	vperm.xlane v24, v3;
	_ =	sdelay $0x1  }
0x449: {  	v24 =	vadd.f32 v24, v25;
	_ =	sdelay $0x1  }
0x44a: {  	v25 =	vperm.xlane v24, v4;
	_ =	sdelay $0x1  }
0x44b: {  	v24 =	vadd.f32 v24, v25;
	_ =	sdelay $0x1  }
0x44c: {  	v39 =	vpop (erf);
	v26 =	vsub.f32 $0.0e+00, v24  }
0x44d: {  	v25 =	vadd.f32 $1.000000000e+00, v39  }
0x44e: {  	v26 =	vmul.f32 $1.442695020e+00, v26  }
0x44f: {  	(erf) = vrcp.f32 v25  }
0x450: {  	(erf) = vpow2.f32 v26;
	_ =	sdelay $0x5  }
0x451: {  	v5 =	vmul.f32 v33, v5  }
0x452: {  	v12 =	vmul.f32 v33, v12  }
0x453: {  	v11 =	vmul.f32 v33, v11;
	[tilespmem:s11+$0xFFFFFF80] =	vst v5;
	v25 =	vpop (erf)  }
0x454: {  	v10 =	vmul.f32 v33, v10;
	[tilespmem:s11+$0xFFFFFF90] =	vst v12;
	v26 =	vpop (erf)  }
0x455: {  	v49 =	vmul.f32 v33, v15;
	[tilespmem:s11+$0xFFFFFFB0] =	vst v11;
	v41 =	vadd.f32 $1.000000000e+00, v26  }
0x456: {  	v5 =	vmul.f32 v33, v8;
	[tilespmem:s11+$0xFFFFFFC0] =	vst v10  }
0x457: {  	v50 =	vmul.f32 v21, v16;
	[tilespmem:s11+$0xFFFFFFF0] =	vst v49;
	(erf) = vrcp.f32 v41  }
0x458: {  	[tilespmem:s11+$0xFFFFFFA0] =	vst v5;
	v5 =	vmul.f32 v33, v9  }
0x459: {  	v51 =	vmul.f32 v21, v17;
	[tilespmem:s11+$0x10] =	vst v50  }
0x45a: {  	[tilespmem:s11+$0xFFFFFFD0] =	vst v5;
	v5 =	vmul.f32 v21, v14  }
0x45b: {  	v52 =	vmul.f32 v21, v20;
	[tilespmem:s11+$0x20] =	vst v51  }
0x45c: {  	v53 =	vmul.f32 v21, v19;
	[tilespmem:s11+$0x0] =	vst v5;
	v5 =	vmul.f32 v21, v18  }
0x45d: {  	v54 =	vand.u32 $0xFFFF0000, v23;
	v55 =	vand.u32 $0xFFFF0000, v22;
	v6 =	vmul.f32 v21, v6;
	[tilespmem:s11+$0x40] =	vst v52  }
0x45e: {  	v56 =	vmul.f32 v55, v54;
	[tilespmem:s11+$0x50] =	vst v53;
	v57 =	vmul.f32 v25, v29  }
0x45f: {  	v48 =	vmul.f32 v33, v13;
	[tilespmem:s11+$0x60] =	vst v6  }
0x460: {  	[tilespmem:s11+$0x30] =	vst v5;
	v9 =	vmul.f32 v57, v56;
	v5 =	vpop (erf)  }
0x461: {  	s10 =	sadd.s32 $0x100, s11;
	[tilespmem:s11+$0xFFFFFFE0] =	vst v48;
	v62 =	vmul.f32 v57, v37;
	v5 =	vmul.f32 v5, v24  }
0x462: {  	v63 =	vmul.f32 v57, v34;
	[tilespmem:s10+$0x70] =	vst v9  }
0x463: {  	[tilespmem:s10+$0x0] =	vst v62;
	v6 =	vmul.f32 v5, v38  }
0x464: {  	[tilespmem:s10+$0x30] =	vst v63;
	v58 =	vmul.f32 v5, v46  }
0x465: {  	v59 =	vmul.f32 v5, v47;
	[tilespmem:s10+$0xFFFFFF80] =	vst v6  }
0x466: {  	v60 =	vmul.f32 v5, v44;
	[tilespmem:s10+$0xFFFFFF90] =	vst v58  }
0x467: {  	v6 =	vmul.f32 v5, v45;
	[tilespmem:s10+$0xFFFFFFA0] =	vst v59  }
0x468: {  	v61 =	vmul.f32 v5, v43;
	[tilespmem:s10+$0xFFFFFFC0] =	vst v60  }
0x469: {  	[tilespmem:s10+$0xFFFFFFB0] =	vst v6;
	v6 =	vmul.f32 v5, v42  }
0x46a: {  	[tilespmem:s10+$0xFFFFFFD0] =	vst v61;
	v5 =	vmul.f32 v5, v40  }
0x46b: {  	[tilespmem:s10+$0xFFFFFFE0] =	vst v6;
	v6 =	vmul.f32 v57, v28  }
0x46c: {  	[tilespmem:s10+$0xFFFFFFF0] =	vst v5;
	v5 =	vmul.f32 v57, v30  }
0x46d: {  	[tilespmem:s10+$0x10] =	vst v6;
	v6 =	vmul.f32 v31, v7;
	v7 =	vmul.f32 v57, v35  }
.Ltmp5:
0x46e: {  	[tilespmem:s10+$0x20] =	vst v5;
	v5 =	vmul.f32 v57, v32;
	(pc) =	sbr.rel @p1 .LBB2_14-.Ltmp5, $4  }
0x46f: {  	v6 =	vmul.f32 v57, v6;
	[tilespmem:s10+$0x40] =	vst v7  }
0x470: {  	[tilespmem:s10+$0x50] =	vst v5  }
0x471: {  	[tilespmem:s10+$0x60] =	vst v6  }
0x472: {  	[spmem:s3] =	stream.indirect.scatter.add.f32 [tilespmem:s2], [sflag:$0x4], $0x80, s12, s18, $0xb8;
	[tilespmem:$0x1FD80] =	vst v63  }
0x473: {  	s10 =	rddreg [dreg:$0x1e]  }
0x474: {  	s10 =	sadd.s32 s15, s10  }
0x475: {  	s11 =	sadd.s32 $0x60, s10  }
0x476: {  	s21 =	sshrl.u32 s11, $0x3  }
0x477: {  	s19 =	simm.s32 $0x13980;
	s15 =	sadd.s32 s5, s21  }
0x478: {  	[tilespmem:s19], [sflag:$0x5] =	stream.linear.gather [hbm4b:s15+s4], $0x30, $0x38;
	[tilespmem:$0x1FD80] =	vst v63  }
0x479: {  	s10 =	sshrl.u32 s10, $0x3;
	_ =	swait.ge [sflag:s14], $0x30  }
0x47a: {  	s10 =	sadd.s32 s5, s10;
	[sflag:s14] =	ssyncset.done $0x0  }
0x47b: {  	s10 =	sadd.s32 $0x9C4C, s10;
	[sflag:s14] =	ssyncadd.s32 $0xFFFFFFD0  }
0x47c: {  	[tilespmem:s23], [sflag:$0x5] =	stream.linear.gather [hbm4b:s10+s4], $0x30, $0x38;
	[tilespmem:$0x1FD80] =	vst v63  }
0x47d: {  	_ =	swait.ge [sflag:s14], $0x30  }
0x47e: {  	[sflag:s14] =	ssyncset.done $0x0  }
0x47f: {  	[sflag:s14] =	ssyncadd.s32 $0xFFFFFFD0  }
0x480: {  	[tilespmem:s24], [sflag:$0x2] =	stream.indirect.gather [hbm4b:s1+s18], $0x80, s23, s18, $0xb8;
	[tilespmem:$0x1FD80] =	vst v63  }
.Ltmp6:
0x481: {  	_ = 	snop;
	(pc) =	sbr.rel .LBB2_4-.Ltmp6, $4  }
0x482: {  	s22 =	sshll.u32 s11, $0x4  }
0x483: {  	[tilespmem:s25], [sflag:$0x2] =	stream.indirect.gather [hbm4b:s6+s18], $0x80, s19, s18, $0xb8;
	[tilespmem:$0x1FD80] =	vst v63  }
0x484: {  	s8 =	sadd.s32 $0x1, s8;
	s10 =	sadd.s32 s7, s22  }
0x485: {  	[tilespmem:s26], [sflag:$0x2] =	stream.linear.gather [hbm4b:s10+s4], $0x1800, $0x38;
	[tilespmem:$0x1FD80] =	vst v63  }
.LBB2_14:
0x486: {  	_ =	swait.ge [sflag:s17], $0x1800  }
0x487: {  	[sflag:s17] =	ssyncset.done $0x0  }
0x488: {  	[sflag:s17] =	ssyncadd.s32 $0xFFFFE800  }
0x489: {  	_ =	swait.ge [sflag:s0], $0x1800  }
0x48a: {  	[sflag:s0] =	ssyncset.done $0x0  }
0x48b: {  	s10 =	simm.s32 $0x13C80;
	s8 =	rddreg [dreg:$0x11];
	[sflag:s0] =	ssyncadd.s32 $0xFFFFE800  }
0x48c: {  	[tilespmem:s10], [sflag:$0x5] =	stream.linear.gather [hbm4b:s8+s4], $0x10, $0x38;
	[tilespmem:$0x1FD80] =	vst v63  }
0x48d: {  	_ =	swait.ge [sflag:s14], $0x10  }
0x48e: {  	[sflag:s14] =	ssyncset.done $0x0  }
0x48f: {  	s20 =	simm.s32 $0x13D00;
	s15 =	rddreg [dreg:$0x1f];
	[sflag:s14] =	ssyncadd.s32 $0xFFFFFFF0  }
0x490: {  	[tilespmem:s20], [sflag:$0x5] =	stream.linear.gather [hbm4b:s15+s4], $0x10, $0x38;
	[tilespmem:$0x1FD80] =	vst v63  }
0x491: {  	_ =	swait.ge [sflag:s14], $0x10  }
0x492: {  	[sflag:s14] =	ssyncset.done $0x0  }
0x493: {  	s19 =	simm.s32 $0x13D80;
	s21 =	simm.s32 $0x10;
	[sflag:s14] =	ssyncadd.s32 $0xFFFFFFF0  }
0x494: {  	[tilespmem:s19], [sflag:$0x1] =	stream.indirect.gather [hbm4b:s1+s21], $0x80, s20, s21, $0xb8;
	[tilespmem:$0x1FD80] =	vst v63  }
0x495: {  	s22 =	simm.s32 $0x15580  }
0x496: {  	[tilespmem:s22], [sflag:$0x1] =	stream.indirect.gather [hbm4b:s6+s21], $0x80, s10, s21, $0xb8;
	[tilespmem:$0x1FD80] =	vst v63  }
0x497: {  	s11 =	simm.s32 $0x16D80;
	s10 =	rddreg [dreg:$0x12]  }
0x498: {  	[tilespmem:s11], [sflag:$0x1] =	stream.linear.gather [hbm4b:s10+s4], $0x800, $0x38;
	[tilespmem:$0x1FD80] =	vst v63  }
0x499: {  	_ =	swait.ge [sflag:s28], $0x800  }
0x49a: {  	[sflag:s28] =	ssyncset.done $0x0  }
0x49b: {  	[sflag:s28] =	ssyncadd.s32 $0xFFFFF800  }
0x49c: {  	_ =	swait.ge [sflag:s28], $0x800  }
0x49d: {  	[sflag:s28] =	ssyncset.done $0x0  }
0x49e: {  	[sflag:s28] =	ssyncadd.s32 $0xFFFFF800  }
0x49f: {  	_ =	swait.ge [sflag:s28], $0x800  }
0x4a0: {  	[sflag:s28] =	ssyncset.done $0x0  }
0x4a1: {  	s15 =	simm.s32 $0x16E00;
	[sflag:s28] =	ssyncadd.s32 $0xFFFFF800  }
0x4a2: {  	v9 =	vld [tilespmem:s15+$0x60]  }
0x4a3: {  	v10 =	vld [tilespmem:s15+$0x50]  }
0x4a4: {  	v11 =	vld [tilespmem:s15+$0x40]  }
0x4a5: {  	v12 =	vld [tilespmem:s15+$0x30]  }
0x4a6: {  	v13 =	vld [tilespmem:s15+$0x20]  }
0x4a7: {  	v14 =	vld [tilespmem:s15+$0x10]  }
0x4a8: {  	s11 =	simm.s32 $0x15600;
	v15 =	vld [tilespmem:s15+$0x0]  }
0x4a9: {  	s19 =	simm.s32 $0x13E00;
	v16 =	vld [tilespmem:s11+$0x0]  }
0x4aa: {  	v6 =	vld [tilespmem:s19+$0x0]  }
0x4ab: {  	v17 =	vld [tilespmem:s11+$0x10]  }
0x4ac: {  	v7 =	vld [tilespmem:s19+$0x10]  }
0x4ad: {  	v18 =	vld [tilespmem:s11+$0x20]  }
0x4ae: {  	v19 =	vld [tilespmem:s19+$0x20]  }
0x4af: {  	v5 =	vld [tilespmem:s11+$0x30]  }
0x4b0: {  	v20 =	vld [tilespmem:s19+$0x30]  }
0x4b1: {  	v8 =	vld [tilespmem:s11+$0x40];
	v21 =	vshll.u32 v16, $0x10  }
0x4b2: {  	v23 =	vld [tilespmem:s19+$0x40];
	v21 =	vmul.f32 v21, v6  }
0x4b3: {  	v43 =	vld [tilespmem:s19+$0x50];
	v22 =	vshll.u32 v15, $0x10;
	v24 =	vshll.u32 v17, $0x10  }
0x4b4: {  	v44 =	vld [tilespmem:s19+$0x60];
	v21 =	vmul.f32 v22, v21;
	v22 =	vmul.f32 v24, v7  }
0x4b5: {  	v46 =	vld [tilespmem:s19+$0x70];
	v25 =	vshll.u32 v14, $0x10;
	v26 =	vshll.u32 v18, $0x10  }
0x4b6: {  	v6 =	vld [tilespmem:s11+$0x50];
	v19 =	vmul.f32 v26, v19;
	v27 =	vadd.f32 $0.0e+00, v21;
	v22 =	vmul.f32 v25, v22  }
0x4b7: {  	v30 =	vld [tilespmem:s19+$0xFFFFFF80];
	v45 =	vshll.u32 v13, $0x10;
	v28 =	vshll.u32 v5, $0x10  }
0x4b8: {  	v20 =	vmul.f32 v28, v20;
	v7 =	vld [tilespmem:s11+$0x60];
	v19 =	vmul.f32 v45, v19;
	v27 =	vadd.f32 v22, v27  }
0x4b9: {  	v31 =	vld [tilespmem:s15+$0xFFFFFF80];
	v29 =	vshll.u32 v8, $0x10;
	v28 =	vshll.u32 v12, $0x10  }
0x4ba: {  	v23 =	vmul.f32 v29, v23;
	v20 =	vmul.f32 v28, v20;
	v21 =	vld [tilespmem:s11+$0x70];
	v19 =	vadd.f32 v19, v27  }
0x4bb: {  	v47 =	vld [tilespmem:s19+$0xFFFFFF90];
	v28 =	vshll.u32 v11, $0x10;
	v29 =	vshll.u32 v6, $0x10  }
0x4bc: {  	v22 =	vld [tilespmem:s15+$0x70];
	v19 =	vadd.f32 v20, v19;
	v20 =	vmul.f32 v28, v23;
	v23 =	vmul.f32 v29, v43  }
0x4bd: {  	v32 =	vld [tilespmem:s15+$0xFFFFFF90];
	v28 =	vshll.u32 v10, $0x10;
	v29 =	vshll.u32 v7, $0x10  }
0x4be: {  	v37 =	vld [tilespmem:s11+$0xFFFFFFC0];
	v19 =	vadd.f32 v20, v19;
	v20 =	vmul.f32 v28, v23;
	v23 =	vmul.f32 v29, v44  }
0x4bf: {  	v41 =	vld [tilespmem:s19+$0xFFFFFFD0];
	v28 =	vshll.u32 v9, $0x10;
	v29 =	vshll.u32 v21, $0x10  }
0x4c0: {  	v26 =	vld [tilespmem:s11+$0xFFFFFFA0];
	v19 =	vadd.f32 v20, v19;
	v20 =	vmul.f32 v28, v23;
	v23 =	vmul.f32 v29, v46  }
0x4c1: {  	v27 =	vld [tilespmem:s11+$0xFFFFFF80];
	v28 =	vshll.u32 v22, $0x10  }
0x4c2: {  	v24 =	vld [tilespmem:s11+$0xFFFFFF90];
	v19 =	vadd.f32 v20, v19;
	v20 =	vmul.f32 v28, v23  }
0x4c3: {  	v35 =	vand.u32 $0xFFFF0000, v11;
	v11 =	vld [tilespmem:s19+$0xFFFFFFB0]  }
0x4c4: {  	v34 =	vand.u32 $0xFFFF0000, v10;
	v44 =	vld [tilespmem:s15+$0xFFFFFFE0];
	v10 =	vadd.f32 v20, v19  }
0x4c5: {  	v36 =	vand.u32 $0xFFFF0000, v14;
	v14 =	vand.u32 $0xFFFF0000, v15;
	v16 =	vand.u32 $0xFFFF0000, v16;
	v29 =	vld [tilespmem:s19+$0xFFFFFFA0]  }
0x4c6: {  	v28 =	vld [tilespmem:s15+$0xFFFFFFA0];
	v20 =	vand.u32 $0xFFFF0000, v13;
	v13 =	vshll.u32 v27, $0x10;
	v15 =	vperm.xlane v10, v1  }
0x4c7: {  	v38 =	vshll.u32 v31, $0x10;
	v23 =	vand.u32 $0xFFFF0000, v9;
	v9 =	vld [tilespmem:s11+$0xFFFFFFB0];
	v13 =	vmul.f32 v13, v30  }
0x4c8: {  	v33 =	vshll.u32 v24, $0x10;
	v19 =	vand.u32 $0xFFFF0000, v12;
	v12 =	vld [tilespmem:s15+$0xFFFFFFB0];
	v10 =	vadd.f32 v10, v15  }
0x4c9: {  	v17 =	vand.u32 $0xFFFF0000, v17;
	v25 =	vmul.f32 v33, v47;
	v30 =	vld [tilespmem:s19+$0xFFFFFFC0];
	v13 =	vmul.f32 v38, v13  }
0x4ca: {  	v48 =	vshll.u32 v32, $0x10;
	v39 =	vshll.u32 v26, $0x10;
	v38 =	vld [tilespmem:s11+$0xFFFFFFD0];
	v40 =	vperm.xlane v10, v2  }
0x4cb: {  	v25 =	vmul.f32 v48, v25;
	v29 =	vmul.f32 v39, v29;
	v15 =	vld [tilespmem:s15+$0xFFFFFFC0];
	v13 =	vadd.f32 $0.0e+00, v13  }
0x4cc: {  	v39 =	vld [tilespmem:s15+$0xFFFFFFD0];
	v49 =	vshll.u32 v28, $0x10;
	v42 =	vshll.u32 v9, $0x10;
	v10 =	vadd.f32 v10, v40  }
0x4cd: {  	v50 =	vmul.f32 v49, v29;
	v11 =	vmul.f32 v42, v11;
	v13 =	vadd.f32 v25, v13;
	v40 =	vld [tilespmem:s11+$0xFFFFFFE0]  }
0x4ce: {  	v52 =	vshll.u32 v37, $0x10;
	v29 =	vld [tilespmem:s19+$0xFFFFFFE0];
	v51 =	vshll.u32 v12, $0x10;
	v43 =	vperm.xlane v10, v3  }
0x4cf: {  	v11 =	vmul.f32 v51, v11;
	v53 =	vmul.f32 v52, v30;
	v30 =	vld [tilespmem:s11+$0xFFFFFFF0];
	v13 =	vadd.f32 v50, v13  }
0x4d0: {  	v56 =	vld [tilespmem:s19+$0xFFFFFFF0];
	v55 =	vshll.u32 v38, $0x10;
	v54 =	vshll.u32 v15, $0x10;
	v10 =	vadd.f32 v10, v43  }
0x4d1: {  	v58 =	vld [tilespmem:s15+$0xFFFFFFF0];
	v57 =	vmul.f32 v55, v41;
	v11 =	vadd.f32 v11, v13;
	v13 =	vmul.f32 v54, v53  }
0x4d2: {  	v60 =	vshll.u32 v39, $0x10;
	v45 =	vshll.u32 v40, $0x10;
	v59 =	vperm.xlane v10, v4  }
0x4d3: {  	v11 =	vadd.f32 v13, v11;
	v13 =	vmul.f32 v60, v57;
	v61 =	vmul.f32 v45, v29  }
0x4d4: {  	v29 =	vshll.u32 v30, $0x10;
	v33 =	vadd.f32 v10, v59;
	v10 =	vshll.u32 v44, $0x10  }
0x4d5: {  	v11 =	vadd.f32 v13, v11;
	v13 =	vmul.f32 v29, v56;
	v10 =	vmul.f32 v10, v61  }
0x4d6: {  	v18 =	vand.u32 $0xFFFF0000, v18;
	v62 =	vand.u32 $0xFFFF0000, v5;
	v29 =	vshll.u32 v58, $0x10  }
0x4d7: {  	v63 =	vand.u32 $0xFFFF0000, v8;
	v8 =	vadd.f32 v10, v11;
	v10 =	vmul.f32 v29, v13  }
0x4d8: {  	v14 =	vmul.f32 v16, v14;
	v16 =	vmul.f32 v17, v36;
	v6 =	vand.u32 $0xFFFF0000, v6  }
0x4d9: {  	v48 =	vand.u32 $0xFFFF0000, v31;
	v17 =	vmul.f32 v18, v20;
	v8 =	vadd.f32 v10, v8  }
0x4da: {  	v7 =	vand.u32 $0xFFFF0000, v7;
	v18 =	vmul.f32 v62, v19;
	v20 =	vmul.f32 v63, v35  }
0x4db: {  	s8 =	simm.s32 $0x15700;
	v49 =	vand.u32 $0xFFFF0000, v28;
	v28 =	vand.u32 $0xFFFF0000, v12;
	v12 =	vperm.xlane v8, v1  }
0x4dc: {  	v36 =	vld [tilespmem:s8+$0x0];
	v19 =	vmul.f32 v6, v34;
	v6 =	vmul.f32 v7, v23;
	v5 =	vsub.f32 $0.0e+00, v33  }
0x4dd: {  	v34 =	vld [tilespmem:s8+$0x10];
	v31 =	vand.u32 $0xFFFF0000, v38;
	v15 =	vand.u32 $0xFFFF0000, v15;
	v51 =	vadd.f32 v8, v12  }
0x4de: {  	v35 =	vld [tilespmem:s8+$0x20];
	s15 =	simm.s32 $0x13F00;
	v50 =	vand.u32 $0xFFFF0000, v39;
	v11 =	vand.u32 $0xFFFF0000, v27;
	v5 =	vmul.f32 $1.442695020e+00, v5  }
0x4df: {  	s22 =	simm.s32 $0x16F00;
	v23 =	vld [tilespmem:s15+$0x10];
	v13 =	vand.u32 $0xFFFF0000, v24;
	v27 =	vand.u32 $0xFFFF0000, v32;
	v54 =	vperm.xlane v51, v2  }
0x4e0: {  	v55 =	vld [tilespmem:s22+$0x20];
	v29 =	vand.u32 $0xFFFF0000, v37;
	v10 =	vand.u32 $0xFFFF0000, v26;
	(erf) = vpow2.f32 v5  }
0x4e1: {  	v39 =	vld [tilespmem:s22+$0x0];
	v12 =	vmul.f32 v13, v27;
	v27 =	vand.u32 $0xFFFF0000, v30;
	v24 =	vadd.f32 v51, v54  }
0x4e2: {  	v38 =	vld [tilespmem:s22+$0x50];
	v8 =	vmul.f32 v10, v49;
	v30 =	vand.u32 $0xFFFF0000, v58;
	v10 =	vmul.f32 v29, v15  }
0x4e3: {  	v9 =	vand.u32 $0xFFFF0000, v9;
	v43 =	vld [tilespmem:s22+$0x40];
	v15 =	vmul.f32 v27, v30;
	v27 =	vperm.xlane v24, v3  }
0x4e4: {  	v21 =	vand.u32 $0xFFFF0000, v21;
	v5 =	vmul.f32 v11, v48;
	v11 =	vmul.f32 v9, v28;
	v28 =	vld [tilespmem:s15+$0x0]  }
0x4e5: {  	v62 =	vand.u32 $0xFFFF0000, v22;
	v53 =	vand.u32 $0xFFFF0000, v44;
	v44 =	vld [tilespmem:s22+$0x30];
	v29 =	vadd.f32 v24, v27  }
0x4e6: {  	v42 =	vld [tilespmem:s8+$0x30];
	v52 =	vand.u32 $0xFFFF0000, v40;
	v60 =	vshll.u32 v39, $0x10;
	v63 =	vshll.u32 v55, $0x10  }
0x4e7: {  	v61 =	vshll.u32 v34, $0x10;
	v9 =	vmul.f32 v31, v50;
	v31 =	vld [tilespmem:s22+$0x10];
	v30 =	vperm.xlane v29, v4  }
0x4e8: {  	v59 =	vld [tilespmem:s15+$0x20];
	v25 =	vand.u32 $0xFFFF0000, v43;
	v23 =	vmul.f32 v61, v23;
	v58 =	vshll.u32 v36, $0x10  }
0x4e9: {  	v46 =	vld [tilespmem:s15+$0x30];
	v61 =	vmul.f32 v21, v62;
	v29 =	vadd.f32 v29, v30;
	v30 =	vmul.f32 v58, v28  }
0x4ea: {  	v21 =	vshll.u32 v38, $0x10;
	v37 =	vld [tilespmem:s22+$0x60];
	v26 =	vand.u32 $0xFFFF0000, v44;
	v44 =	vshll.u32 v44, $0x10  }
0x4eb: {  	v13 =	vmul.f32 v52, v53;
	v52 =	vshll.u32 v42, $0x10;
	v32 =	vmul.f32 v60, v30;
	v30 =	vld [tilespmem:s8+$0x40]  }
0x4ec: {  	v48 =	vld [tilespmem:s15+$0x40];
	v22 =	vshll.u32 v31, $0x10;
	v28 =	vand.u32 $0xFFFF0000, v31;
	v31 =	vshll.u32 v35, $0x10  }
0x4ed: {  	v22 =	vmul.f32 v22, v23;
	v56 =	vpop (erf);
	v23 =	vmul.f32 v31, v59;
	v31 =	vld [tilespmem:s8+$0x50];
	v32 =	vadd.f32 $0.0e+00, v32  }
0x4ee: {  	v50 =	vand.u32 $0xFFFF0000, v42;
	v49 =	vld [tilespmem:s15+$0x50];
	v53 =	vmul.f32 v52, v46;
	v57 =	vadd.f32 $1.000000000e+00, v56  }
0x4ef: {  	v27 =	vand.u32 $0xFFFF0000, v55;
	v23 =	vmul.f32 v63, v23;
	v22 =	vadd.f32 v22, v32;
	v32 =	vld [tilespmem:s8+$0x60]  }
0x4f0: {  	v56 =	vld [tilespmem:s15+$0x60];
	(erf) = vrcp.f32 v57;
	v47 =	vsub.f32 $0.0e+00, v29;
	v55 =	vshll.u32 v30, $0x10  }
0x4f1: {  	v40 =	vmul.f32 v44, v53;
	v23 =	vadd.f32 v23, v22;
	v57 =	vmul.f32 v55, v48;
	v22 =	vld [tilespmem:s8+$0x70]  }
0x4f2: {  	v58 =	vshll.u32 v43, $0x10;
	v60 =	vld [tilespmem:s15+$0x70];
	v54 =	vmul.f32 $1.442695020e+00, v47;
	v59 =	vshll.u32 v31, $0x10  }
0x4f3: {  	v43 =	vmul.f32 v59, v49;
	v40 =	vadd.f32 v40, v23;
	v41 =	vmul.f32 v58, v57;
	v23 =	vld [tilespmem:s22+$0x70]  }
0x4f4: {  	v62 =	vld [tilespmem:s8+$0xFFFFFF80];
	v24 =	vand.u32 $0xFFFF0000, v38;
	(erf) = vpow2.f32 v54;
	v63 =	vshll.u32 v32, $0x10  }
0x4f5: {  	v42 =	vld [tilespmem:s15+$0xFFFFFFC0];
	v54 =	vmul.f32 v21, v43;
	v40 =	vadd.f32 v41, v40;
	v38 =	vmul.f32 v63, v56  }
0x4f6: {  	v7 =	vand.u32 $0xFFFF0000, v37;
	v37 =	vshll.u32 v37, $0x10;
	v53 =	vld [tilespmem:s15+$0xFFFFFF80];
	v56 =	vshll.u32 v22, $0x10  }
0x4f7: {  	v47 =	vld [tilespmem:s22+$0xFFFFFF80];
	v40 =	vadd.f32 v54, v40;
	v37 =	vmul.f32 v37, v38;
	v57 =	vmul.f32 v56, v60  }
0x4f8: {  	v39 =	vand.u32 $0xFFFF0000, v39;
	v34 =	vand.u32 $0xFFFF0000, v34;
	v44 =	vld [tilespmem:s22+$0xFFFFFF90];
	v58 =	vshll.u32 v23, $0x10  }
0x4f9: {  	v45 =	vand.u32 $0xFFFF0000, v62;
	v52 =	vpop (erf);
	v55 =	vld [tilespmem:s8+$0xFFFFFF90];
	v37 =	vadd.f32 v37, v40;
	v38 =	vmul.f32 v58, v57  }
0x4fa: {  	v36 =	vand.u32 $0xFFFF0000, v36;
	v35 =	vand.u32 $0xFFFF0000, v35;
	v21 =	vmul.f32 v52, v33;
	v52 =	vld [tilespmem:s8+$0xFFFFFFB0]  }
0x4fb: {  	v28 =	vmul.f32 v34, v28;
	v34 =	vmul.f32 v50, v26;
	v41 =	vld [tilespmem:s15+$0xFFFFFF90];
	v37 =	vadd.f32 v38, v37  }
0x4fc: {  	v59 =	vshll.u32 v62, $0x10;
	v62 =	vshll.u32 v47, $0x10;
	v48 =	vmul.f32 v21, v61;
	v40 =	vld [tilespmem:s8+$0xFFFFFFA0]  }
0x4fd: {  	v47 =	vand.u32 $0xFFFF0000, v47;
	v61 =	vld [tilespmem:s15+$0xFFFFFFA0];
	v63 =	vmul.f32 v59, v53;
	v60 =	vpop (erf);
	v53 =	vperm.xlane v37, v1  }
0x4fe: {  	v59 =	vshll.u32 v44, $0x10;
	v44 =	vand.u32 $0xFFFF0000, v44;
	v56 =	vadd.f32 $1.000000000e+00, v60;
	v58 =	vld [tilespmem:s22+$0xFFFFFFA0]  }
0x4ff: {  	v33 =	vmul.f32 v62, v63;
	v63 =	vld [tilespmem:s15+$0xFFFFFFB0];
	v57 =	vshll.u32 v55, $0x10;
	v37 =	vadd.f32 v37, v53  }
0x500: {  	v51 =	vand.u32 $0xFFFF0000, v55;
	v54 =	vld [tilespmem:s8+$0xFFFFFFC0];
	v41 =	vmul.f32 v57, v41;
	(erf) = vrcp.f32 v56  }
0x501: {  	v43 =	vld [tilespmem:s22+$0xFFFFFFB0];
	v62 =	vshll.u32 v52, $0x10;
	v60 =	vshll.u32 v40, $0x10;
	v55 =	vperm.xlane v37, v2  }
0x502: {  	v33 =	vadd.f32 $0.0e+00, v33;
	v56 =	vld [tilespmem:s22+$0xFFFFFFC0];
	v41 =	vmul.f32 v59, v41;
	v46 =	vmul.f32 v60, v61  }
0x503: {  	v52 =	vand.u32 $0xFFFF0000, v52;
	v57 =	vld [tilespmem:s8+$0xFFFFFFD0];
	v61 =	vshll.u32 v58, $0x10;
	v37 =	vadd.f32 v37, v55  }
0x504: {  	v38 =	vmul.f32 v62, v63;
	v33 =	vadd.f32 v41, v33;
	v41 =	vld [tilespmem:s15+$0xFFFFFFD0];
	v46 =	vmul.f32 v61, v46  }
0x505: {  	v49 =	vand.u32 $0xFFFF0000, v58;
	v60 =	vshll.u32 v54, $0x10;
	v58 =	vld [tilespmem:s22+$0xFFFFFFD0];
	v59 =	vperm.xlane v37, v3  }
0x506: {  	v63 =	vshll.u32 v43, $0x10;
	v42 =	vmul.f32 v60, v42;
	v33 =	vadd.f32 v46, v33;
	v46 =	vld [tilespmem:s8+$0xFFFFFFE0]  }
0x507: {  	v43 =	vand.u32 $0xFFFF0000, v43;
	v61 =	vshll.u32 v56, $0x10;
	v55 =	vld [tilespmem:s15+$0xFFFFFFE0];
	v37 =	vadd.f32 v37, v59  }
0x508: {  	v38 =	vmul.f32 v63, v38;
	v62 =	vshll.u32 v57, $0x10;
	v53 =	vld [tilespmem:s22+$0xFFFFFFE0];
	v42 =	vmul.f32 v61, v42  }
0x509: {  	v40 =	vand.u32 $0xFFFF0000, v40;
	v60 =	vld [tilespmem:s8+$0xFFFFFFF0];
	v41 =	vmul.f32 v62, v41;
	v59 =	vpop (erf);
	v61 =	vperm.xlane v37, v4  }
0x50a: {  	v38 =	vadd.f32 v38, v33;
	v33 =	vmul.f32 v59, v29;
	v29 =	vshll.u32 v58, $0x10;
	v59 =	vld [tilespmem:s15+$0xFFFFFFF0]  }
0x50b: {  	v63 =	vshll.u32 v46, $0x10;
	v41 =	vmul.f32 v29, v41;
	v29 =	vadd.f32 v37, v61;
	v37 =	vld [tilespmem:s22+$0xFFFFFFF0]  }
0x50c: {  	v54 =	vand.u32 $0xFFFF0000, v54;
	v57 =	vand.u32 $0xFFFF0000, v57;
	v55 =	vmul.f32 v63, v55  }
0x50d: {  	v62 =	vshll.u32 v53, $0x10;
	v42 =	vadd.f32 v42, v38;
	v63 =	vsub.f32 $0.0e+00, v29  }
0x50e: {  	v38 =	vmul.f32 v45, v47;
	v45 =	vmul.f32 v62, v55;
	v61 =	vshll.u32 v60, $0x10  }
0x50f: {  	v41 =	vadd.f32 v41, v42;
	v62 =	vmul.f32 v61, v59;
	v47 =	vmul.f32 $1.442695020e+00, v63  }
0x510: {  	v56 =	vand.u32 $0xFFFF0000, v56;
	v58 =	vand.u32 $0xFFFF0000, v58;
	v59 =	vshll.u32 v37, $0x10  }
0x511: {  	v41 =	vadd.f32 v45, v41;
	v42 =	vmul.f32 v59, v62;
	(erf) = vpow2.f32 v47  }
0x512: {  	v60 =	vand.u32 $0xFFFF0000, v60;
	v63 =	vand.u32 $0xFFFF0000, v46;
	v46 =	vmul.f32 v51, v44  }
0x513: {  	v45 =	vmul.f32 v52, v43;
	v44 =	vmul.f32 v54, v56;
	v41 =	vadd.f32 v42, v41  }
0x514: {  	v43 =	vmul.f32 v57, v58;
	v61 =	vand.u32 $0xFFFF0000, v30;
	v30 =	vmul.f32 v35, v27  }
0x515: {  	v37 =	vand.u32 $0xFFFF0000, v37;
	v35 =	vmul.f32 v61, v25;
	v62 =	vperm.xlane v41, v1  }
0x516: {  	s11 =	simm.s32 $0x1CE00;
	v53 =	vand.u32 $0xFFFF0000, v53;
	v47 =	vmul.f32 v40, v49;
	v40 =	vmul.f32 v60, v37  }
0x517: {  	[tilespmem:s11+$0x70] =	vst v48;
	v42 =	vmul.f32 v63, v53;
	v63 =	vand.u32 $0xFFFF0000, v31;
	v48 =	vadd.f32 v41, v62  }
0x518: {  	s10 =	simm.s32 $0x2;
	s19 =	simm.s32 $0x17000;
	v37 =	vmul.f32 v36, v39;
	v31 =	vand.u32 $0xFFFF0000, v32;
	v32 =	vmul.f32 v63, v24  }
.LBB2_15:
0x519: {  	v36 =	vld [tilespmem:s19+$0x60];
	v24 =	vperm.xlane v48, v2;
	v39 =	vmul.f32 v31, v7  }
0x51a: {  	v25 =	vmul.f32 v33, v5;
	v26 =	vmul.f32 v33, v12;
	v5 =	vmov v38;
	v31 =	vld [tilespmem:s19+$0x50];
	v7 =	vpop (erf)  }
0x51b: {  	v12 =	vmovc v46;
	v38 =	vld [tilespmem:s19+$0x40];
	v27 =	vadd.f32 v48, v24;
	v7 =	vadd.f32 $1.000000000e+00, v7;
	v24 =	vmul.f32 v33, v8;
	v8 =	vmovc v47  }
0x51c: {  	v46 =	vmul.f32 v33, v10;
	v10 =	vmovc v44;
	v41 =	vld [tilespmem:s19+$0x30];
	[tilespmem:s11+$0xFFFFFF80] =	vst v25;
	v25 =	vmul.f32 v33, v11;
	v11 =	vmov v45  }
0x51d: {  	v44 =	vld [tilespmem:s19+$0x20];
	v45 =	vperm.xlane v27, v3;
	(erf) = vrcp.f32 v7;
	[tilespmem:s11+$0xFFFFFF90] =	vst v26  }
0x51e: {  	v49 =	vmul.f32 v33, v13;
	v48 =	vmul.f32 v33, v9;
	v9 =	vmovc v43;
	v47 =	vld [tilespmem:s19+$0x10];
	v7 =	vand.u32 $0xFFFF0000, v36;
	[tilespmem:s11+$0xFFFFFFA0] =	vst v24  }
0x51f: {  	s8 =	sadd.s32 $0x100, s8;
	v50 =	vmul.f32 v33, v15;
	v13 =	vmovc v42;
	v43 =	vld [tilespmem:s19+$0x0];
	v24 =	vand.u32 $0xFFFF0000, v31;
	v45 =	vadd.f32 v27, v45;
	[tilespmem:s11+$0xFFFFFFB0] =	vst v25  }
0x520: {  	s10 =	sadd.s32 $0x2, s10;
	s15 =	sadd.s32 $0x100, s15;
	v51 =	vmul.f32 v21, v16;
	v15 =	vmovc v40;
	v42 =	vld [tilespmem:s8+$0x0];
	v25 =	vand.u32 $0xFFFF0000, v38;
	[tilespmem:s11+$0xFFFFFFC0] =	vst v46;
	v46 =	vmul.f32 v21, v14  }
0x521: {  	p1 =	slt.u32 s10, $0xE;
	v14 =	vmovc v37;
	v40 =	vld [tilespmem:s15+$0x0];
	v26 =	vand.u32 $0xFFFF0000, v41;
	v33 =	vperm.xlane v45, v4;
	[tilespmem:s11+$0xFFFFFFD0] =	vst v48;
	v48 =	vmul.f32 v21, v17  }
0x522: {  	v52 =	vmul.f32 v21, v20;
	v16 =	vmovc v28;
	v37 =	vld [tilespmem:s8+$0x10];
	v27 =	vand.u32 $0xFFFF0000, v44;
	[tilespmem:s11+$0xFFFFFFE0] =	vst v49;
	v49 =	vmul.f32 v21, v18  }
0x523: {  	v17 =	vmovc v30;
	v28 =	vand.u32 $0xFFFF0000, v47;
	v53 =	vld [tilespmem:s15+$0x10];
	v33 =	vadd.f32 v45, v33;
	[tilespmem:s11+$0xFFFFFFF0] =	vst v50;
	v45 =	vmul.f32 v21, v19  }
0x524: {  	v20 =	vmovc v35;
	v18 =	vmovc v34;
	v30 =	vand.u32 $0xFFFF0000, v43;
	v50 =	vld [tilespmem:s8+$0x20];
	[tilespmem:s11+$0x0] =	vst v46;
	v46 =	vmul.f32 v21, v6;
	v6 =	vmov v39  }
0x525: {  	v23 =	vand.u32 $0xFFFF0000, v23;
	v19 =	vmovc v32;
	v21 =	vshll.u32 v42, $0x10;
	v34 =	vld [tilespmem:s15+$0x20];
	v35 =	vsub.f32 $0.0e+00, v33;
	[tilespmem:s11+$0x10] =	vst v51  }
0x526: {  	v39 =	vshll.u32 v43, $0x10;
	v40 =	vmul.f32 v21, v40;
	v43 =	vld [tilespmem:s8+$0x30];
	v21 =	vand.u32 $0xFFFF0000, v22;
	v22 =	vpop (erf);
	[tilespmem:s11+$0x20] =	vst v48  }
0x527: {  	v48 =	vshll.u32 v37, $0x10;
	v51 =	vld [tilespmem:s15+$0x30];
	v23 =	vmul.f32 v21, v23;
	v21 =	vmul.f32 v22, v29;
	[tilespmem:s11+$0x30] =	vst v49  }
0x528: {  	v32 =	vand.u32 $0xFFFF0000, v42;
	v22 =	vmul.f32 v39, v40;
	v29 =	vmul.f32 v48, v53;
	v40 =	vld [tilespmem:s8+$0x40];
	[tilespmem:s11+$0x40] =	vst v52  }
0x529: {  	v39 =	vshll.u32 v47, $0x10;
	v42 =	vshll.u32 v50, $0x10;
	v47 =	vld [tilespmem:s15+$0x40];
	v23 =	vmul.f32 v21, v23;
	[tilespmem:s11+$0x50] =	vst v45  }
0x52a: {  	v22 =	vadd.f32 $0.0e+00, v22;
	v29 =	vmul.f32 v39, v29;
	v34 =	vmul.f32 v42, v34;
	v42 =	vld [tilespmem:s8+$0x50];
	[tilespmem:s11+$0x60] =	vst v46;
	s11 =	sadd.s32 $0x100, s11  }
0x52b: {  	v35 =	vmul.f32 $1.442695020e+00, v35;
	v39 =	vshll.u32 v44, $0x10;
	v44 =	vshll.u32 v43, $0x10;
	v45 =	vld [tilespmem:s15+$0x50];
	[tilespmem:s11+$0x70] =	vst v23  }
0x52c: {  	v22 =	vadd.f32 v29, v22;
	v23 =	vmul.f32 v39, v34;
	v29 =	vmul.f32 v44, v51;
	v44 =	vld [tilespmem:s8+$0x60]  }
0x52d: {  	v34 =	vshll.u32 v41, $0x10;
	v39 =	vshll.u32 v40, $0x10;
	v41 =	vld [tilespmem:s15+$0x60];
	(erf) = vpow2.f32 v35  }
0x52e: {  	v23 =	vadd.f32 v23, v22;
	v29 =	vmul.f32 v34, v29;
	v35 =	vmul.f32 v39, v47;
	v22 =	vld [tilespmem:s8+$0x70]  }
0x52f: {  	v34 =	vand.u32 $0xFFFF0000, v37;
	v37 =	vshll.u32 v38, $0x10;
	v38 =	vshll.u32 v42, $0x10;
	v46 =	vld [tilespmem:s15+$0x70]  }
0x530: {  	v29 =	vadd.f32 v29, v23;
	v37 =	vmul.f32 v37, v35;
	v38 =	vmul.f32 v38, v45;
	v23 =	vld [tilespmem:s19+$0x70]  }
0x531: {  	v31 =	vshll.u32 v31, $0x10;
	v35 =	vand.u32 $0xFFFF0000, v50;
	v45 =	vld [tilespmem:s8+$0xFFFFFF80];
	v39 =	vshll.u32 v44, $0x10  }
0x532: {  	v47 =	vld [tilespmem:s15+$0xFFFFFF80];
	v29 =	vadd.f32 v37, v29;
	v31 =	vmul.f32 v31, v38;
	v37 =	vmul.f32 v39, v41  }
0x533: {  	v36 =	vshll.u32 v36, $0x10;
	v39 =	vand.u32 $0xFFFF0000, v43;
	v38 =	vld [tilespmem:s8+$0xFFFFFF90];
	v41 =	vshll.u32 v22, $0x10  }
0x534: {  	v43 =	vld [tilespmem:s19+$0xFFFFFF80];
	v29 =	vadd.f32 v31, v29;
	v31 =	vmul.f32 v36, v37;
	v49 =	vmul.f32 v41, v46  }
0x535: {  	v36 =	vand.u32 $0xFFFF0000, v40;
	v41 =	vand.u32 $0xFFFF0000, v42;
	v46 =	vld [tilespmem:s15+$0xFFFFFF90];
	v40 =	vshll.u32 v23, $0x10  }
0x536: {  	v42 =	vshll.u32 v45, $0x10;
	v48 =	vld [tilespmem:s19+$0xFFFFFF90];
	v29 =	vadd.f32 v31, v29;
	v31 =	vmul.f32 v40, v49;
	v37 =	vpop (erf)  }
0x537: {  	v40 =	vand.u32 $0xFFFF0000, v45;
	v42 =	vmul.f32 v42, v47;
	v45 =	vld [tilespmem:s8+$0xFFFFFFA0];
	v37 =	vadd.f32 $1.000000000e+00, v37  }
0x538: {  	v47 =	vshll.u32 v38, $0x10;
	v49 =	vand.u32 $0xFFFF0000, v38;
	v38 =	vld [tilespmem:s15+$0xFFFFFFA0];
	v29 =	vadd.f32 v31, v29  }
0x539: {  	v31 =	vshll.u32 v43, $0x10;
	v43 =	vand.u32 $0xFFFF0000, v43;
	v50 =	vld [tilespmem:s19+$0xFFFFFFA0];
	(erf) = vrcp.f32 v37  }
0x53a: {  	v37 =	vmul.f32 v31, v42;
	v42 =	vld [tilespmem:s8+$0xFFFFFFB0];
	v31 =	vand.u32 $0xFFFF0000, v44;
	v44 =	vperm.xlane v29, v1  }
0x53b: {  	v46 =	vmul.f32 v47, v46;
	v51 =	vshll.u32 v48, $0x10;
	v48 =	vand.u32 $0xFFFF0000, v48;
	v47 =	vld [tilespmem:s15+$0xFFFFFFB0]  }
0x53c: {  	v37 =	vadd.f32 $0.0e+00, v37;
	v52 =	vshll.u32 v45, $0x10;
	v53 =	vld [tilespmem:s19+$0xFFFFFFB0];
	v29 =	vadd.f32 v29, v44  }
0x53d: {  	v44 =	vmul.f32 v51, v46;
	v45 =	vand.u32 $0xFFFF0000, v45;
	v38 =	vmul.f32 v52, v38;
	v46 =	vld [tilespmem:s8+$0xFFFFFFC0]  }
0x53e: {  	v51 =	vshll.u32 v50, $0x10;
	v50 =	vand.u32 $0xFFFF0000, v50;
	v52 =	vld [tilespmem:s15+$0xFFFFFFC0];
	v54 =	vperm.xlane v29, v2  }
0x53f: {  	v37 =	vadd.f32 v44, v37;
	v38 =	vmul.f32 v51, v38;
	v44 =	vshll.u32 v42, $0x10;
	v51 =	vld [tilespmem:s19+$0xFFFFFFC0]  }
0x540: {  	v42 =	vand.u32 $0xFFFF0000, v42;
	v44 =	vmul.f32 v44, v47;
	v47 =	vld [tilespmem:s8+$0xFFFFFFD0];
	v29 =	vadd.f32 v29, v54  }
0x541: {  	v37 =	vadd.f32 v38, v37;
	v38 =	vshll.u32 v53, $0x10;
	v53 =	vand.u32 $0xFFFF0000, v53;
	v54 =	vld [tilespmem:s15+$0xFFFFFFD0]  }
0x542: {  	v38 =	vmul.f32 v38, v44;
	v44 =	vshll.u32 v46, $0x10;
	v55 =	vld [tilespmem:s19+$0xFFFFFFD0];
	v56 =	vperm.xlane v29, v3;
	v57 =	vpop (erf)  }
0x543: {  	v58 =	vand.u32 $0xFFFF0000, v46;
	v44 =	vmul.f32 v44, v52;
	v46 =	vld [tilespmem:s8+$0xFFFFFFE0];
	v33 =	vmul.f32 v57, v33  }
0x544: {  	v37 =	vadd.f32 v38, v37;
	v38 =	vshll.u32 v51, $0x10;
	v52 =	vld [tilespmem:s15+$0xFFFFFFE0];
	v29 =	vadd.f32 v29, v56  }
0x545: {  	v51 =	vand.u32 $0xFFFF0000, v51;
	v38 =	vmul.f32 v38, v44;
	v44 =	vshll.u32 v47, $0x10;
	v56 =	vld [tilespmem:s19+$0xFFFFFFE0]  }
0x546: {  	v57 =	vand.u32 $0xFFFF0000, v47;
	v44 =	vmul.f32 v44, v54;
	v47 =	vld [tilespmem:s8+$0xFFFFFFF0];
	v54 =	vperm.xlane v29, v4  }
0x547: {  	v37 =	vadd.f32 v38, v37;
	v38 =	vshll.u32 v55, $0x10;
	v55 =	vand.u32 $0xFFFF0000, v55;
	v59 =	vld [tilespmem:s15+$0xFFFFFFF0]  }
0x548: {  	v44 =	vmul.f32 v38, v44;
	v60 =	vshll.u32 v46, $0x10;
	v61 =	vld [tilespmem:s19+$0xFFFFFFF0];
	v29 =	vadd.f32 v29, v54  }
0x549: {  	v38 =	vmul.f32 v40, v43;
	v40 =	vand.u32 $0xFFFF0000, v46;
	v43 =	vmul.f32 v60, v52  }
0x54a: {  	v37 =	vadd.f32 v44, v37;
	v44 =	vshll.u32 v56, $0x10;
	v46 =	vsub.f32 $0.0e+00, v29  }
0x54b: {  	v52 =	vand.u32 $0xFFFF0000, v56;
	v43 =	vmul.f32 v44, v43;
	v44 =	vshll.u32 v47, $0x10  }
0x54c: {  	v54 =	vand.u32 $0xFFFF0000, v47;
	v44 =	vmul.f32 v44, v59;
	v46 =	vmul.f32 $1.442695020e+00, v46  }
0x54d: {  	v37 =	vadd.f32 v43, v37;
	v43 =	vshll.u32 v61, $0x10;
	v56 =	vand.u32 $0xFFFF0000, v61  }
0x54e: {  	v43 =	vmul.f32 v43, v44;
	(erf) = vpow2.f32 v46  }
0x54f: {  	v47 =	vmul.f32 v45, v50;
	v46 =	vmul.f32 v49, v48  }
0x550: {  	v45 =	vmul.f32 v42, v53;
	v44 =	vmul.f32 v58, v51;
	v48 =	vadd.f32 v43, v37  }
.Ltmp7:
0x551: {  	v42 =	vmul.f32 v40, v52;
	v43 =	vmul.f32 v57, v55;
	(pc) =	sbr.rel @p1 .LBB2_15-.Ltmp7, $4  }
0x552: {  	v40 =	vmul.f32 v54, v56;
	v49 =	vperm.xlane v48, v1  }
0x553: {  	v28 =	vmul.f32 v34, v28;
	v37 =	vmul.f32 v32, v30  }
0x554: {  	v34 =	vmul.f32 v39, v26;
	v30 =	vmul.f32 v35, v27;
	v48 =	vadd.f32 v48, v49  }
0x555: {  	s19 =	sadd.s32 $0x100, s19;
	v35 =	vmul.f32 v36, v25;
	v32 =	vmul.f32 v41, v24  }
0x556: {  	v24 =	vperm.xlane v48, v2;
	_ =	sdelay $0x1  }
0x557: {  	v24 =	vadd.f32 v48, v24;
	_ =	sdelay $0x1  }
0x558: {  	v25 =	vperm.xlane v24, v3;
	_ =	sdelay $0x1  }
0x559: {  	v24 =	vadd.f32 v24, v25;
	_ =	sdelay $0x1  }
0x55a: {  	v25 =	vperm.xlane v24, v4;
	_ =	sdelay $0x1  }
0x55b: {  	v24 =	vadd.f32 v24, v25;
	_ =	sdelay $0x1  }
0x55c: {  	v39 =	vpop (erf);
	v26 =	vsub.f32 $0.0e+00, v24  }
0x55d: {  	v25 =	vadd.f32 $1.000000000e+00, v39  }
0x55e: {  	v26 =	vmul.f32 $1.442695020e+00, v26  }
0x55f: {  	(erf) = vrcp.f32 v25  }
0x560: {  	(erf) = vpow2.f32 v26;
	_ =	sdelay $0x5  }
0x561: {  	v5 =	vmul.f32 v33, v5  }
0x562: {  	v12 =	vmul.f32 v33, v12  }
0x563: {  	v11 =	vmul.f32 v33, v11;
	[tilespmem:s11+$0xFFFFFF80] =	vst v5;
	v25 =	vpop (erf)  }
0x564: {  	v10 =	vmul.f32 v33, v10;
	[tilespmem:s11+$0xFFFFFF90] =	vst v12;
	v26 =	vpop (erf)  }
0x565: {  	v49 =	vmul.f32 v33, v15;
	[tilespmem:s11+$0xFFFFFFB0] =	vst v11;
	v41 =	vadd.f32 $1.000000000e+00, v26  }
0x566: {  	v5 =	vmul.f32 v33, v8;
	[tilespmem:s11+$0xFFFFFFC0] =	vst v10  }
0x567: {  	v50 =	vmul.f32 v21, v16;
	[tilespmem:s11+$0xFFFFFFF0] =	vst v49;
	(erf) = vrcp.f32 v41  }
0x568: {  	[tilespmem:s11+$0xFFFFFFA0] =	vst v5;
	v5 =	vmul.f32 v33, v9  }
0x569: {  	v51 =	vmul.f32 v21, v17;
	[tilespmem:s11+$0x10] =	vst v50  }
0x56a: {  	[tilespmem:s11+$0xFFFFFFD0] =	vst v5;
	v5 =	vmul.f32 v21, v14  }
0x56b: {  	v52 =	vmul.f32 v21, v20;
	[tilespmem:s11+$0x20] =	vst v51  }
0x56c: {  	v53 =	vmul.f32 v21, v19;
	[tilespmem:s11+$0x0] =	vst v5;
	v5 =	vmul.f32 v21, v18  }
0x56d: {  	v54 =	vand.u32 $0xFFFF0000, v23;
	v55 =	vand.u32 $0xFFFF0000, v22;
	v6 =	vmul.f32 v21, v6;
	[tilespmem:s11+$0x40] =	vst v52  }
0x56e: {  	v56 =	vmul.f32 v55, v54;
	[tilespmem:s11+$0x50] =	vst v53;
	v57 =	vmul.f32 v25, v29  }
0x56f: {  	v48 =	vmul.f32 v33, v13;
	[tilespmem:s11+$0x60] =	vst v6  }
0x570: {  	[tilespmem:s11+$0x30] =	vst v5;
	v9 =	vmul.f32 v57, v56;
	v5 =	vpop (erf)  }
0x571: {  	s8 =	sadd.s32 $0x100, s11;
	[tilespmem:s11+$0xFFFFFFE0] =	vst v48;
	v62 =	vmul.f32 v57, v37;
	v5 =	vmul.f32 v5, v24  }
0x572: {  	v63 =	vmul.f32 v57, v34;
	[tilespmem:s8+$0x70] =	vst v9  }
0x573: {  	[tilespmem:s8+$0x0] =	vst v62;
	v6 =	vmul.f32 v5, v38  }
0x574: {  	[tilespmem:s8+$0x30] =	vst v63;
	v58 =	vmul.f32 v5, v46  }
0x575: {  	v59 =	vmul.f32 v5, v47;
	[tilespmem:s8+$0xFFFFFF80] =	vst v6  }
0x576: {  	v60 =	vmul.f32 v5, v44;
	[tilespmem:s8+$0xFFFFFF90] =	vst v58  }
0x577: {  	v6 =	vmul.f32 v5, v45;
	[tilespmem:s8+$0xFFFFFFA0] =	vst v59  }
0x578: {  	v61 =	vmul.f32 v5, v43;
	[tilespmem:s8+$0xFFFFFFC0] =	vst v60  }
0x579: {  	[tilespmem:s8+$0xFFFFFFB0] =	vst v6;
	v6 =	vmul.f32 v5, v42  }
0x57a: {  	[tilespmem:s8+$0xFFFFFFD0] =	vst v61;
	v5 =	vmul.f32 v5, v40  }
0x57b: {  	[tilespmem:s8+$0xFFFFFFE0] =	vst v6;
	v6 =	vmul.f32 v57, v28  }
0x57c: {  	[tilespmem:s8+$0xFFFFFFF0] =	vst v5;
	v5 =	vmul.f32 v57, v30  }
0x57d: {  	[tilespmem:s8+$0x10] =	vst v6;
	v6 =	vmul.f32 v31, v7;
	v7 =	vmul.f32 v57, v35  }
0x57e: {  	[tilespmem:s8+$0x20] =	vst v5;
	v5 =	vmul.f32 v57, v32  }
0x57f: {  	v6 =	vmul.f32 v57, v6;
	[tilespmem:s8+$0x40] =	vst v7  }
0x580: {  	[tilespmem:s8+$0x50] =	vst v5  }
0x581: {  	[tilespmem:s8+$0x60] =	vst v6  }
0x582: {  	[spmem:s3] =	stream.indirect.scatter.add.f32 [tilespmem:s13], [sflag:$0x5], $0x80, s20, s21, $0xb8;
	[tilespmem:$0x1FD80] =	vst v63  }
0x583: {  	_ =	swait.ge [sflag:s14], $0x800  }
0x584: {  	[sflag:s14] =	ssyncset.done $0x0  }
0x585: {  	[sflag:s14] =	ssyncadd.s32 $0xFFFFF800  }
0x586: {  	s19 =	stileid.u32;
	[bflag:$0x0] =	sbarrier.arrive $0xFFFF  }
0x587: {  	s8 =	sshll.u32 s19, $0x6;
	s15 =	rddreg [dreg:$0x4]  }
0x588: {  	s8 =	sor.u32 $0x1C05, s8;
	s20 =	rddreg [dreg:$0x10];
	s10 =	sshrl.u32 s15, $0x3  }
0x589: {  	[hbm:s20], [sflag:s8] =	dma.local [spmem:s10], $0x2700  }
0x58a: {  	_ =	swait.ge [sflag:s14], $0x2700  }
0x58b: {  	[sflag:s14] =	ssyncset.done $0x0;
	s19 =	rddreg [dreg:$0x1a]  }
0x58c: {  	s11 =	rddreg [dreg:$0x13];
	[sflag:s14] =	ssyncadd.s32 $0xFFFFD900;
	s10 =	sshrl.u32 @!p0 s19, $0x3  }
0x58d: {  	[hbm:s11], [sflag:s8] =	dma.local @!p0 [spmem:s10], $0x100  }
0x58e: {  	s8 =	simm.s32 @!p0 $0x5  }
0x58f: {  	_ =	swait.ge @!p0 [sflag:s8], $0x100  }
0x590: {  	s21 =	sld [smem:$0x7FD];
	_ =	sdelay $0x2  }
0x591: {  	s22 =	rddreg [dreg:$0x14];
	s11 =	sadd.s32 $0x1, s21  }
0x592: {  	p1 =	sne.s32 s11, s22  }
.Ltmp8:
0x593: {  	_ = 	snop;
	(pc) =	sbr.rel @p1 .LBB2_1-.Ltmp8, $3  }
0x594: {  	_ =	sdelay $0x1  }
0x595: {  	[sflag:s8] =	ssyncset.done @!p0 $0x0  }
0x596: {  	[sflag:s8] =	ssyncadd.s32 @!p0 $0xFFFFFF00  }
0x597: {  	_ =	sfence.sel $0x180000  }
0x598: {  	[bflag:$0x0] =	sbarrier.arrive $0xFFFF  }
0x599: {  	_ =	strace $0x90000047  }
0x59a: {  	s0 =	stileid.u32;
	[bflag:$0x2] =	sbarrier.arrive $0xFFFF  }
0x59b: {  	p0 =	sne.s32 s0, $0x0;
	s0 =	rddreg [dreg:$0x3]  }
0x59c: {  	s0 =	sadd.s32 @!p0 $0x100000, s0  }
0x59d: {  	[sflag:s0] =	ssyncadd.tile.s32 @!p0 $0x1;
	_ =	shalt  }
.Lfunc_end2:
_tile_overlayer_lowered:
.L_overlay_start_2:
0x59e: {  	(tag) =	ssettag $0x2  }
0x59f: {  	s0 =	rddreg [dreg:$0x0];
	s2 =	stileid.u32  }
0x5a0: {  	s1 =	rddreg [dreg:$0x1];
	p0 =	sne.s32 s2, $0x0  }
0x5a1: {  	s3 =	rddreg [dreg:$0x2];
	[bflag:$0x3] =	sbarrier.arrive $0xFFFF;
	s2 =	simm.s32 @!p0 $0x1C05  }
0x5a2: {  	[timem:s3], [sflag:s2] =	dma.local @!p0 [hbm:s0], s1  }
0x5a3: {  	s0 =	simm.s32 @!p0 $0x5  }
0x5a4: {  	_ =	swait.ge @!p0 [sflag:s0], s1  }
0x5a5: {  	s1 =	ssub.s32 @!p0 $0x0, s1;
	[sflag:s0] =	ssyncset.done @!p0 $0x0  }
0x5a6: {  	[sflag:s0] =	ssyncadd.s32 @!p0 s1  }
0x5a7: {  	[bflag:$0x3] =	sbarrier.arrive $0xFFFF  }
0x5a8: {  	_ =	shalt  }

</sc_bundles>
